<compile_context>
chip_gen: v7x
topology: tpu7x:2x2x1
jax: 0.10.2.dev20260603
libtpu: 0.0.44.dev20260713+nightly
codegen_flags: <defaults>
</compile_context>

<pallas_src>
import functools

import jax
import jax.numpy as jnp
from jax import lax
from jax.experimental import pallas as pl
from jax.experimental.pallas import tpu as pltpu
from jax.experimental.pallas import tpu_sc as plsc

N = 10000
E = 320000
D = 16
N_PAD = 10240
NC = 2
NS = 16
NW = NC * NS
E_PER_W = E // NW
WIN = 2000
CHUNKS = [(j * 128, 128) for j in range(15)] + [(1920, 80)]
N_WIN = E_PER_W // WIN
ROWS_PER_S = N_PAD // NS

_MESH = dict(core_axis_name="c", subcore_axis_name="s",
             num_cores=NC, num_subcores=NS)


def _sc_sums(ei, attr, zrow):

  @functools.partial(
      pl.kernel,
      out_type=jax.ShapeDtypeStruct((NC, N_PAD, D), jnp.float32),
      mesh=plsc.VectorSubcoreMesh(**_MESH),
      compiler_params=pltpu.CompilerParams(use_tc_tiling_on_sc=False),
      scratch_types=[
          pltpu.VMEM_SHARED((N_PAD, D), jnp.float32),
          pltpu.VMEM((2, 2, WIN), jnp.int32),
          pltpu.VMEM((2, WIN, D), jnp.float32),
          pltpu.SemaphoreType.DMA,
          pltpu.SemaphoreType.DMA,
      ],
  )
  def k(ei_hbm, attr_hbm, zrow_hbm, psum_hbm, acc, idx_v, attr_v,
        sem_in, sem_sc):
    c = lax.axis_index("c")
    s = lax.axis_index("s")
    wid = s * NC + c
    rbase = s * ROWS_PER_S

    pltpu.sync_copy(zrow_hbm, acc.at[pl.ds(rbase, ROWS_PER_S)])
    plsc.subcore_barrier()

    def fire_in(w):
      b = w % 2
      ebase = pl.multiple_of(wid * E_PER_W + w * WIN, WIN)
      return [
          pltpu.async_copy(ei_hbm.at[:, pl.ds(ebase, WIN)], idx_v.at[b],
                           sem_in),
          pltpu.async_copy(attr_hbm.at[pl.ds(ebase, WIN)], attr_v.at[b],
                           sem_in),
      ]

    in_descs = {0: fire_in(0)}
    for w in range(N_WIN):
      b = w % 2
      for d in in_descs.pop(w):
        d.wait()
      if w + 1 < N_WIN:
        in_descs[w + 1] = fire_in(w + 1)

      sc_descs = [
          pltpu.async_copy(attr_v.at[b, pl.ds(off, ln)],
                           acc.at[idx_v.at[b, 1, pl.ds(off, ln)]],
                           sem_sc, add=True)
          for off, ln in CHUNKS
      ]
      for d in sc_descs:
        d.wait()

    plsc.subcore_barrier()

    pltpu.sync_copy(acc.at[pl.ds(rbase, ROWS_PER_S)],
                    psum_hbm.at[c, pl.ds(rbase, ROWS_PER_S)])

  return k(ei, attr, zrow)


def _sc_counts(ei):

  @functools.partial(
      pl.kernel,
      out_type=jax.ShapeDtypeStruct((NW, N_PAD), jnp.float32),
      mesh=plsc.VectorSubcoreMesh(**_MESH),
      compiler_params=pltpu.CompilerParams(
          use_tc_tiling_on_sc=False, needs_layout_passes=False),
      scratch_types=[
          pltpu.VMEM((2, 2, WIN), jnp.int32),
          pltpu.VMEM((N_PAD,), jnp.float32),
          pltpu.SemaphoreType.DMA,
      ],
  )
  def k(ei_hbm, pcnt_hbm, idxf_v, hist, sem_in):
    c = lax.axis_index("c")
    s = lax.axis_index("s")
    wid = s * NC + c
    ones16 = jnp.ones((16,), jnp.float32)
    zeros16 = jnp.zeros((16,), jnp.float32)

    def zbody(g, carry):
      hist[pl.ds(g * 16, 16)] = zeros16
      return carry
    lax.fori_loop(0, N_PAD // 16, zbody, 0, unroll=8)

    def fire(w):
      b = w % 2
      ebase = pl.multiple_of(wid * E_PER_W + w * WIN, WIN)
      return pltpu.async_copy(ei_hbm.at[:, pl.ds(ebase, WIN)], idxf_v.at[b],
                              sem_in)

    descs = {0: fire(0)}
    for w in range(N_WIN):
      b = w % 2
      descs.pop(w).wait()
      if w + 1 < N_WIN:
        descs[w + 1] = fire(w + 1)

      def hbody(g, carry, b=b):
        iv = idxf_v[b, 1, pl.ds(g * 16, 16)]
        plsc.addupdate_scatter(hist, [iv], ones16)
        return carry
      lax.fori_loop(0, WIN // 16, hbody, 0, unroll=5)

    pltpu.sync_copy(hist, pcnt_hbm.at[wid])

  return k(ei)


def _combine(psum, pcnt):
  def body(ps_ref, pc_ref, out_ref):
    sums = ps_ref[0] + ps_ref[1]
    ones = jnp.ones((NW, 1), jnp.float32)
    counts = jax.lax.dot_general(
        pc_ref[...], ones, (((0,), (0,)), ((), ())),
        preferred_element_type=jnp.float32)
    out_ref[...] = (sums / jnp.clip(counts, 1.0, None))[:N]

  return pl.pallas_call(
      body,
      out_shape=jax.ShapeDtypeStruct((N, D), jnp.float32),
  )(psum, pcnt)


@jax.jit
def kernel(x, edge_index, edge_attr):
  del x
  ei = edge_index.astype(jnp.int32)
  zrow = jnp.zeros((ROWS_PER_S, D), jnp.float32)
  psum = _sc_sums(ei, edge_attr, zrow)
  pcnt = _sc_counts(ei)
  return _combine(psum, pcnt)

# --- scband reference (transcript-rebuilt; emitter-appended) ---
"""Pipeline reference for scband-node-spatial-average-35407710388665 (READ-ONLY COPY).

The authoritative reference and input builder live on the scoring server;
editing this copy changes nothing except your own understanding.
"""

import jax, jax.numpy as jnp
import numpy as np


def setup_inputs(seed: int = 0) -> dict:
    key = jax.random.key(seed)
    k1, k2, k3 = jax.random.split(key, 3)
    N = 10000
    E = 320000
    d_feat = 128
    d_edge = 16
    x = jax.random.normal(k1, (N, d_feat), dtype=jnp.float32)
    edge_index = jax.random.randint(k2, (2, E), 0, N, dtype=jnp.int64)
    edge_attr = jax.random.normal(k3, (E, d_edge), dtype=jnp.float32)
    return {"x": x, "edge_index": edge_index, "edge_attr": edge_attr}


def reference(x, edge_index, edge_attr):
    # scatter_mean(edge_attr, edge_index[1], dim=0, dim_size=nb_node)
    nb_node = x.shape[0]
    dst = edge_index[1]
    sums = jax.ops.segment_sum(edge_attr, dst, num_segments=nb_node)
    ones = jnp.ones((edge_attr.shape[0],), dtype=edge_attr.dtype)
    counts = jax.ops.segment_sum(ones, dst, num_segments=nb_node)
    # scatter_mean leaves zero for empty segments; clamp count to avoid div-by-zero
    average = sums / jnp.clip(counts, 1.0, None)[:, None]
    return average

if __name__ == "__main__":
    import jax
    _d = setup_inputs()
    print(jax.jit(kernel)(*tuple(_d.values())))

</pallas_src>

<mosaic_0001>
#map = affine_map<(d0, d1) -> (0, 0)>
#map1 = affine_map<(d0, d1) -> (0, 0, 0)>
module attributes {stable_mosaic.version = 14 : i64} {
  func.func @k(%arg0: i32, %arg1: i32, %arg2: memref<2x320000xi32, #tpu.memory_space<hbm>>, %arg3: memref<320000x16xf32, #tpu.memory_space<hbm>>, %arg4: memref<640x16xf32, #tpu.memory_space<hbm>>, %arg5: memref<2x10240x16xf32, #tpu.memory_space<hbm>>, %arg6: memref<10240x16xf32, #tpu.memory_space<vmem_shared>>, %arg7: memref<2x2x2000xi32, #tpu.memory_space<vmem>>, %arg8: memref<2x2000x16xf32, #tpu.memory_space<vmem>>, %arg9: memref<!tpu.dma_semaphore, #tpu.memory_space<semaphore_mem>>, %arg10: memref<!tpu.dma_semaphore, #tpu.memory_space<semaphore_mem>>) attributes {dimension_semantics = [#tpu.dimension_semantics<core_parallel>, #tpu.dimension_semantics<subcore_parallel>], iteration_bounds = array<i64: 2, 16>, scalar_prefetch = 0 : i64, scratch_operands = 5 : i64, tpu.core_type = #tpu.core_type<sc_vector_subcore>, window_params = [{transform_indices = #map}, {transform_indices = #map}, {transform_indices = #map}, {transform_indices = #map1}]} {
    %mul3A = arith.constant 2 : i32
    %mul3A_0 = arith.muli %arg1, %mul3A : i32
    %add3A = arith.addi %mul3A_0, %arg0 : i32
    %mul3A_1 = arith.constant 640 : i32
    %mul3A_2 = arith.muli %arg1, %mul3A_1 : i32
    "tpu.region"() ({
      %run_scoped3A = tpu.sem_alloc : memref<!tpu.dma_semaphore, #tpu.memory_space<semaphore_mem>>
      %dma_start3A_2366 = arith.constant 0 : i32
      %dma_start3A_2367 = tpu.memref_slice %arg6[%mul3A_2, %dma_start3A_2366] : memref<10240x16xf32, #tpu.memory_space<vmem_shared>> -> memref<640x16xf32, #tpu.memory_space<vmem_shared>>
      tpu.enqueue_dma source(%arg4 : memref<640x16xf32, #tpu.memory_space<hbm>>) target(%dma_start3A_2367 : memref<640x16xf32, #tpu.memory_space<vmem_shared>>) target_semaphore(%run_scoped3A : memref<!tpu.dma_semaphore, #tpu.memory_space<semaphore_mem>>)
      %dma_wait3A_2368 = arith.constant 0 : i32
      %dma_wait3A_2369 = tpu.memref_slice %arg6[%mul3A_2, %dma_wait3A_2368] : memref<10240x16xf32, #tpu.memory_space<vmem_shared>> -> memref<640x16xf32, #tpu.memory_space<vmem_shared>>
      tpu.wait_dma2 semaphore(%run_scoped3A : memref<!tpu.dma_semaphore, #tpu.memory_space<semaphore_mem>>) src(%arg4 : memref<640x16xf32, #tpu.memory_space<hbm>>) dst(%dma_wait3A_2369 : memref<640x16xf32, #tpu.memory_space<vmem_shared>>)
      tpu.yield
    }) : () -> ()
    %barrier3A = arith.constant 0 : index
    tpu.barrier barrier_id(%barrier3A)
    %mul3A_3 = arith.constant 10000 : i32
    %mul3A_4 = arith.muli %add3A, %mul3A_3 : i32
    %add3A_5 = arith.constant 0 : i32
    %add3A_6 = arith.addi %mul3A_4, %add3A_5 : i32
    %multiple_of3A = tpu.assume_multiple %add3A_6, 2000 : i32
    %dma_start3A = arith.constant 0 : i32
    %dma_start3A_7 = arith.constant 0 : i32
    %dma_start3A_8 = arith.constant 0 : i32
    %dma_start3A_9 = tpu.memref_slice %arg7[%dma_start3A, %dma_start3A_7, %dma_start3A_8] : memref<2x2x2000xi32, #tpu.memory_space<vmem>> -> memref<1x2x2000xi32, #tpu.memory_space<vmem>>
    %dma_start3A_10 = tpu.memref_squeeze %dma_start3A_9 : memref<1x2x2000xi32, #tpu.memory_space<vmem>> -> memref<2x2000xi32, #tpu.memory_space<vmem>>
    %dma_start3A_11 = arith.constant 0 : i32
    %dma_start3A_12 = tpu.memref_slice %arg2[%dma_start3A_11, %multiple_of3A] : memref<2x320000xi32, #tpu.memory_space<hbm>> -> memref<2x2000xi32, #tpu.memory_space<hbm>>
    %dma_start3A_13 = arith.constant 0 : i32
    %dma_start3A_14 = arith.constant 0 : i32
    %dma_start3A_15 = tpu.memref_slice %arg7[%dma_start3A, %dma_start3A_13, %dma_start3A_14] : memref<2x2x2000xi32, #tpu.memory_space<vmem>> -> memref<1x2x2000xi32, #tpu.memory_space<vmem>>
    %dma_start3A_16 = tpu.memref_squeeze %dma_start3A_15 : memref<1x2x2000xi32, #tpu.memory_space<vmem>> -> memref<2x2000xi32, #tpu.memory_space<vmem>>
    %dma_start3A_17 = arith.constant 0 : i32
    %dma_start3A_18 = tpu.memref_slice %arg2[%dma_start3A_17, %multiple_of3A] : memref<2x320000xi32, #tpu.memory_space<hbm>> -> memref<2x2000xi32, #tpu.memory_space<hbm>>
    tpu.enqueue_dma source(%dma_start3A_18 : memref<2x2000xi32, #tpu.memory_space<hbm>>) target(%dma_start3A_16 : memref<2x2000xi32, #tpu.memory_space<vmem>>) target_semaphore(%arg9 : memref<!tpu.dma_semaphore, #tpu.memory_space<semaphore_mem>>)
    %dma_start3A_19 = arith.constant 0 : i32
    %dma_start3A_20 = arith.constant 0 : i32
    %dma_start3A_21 = arith.constant 0 : i32
    %dma_start3A_22 = tpu.memref_slice %arg8[%dma_start3A_19, %dma_start3A_20, %dma_start3A_21] : memref<2x2000x16xf32, #tpu.memory_space<vmem>> -> memref<1x2000x16xf32, #tpu.memory_space<vmem>>
    %dma_start3A_23 = tpu.memref_squeeze %dma_start3A_22 : memref<1x2000x16xf32, #tpu.memory_space<vmem>> -> memref<2000x16xf32, #tpu.memory_space<vmem>>
    %dma_start3A_24 = arith.constant 0 : i32
    %dma_start3A_25 = tpu.memref_slice %arg3[%multiple_of3A, %dma_start3A_24] : memref<320000x16xf32, #tpu.memory_space<hbm>> -> memref<2000x16xf32, #tpu.memory_space<hbm>>
    %dma_start3A_26 = arith.constant 0 : i32
    %dma_start3A_27 = arith.constant 0 : i32
    %dma_start3A_28 = tpu.memref_slice %arg8[%dma_start3A_19, %dma_start3A_26, %dma_start3A_27] : memref<2x2000x16xf32, #tpu.memory_space<vmem>> -> memref<1x2000x16xf32, #tpu.memory_space<vmem>>
    %dma_start3A_29 = tpu.memref_squeeze %dma_start3A_28 : memref<1x2000x16xf32, #tpu.memory_space<vmem>> -> memref<2000x16xf32, #tpu.memory_space<vmem>>
    %dma_start3A_30 = arith.constant 0 : i32
    %dma_start3A_31 = tpu.memref_slice %arg3[%multiple_of3A, %dma_start3A_30] : memref<320000x16xf32, #tpu.memory_space<hbm>> -> memref<2000x16xf32, #tpu.memory_space<hbm>>
    tpu.enqueue_dma source(%dma_start3A_31 : memref<2000x16xf32, #tpu.memory_space<hbm>>) target(%dma_start3A_29 : memref<2000x16xf32, #tpu.memory_space<vmem>>) target_semaphore(%arg9 : memref<!tpu.dma_semaphore, #tpu.memory_space<semaphore_mem>>)
    %dma_wait3A = arith.constant 0 : i32
    %dma_wait3A_32 = arith.constant 0 : i32
    %dma_wait3A_33 = arith.constant 0 : i32
    %dma_wait3A_34 = tpu.memref_slice %arg7[%dma_wait3A, %dma_wait3A_32, %dma_wait3A_33] : memref<2x2x2000xi32, #tpu.memory_space<vmem>> -> memref<1x2x2000xi32, #tpu.memory_space<vmem>>
    %dma_wait3A_35 = tpu.memref_squeeze %dma_wait3A_34 : memref<1x2x2000xi32, #tpu.memory_space<vmem>> -> memref<2x2000xi32, #tpu.memory_space<vmem>>
    %dma_wait3A_36 = arith.constant 0 : i32
    %dma_wait3A_37 = tpu.memref_slice %arg2[%dma_wait3A_36, %multiple_of3A] : memref<2x320000xi32, #tpu.memory_space<hbm>> -> memref<2x2000xi32, #tpu.memory_space<hbm>>
    %dma_wait3A_38 = arith.constant 0 : i32
    %dma_wait3A_39 = arith.constant 0 : i32
    %dma_wait3A_40 = tpu.memref_slice %arg7[%dma_wait3A, %dma_wait3A_38, %dma_wait3A_39] : memref<2x2x2000xi32, #tpu.memory_space<vmem>> -> memref<1x2x2000xi32, #tpu.memory_space<vmem>>
    %dma_wait3A_41 = tpu.memref_squeeze %dma_wait3A_40 : memref<1x2x2000xi32, #tpu.memory_space<vmem>> -> memref<2x2000xi32, #tpu.memory_space<vmem>>
    %dma_wait3A_42 = arith.constant 0 : i32
    %dma_wait3A_43 = tpu.memref_slice %arg2[%dma_wait3A_42, %multiple_of3A] : memref<2x320000xi32, #tpu.memory_space<hbm>> -> memref<2x2000xi32, #tpu.memory_space<hbm>>
    tpu.wait_dma2 semaphore(%arg9 : memref<!tpu.dma_semaphore, #tpu.memory_space<semaphore_mem>>) src(%dma_wait3A_43 : memref<2x2000xi32, #tpu.memory_space<hbm>>) dst(%dma_wait3A_41 : memref<2x2000xi32, #tpu.memory_space<vmem>>)
    %dma_wait3A_44 = arith.constant 0 : i32
    %dma_wait3A_45 = arith.constant 0 : i32
    %dma_wait3A_46 = arith.constant 0 : i32
    %dma_wait3A_47 = tpu.memref_slice %arg8[%dma_wait3A_44, %dma_wait3A_45, %dma_wait3A_46] : memref<2x2000x16xf32, #tpu.memory_space<vmem>> -> memref<1x2000x16xf32, #tpu.memory_space<vmem>>
    %dma_wait3A_48 = tpu.memref_squeeze %dma_wait3A_47 : memref<1x2000x16xf32, #tpu.memory_space<vmem>> -> memref<2000x16xf32, #tpu.memory_space<vmem>>
    %dma_wait3A_49 = arith.constant 0 : i32
    %dma_wait3A_50 = tpu.memref_slice %arg3[%multiple_of3A, %dma_wait3A_49] : memref<320000x16xf32, #tpu.memory_space<hbm>> -> memref<2000x16xf32, #tpu.memory_space<hbm>>
    %dma_wait3A_51 = arith.constant 0 : i32
    %dma_wait3A_52 = arith.constant 0 : i32
    %dma_wait3A_53 = tpu.memref_slice %arg8[%dma_wait3A_44, %dma_wait3A_51, %dma_wait3A_52] : memref<2x2000x16xf32, #tpu.memory_space<vmem>> -> memref<1x2000x16xf32, #tpu.memory_space<vmem>>
    %dma_wait3A_54 = tpu.memref_squeeze %dma_wait3A_53 : memref<1x2000x16xf32, #tpu.memory_space<vmem>> -> memref<2000x16xf32, #tpu.memory_space<vmem>>
    %dma_wait3A_55 = arith.constant 0 : i32
    %dma_wait3A_56 = tpu.memref_slice %arg3[%multiple_of3A, %dma_wait3A_55] : memref<320000x16xf32, #tpu.memory_space<hbm>> -> memref<2000x16xf32, #tpu.memory_space<hbm>>
    tpu.wait_dma2 semaphore(%arg9 : memref<!tpu.dma_semaphore, #tpu.memory_space<semaphore_mem>>) src(%dma_wait3A_56 : memref<2000x16xf32, #tpu.memory_space<hbm>>) dst(%dma_wait3A_54 : memref<2000x16xf32, #tpu.memory_space<vmem>>)
    %mul3A_57 = arith.constant 10000 : i32
    %mul3A_58 = arith.muli %add3A, %mul3A_57 : i32
    %add3A_59 = arith.constant 2000 : i32
    %add3A_60 = arith.addi %mul3A_58, %add3A_59 : i32
    %multiple_of3A_61 = tpu.assume_multiple %add3A_60, 2000 : i32
    %dma_start3A_62 = arith.constant 1 : i32
    %dma_start3A_63 = arith.constant 0 : i32
    %dma_start3A_64 = arith.constant 0 : i32
    %dma_start3A_65 = tpu.memref_slice %arg7[%dma_start3A_62, %dma_start3A_63, %dma_start3A_64] : memref<2x2x2000xi32, #tpu.memory_space<vmem>> -> memref<1x2x2000xi32, #tpu.memory_space<vmem>>
    %dma_start3A_66 = tpu.memref_squeeze %dma_start3A_65 : memref<1x2x2000xi32, #tpu.memory_space<vmem>> -> memref<2x2000xi32, #tpu.memory_space<vmem>>
    %dma_start3A_67 = arith.constant 0 : i32
    %dma_start3A_68 = tpu.memref_slice %arg2[%dma_start3A_67, %multiple_of3A_61] : memref<2x320000xi32, #tpu.memory_space<hbm>> -> memref<2x2000xi32, #tpu.memory_space<hbm>>
    %dma_start3A_69 = arith.constant 0 : i32
    %dma_start3A_70 = arith.constant 0 : i32
    %dma_start3A_71 = tpu.memref_slice %arg7[%dma_start3A_62, %dma_start3A_69, %dma_start3A_70] : memref<2x2x2000xi32, #tpu.memory_space<vmem>> -> memref<1x2x2000xi32, #tpu.memory_space<vmem>>
    %dma_start3A_72 = tpu.memref_squeeze %dma_start3A_71 : memref<1x2x2000xi32, #tpu.memory_space<vmem>> -> memref<2x2000xi32, #tpu.memory_space<vmem>>
    %dma_start3A_73 = arith.constant 0 : i32
    %dma_start3A_74 = tpu.memref_slice %arg2[%dma_start3A_73, %multiple_of3A_61] : memref<2x320000xi32, #tpu.memory_space<hbm>> -> memref<2x2000xi32, #tpu.memory_space<hbm>>
    tpu.enqueue_dma source(%dma_start3A_74 : memref<2x2000xi32, #tpu.memory_space<hbm>>) target(%dma_start3A_72 : memref<2x2000xi32, #tpu.memory_space<vmem>>) target_semaphore(%arg9 : memref<!tpu.dma_semaphore, #tpu.memory_space<semaphore_mem>>)
    %dma_start3A_75 = arith.constant 1 : i32
    %dma_start3A_76 = arith.constant 0 : i32
    %dma_start3A_77 = arith.constant 0 : i32
    %dma_start3A_78 = tpu.memref_slice %arg8[%dma_start3A_75, %dma_start3A_76, %dma_start3A_77] : memref<2x2000x16xf32, #tpu.memory_space<vmem>> -> memref<1x2000x16xf32, #tpu.memory_space<vmem>>
    %dma_start3A_79 = tpu.memref_squeeze %dma_start3A_78 : memref<1x2000x16xf32, #tpu.memory_space<vmem>> -> memref<2000x16xf32, #tpu.memory_space<vmem>>
    %dma_start3A_80 = arith.constant 0 : i32
    %dma_start3A_81 = tpu.memref_slice %arg3[%multiple_of3A_61, %dma_start3A_80] : memref<320000x16xf32, #tpu.memory_space<hbm>> -> memref<2000x16xf32, #tpu.memory_space<hbm>>
    %dma_start3A_82 = arith.constant 0 : i32
    %dma_start3A_83 = arith.constant 0 : i32
    %dma_start3A_84 = tpu.memref_slice %arg8[%dma_start3A_75, %dma_start3A_82, %dma_start3A_83] : memref<2x2000x16xf32, #tpu.memory_space<vmem>> -> memref<1x2000x16xf32, #tpu.memory_space<vmem>>
    %dma_start3A_85 = tpu.memref_squeeze %dma_start3A_84 : memref<1x2000x16xf32, #tpu.memory_space<vmem>> -> memref<2000x16xf32, #tpu.memory_space<vmem>>
    %dma_start3A_86 = arith.constant 0 : i32
    %dma_start3A_87 = tpu.memref_slice %arg3[%multiple_of3A_61, %dma_start3A_86] : memref<320000x16xf32, #tpu.memory_space<hbm>> -> memref<2000x16xf32, #tpu.memory_space<hbm>>
    tpu.enqueue_dma source(%dma_start3A_87 : memref<2000x16xf32, #tpu.memory_space<hbm>>) target(%dma_start3A_85 : memref<2000x16xf32, #tpu.memory_space<vmem>>) target_semaphore(%arg9 : memref<!tpu.dma_semaphore, #tpu.memory_space<semaphore_mem>>)
    %dma_start3A_88 = arith.constant 0 : i32
    %dma_start3A_89 = arith.constant 0 : i32
    %dma_start3A_90 = arith.constant 1 : i32
    %dma_start3A_91 = arith.constant 0 : i32
    %dma_start3A_92 = arith.constant 0 : i32
    %dma_start3A_93 = tpu.memref_slice %arg8[%dma_start3A_88, %dma_start3A_91, %dma_start3A_92] : memref<2x2000x16xf32, #tpu.memory_space<vmem>> -> memref<1x128x16xf32, #tpu.memory_space<vmem>>
    %dma_start3A_94 = tpu.memref_squeeze %dma_start3A_93 : memref<1x128x16xf32, #tpu.memory_space<vmem>> -> memref<128x16xf32, #tpu.memory_space<vmem>>
    %dma_start3A_95 = arith.constant 0 : i32
    %dma_start3A_96 = tpu.memref_slice %arg7[%dma_start3A_89, %dma_start3A_90, %dma_start3A_95] : memref<2x2x2000xi32, #tpu.memory_space<vmem>> -> memref<1x1x128xi32, #tpu.memory_space<vmem>>
    %dma_start3A_97 = tpu.memref_squeeze %dma_start3A_96 : memref<1x1x128xi32, #tpu.memory_space<vmem>> -> memref<128xi32, #tpu.memory_space<vmem>>
    %dma_start3A_98 = arith.constant 0 : i32
    %dma_start3A_99 = arith.constant 0 : i32
    %dma_start3A_100 = tpu.memref_slice %arg6[%dma_start3A_98, %dma_start3A_99] : memref<10240x16xf32, #tpu.memory_space<vmem_shared>> -> memref<10240x16xf32, #tpu.memory_space<vmem_shared>>
    tpu.enqueue_indirect_dma source(%dma_start3A_94 : memref<128x16xf32, #tpu.memory_space<vmem>>) target(%dma_start3A_100 : memref<10240x16xf32, #tpu.memory_space<vmem_shared>>) offsets(%dma_start3A_97 : memref<128xi32, #tpu.memory_space<vmem>>) semaphore(%arg10 : memref<!tpu.dma_semaphore, #tpu.memory_space<semaphore_mem>>) {add = true}
    %dma_start3A_101 = arith.constant 0 : i32
    %dma_start3A_102 = arith.constant 0 : i32
    %dma_start3A_103 = arith.constant 1 : i32
    %dma_start3A_104 = arith.constant 128 : i32
    %dma_start3A_105 = arith.constant 0 : i32
    %dma_start3A_106 = tpu.memref_slice %arg8[%dma_start3A_101, %dma_start3A_104, %dma_start3A_105] : memref<2x2000x16xf32, #tpu.memory_space<vmem>> -> memref<1x128x16xf32, #tpu.memory_space<vmem>>
    %dma_start3A_107 = tpu.memref_squeeze %dma_start3A_106 : memref<1x128x16xf32, #tpu.memory_space<vmem>> -> memref<128x16xf32, #tpu.memory_space<vmem>>
    %dma_start3A_108 = arith.constant 128 : i32
    %dma_start3A_109 = tpu.memref_slice %arg7[%dma_start3A_102, %dma_start3A_103, %dma_start3A_108] : memref<2x2x2000xi32, #tpu.memory_space<vmem>> -> memref<1x1x128xi32, #tpu.memory_space<vmem>>
    %dma_start3A_110 = tpu.memref_squeeze %dma_start3A_109 : memref<1x1x128xi32, #tpu.memory_space<vmem>> -> memref<128xi32, #tpu.memory_space<vmem>>
    %dma_start3A_111 = arith.constant 0 : i32
    %dma_start3A_112 = arith.constant 0 : i32
    %dma_start3A_113 = tpu.memref_slice %arg6[%dma_start3A_111, %dma_start3A_112] : memref<10240x16xf32, #tpu.memory_space<vmem_shared>> -> memref<10240x16xf32, #tpu.memory_space<vmem_shared>>
    tpu.enqueue_indirect_dma source(%dma_start3A_107 : memref<128x16xf32, #tpu.memory_space<vmem>>) target(%dma_start3A_113 : memref<10240x16xf32, #tpu.memory_space<vmem_shared>>) offsets(%dma_start3A_110 : memref<128xi32, #tpu.memory_space<vmem>>) semaphore(%arg10 : memref<!tpu.dma_semaphore, #tpu.memory_space<semaphore_mem>>) {add = true}
    %dma_start3A_114 = arith.constant 0 : i32
    %dma_start3A_115 = arith.constant 0 : i32
    %dma_start3A_116 = arith.constant 1 : i32
    %dma_start3A_117 = arith.constant 256 : i32
    %dma_start3A_118 = arith.constant 0 : i32
    %dma_start3A_119 = tpu.memref_slice %arg8[%dma_start3A_114, %dma_start3A_117, %dma_start3A_118] : memref<2x2000x16xf32, #tpu.memory_space<vmem>> -> memref<1x128x16xf32, #tpu.memory_space<vmem>>
    %dma_start3A_120 = tpu.memref_squeeze %dma_start3A_119 : memref<1x128x16xf32, #tpu.memory_space<vmem>> -> memref<128x16xf32, #tpu.memory_space<vmem>>
    %dma_start3A_121 = arith.constant 256 : i32
    %dma_start3A_122 = tpu.memref_slice %arg7[%dma_start3A_115, %dma_start3A_116, %dma_start3A_121] : memref<2x2x2000xi32, #tpu.memory_space<vmem>> -> memref<1x1x128xi32, #tpu.memory_space<vmem>>
    %dma_start3A_123 = tpu.memref_squeeze %dma_start3A_122 : memref<1x1x128xi32, #tpu.memory_space<vmem>> -> memref<128xi32, #tpu.memory_space<vmem>>
    %dma_start3A_124 = arith.constant 0 : i32
    %dma_start3A_125 = arith.constant 0 : i32
    %dma_start3A_126 = tpu.memref_slice %arg6[%dma_start3A_124, %dma_start3A_125] : memref<10240x16xf32, #tpu.memory_space<vmem_shared>> -> memref<10240x16xf32, #tpu.memory_space<vmem_shared>>
    tpu.enqueue_indirect_dma source(%dma_start3A_120 : memref<128x16xf32, #tpu.memory_space<vmem>>) target(%dma_start3A_126 : memref<10240x16xf32, #tpu.memory_space<vmem_shared>>) offsets(%dma_start3A_123 : memref<128xi32, #tpu.memory_space<vmem>>) semaphore(%arg10 : memref<!tpu.dma_semaphore, #tpu.memory_space<semaphore_mem>>) {add = true}
    %dma_start3A_127 = arith.constant 0 : i32
    %dma_start3A_128 = arith.constant 0 : i32
    %dma_start3A_129 = arith.constant 1 : i32
    %dma_start3A_130 = arith.constant 384 : i32
    %dma_start3A_131 = arith.constant 0 : i32
    %dma_start3A_132 = tpu.memref_slice %arg8[%dma_start3A_127, %dma_start3A_130, %dma_start3A_131] : memref<2x2000x16xf32, #tpu.memory_space<vmem>> -> memref<1x128x16xf32, #tpu.memory_space<vmem>>
    %dma_start3A_133 = tpu.memref_squeeze %dma_start3A_132 : memref<1x128x16xf32, #tpu.memory_space<vmem>> -> memref<128x16xf32, #tpu.memory_space<vmem>>
    %dma_start3A_134 = arith.constant 384 : i32
    %dma_start3A_135 = tpu.memref_slice %arg7[%dma_start3A_128, %dma_start3A_129, %dma_start3A_134] : memref<2x2x2000xi32, #tpu.memory_space<vmem>> -> memref<1x1x128xi32, #tpu.memory_space<vmem>>
    %dma_start3A_136 = tpu.memref_squeeze %dma_start3A_135 : memref<1x1x128xi32, #tpu.memory_space<vmem>> -> memref<128xi32, #tpu.memory_space<vmem>>
    %dma_start3A_137 = arith.constant 0 : i32
    %dma_start3A_138 = arith.constant 0 : i32
    %dma_start3A_139 = tpu.memref_slice %arg6[%dma_start3A_137, %dma_start3A_138] : memref<10240x16xf32, #tpu.memory_space<vmem_shared>> -> memref<10240x16xf32, #tpu.memory_space<vmem_shared>>
    tpu.enqueue_indirect_dma source(%dma_start3A_133 : memref<128x16xf32, #tpu.memory_space<vmem>>) target(%dma_start3A_139 : memref<10240x16xf32, #tpu.memory_space<vmem_shared>>) offsets(%dma_start3A_136 : memref<128xi32, #tpu.memory_space<vmem>>) semaphore(%arg10 : memref<!tpu.dma_semaphore, #tpu.memory_space<semaphore_mem>>) {add = true}
    %dma_start3A_140 = arith.constant 0 : i32
    %dma_start3A_141 = arith.constant 0 : i32
    %dma_start3A_142 = arith.constant 1 : i32
    %dma_start3A_143 = arith.constant 512 : i32
    %dma_start3A_144 = arith.constant 0 : i32
    %dma_start3A_145 = tpu.memref_slice %arg8[%dma_start3A_140, %dma_start3A_143, %dma_start3A_144] : memref<2x2000x16xf32, #tpu.memory_space<vmem>> -> memref<1x128x16xf32, #tpu.memory_space<vmem>>
    %dma_start3A_146 = tpu.memref_squeeze %dma_start3A_145 : memref<1x128x16xf32, #tpu.memory_space<vmem>> -> memref<128x16xf32, #tpu.memory_space<vmem>>
    %dma_start3A_147 = arith.constant 512 : i32
    %dma_start3A_148 = tpu.memref_slice %arg7[%dma_start3A_141, %dma_start3A_142, %dma_start3A_147] : memref<2x2x2000xi32, #tpu.memory_space<vmem>> -> memref<1x1x128xi32, #tpu.memory_space<vmem>>
    %dma_start3A_149 = tpu.memref_squeeze %dma_start3A_148 : memref<1x1x128xi32, #tpu.memory_space<vmem>> -> memref<128xi32, #tpu.memory_space<vmem>>
    %dma_start3A_150 = arith.constant 0 : i32
    %dma_start3A_151 = arith.constant 0 : i32
    %dma_start3A_152 = tpu.memref_slice %arg6[%dma_start3A_150, %dma_start3A_151] : memref<10240x16xf32, #tpu.memory_space<vmem_shared>> -> memref<10240x16xf32, #tpu.memory_space<vmem_shared>>
    tpu.enqueue_indirect_dma source(%dma_start3A_146 : memref<128x16xf32, #tpu.memory_space<vmem>>) target(%dma_start3A_152 : memref<10240x16xf32, #tpu.memory_space<vmem_shared>>) offsets(%dma_start3A_149 : memref<128xi32, #tpu.memory_space<vmem>>) semaphore(%arg10 : memref<!tpu.dma_semaphore, #tpu.memory_space<semaphore_mem>>) {add = true}
    %dma_start3A_153 = arith.constant 0 : i32
    %dma_start3A_154 = arith.constant 0 : i32
    %dma_start3A_155 = arith.constant 1 : i32
    %dma_start3A_156 = arith.constant 640 : i32
    %dma_start3A_157 = arith.constant 0 : i32
    %dma_start3A_158 = tpu.memref_slice %arg8[%dma_start3A_153, %dma_start3A_156, %dma_start3A_157] : memref<2x2000x16xf32, #tpu.memory_space<vmem>> -> memref<1x128x16xf32, #tpu.memory_space<vmem>>
    %dma_start3A_159 = tpu.memref_squeeze %dma_start3A_158 : memref<1x128x16xf32, #tpu.memory_space<vmem>> -> memref<128x16xf32, #tpu.memory_space<vmem>>
    %dma_start3A_160 = arith.constant 640 : i32
    %dma_start3A_161 = tpu.memref_slice %arg7[%dma_start3A_154, %dma_start3A_155, %dma_start3A_160] : memref<2x2x2000xi32, #tpu.memory_space<vmem>> -> memref<1x1x128xi32, #tpu.memory_space<vmem>>
    %dma_start3A_162 = tpu.memref_squeeze %dma_start3A_161 : memref<1x1x128xi32, #tpu.memory_space<vmem>> -> memref<128xi32, #tpu.memory_space<vmem>>
    %dma_start3A_163 = arith.constant 0 : i32
    %dma_start3A_164 = arith.constant 0 : i32
    %dma_start3A_165 = tpu.memref_slice %arg6[%dma_start3A_163, %dma_start3A_164] : memref<10240x16xf32, #tpu.memory_space<vmem_shared>> -> memref<10240x16xf32, #tpu.memory_space<vmem_shared>>
    tpu.enqueue_indirect_dma source(%dma_start3A_159 : memref<128x16xf32, #tpu.memory_space<vmem>>) target(%dma_start3A_165 : memref<10240x16xf32, #tpu.memory_space<vmem_shared>>) offsets(%dma_start3A_162 : memref<128xi32, #tpu.memory_space<vmem>>) semaphore(%arg10 : memref<!tpu.dma_semaphore, #tpu.memory_space<semaphore_mem>>) {add = true}
    %dma_start3A_166 = arith.constant 0 : i32
    %dma_start3A_167 = arith.constant 0 : i32
    %dma_start3A_168 = arith.constant 1 : i32
    %dma_start3A_169 = arith.constant 768 : i32
    %dma_start3A_170 = arith.constant 0 : i32
    %dma_start3A_171 = tpu.memref_slice %arg8[%dma_start3A_166, %dma_start3A_169, %dma_start3A_170] : memref<2x2000x16xf32, #tpu.memory_space<vmem>> -> memref<1x128x16xf32, #tpu.memory_space<vmem>>
    %dma_start3A_172 = tpu.memref_squeeze %dma_start3A_171 : memref<1x128x16xf32, #tpu.memory_space<vmem>> -> memref<128x16xf32, #tpu.memory_space<vmem>>
    %dma_start3A_173 = arith.constant 768 : i32
    %dma_start3A_174 = tpu.memref_slice %arg7[%dma_start3A_167, %dma_start3A_168, %dma_start3A_173] : memref<2x2x2000xi32, #tpu.memory_space<vmem>> -> memref<1x1x128xi32, #tpu.memory_space<vmem>>
    %dma_start3A_175 = tpu.memref_squeeze %dma_start3A_174 : memref<1x1x128xi32, #tpu.memory_space<vmem>> -> memref<128xi32, #tpu.memory_space<vmem>>
    %dma_start3A_176 = arith.constant 0 : i32
    %dma_start3A_177 = arith.constant 0 : i32
    %dma_start3A_178 = tpu.memref_slice %arg6[%dma_start3A_176, %dma_start3A_177] : memref<10240x16xf32, #tpu.memory_space<vmem_shared>> -> memref<10240x16xf32, #tpu.memory_space<vmem_shared>>
    tpu.enqueue_indirect_dma source(%dma_start3A_172 : memref<128x16xf32, #tpu.memory_space<vmem>>) target(%dma_start3A_178 : memref<10240x16xf32, #tpu.memory_space<vmem_shared>>) offsets(%dma_start3A_175 : memref<128xi32, #tpu.memory_space<vmem>>) semaphore(%arg10 : memref<!tpu.dma_semaphore, #tpu.memory_space<semaphore_mem>>) {add = true}
    %dma_start3A_179 = arith.constant 0 : i32
    %dma_start3A_180 = arith.constant 0 : i32
    %dma_start3A_181 = arith.constant 1 : i32
    %dma_start3A_182 = arith.constant 896 : i32
    %dma_start3A_183 = arith.constant 0 : i32
    %dma_start3A_184 = tpu.memref_slice %arg8[%dma_start3A_179, %dma_start3A_182, %dma_start3A_183] : memref<2x2000x16xf32, #tpu.memory_space<vmem>> -> memref<1x128x16xf32, #tpu.memory_space<vmem>>
    %dma_start3A_185 = tpu.memref_squeeze %dma_start3A_184 : memref<1x128x16xf32, #tpu.memory_space<vmem>> -> memref<128x16xf32, #tpu.memory_space<vmem>>
    %dma_start3A_186 = arith.constant 896 : i32
    %dma_start3A_187 = tpu.memref_slice %arg7[%dma_start3A_180, %dma_start3A_181, %dma_start3A_186] : memref<2x2x2000xi32, #tpu.memory_space<vmem>> -> memref<1x1x128xi32, #tpu.memory_space<vmem>>
    %dma_start3A_188 = tpu.memref_squeeze %dma_start3A_187 : memref<1x1x128xi32, #tpu.memory_space<vmem>> -> memref<128xi32, #tpu.memory_space<vmem>>
    %dma_start3A_189 = arith.constant 0 : i32
    %dma_start3A_190 = arith.constant 0 : i32
    %dma_start3A_191 = tpu.memref_slice %arg6[%dma_start3A_189, %dma_start3A_190] : memref<10240x16xf32, #tpu.memory_space<vmem_shared>> -> memref<10240x16xf32, #tpu.memory_space<vmem_shared>>
    tpu.enqueue_indirect_dma source(%dma_start3A_185 : memref<128x16xf32, #tpu.memory_space<vmem>>) target(%dma_start3A_191 : memref<10240x16xf32, #tpu.memory_space<vmem_shared>>) offsets(%dma_start3A_188 : memref<128xi32, #tpu.memory_space<vmem>>) semaphore(%arg10 : memref<!tpu.dma_semaphore, #tpu.memory_space<semaphore_mem>>) {add = true}
    %dma_start3A_192 = arith.constant 0 : i32
    %dma_start3A_193 = arith.constant 0 : i32
    %dma_start3A_194 = arith.constant 1 : i32
    %dma_start3A_195 = arith.constant 1024 : i32
    %dma_start3A_196 = arith.constant 0 : i32
    %dma_start3A_197 = tpu.memref_slice %arg8[%dma_start3A_192, %dma_start3A_195, %dma_start3A_196] : memref<2x2000x16xf32, #tpu.memory_space<vmem>> -> memref<1x128x16xf32, #tpu.memory_space<vmem>>
    %dma_start3A_198 = tpu.memref_squeeze %dma_start3A_197 : memref<1x128x16xf32, #tpu.memory_space<vmem>> -> memref<128x16xf32, #tpu.memory_space<vmem>>
    %dma_start3A_199 = arith.constant 1024 : i32
    %dma_start3A_200 = tpu.memref_slice %arg7[%dma_start3A_193, %dma_start3A_194, %dma_start3A_199] : memref<2x2x2000xi32, #tpu.memory_space<vmem>> -> memref<1x1x128xi32, #tpu.memory_space<vmem>>
    %dma_start3A_201 = tpu.memref_squeeze %dma_start3A_200 : memref<1x1x128xi32, #tpu.memory_space<vmem>> -> memref<128xi32, #tpu.memory_space<vmem>>
    %dma_start3A_202 = arith.constant 0 : i32
    %dma_start3A_203 = arith.constant 0 : i32
    %dma_start3A_204 = tpu.memref_slice %arg6[%dma_start3A_202, %dma_start3A_203] : memref<10240x16xf32, #tpu.memory_space<vmem_shared>> -> memref<10240x16xf32, #tpu.memory_space<vmem_shared>>
    tpu.enqueue_indirect_dma source(%dma_start3A_198 : memref<128x16xf32, #tpu.memory_space<vmem>>) target(%dma_start3A_204 : memref<10240x16xf32, #tpu.memory_space<vmem_shared>>) offsets(%dma_start3A_201 : memref<128xi32, #tpu.memory_space<vmem>>) semaphore(%arg10 : memref<!tpu.dma_semaphore, #tpu.memory_space<semaphore_mem>>) {add = true}
    %dma_start3A_205 = arith.constant 0 : i32
    %dma_start3A_206 = arith.constant 0 : i32
    %dma_start3A_207 = arith.constant 1 : i32
    %dma_start3A_208 = arith.constant 1152 : i32
    %dma_start3A_209 = arith.constant 0 : i32
    %dma_start3A_210 = tpu.memref_slice %arg8[%dma_start3A_205, %dma_start3A_208, %dma_start3A_209] : memref<2x2000x16xf32, #tpu.memory_space<vmem>> -> memref<1x128x16xf32, #tpu.memory_space<vmem>>
    %dma_start3A_211 = tpu.memref_squeeze %dma_start3A_210 : memref<1x128x16xf32, #tpu.memory_space<vmem>> -> memref<128x16xf32, #tpu.memory_space<vmem>>
    %dma_start3A_212 = arith.constant 1152 : i32
    %dma_start3A_213 = tpu.memref_slice %arg7[%dma_start3A_206, %dma_start3A_207, %dma_start3A_212] : memref<2x2x2000xi32, #tpu.memory_space<vmem>> -> memref<1x1x128xi32, #tpu.memory_space<vmem>>
    %dma_start3A_214 = tpu.memref_squeeze %dma_start3A_213 : memref<1x1x128xi32, #tpu.memory_space<vmem>> -> memref<128xi32, #tpu.memory_space<vmem>>
    %dma_start3A_215 = arith.constant 0 : i32
    %dma_start3A_216 = arith.constant 0 : i32
    %dma_start3A_217 = tpu.memref_slice %arg6[%dma_start3A_215, %dma_start3A_216] : memref<10240x16xf32, #tpu.memory_space<vmem_shared>> -> memref<10240x16xf32, #tpu.memory_space<vmem_shared>>
    tpu.enqueue_indirect_dma source(%dma_start3A_211 : memref<128x16xf32, #tpu.memory_space<vmem>>) target(%dma_start3A_217 : memref<10240x16xf32, #tpu.memory_space<vmem_shared>>) offsets(%dma_start3A_214 : memref<128xi32, #tpu.memory_space<vmem>>) semaphore(%arg10 : memref<!tpu.dma_semaphore, #tpu.memory_space<semaphore_mem>>) {add = true}
    %dma_start3A_218 = arith.constant 0 : i32
    %dma_start3A_219 = arith.constant 0 : i32
    %dma_start3A_220 = arith.constant 1 : i32
    %dma_start3A_221 = arith.constant 1280 : i32
    %dma_start3A_222 = arith.constant 0 : i32
    %dma_start3A_223 = tpu.memref_slice %arg8[%dma_start3A_218, %dma_start3A_221, %dma_start3A_222] : memref<2x2000x16xf32, #tpu.memory_space<vmem>> -> memref<1x128x16xf32, #tpu.memory_space<vmem>>
    %dma_start3A_224 = tpu.memref_squeeze %dma_start3A_223 : memref<1x128x16xf32, #tpu.memory_space<vmem>> -> memref<128x16xf32, #tpu.memory_space<vmem>>
    %dma_start3A_225 = arith.constant 1280 : i32
    %dma_start3A_226 = tpu.memref_slice %arg7[%dma_start3A_219, %dma_start3A_220, %dma_start3A_225] : memref<2x2x2000xi32, #tpu.memory_space<vmem>> -> memref<1x1x128xi32, #tpu.memory_space<vmem>>
    %dma_start3A_227 = tpu.memref_squeeze %dma_start3A_226 : memref<1x1x128xi32, #tpu.memory_space<vmem>> -> memref<128xi32, #tpu.memory_space<vmem>>
    %dma_start3A_228 = arith.constant 0 : i32
    %dma_start3A_229 = arith.constant 0 : i32
    %dma_start3A_230 = tpu.memref_slice %arg6[%dma_start3A_228, %dma_start3A_229] : memref<10240x16xf32, #tpu.memory_space<vmem_shared>> -> memref<10240x16xf32, #tpu.memory_space<vmem_shared>>
    tpu.enqueue_indirect_dma source(%dma_start3A_224 : memref<128x16xf32, #tpu.memory_space<vmem>>) target(%dma_start3A_230 : memref<10240x16xf32, #tpu.memory_space<vmem_shared>>) offsets(%dma_start3A_227 : memref<128xi32, #tpu.memory_space<vmem>>) semaphore(%arg10 : memref<!tpu.dma_semaphore, #tpu.memory_space<semaphore_mem>>) {add = true}
    %dma_start3A_231 = arith.constant 0 : i32
    %dma_start3A_232 = arith.constant 0 : i32
    %dma_start3A_233 = arith.constant 1 : i32
    %dma_start3A_234 = arith.constant 1408 : i32
    %dma_start3A_235 = arith.constant 0 : i32
    %dma_start3A_236 = tpu.memref_slice %arg8[%dma_start3A_231, %dma_start3A_234, %dma_start3A_235] : memref<2x2000x16xf32, #tpu.memory_space<vmem>> -> memref<1x128x16xf32, #tpu.memory_space<vmem>>
    %dma_start3A_237 = tpu.memref_squeeze %dma_start3A_236 : memref<1x128x16xf32, #tpu.memory_space<vmem>> -> memref<128x16xf32, #tpu.memory_space<vmem>>
    %dma_start3A_238 = arith.constant 1408 : i32
    %dma_start3A_239 = tpu.memref_slice %arg7[%dma_start3A_232, %dma_start3A_233, %dma_start3A_238] : memref<2x2x2000xi32, #tpu.memory_space<vmem>> -> memref<1x1x128xi32, #tpu.memory_space<vmem>>
    %dma_start3A_240 = tpu.memref_squeeze %dma_start3A_239 : memref<1x1x128xi32, #tpu.memory_space<vmem>> -> memref<128xi32, #tpu.memory_space<vmem>>
    %dma_start3A_241 = arith.constant 0 : i32
    %dma_start3A_242 = arith.constant 0 : i32
    %dma_start3A_243 = tpu.memref_slice %arg6[%dma_start3A_241, %dma_start3A_242] : memref<10240x16xf32, #tpu.memory_space<vmem_shared>> -> memref<10240x16xf32, #tpu.memory_space<vmem_shared>>
    tpu.enqueue_indirect_dma source(%dma_start3A_237 : memref<128x16xf32, #tpu.memory_space<vmem>>) target(%dma_start3A_243 : memref<10240x16xf32, #tpu.memory_space<vmem_shared>>) offsets(%dma_start3A_240 : memref<128xi32, #tpu.memory_space<vmem>>) semaphore(%arg10 : memref<!tpu.dma_semaphore, #tpu.memory_space<semaphore_mem>>) {add = true}
    %dma_start3A_244 = arith.constant 0 : i32
    %dma_start3A_245 = arith.constant 0 : i32
    %dma_start3A_246 = arith.constant 1 : i32
    %dma_start3A_247 = arith.constant 1536 : i32
    %dma_start3A_248 = arith.constant 0 : i32
    %dma_start3A_249 = tpu.memref_slice %arg8[%dma_start3A_244, %dma_start3A_247, %dma_start3A_248] : memref<2x2000x16xf32, #tpu.memory_space<vmem>> -> memref<1x128x16xf32, #tpu.memory_space<vmem>>
    %dma_start3A_250 = tpu.memref_squeeze %dma_start3A_249 : memref<1x128x16xf32, #tpu.memory_space<vmem>> -> memref<128x16xf32, #tpu.memory_space<vmem>>
    %dma_start3A_251 = arith.constant 1536 : i32
    %dma_start3A_252 = tpu.memref_slice %arg7[%dma_start3A_245, %dma_start3A_246, %dma_start3A_251] : memref<2x2x2000xi32, #tpu.memory_space<vmem>> -> memref<1x1x128xi32, #tpu.memory_space<vmem>>
    %dma_start3A_253 = tpu.memref_squeeze %dma_start3A_252 : memref<1x1x128xi32, #tpu.memory_space<vmem>> -> memref<128xi32, #tpu.memory_space<vmem>>
    %dma_start3A_254 = arith.constant 0 : i32
    %dma_start3A_255 = arith.constant 0 : i32
    %dma_start3A_256 = tpu.memref_slice %arg6[%dma_start3A_254, %dma_start3A_255] : memref<10240x16xf32, #tpu.memory_space<vmem_shared>> -> memref<10240x16xf32, #tpu.memory_space<vmem_shared>>
    tpu.enqueue_indirect_dma source(%dma_start3A_250 : memref<128x16xf32, #tpu.memory_space<vmem>>) target(%dma_start3A_256 : memref<10240x16xf32, #tpu.memory_space<vmem_shared>>) offsets(%dma_start3A_253 : memref<128xi32, #tpu.memory_space<vmem>>) semaphore(%arg10 : memref<!tpu.dma_semaphore, #tpu.memory_space<semaphore_mem>>) {add = true}
    %dma_start3A_257 = arith.constant 0 : i32
    %dma_start3A_258 = arith.constant 0 : i32
    %dma_start3A_259 = arith.constant 1 : i32
    %dma_start3A_260 = arith.constant 1664 : i32
    %dma_start3A_261 = arith.constant 0 : i32
    %dma_start3A_262 = tpu.memref_slice %arg8[%dma_start3A_257, %dma_start3A_260, %dma_start3A_261] : memref<2x2000x16xf32, #tpu.memory_space<vmem>> -> memref<1x128x16xf32, #tpu.memory_space<vmem>>
    %dma_start3A_263 = tpu.memref_squeeze %dma_start3A_262 : memref<1x128x16xf32, #tpu.memory_space<vmem>> -> memref<128x16xf32, #tpu.memory_space<vmem>>
    %dma_start3A_264 = arith.constant 1664 : i32
    %dma_start3A_265 = tpu.memref_slice %arg7[%dma_start3A_258, %dma_start3A_259, %dma_start3A_264] : memref<2x2x2000xi32, #tpu.memory_space<vmem>> -> memref<1x1x128xi32, #tpu.memory_space<vmem>>
    %dma_start3A_266 = tpu.memref_squeeze %dma_start3A_265 : memref<1x1x128xi32, #tpu.memory_space<vmem>> -> memref<128xi32, #tpu.memory_space<vmem>>
    %dma_start3A_267 = arith.constant 0 : i32
    %dma_start3A_268 = arith.constant 0 : i32
    %dma_start3A_269 = tpu.memref_slice %arg6[%dma_start3A_267, %dma_start3A_268] : memref<10240x16xf32, #tpu.memory_space<vmem_shared>> -> memref<10240x16xf32, #tpu.memory_space<vmem_shared>>
    tpu.enqueue_indirect_dma source(%dma_start3A_263 : memref<128x16xf32, #tpu.memory_space<vmem>>) target(%dma_start3A_269 : memref<10240x16xf32, #tpu.memory_space<vmem_shared>>) offsets(%dma_start3A_266 : memref<128xi32, #tpu.memory_space<vmem>>) semaphore(%arg10 : memref<!tpu.dma_semaphore, #tpu.memory_space<semaphore_mem>>) {add = true}
    %dma_start3A_270 = arith.constant 0 : i32
    %dma_start3A_271 = arith.constant 0 : i32
    %dma_start3A_272 = arith.constant 1 : i32
    %dma_start3A_273 = arith.constant 1792 : i32
    %dma_start3A_274 = arith.constant 0 : i32
    %dma_start3A_275 = tpu.memref_slice %arg8[%dma_start3A_270, %dma_start3A_273, %dma_start3A_274] : memref<2x2000x16xf32, #tpu.memory_space<vmem>> -> memref<1x128x16xf32, #tpu.memory_space<vmem>>
    %dma_start3A_276 = tpu.memref_squeeze %dma_start3A_275 : memref<1x128x16xf32, #tpu.memory_space<vmem>> -> memref<128x16xf32, #tpu.memory_space<vmem>>
    %dma_start3A_277 = arith.constant 1792 : i32
    %dma_start3A_278 = tpu.memref_slice %arg7[%dma_start3A_271, %dma_start3A_272, %dma_start3A_277] : memref<2x2x2000xi32, #tpu.memory_space<vmem>> -> memref<1x1x128xi32, #tpu.memory_space<vmem>>
    %dma_start3A_279 = tpu.memref_squeeze %dma_start3A_278 : memref<1x1x128xi32, #tpu.memory_space<vmem>> -> memref<128xi32, #tpu.memory_space<vmem>>
    %dma_start3A_280 = arith.constant 0 : i32
    %dma_start3A_281 = arith.constant 0 : i32
    %dma_start3A_282 = tpu.memref_slice %arg6[%dma_start3A_280, %dma_start3A_281] : memref<10240x16xf32, #tpu.memory_space<vmem_shared>> -> memref<10240x16xf32, #tpu.memory_space<vmem_shared>>
    tpu.enqueue_indirect_dma source(%dma_start3A_276 : memref<128x16xf32, #tpu.memory_space<vmem>>) target(%dma_start3A_282 : memref<10240x16xf32, #tpu.memory_space<vmem_shared>>) offsets(%dma_start3A_279 : memref<128xi32, #tpu.memory_space<vmem>>) semaphore(%arg10 : memref<!tpu.dma_semaphore, #tpu.memory_space<semaphore_mem>>) {add = true}
    %dma_start3A_283 = arith.constant 0 : i32
    %dma_start3A_284 = arith.constant 0 : i32
    %dma_start3A_285 = arith.constant 1 : i32
    %dma_start3A_286 = arith.constant 1920 : i32
    %dma_start3A_287 = arith.constant 0 : i32
    %dma_start3A_288 = tpu.memref_slice %arg8[%dma_start3A_283, %dma_start3A_286, %dma_start3A_287] : memref<2x2000x16xf32, #tpu.memory_space<vmem>> -> memref<1x80x16xf32, #tpu.memory_space<vmem>>
    %dma_start3A_289 = tpu.memref_squeeze %dma_start3A_288 : memref<1x80x16xf32, #tpu.memory_space<vmem>> -> memref<80x16xf32, #tpu.memory_space<vmem>>
    %dma_start3A_290 = arith.constant 1920 : i32
    %dma_start3A_291 = tpu.memref_slice %arg7[%dma_start3A_284, %dma_start3A_285, %dma_start3A_290] : memref<2x2x2000xi32, #tpu.memory_space<vmem>> -> memref<1x1x80xi32, #tpu.memory_space<vmem>>
    %dma_start3A_292 = tpu.memref_squeeze %dma_start3A_291 : memref<1x1x80xi32, #tpu.memory_space<vmem>> -> memref<80xi32, #tpu.memory_space<vmem>>
    %dma_start3A_293 = arith.constant 0 : i32
    %dma_start3A_294 = arith.constant 0 : i32
    %dma_start3A_295 = tpu.memref_slice %arg6[%dma_start3A_293, %dma_start3A_294] : memref<10240x16xf32, #tpu.memory_space<vmem_shared>> -> memref<10240x16xf32, #tpu.memory_space<vmem_shared>>
    tpu.enqueue_indirect_dma source(%dma_start3A_289 : memref<80x16xf32, #tpu.memory_space<vmem>>) target(%dma_start3A_295 : memref<10240x16xf32, #tpu.memory_space<vmem_shared>>) offsets(%dma_start3A_292 : memref<80xi32, #tpu.memory_space<vmem>>) semaphore(%arg10 : memref<!tpu.dma_semaphore, #tpu.memory_space<semaphore_mem>>) {add = true}
    %dma_wait3A_296 = arith.constant 0 : i32
    %dma_wait3A_297 = arith.constant 0 : i32
    %dma_wait3A_298 = arith.constant 1 : i32
    %dma_wait3A_299 = arith.constant 0 : i32
    %dma_wait3A_300 = arith.constant 0 : i32
    %dma_wait3A_301 = tpu.memref_slice %arg8[%dma_wait3A_296, %dma_wait3A_299, %dma_wait3A_300] : memref<2x2000x16xf32, #tpu.memory_space<vmem>> -> memref<1x128x16xf32, #tpu.memory_space<vmem>>
    %dma_wait3A_302 = tpu.memref_squeeze %dma_wait3A_301 : memref<1x128x16xf32, #tpu.memory_space<vmem>> -> memref<128x16xf32, #tpu.memory_space<vmem>>
    %dma_wait3A_303 = arith.constant 0 : i32
    %dma_wait3A_304 = tpu.memref_slice %arg7[%dma_wait3A_297, %dma_wait3A_298, %dma_wait3A_303] : memref<2x2x2000xi32, #tpu.memory_space<vmem>> -> memref<1x1x128xi32, #tpu.memory_space<vmem>>
    %dma_wait3A_305 = tpu.memref_squeeze %dma_wait3A_304 : memref<1x1x128xi32, #tpu.memory_space<vmem>> -> memref<128xi32, #tpu.memory_space<vmem>>
    %dma_wait3A_306 = arith.constant 0 : i32
    %dma_wait3A_307 = arith.constant 0 : i32
    %dma_wait3A_308 = tpu.memref_slice %arg6[%dma_wait3A_306, %dma_wait3A_307] : memref<10240x16xf32, #tpu.memory_space<vmem_shared>> -> memref<10240x16xf32, #tpu.memory_space<vmem_shared>>
    tpu.wait_indirect_dma semaphore(%arg10 : memref<!tpu.dma_semaphore, #tpu.memory_space<semaphore_mem>>) src(%dma_wait3A_302 : memref<128x16xf32, #tpu.memory_space<vmem>>) dst(%dma_wait3A_308 : memref<10240x16xf32, #tpu.memory_space<vmem_shared>>)
    %dma_wait3A_309 = arith.constant 0 : i32
    %dma_wait3A_310 = arith.constant 0 : i32
    %dma_wait3A_311 = arith.constant 1 : i32
    %dma_wait3A_312 = arith.constant 128 : i32
    %dma_wait3A_313 = arith.constant 0 : i32
    %dma_wait3A_314 = tpu.memref_slice %arg8[%dma_wait3A_309, %dma_wait3A_312, %dma_wait3A_313] : memref<2x2000x16xf32, #tpu.memory_space<vmem>> -> memref<1x128x16xf32, #tpu.memory_space<vmem>>
    %dma_wait3A_315 = tpu.memref_squeeze %dma_wait3A_314 : memref<1x128x16xf32, #tpu.memory_space<vmem>> -> memref<128x16xf32, #tpu.memory_space<vmem>>
    %dma_wait3A_316 = arith.constant 128 : i32
    %dma_wait3A_317 = tpu.memref_slice %arg7[%dma_wait3A_310, %dma_wait3A_311, %dma_wait3A_316] : memref<2x2x2000xi32, #tpu.memory_space<vmem>> -> memref<1x1x128xi32, #tpu.memory_space<vmem>>
    %dma_wait3A_318 = tpu.memref_squeeze %dma_wait3A_317 : memref<1x1x128xi32, #tpu.memory_space<vmem>> -> memref<128xi32, #tpu.memory_space<vmem>>
    %dma_wait3A_319 = arith.constant 0 : i32
    %dma_wait3A_320 = arith.constant 0 : i32
    %dma_wait3A_321 = tpu.memref_slice %arg6[%dma_wait3A_319, %dma_wait3A_320] : memref<10240x16xf32, #tpu.memory_space<vmem_shared>> -> memref<10240x16xf32, #tpu.memory_space<vmem_shared>>
    tpu.wait_indirect_dma semaphore(%arg10 : memref<!tpu.dma_semaphore, #tpu.memory_space<semaphore_mem>>) src(%dma_wait3A_315 : memref<128x16xf32, #tpu.memory_space<vmem>>) dst(%dma_wait3A_321 : memref<10240x16xf32, #tpu.memory_space<vmem_shared>>)
    %dma_wait3A_322 = arith.constant 0 : i32
    %dma_wait3A_323 = arith.constant 0 : i32
    %dma_wait3A_324 = arith.constant 1 : i32
    %dma_wait3A_325 = arith.constant 256 : i32
    %dma_wait3A_326 = arith.constant 0 : i32
    %dma_wait3A_327 = tpu.memref_slice %arg8[%dma_wait3A_322, %dma_wait3A_325, %dma_wait3A_326] : memref<2x2000x16xf32, #tpu.memory_space<vmem>> -> memref<1x128x16xf32, #tpu.memory_space<vmem>>
    %dma_wait3A_328 = tpu.memref_squeeze %dma_wait3A_327 : memref<1x128x16xf32, #tpu.memory_space<vmem>> -> memref<128x16xf32, #tpu.memory_space<vmem>>
    %dma_wait3A_329 = arith.constant 256 : i32
    %dma_wait3A_330 = tpu.memref_slice %arg7[%dma_wait3A_323, %dma_wait3A_324, %dma_wait3A_329] : memref<2x2x2000xi32, #tpu.memory_space<vmem>> -> memref<1x1x128xi32, #tpu.memory_space<vmem>>
    %dma_wait3A_331 = tpu.memref_squeeze %dma_wait3A_330 : memref<1x1x128xi32, #tpu.memory_space<vmem>> -> memref<128xi32, #tpu.memory_space<vmem>>
    %dma_wait3A_332 = arith.constant 0 : i32
    %dma_wait3A_333 = arith.constant 0 : i32
    %dma_wait3A_334 = tpu.memref_slice %arg6[%dma_wait3A_332, %dma_wait3A_333] : memref<10240x16xf32, #tpu.memory_space<vmem_shared>> -> memref<10240x16xf32, #tpu.memory_space<vmem_shared>>
    tpu.wait_indirect_dma semaphore(%arg10 : memref<!tpu.dma_semaphore, #tpu.memory_space<semaphore_mem>>) src(%dma_wait3A_328 : memref<128x16xf32, #tpu.memory_space<vmem>>) dst(%dma_wait3A_334 : memref<10240x16xf32, #tpu.memory_space<vmem_shared>>)
    %dma_wait3A_335 = arith.constant 0 : i32
    %dma_wait3A_336 = arith.constant 0 : i32
    %dma_wait3A_337 = arith.constant 1 : i32
    %dma_wait3A_338 = arith.constant 384 : i32
    %dma_wait3A_339 = arith.constant 0 : i32
    %dma_wait3A_340 = tpu.memref_slice %arg8[%dma_wait3A_335, %dma_wait3A_338, %dma_wait3A_339] : memref<2x2000x16xf32, #tpu.memory_space<vmem>> -> memref<1x128x16xf32, #tpu.memory_space<vmem>>
    %dma_wait3A_341 = tpu.memref_squeeze %dma_wait3A_340 : memref<1x128x16xf32, #tpu.memory_space<vmem>> -> memref<128x16xf32, #tpu.memory_space<vmem>>
    %dma_wait3A_342 = arith.constant 384 : i32
    %dma_wait3A_343 = tpu.memref_slice %arg7[%dma_wait3A_336, %dma_wait3A_337, %dma_wait3A_342] : memref<2x2x2000xi32, #tpu.memory_space<vmem>> -> memref<1x1x128xi32, #tpu.memory_space<vmem>>
    %dma_wait3A_344 = tpu.memref_squeeze %dma_wait3A_343 : memref<1x1x128xi32, #tpu.memory_space<vmem>> -> memref<128xi32, #tpu.memory_space<vmem>>
    %dma_wait3A_345 = arith.constant 0 : i32
    %dma_wait3A_346 = arith.constant 0 : i32
    %dma_wait3A_347 = tpu.memref_slice %arg6[%dma_wait3A_345, %dma_wait3A_346] : memref<10240x16xf32, #tpu.memory_space<vmem_shared>> -> memref<10240x16xf32, #tpu.memory_space<vmem_shared>>
    tpu.wait_indirect_dma semaphore(%arg10 : memref<!tpu.dma_semaphore, #tpu.memory_space<semaphore_mem>>) src(%dma_wait3A_341 : memref<128x16xf32, #tpu.memory_space<vmem>>) dst(%dma_wait3A_347 : memref<10240x16xf32, #tpu.memory_space<vmem_shared>>)
    %dma_wait3A_348 = arith.constant 0 : i32
    %dma_wait3A_349 = arith.constant 0 : i32
    %dma_wait3A_350 = arith.constant 1 : i32
    %dma_wait3A_351 = arith.constant 512 : i32
    %dma_wait3A_352 = arith.constant 0 : i32
    %dma_wait3A_353 = tpu.memref_slice %arg8[%dma_wait3A_348, %dma_wait3A_351, %dma_wait3A_352] : memref<2x2000x16xf32, #tpu.memory_space<vmem>> -> memref<1x128x16xf32, #tpu.memory_space<vmem>>
    %dma_wait3A_354 = tpu.memref_squeeze %dma_wait3A_353 : memref<1x128x16xf32, #tpu.memory_space<vmem>> -> memref<128x16xf32, #tpu.memory_space<vmem>>
    %dma_wait3A_355 = arith.constant 512 : i32
    %dma_wait3A_356 = tpu.memref_slice %arg7[%dma_wait3A_349, %dma_wait3A_350, %dma_wait3A_355] : memref<2x2x2000xi32, #tpu.memory_space<vmem>> -> memref<1x1x128xi32, #tpu.memory_space<vmem>>
    %dma_wait3A_357 = tpu.memref_squeeze %dma_wait3A_356 : memref<1x1x128xi32, #tpu.memory_space<vmem>> -> memref<128xi32, #tpu.memory_space<vmem>>
    %dma_wait3A_358 = arith.constant 0 : i32
    %dma_wait3A_359 = arith.constant 0 : i32
    %dma_wait3A_360 = tpu.memref_slice %arg6[%dma_wait3A_358, %dma_wait3A_359] : memref<10240x16xf32, #tpu.memory_space<vmem_shared>> -> memref<10240x16xf32, #tpu.memory_space<vmem_shared>>
    tpu.wait_indirect_dma semaphore(%arg10 : memref<!tpu.dma_semaphore, #tpu.memory_space<semaphore_mem>>) src(%dma_wait3A_354 : memref<128x16xf32, #tpu.memory_space<vmem>>) dst(%dma_wait3A_360 : memref<10240x16xf32, #tpu.memory_space<vmem_shared>>)
    %dma_wait3A_361 = arith.constant 0 : i32
    %dma_wait3A_362 = arith.constant 0 : i32
    %dma_wait3A_363 = arith.constant 1 : i32
    %dma_wait3A_364 = arith.constant 640 : i32
    %dma_wait3A_365 = arith.constant 0 : i32
    %dma_wait3A_366 = tpu.memref_slice %arg8[%dma_wait3A_361, %dma_wait3A_364, %dma_wait3A_365] : memref<2x2000x16xf32, #tpu.memory_space<vmem>> -> memref<1x128x16xf32, #tpu.memory_space<vmem>>
    %dma_wait3A_367 = tpu.memref_squeeze %dma_wait3A_366 : memref<1x128x16xf32, #tpu.memory_space<vmem>> -> memref<128x16xf32, #tpu.memory_space<vmem>>
    %dma_wait3A_368 = arith.constant 640 : i32
    %dma_wait3A_369 = tpu.memref_slice %arg7[%dma_wait3A_362, %dma_wait3A_363, %dma_wait3A_368] : memref<2x2x2000xi32, #tpu.memory_space<vmem>> -> memref<1x1x128xi32, #tpu.memory_space<vmem>>
    %dma_wait3A_370 = tpu.memref_squeeze %dma_wait3A_369 : memref<1x1x128xi32, #tpu.memory_space<vmem>> -> memref<128xi32, #tpu.memory_space<vmem>>
    %dma_wait3A_371 = arith.constant 0 : i32
    %dma_wait3A_372 = arith.constant 0 : i32
    %dma_wait3A_373 = tpu.memref_slice %arg6[%dma_wait3A_371, %dma_wait3A_372] : memref<10240x16xf32, #tpu.memory_space<vmem_shared>> -> memref<10240x16xf32, #tpu.memory_space<vmem_shared>>
    tpu.wait_indirect_dma semaphore(%arg10 : memref<!tpu.dma_semaphore, #tpu.memory_space<semaphore_mem>>) src(%dma_wait3A_367 : memref<128x16xf32, #tpu.memory_space<vmem>>) dst(%dma_wait3A_373 : memref<10240x16xf32, #tpu.memory_space<vmem_shared>>)
    %dma_wait3A_374 = arith.constant 0 : i32
    %dma_wait3A_375 = arith.constant 0 : i32
    %dma_wait3A_376 = arith.constant 1 : i32
    %dma_wait3A_377 = arith.constant 768 : i32
    %dma_wait3A_378 = arith.constant 0 : i32
    %dma_wait3A_379 = tpu.memref_slice %arg8[%dma_wait3A_374, %dma_wait3A_377, %dma_wait3A_378] : memref<2x2000x16xf32, #tpu.memory_space<vmem>> -> memref<1x128x16xf32, #tpu.memory_space<vmem>>
    %dma_wait3A_380 = tpu.memref_squeeze %dma_wait3A_379 : memref<1x128x16xf32, #tpu.memory_space<vmem>> -> memref<128x16xf32, #tpu.memory_space<vmem>>
    %dma_wait3A_381 = arith.constant 768 : i32
    %dma_wait3A_382 = tpu.memref_slice %arg7[%dma_wait3A_375, %dma_wait3A_376, %dma_wait3A_381] : memref<2x2x2000xi32, #tpu.memory_space<vmem>> -> memref<1x1x128xi32, #tpu.memory_space<vmem>>
    %dma_wait3A_383 = tpu.memref_squeeze %dma_wait3A_382 : memref<1x1x128xi32, #tpu.memory_space<vmem>> -> memref<128xi32, #tpu.memory_space<vmem>>
    %dma_wait3A_384 = arith.constant 0 : i32
    %dma_wait3A_385 = arith.constant 0 : i32
    %dma_wait3A_386 = tpu.memref_slice %arg6[%dma_wait3A_384, %dma_wait3A_385] : memref<10240x16xf32, #tpu.memory_space<vmem_shared>> -> memref<10240x16xf32, #tpu.memory_space<vmem_shared>>
    tpu.wait_indirect_dma semaphore(%arg10 : memref<!tpu.dma_semaphore, #tpu.memory_space<semaphore_mem>>) src(%dma_wait3A_380 : memref<128x16xf32, #tpu.memory_space<vmem>>) dst(%dma_wait3A_386 : memref<10240x16xf32, #tpu.memory_space<vmem_shared>>)
    %dma_wait3A_387 = arith.constant 0 : i32
    %dma_wait3A_388 = arith.constant 0 : i32
    %dma_wait3A_389 = arith.constant 1 : i32
    %dma_wait3A_390 = arith.constant 896 : i32
    %dma_wait3A_391 = arith.constant 0 : i32
    %dma_wait3A_392 = tpu.memref_slice %arg8[%dma_wait3A_387, %dma_wait3A_390, %dma_wait3A_391] : memref<2x2000x16xf32, #tpu.memory_space<vmem>> -> memref<1x128x16xf32, #tpu.memory_space<vmem>>
    %dma_wait3A_393 = tpu.memref_squeeze %dma_wait3A_392 : memref<1x128x16xf32, #tpu.memory_space<vmem>> -> memref<128x16xf32, #tpu.memory_space<vmem>>
    %dma_wait3A_394 = arith.constant 896 : i32
    %dma_wait3A_395 = tpu.memref_slice %arg7[%dma_wait3A_388, %dma_wait3A_389, %dma_wait3A_394] : memref<2x2x2000xi32, #tpu.memory_space<vmem>> -> memref<1x1x128xi32, #tpu.memory_space<vmem>>
    %dma_wait3A_396 = tpu.memref_squeeze %dma_wait3A_395 : memref<1x1x128xi32, #tpu.memory_space<vmem>> -> memref<128xi32, #tpu.memory_space<vmem>>
    %dma_wait3A_397 = arith.constant 0 : i32
    %dma_wait3A_398 = arith.constant 0 : i32
    %dma_wait3A_399 = tpu.memref_slice %arg6[%dma_wait3A_397, %dma_wait3A_398] : memref<10240x16xf32, #tpu.memory_space<vmem_shared>> -> memref<10240x16xf32, #tpu.memory_space<vmem_shared>>
    tpu.wait_indirect_dma semaphore(%arg10 : memref<!tpu.dma_semaphore, #tpu.memory_space<semaphore_mem>>) src(%dma_wait3A_393 : memref<128x16xf32, #tpu.memory_space<vmem>>) dst(%dma_wait3A_399 : memref<10240x16xf32, #tpu.memory_space<vmem_shared>>)
    %dma_wait3A_400 = arith.constant 0 : i32
    %dma_wait3A_401 = arith.constant 0 : i32
    %dma_wait3A_402 = arith.constant 1 : i32
    %dma_wait3A_403 = arith.constant 1024 : i32
    %dma_wait3A_404 = arith.constant 0 : i32
    %dma_wait3A_405 = tpu.memref_slice %arg8[%dma_wait3A_400, %dma_wait3A_403, %dma_wait3A_404] : memref<2x2000x16xf32, #tpu.memory_space<vmem>> -> memref<1x128x16xf32, #tpu.memory_space<vmem>>
    %dma_wait3A_406 = tpu.memref_squeeze %dma_wait3A_405 : memref<1x128x16xf32, #tpu.memory_space<vmem>> -> memref<128x16xf32, #tpu.memory_space<vmem>>
    %dma_wait3A_407 = arith.constant 1024 : i32
    %dma_wait3A_408 = tpu.memref_slice %arg7[%dma_wait3A_401, %dma_wait3A_402, %dma_wait3A_407] : memref<2x2x2000xi32, #tpu.memory_space<vmem>> -> memref<1x1x128xi32, #tpu.memory_space<vmem>>
    %dma_wait3A_409 = tpu.memref_squeeze %dma_wait3A_408 : memref<1x1x128xi32, #tpu.memory_space<vmem>> -> memref<128xi32, #tpu.memory_space<vmem>>
    %dma_wait3A_410 = arith.constant 0 : i32
    %dma_wait3A_411 = arith.constant 0 : i32
    %dma_wait3A_412 = tpu.memref_slice %arg6[%dma_wait3A_410, %dma_wait3A_411] : memref<10240x16xf32, #tpu.memory_space<vmem_shared>> -> memref<10240x16xf32, #tpu.memory_space<vmem_shared>>
    tpu.wait_indirect_dma semaphore(%arg10 : memref<!tpu.dma_semaphore, #tpu.memory_space<semaphore_mem>>) src(%dma_wait3A_406 : memref<128x16xf32, #tpu.memory_space<vmem>>) dst(%dma_wait3A_412 : memref<10240x16xf32, #tpu.memory_space<vmem_shared>>)
    %dma_wait3A_413 = arith.constant 0 : i32
    %dma_wait3A_414 = arith.constant 0 : i32
    %dma_wait3A_415 = arith.constant 1 : i32
    %dma_wait3A_416 = arith.constant 1152 : i32
    %dma_wait3A_417 = arith.constant 0 : i32
    %dma_wait3A_418 = tpu.memref_slice %arg8[%dma_wait3A_413, %dma_wait3A_416, %dma_wait3A_417] : memref<2x2000x16xf32, #tpu.memory_space<vmem>> -> memref<1x128x16xf32, #tpu.memory_space<vmem>>
    %dma_wait3A_419 = tpu.memref_squeeze %dma_wait3A_418 : memref<1x128x16xf32, #tpu.memory_space<vmem>> -> memref<128x16xf32, #tpu.memory_space<vmem>>
    %dma_wait3A_420 = arith.constant 1152 : i32
    %dma_wait3A_421 = tpu.memref_slice %arg7[%dma_wait3A_414, %dma_wait3A_415, %dma_wait3A_420] : memref<2x2x2000xi32, #tpu.memory_space<vmem>> -> memref<1x1x128xi32, #tpu.memory_space<vmem>>
    %dma_wait3A_422 = tpu.memref_squeeze %dma_wait3A_421 : memref<1x1x128xi32, #tpu.memory_space<vmem>> -> memref<128xi32, #tpu.memory_space<vmem>>
    %dma_wait3A_423 = arith.constant 0 : i32
    %dma_wait3A_424 = arith.constant 0 : i32
    %dma_wait3A_425 = tpu.memref_slice %arg6[%dma_wait3A_423, %dma_wait3A_424] : memref<10240x16xf32, #tpu.memory_space<vmem_shared>> -> memref<10240x16xf32, #tpu.memory_space<vmem_shared>>
    tpu.wait_indirect_dma semaphore(%arg10 : memref<!tpu.dma_semaphore, #tpu.memory_space<semaphore_mem>>) src(%dma_wait3A_419 : memref<128x16xf32, #tpu.memory_space<vmem>>) dst(%dma_wait3A_425 : memref<10240x16xf32, #tpu.memory_space<vmem_shared>>)
    %dma_wait3A_426 = arith.constant 0 : i32
    %dma_wait3A_427 = arith.constant 0 : i32
    %dma_wait3A_428 = arith.constant 1 : i32
    %dma_wait3A_429 = arith.constant 1280 : i32
    %dma_wait3A_430 = arith.constant 0 : i32
    %dma_wait3A_431 = tpu.memref_slice %arg8[%dma_wait3A_426, %dma_wait3A_429, %dma_wait3A_430] : memref<2x2000x16xf32, #tpu.memory_space<vmem>> -> memref<1x128x16xf32, #tpu.memory_space<vmem>>
    %dma_wait3A_432 = tpu.memref_squeeze %dma_wait3A_431 : memref<1x128x16xf32, #tpu.memory_space<vmem>> -> memref<128x16xf32, #tpu.memory_space<vmem>>
    %dma_wait3A_433 = arith.constant 1280 : i32
    %dma_wait3A_434 = tpu.memref_slice %arg7[%dma_wait3A_427, %dma_wait3A_428, %dma_wait3A_433] : memref<2x2x2000xi32, #tpu.memory_space<vmem>> -> memref<1x1x128xi32, #tpu.memory_space<vmem>>
    %dma_wait3A_435 = tpu.memref_squeeze %dma_wait3A_434 : memref<1x1x128xi32, #tpu.memory_space<vmem>> -> memref<128xi32, #tpu.memory_space<vmem>>
    %dma_wait3A_436 = arith.constant 0 : i32
    %dma_wait3A_437 = arith.constant 0 : i32
    %dma_wait3A_438 = tpu.memref_slice %arg6[%dma_wait3A_436, %dma_wait3A_437] : memref<10240x16xf32, #tpu.memory_space<vmem_shared>> -> memref<10240x16xf32, #tpu.memory_space<vmem_shared>>
    tpu.wait_indirect_dma semaphore(%arg10 : memref<!tpu.dma_semaphore, #tpu.memory_space<semaphore_mem>>) src(%dma_wait3A_432 : memref<128x16xf32, #tpu.memory_space<vmem>>) dst(%dma_wait3A_438 : memref<10240x16xf32, #tpu.memory_space<vmem_shared>>)
    %dma_wait3A_439 = arith.constant 0 : i32
    %dma_wait3A_440 = arith.constant 0 : i32
    %dma_wait3A_441 = arith.constant 1 : i32
    %dma_wait3A_442 = arith.constant 1408 : i32
    %dma_wait3A_443 = arith.constant 0 : i32
    %dma_wait3A_444 = tpu.memref_slice %arg8[%dma_wait3A_439, %dma_wait3A_442, %dma_wait3A_443] : memref<2x2000x16xf32, #tpu.memory_space<vmem>> -> memref<1x128x16xf32, #tpu.memory_space<vmem>>
    %dma_wait3A_445 = tpu.memref_squeeze %dma_wait3A_444 : memref<1x128x16xf32, #tpu.memory_space<vmem>> -> memref<128x16xf32, #tpu.memory_space<vmem>>
    %dma_wait3A_446 = arith.constant 1408 : i32
    %dma_wait3A_447 = tpu.memref_slice %arg7[%dma_wait3A_440, %dma_wait3A_441, %dma_wait3A_446] : memref<2x2x2000xi32, #tpu.memory_space<vmem>> -> memref<1x1x128xi32, #tpu.memory_space<vmem>>
    %dma_wait3A_448 = tpu.memref_squeeze %dma_wait3A_447 : memref<1x1x128xi32, #tpu.memory_space<vmem>> -> memref<128xi32, #tpu.memory_space<vmem>>
    %dma_wait3A_449 = arith.constant 0 : i32
    %dma_wait3A_450 = arith.constant 0 : i32
    %dma_wait3A_451 = tpu.memref_slice %arg6[%dma_wait3A_449, %dma_wait3A_450] : memref<10240x16xf32, #tpu.memory_space<vmem_shared>> -> memref<10240x16xf32, #tpu.memory_space<vmem_shared>>
    tpu.wait_indirect_dma semaphore(%arg10 : memref<!tpu.dma_semaphore, #tpu.memory_space<semaphore_mem>>) src(%dma_wait3A_445 : memref<128x16xf32, #tpu.memory_space<vmem>>) dst(%dma_wait3A_451 : memref<10240x16xf32, #tpu.memory_space<vmem_shared>>)
    %dma_wait3A_452 = arith.constant 0 : i32
    %dma_wait3A_453 = arith.constant 0 : i32
    %dma_wait3A_454 = arith.constant 1 : i32
    %dma_wait3A_455 = arith.constant 1536 : i32
    %dma_wait3A_456 = arith.constant 0 : i32
    %dma_wait3A_457 = tpu.memref_slice %arg8[%dma_wait3A_452, %dma_wait3A_455, %dma_wait3A_456] : memref<2x2000x16xf32, #tpu.memory_space<vmem>> -> memref<1x128x16xf32, #tpu.memory_space<vmem>>
    %dma_wait3A_458 = tpu.memref_squeeze %dma_wait3A_457 : memref<1x128x16xf32, #tpu.memory_space<vmem>> -> memref<128x16xf32, #tpu.memory_space<vmem>>
    %dma_wait3A_459 = arith.constant 1536 : i32
    %dma_wait3A_460 = tpu.memref_slice %arg7[%dma_wait3A_453, %dma_wait3A_454, %dma_wait3A_459] : memref<2x2x2000xi32, #tpu.memory_space<vmem>> -> memref<1x1x128xi32, #tpu.memory_space<vmem>>
    %dma_wait3A_461 = tpu.memref_squeeze %dma_wait3A_460 : memref<1x1x128xi32, #tpu.memory_space<vmem>> -> memref<128xi32, #tpu.memory_space<vmem>>
    %dma_wait3A_462 = arith.constant 0 : i32
    %dma_wait3A_463 = arith.constant 0 : i32
    %dma_wait3A_464 = tpu.memref_slice %arg6[%dma_wait3A_462, %dma_wait3A_463] : memref<10240x16xf32, #tpu.memory_space<vmem_shared>> -> memref<10240x16xf32, #tpu.memory_space<vmem_shared>>
    tpu.wait_indirect_dma semaphore(%arg10 : memref<!tpu.dma_semaphore, #tpu.memory_space<semaphore_mem>>) src(%dma_wait3A_458 : memref<128x16xf32, #tpu.memory_space<vmem>>) dst(%dma_wait3A_464 : memref<10240x16xf32, #tpu.memory_space<vmem_shared>>)
    %dma_wait3A_465 = arith.constant 0 : i32
    %dma_wait3A_466 = arith.constant 0 : i32
    %dma_wait3A_467 = arith.constant 1 : i32
    %dma_wait3A_468 = arith.constant 1664 : i32
    %dma_wait3A_469 = arith.constant 0 : i32
    %dma_wait3A_470 = tpu.memref_slice %arg8[%dma_wait3A_465, %dma_wait3A_468, %dma_wait3A_469] : memref<2x2000x16xf32, #tpu.memory_space<vmem>> -> memref<1x128x16xf32, #tpu.memory_space<vmem>>
    %dma_wait3A_471 = tpu.memref_squeeze %dma_wait3A_470 : memref<1x128x16xf32, #tpu.memory_space<vmem>> -> memref<128x16xf32, #tpu.memory_space<vmem>>
    %dma_wait3A_472 = arith.constant 1664 : i32
    %dma_wait3A_473 = tpu.memref_slice %arg7[%dma_wait3A_466, %dma_wait3A_467, %dma_wait3A_472] : memref<2x2x2000xi32, #tpu.memory_space<vmem>> -> memref<1x1x128xi32, #tpu.memory_space<vmem>>
    %dma_wait3A_474 = tpu.memref_squeeze %dma_wait3A_473 : memref<1x1x128xi32, #tpu.memory_space<vmem>> -> memref<128xi32, #tpu.memory_space<vmem>>
    %dma_wait3A_475 = arith.constant 0 : i32
    %dma_wait3A_476 = arith.constant 0 : i32
    %dma_wait3A_477 = tpu.memref_slice %arg6[%dma_wait3A_475, %dma_wait3A_476] : memref<10240x16xf32, #tpu.memory_space<vmem_shared>> -> memref<10240x16xf32, #tpu.memory_space<vmem_shared>>
    tpu.wait_indirect_dma semaphore(%arg10 : memref<!tpu.dma_semaphore, #tpu.memory_space<semaphore_mem>>) src(%dma_wait3A_471 : memref<128x16xf32, #tpu.memory_space<vmem>>) dst(%dma_wait3A_477 : memref<10240x16xf32, #tpu.memory_space<vmem_shared>>)
    %dma_wait3A_478 = arith.constant 0 : i32
    %dma_wait3A_479 = arith.constant 0 : i32
    %dma_wait3A_480 = arith.constant 1 : i32
    %dma_wait3A_481 = arith.constant 1792 : i32
    %dma_wait3A_482 = arith.constant 0 : i32
    %dma_wait3A_483 = tpu.memref_slice %arg8[%dma_wait3A_478, %dma_wait3A_481, %dma_wait3A_482] : memref<2x2000x16xf32, #tpu.memory_space<vmem>> -> memref<1x128x16xf32, #tpu.memory_space<vmem>>
    %dma_wait3A_484 = tpu.memref_squeeze %dma_wait3A_483 : memref<1x128x16xf32, #tpu.memory_space<vmem>> -> memref<128x16xf32, #tpu.memory_space<vmem>>
    %dma_wait3A_485 = arith.constant 1792 : i32
    %dma_wait3A_486 = tpu.memref_slice %arg7[%dma_wait3A_479, %dma_wait3A_480, %dma_wait3A_485] : memref<2x2x2000xi32, #tpu.memory_space<vmem>> -> memref<1x1x128xi32, #tpu.memory_space<vmem>>
    %dma_wait3A_487 = tpu.memref_squeeze %dma_wait3A_486 : memref<1x1x128xi32, #tpu.memory_space<vmem>> -> memref<128xi32, #tpu.memory_space<vmem>>
    %dma_wait3A_488 = arith.constant 0 : i32
    %dma_wait3A_489 = arith.constant 0 : i32
    %dma_wait3A_490 = tpu.memref_slice %arg6[%dma_wait3A_488, %dma_wait3A_489] : memref<10240x16xf32, #tpu.memory_space<vmem_shared>> -> memref<10240x16xf32, #tpu.memory_space<vmem_shared>>
    tpu.wait_indirect_dma semaphore(%arg10 : memref<!tpu.dma_semaphore, #tpu.memory_space<semaphore_mem>>) src(%dma_wait3A_484 : memref<128x16xf32, #tpu.memory_space<vmem>>) dst(%dma_wait3A_490 : memref<10240x16xf32, #tpu.memory_space<vmem_shared>>)
    %dma_wait3A_491 = arith.constant 0 : i32
    %dma_wait3A_492 = arith.constant 0 : i32
    %dma_wait3A_493 = arith.constant 1 : i32
    %dma_wait3A_494 = arith.constant 1920 : i32
    %dma_wait3A_495 = arith.constant 0 : i32
    %dma_wait3A_496 = tpu.memref_slice %arg8[%dma_wait3A_491, %dma_wait3A_494, %dma_wait3A_495] : memref<2x2000x16xf32, #tpu.memory_space<vmem>> -> memref<1x80x16xf32, #tpu.memory_space<vmem>>
    %dma_wait3A_497 = tpu.memref_squeeze %dma_wait3A_496 : memref<1x80x16xf32, #tpu.memory_space<vmem>> -> memref<80x16xf32, #tpu.memory_space<vmem>>
    %dma_wait3A_498 = arith.constant 1920 : i32
    %dma_wait3A_499 = tpu.memref_slice %arg7[%dma_wait3A_492, %dma_wait3A_493, %dma_wait3A_498] : memref<2x2x2000xi32, #tpu.memory_space<vmem>> -> memref<1x1x80xi32, #tpu.memory_space<vmem>>
    %dma_wait3A_500 = tpu.memref_squeeze %dma_wait3A_499 : memref<1x1x80xi32, #tpu.memory_space<vmem>> -> memref<80xi32, #tpu.memory_space<vmem>>
    %dma_wait3A_501 = arith.constant 0 : i32
    %dma_wait3A_502 = arith.constant 0 : i32
    %dma_wait3A_503 = tpu.memref_slice %arg6[%dma_wait3A_501, %dma_wait3A_502] : memref<10240x16xf32, #tpu.memory_space<vmem_shared>> -> memref<10240x16xf32, #tpu.memory_space<vmem_shared>>
    tpu.wait_indirect_dma semaphore(%arg10 : memref<!tpu.dma_semaphore, #tpu.memory_space<semaphore_mem>>) src(%dma_wait3A_497 : memref<80x16xf32, #tpu.memory_space<vmem>>) dst(%dma_wait3A_503 : memref<10240x16xf32, #tpu.memory_space<vmem_shared>>)
    %dma_wait3A_504 = arith.constant 1 : i32
    %dma_wait3A_505 = arith.constant 0 : i32
    %dma_wait3A_506 = arith.constant 0 : i32
    %dma_wait3A_507 = tpu.memref_slice %arg7[%dma_wait3A_504, %dma_wait3A_505, %dma_wait3A_506] : memref<2x2x2000xi32, #tpu.memory_space<vmem>> -> memref<1x2x2000xi32, #tpu.memory_space<vmem>>
    %dma_wait3A_508 = tpu.memref_squeeze %dma_wait3A_507 : memref<1x2x2000xi32, #tpu.memory_space<vmem>> -> memref<2x2000xi32, #tpu.memory_space<vmem>>
    %dma_wait3A_509 = arith.constant 0 : i32
    %dma_wait3A_510 = tpu.memref_slice %arg2[%dma_wait3A_509, %multiple_of3A_61] : memref<2x320000xi32, #tpu.memory_space<hbm>> -> memref<2x2000xi32, #tpu.memory_space<hbm>>
    %dma_wait3A_511 = arith.constant 0 : i32
    %dma_wait3A_512 = arith.constant 0 : i32
    %dma_wait3A_513 = tpu.memref_slice %arg7[%dma_wait3A_504, %dma_wait3A_511, %dma_wait3A_512] : memref<2x2x2000xi32, #tpu.memory_space<vmem>> -> memref<1x2x2000xi32, #tpu.memory_space<vmem>>
    %dma_wait3A_514 = tpu.memref_squeeze %dma_wait3A_513 : memref<1x2x2000xi32, #tpu.memory_space<vmem>> -> memref<2x2000xi32, #tpu.memory_space<vmem>>
    %dma_wait3A_515 = arith.constant 0 : i32
    %dma_wait3A_516 = tpu.memref_slice %arg2[%dma_wait3A_515, %multiple_of3A_61] : memref<2x320000xi32, #tpu.memory_space<hbm>> -> memref<2x2000xi32, #tpu.memory_space<hbm>>
    tpu.wait_dma2 semaphore(%arg9 : memref<!tpu.dma_semaphore, #tpu.memory_space<semaphore_mem>>) src(%dma_wait3A_516 : memref<2x2000xi32, #tpu.memory_space<hbm>>) dst(%dma_wait3A_514 : memref<2x2000xi32, #tpu.memory_space<vmem>>)
    %dma_wait3A_517 = arith.constant 1 : i32
    %dma_wait3A_518 = arith.constant 0 : i32
    %dma_wait3A_519 = arith.constant 0 : i32
    %dma_wait3A_520 = tpu.memref_slice %arg8[%dma_wait3A_517, %dma_wait3A_518, %dma_wait3A_519] : memref<2x2000x16xf32, #tpu.memory_space<vmem>> -> memref<1x2000x16xf32, #tpu.memory_space<vmem>>
    %dma_wait3A_521 = tpu.memref_squeeze %dma_wait3A_520 : memref<1x2000x16xf32, #tpu.memory_space<vmem>> -> memref<2000x16xf32, #tpu.memory_space<vmem>>
    %dma_wait3A_522 = arith.constant 0 : i32
    %dma_wait3A_523 = tpu.memref_slice %arg3[%multiple_of3A_61, %dma_wait3A_522] : memref<320000x16xf32, #tpu.memory_space<hbm>> -> memref<2000x16xf32, #tpu.memory_space<hbm>>
    %dma_wait3A_524 = arith.constant 0 : i32
    %dma_wait3A_525 = arith.constant 0 : i32
    %dma_wait3A_526 = tpu.memref_slice %arg8[%dma_wait3A_517, %dma_wait3A_524, %dma_wait3A_525] : memref<2x2000x16xf32, #tpu.memory_space<vmem>> -> memref<1x2000x16xf32, #tpu.memory_space<vmem>>
    %dma_wait3A_527 = tpu.memref_squeeze %dma_wait3A_526 : memref<1x2000x16xf32, #tpu.memory_space<vmem>> -> memref<2000x16xf32, #tpu.memory_space<vmem>>
    %dma_wait3A_528 = arith.constant 0 : i32
    %dma_wait3A_529 = tpu.memref_slice %arg3[%multiple_of3A_61, %dma_wait3A_528] : memref<320000x16xf32, #tpu.memory_space<hbm>> -> memref<2000x16xf32, #tpu.memory_space<hbm>>
    tpu.wait_dma2 semaphore(%arg9 : memref<!tpu.dma_semaphore, #tpu.memory_space<semaphore_mem>>) src(%dma_wait3A_529 : memref<2000x16xf32, #tpu.memory_space<hbm>>) dst(%dma_wait3A_527 : memref<2000x16xf32, #tpu.memory_space<vmem>>)
    %mul3A_530 = arith.constant 10000 : i32
    %mul3A_531 = arith.muli %add3A, %mul3A_530 : i32
    %add3A_532 = arith.constant 4000 : i32
    %add3A_533 = arith.addi %mul3A_531, %add3A_532 : i32
    %multiple_of3A_534 = tpu.assume_multiple %add3A_533, 2000 : i32
    %dma_start3A_535 = arith.constant 0 : i32
    %dma_start3A_536 = arith.constant 0 : i32
    %dma_start3A_537 = arith.constant 0 : i32
    %dma_start3A_538 = tpu.memref_slice %arg7[%dma_start3A_535, %dma_start3A_536, %dma_start3A_537] : memref<2x2x2000xi32, #tpu.memory_space<vmem>> -> memref<1x2x2000xi32, #tpu.memory_space<vmem>>
    %dma_start3A_539 = tpu.memref_squeeze %dma_start3A_538 : memref<1x2x2000xi32, #tpu.memory_space<vmem>> -> memref<2x2000xi32, #tpu.memory_space<vmem>>
    %dma_start3A_540 = arith.constant 0 : i32
    %dma_start3A_541 = tpu.memref_slice %arg2[%dma_start3A_540, %multiple_of3A_534] : memref<2x320000xi32, #tpu.memory_space<hbm>> -> memref<2x2000xi32, #tpu.memory_space<hbm>>
    %dma_start3A_542 = arith.constant 0 : i32
    %dma_start3A_543 = arith.constant 0 : i32
    %dma_start3A_544 = tpu.memref_slice %arg7[%dma_start3A_535, %dma_start3A_542, %dma_start3A_543] : memref<2x2x2000xi32, #tpu.memory_space<vmem>> -> memref<1x2x2000xi32, #tpu.memory_space<vmem>>
    %dma_start3A_545 = tpu.memref_squeeze %dma_start3A_544 : memref<1x2x2000xi32, #tpu.memory_space<vmem>> -> memref<2x2000xi32, #tpu.memory_space<vmem>>
    %dma_start3A_546 = arith.constant 0 : i32
    %dma_start3A_547 = tpu.memref_slice %arg2[%dma_start3A_546, %multiple_of3A_534] : memref<2x320000xi32, #tpu.memory_space<hbm>> -> memref<2x2000xi32, #tpu.memory_space<hbm>>
    tpu.enqueue_dma source(%dma_start3A_547 : memref<2x2000xi32, #tpu.memory_space<hbm>>) target(%dma_start3A_545 : memref<2x2000xi32, #tpu.memory_space<vmem>>) target_semaphore(%arg9 : memref<!tpu.dma_semaphore, #tpu.memory_space<semaphore_mem>>)
    %dma_start3A_548 = arith.constant 0 : i32
    %dma_start3A_549 = arith.constant 0 : i32
    %dma_start3A_550 = arith.constant 0 : i32
    %dma_start3A_551 = tpu.memref_slice %arg8[%dma_start3A_548, %dma_start3A_549, %dma_start3A_550] : memref<2x2000x16xf32, #tpu.memory_space<vmem>> -> memref<1x2000x16xf32, #tpu.memory_space<vmem>>
    %dma_start3A_552 = tpu.memref_squeeze %dma_start3A_551 : memref<1x2000x16xf32, #tpu.memory_space<vmem>> -> memref<2000x16xf32, #tpu.memory_space<vmem>>
    %dma_start3A_553 = arith.constant 0 : i32
    %dma_start3A_554 = tpu.memref_slice %arg3[%multiple_of3A_534, %dma_start3A_553] : memref<320000x16xf32, #tpu.memory_space<hbm>> -> memref<2000x16xf32, #tpu.memory_space<hbm>>
    %dma_start3A_555 = arith.constant 0 : i32
    %dma_start3A_556 = arith.constant 0 : i32
    %dma_start3A_557 = tpu.memref_slice %arg8[%dma_start3A_548, %dma_start3A_555, %dma_start3A_556] : memref<2x2000x16xf32, #tpu.memory_space<vmem>> -> memref<1x2000x16xf32, #tpu.memory_space<vmem>>
    %dma_start3A_558 = tpu.memref_squeeze %dma_start3A_557 : memref<1x2000x16xf32, #tpu.memory_space<vmem>> -> memref<2000x16xf32, #tpu.memory_space<vmem>>
    %dma_start3A_559 = arith.constant 0 : i32
    %dma_start3A_560 = tpu.memref_slice %arg3[%multiple_of3A_534, %dma_start3A_559] : memref<320000x16xf32, #tpu.memory_space<hbm>> -> memref<2000x16xf32, #tpu.memory_space<hbm>>
    tpu.enqueue_dma source(%dma_start3A_560 : memref<2000x16xf32, #tpu.memory_space<hbm>>) target(%dma_start3A_558 : memref<2000x16xf32, #tpu.memory_space<vmem>>) target_semaphore(%arg9 : memref<!tpu.dma_semaphore, #tpu.memory_space<semaphore_mem>>)
    %dma_start3A_561 = arith.constant 1 : i32
    %dma_start3A_562 = arith.constant 1 : i32
    %dma_start3A_563 = arith.constant 1 : i32
    %dma_start3A_564 = arith.constant 0 : i32
    %dma_start3A_565 = arith.constant 0 : i32
    %dma_start3A_566 = tpu.memref_slice %arg8[%dma_start3A_561, %dma_start3A_564, %dma_start3A_565] : memref<2x2000x16xf32, #tpu.memory_space<vmem>> -> memref<1x128x16xf32, #tpu.memory_space<vmem>>
    %dma_start3A_567 = tpu.memref_squeeze %dma_start3A_566 : memref<1x128x16xf32, #tpu.memory_space<vmem>> -> memref<128x16xf32, #tpu.memory_space<vmem>>
    %dma_start3A_568 = arith.constant 0 : i32
    %dma_start3A_569 = tpu.memref_slice %arg7[%dma_start3A_562, %dma_start3A_563, %dma_start3A_568] : memref<2x2x2000xi32, #tpu.memory_space<vmem>> -> memref<1x1x128xi32, #tpu.memory_space<vmem>>
    %dma_start3A_570 = tpu.memref_squeeze %dma_start3A_569 : memref<1x1x128xi32, #tpu.memory_space<vmem>> -> memref<128xi32, #tpu.memory_space<vmem>>
    %dma_start3A_571 = arith.constant 0 : i32
    %dma_start3A_572 = arith.constant 0 : i32
    %dma_start3A_573 = tpu.memref_slice %arg6[%dma_start3A_571, %dma_start3A_572] : memref<10240x16xf32, #tpu.memory_space<vmem_shared>> -> memref<10240x16xf32, #tpu.memory_space<vmem_shared>>
    tpu.enqueue_indirect_dma source(%dma_start3A_567 : memref<128x16xf32, #tpu.memory_space<vmem>>) target(%dma_start3A_573 : memref<10240x16xf32, #tpu.memory_space<vmem_shared>>) offsets(%dma_start3A_570 : memref<128xi32, #tpu.memory_space<vmem>>) semaphore(%arg10 : memref<!tpu.dma_semaphore, #tpu.memory_space<semaphore_mem>>) {add = true}
    %dma_start3A_574 = arith.constant 1 : i32
    %dma_start3A_575 = arith.constant 1 : i32
    %dma_start3A_576 = arith.constant 1 : i32
    %dma_start3A_577 = arith.constant 128 : i32
    %dma_start3A_578 = arith.constant 0 : i32
    %dma_start3A_579 = tpu.memref_slice %arg8[%dma_start3A_574, %dma_start3A_577, %dma_start3A_578] : memref<2x2000x16xf32, #tpu.memory_space<vmem>> -> memref<1x128x16xf32, #tpu.memory_space<vmem>>
    %dma_start3A_580 = tpu.memref_squeeze %dma_start3A_579 : memref<1x128x16xf32, #tpu.memory_space<vmem>> -> memref<128x16xf32, #tpu.memory_space<vmem>>
    %dma_start3A_581 = arith.constant 128 : i32
    %dma_start3A_582 = tpu.memref_slice %arg7[%dma_start3A_575, %dma_start3A_576, %dma_start3A_581] : memref<2x2x2000xi32, #tpu.memory_space<vmem>> -> memref<1x1x128xi32, #tpu.memory_space<vmem>>
    %dma_start3A_583 = tpu.memref_squeeze %dma_start3A_582 : memref<1x1x128xi32, #tpu.memory_space<vmem>> -> memref<128xi32, #tpu.memory_space<vmem>>
    %dma_start3A_584 = arith.constant 0 : i32
    %dma_start3A_585 = arith.constant 0 : i32
    %dma_start3A_586 = tpu.memref_slice %arg6[%dma_start3A_584, %dma_start3A_585] : memref<10240x16xf32, #tpu.memory_space<vmem_shared>> -> memref<10240x16xf32, #tpu.memory_space<vmem_shared>>
    tpu.enqueue_indirect_dma source(%dma_start3A_580 : memref<128x16xf32, #tpu.memory_space<vmem>>) target(%dma_start3A_586 : memref<10240x16xf32, #tpu.memory_space<vmem_shared>>) offsets(%dma_start3A_583 : memref<128xi32, #tpu.memory_space<vmem>>) semaphore(%arg10 : memref<!tpu.dma_semaphore, #tpu.memory_space<semaphore_mem>>) {add = true}
    %dma_start3A_587 = arith.constant 1 : i32
    %dma_start3A_588 = arith.constant 1 : i32
    %dma_start3A_589 = arith.constant 1 : i32
    %dma_start3A_590 = arith.constant 256 : i32
    %dma_start3A_591 = arith.constant 0 : i32
    %dma_start3A_592 = tpu.memref_slice %arg8[%dma_start3A_587, %dma_start3A_590, %dma_start3A_591] : memref<2x2000x16xf32, #tpu.memory_space<vmem>> -> memref<1x128x16xf32, #tpu.memory_space<vmem>>
    %dma_start3A_593 = tpu.memref_squeeze %dma_start3A_592 : memref<1x128x16xf32, #tpu.memory_space<vmem>> -> memref<128x16xf32, #tpu.memory_space<vmem>>
    %dma_start3A_594 = arith.constant 256 : i32
    %dma_start3A_595 = tpu.memref_slice %arg7[%dma_start3A_588, %dma_start3A_589, %dma_start3A_594] : memref<2x2x2000xi32, #tpu.memory_space<vmem>> -> memref<1x1x128xi32, #tpu.memory_space<vmem>>
    %dma_start3A_596 = tpu.memref_squeeze %dma_start3A_595 : memref<1x1x128xi32, #tpu.memory_space<vmem>> -> memref<128xi32, #tpu.memory_space<vmem>>
    %dma_start3A_597 = arith.constant 0 : i32
    %dma_start3A_598 = arith.constant 0 : i32
    %dma_start3A_599 = tpu.memref_slice %arg6[%dma_start3A_597, %dma_start3A_598] : memref<10240x16xf32, #tpu.memory_space<vmem_shared>> -> memref<10240x16xf32, #tpu.memory_space<vmem_shared>>
    tpu.enqueue_indirect_dma source(%dma_start3A_593 : memref<128x16xf32, #tpu.memory_space<vmem>>) target(%dma_start3A_599 : memref<10240x16xf32, #tpu.memory_space<vmem_shared>>) offsets(%dma_start3A_596 : memref<128xi32, #tpu.memory_space<vmem>>) semaphore(%arg10 : memref<!tpu.dma_semaphore, #tpu.memory_space<semaphore_mem>>) {add = true}
    %dma_start3A_600 = arith.constant 1 : i32
    %dma_start3A_601 = arith.constant 1 : i32
    %dma_start3A_602 = arith.constant 1 : i32
    %dma_start3A_603 = arith.constant 384 : i32
    %dma_start3A_604 = arith.constant 0 : i32
    %dma_start3A_605 = tpu.memref_slice %arg8[%dma_start3A_600, %dma_start3A_603, %dma_start3A_604] : memref<2x2000x16xf32, #tpu.memory_space<vmem>> -> memref<1x128x16xf32, #tpu.memory_space<vmem>>
    %dma_start3A_606 = tpu.memref_squeeze %dma_start3A_605 : memref<1x128x16xf32, #tpu.memory_space<vmem>> -> memref<128x16xf32, #tpu.memory_space<vmem>>
    %dma_start3A_607 = arith.constant 384 : i32
    %dma_start3A_608 = tpu.memref_slice %arg7[%dma_start3A_601, %dma_start3A_602, %dma_start3A_607] : memref<2x2x2000xi32, #tpu.memory_space<vmem>> -> memref<1x1x128xi32, #tpu.memory_space<vmem>>
    %dma_start3A_609 = tpu.memref_squeeze %dma_start3A_608 : memref<1x1x128xi32, #tpu.memory_space<vmem>> -> memref<128xi32, #tpu.memory_space<vmem>>
    %dma_start3A_610 = arith.constant 0 : i32
    %dma_start3A_611 = arith.constant 0 : i32
    %dma_start3A_612 = tpu.memref_slice %arg6[%dma_start3A_610, %dma_start3A_611] : memref<10240x16xf32, #tpu.memory_space<vmem_shared>> -> memref<10240x16xf32, #tpu.memory_space<vmem_shared>>
    tpu.enqueue_indirect_dma source(%dma_start3A_606 : memref<128x16xf32, #tpu.memory_space<vmem>>) target(%dma_start3A_612 : memref<10240x16xf32, #tpu.memory_space<vmem_shared>>) offsets(%dma_start3A_609 : memref<128xi32, #tpu.memory_space<vmem>>) semaphore(%arg10 : memref<!tpu.dma_semaphore, #tpu.memory_space<semaphore_mem>>) {add = true}
    %dma_start3A_613 = arith.constant 1 : i32
    %dma_start3A_614 = arith.constant 1 : i32
    %dma_start3A_615 = arith.constant 1 : i32
    %dma_start3A_616 = arith.constant 512 : i32
    %dma_start3A_617 = arith.constant 0 : i32
    %dma_start3A_618 = tpu.memref_slice %arg8[%dma_start3A_613, %dma_start3A_616, %dma_start3A_617] : memref<2x2000x16xf32, #tpu.memory_space<vmem>> -> memref<1x128x16xf32, #tpu.memory_space<vmem>>
    %dma_start3A_619 = tpu.memref_squeeze %dma_start3A_618 : memref<1x128x16xf32, #tpu.memory_space<vmem>> -> memref<128x16xf32, #tpu.memory_space<vmem>>
    %dma_start3A_620 = arith.constant 512 : i32
    %dma_start3A_621 = tpu.memref_slice %arg7[%dma_start3A_614, %dma_start3A_615, %dma_start3A_620] : memref<2x2x2000xi32, #tpu.memory_space<vmem>> -> memref<1x1x128xi32, #tpu.memory_space<vmem>>
    %dma_start3A_622 = tpu.memref_squeeze %dma_start3A_621 : memref<1x1x128xi32, #tpu.memory_space<vmem>> -> memref<128xi32, #tpu.memory_space<vmem>>
    %dma_start3A_623 = arith.constant 0 : i32
    %dma_start3A_624 = arith.constant 0 : i32
    %dma_start3A_625 = tpu.memref_slice %arg6[%dma_start3A_623, %dma_start3A_624] : memref<10240x16xf32, #tpu.memory_space<vmem_shared>> -> memref<10240x16xf32, #tpu.memory_space<vmem_shared>>
    tpu.enqueue_indirect_dma source(%dma_start3A_619 : memref<128x16xf32, #tpu.memory_space<vmem>>) target(%dma_start3A_625 : memref<10240x16xf32, #tpu.memory_space<vmem_shared>>) offsets(%dma_start3A_622 : memref<128xi32, #tpu.memory_space<vmem>>) semaphore(%arg10 : memref<!tpu.dma_semaphore, #tpu.memory_space<semaphore_mem>>) {add = true}
    %dma_start3A_626 = arith.constant 1 : i32
    %dma_start3A_627 = arith.constant 1 : i32
    %dma_start3A_628 = arith.constant 1 : i32
    %dma_start3A_629 = arith.constant 640 : i32
    %dma_start3A_630 = arith.constant 0 : i32
    %dma_start3A_631 = tpu.memref_slice %arg8[%dma_start3A_626, %dma_start3A_629, %dma_start3A_630] : memref<2x2000x16xf32, #tpu.memory_space<vmem>> -> memref<1x128x16xf32, #tpu.memory_space<vmem>>
    %dma_start3A_632 = tpu.memref_squeeze %dma_start3A_631 : memref<1x128x16xf32, #tpu.memory_space<vmem>> -> memref<128x16xf32, #tpu.memory_space<vmem>>
    %dma_start3A_633 = arith.constant 640 : i32
    %dma_start3A_634 = tpu.memref_slice %arg7[%dma_start3A_627, %dma_start3A_628, %dma_start3A_633] : memref<2x2x2000xi32, #tpu.memory_space<vmem>> -> memref<1x1x128xi32, #tpu.memory_space<vmem>>
    %dma_start3A_635 = tpu.memref_squeeze %dma_start3A_634 : memref<1x1x128xi32, #tpu.memory_space<vmem>> -> memref<128xi32, #tpu.memory_space<vmem>>
    %dma_start3A_636 = arith.constant 0 : i32
    %dma_start3A_637 = arith.constant 0 : i32
    %dma_start3A_638 = tpu.memref_slice %arg6[%dma_start3A_636, %dma_start3A_637] : memref<10240x16xf32, #tpu.memory_space<vmem_shared>> -> memref<10240x16xf32, #tpu.memory_space<vmem_shared>>
    tpu.enqueue_indirect_dma source(%dma_start3A_632 : memref<128x16xf32, #tpu.memory_space<vmem>>) target(%dma_start3A_638 : memref<10240x16xf32, #tpu.memory_space<vmem_shared>>) offsets(%dma_start3A_635 : memref<128xi32, #tpu.memory_space<vmem>>) semaphore(%arg10 : memref<!tpu.dma_semaphore, #tpu.memory_space<semaphore_mem>>) {add = true}
    %dma_start3A_639 = arith.constant 1 : i32
    %dma_start3A_640 = arith.constant 1 : i32
    %dma_start3A_641 = arith.constant 1 : i32
    %dma_start3A_642 = arith.constant 768 : i32
    %dma_start3A_643 = arith.constant 0 : i32
    %dma_start3A_644 = tpu.memref_slice %arg8[%dma_start3A_639, %dma_start3A_642, %dma_start3A_643] : memref<2x2000x16xf32, #tpu.memory_space<vmem>> -> memref<1x128x16xf32, #tpu.memory_space<vmem>>
    %dma_start3A_645 = tpu.memref_squeeze %dma_start3A_644 : memref<1x128x16xf32, #tpu.memory_space<vmem>> -> memref<128x16xf32, #tpu.memory_space<vmem>>
    %dma_start3A_646 = arith.constant 768 : i32
    %dma_start3A_647 = tpu.memref_slice %arg7[%dma_start3A_640, %dma_start3A_641, %dma_start3A_646] : memref<2x2x2000xi32, #tpu.memory_space<vmem>> -> memref<1x1x128xi32, #tpu.memory_space<vmem>>
    %dma_start3A_648 = tpu.memref_squeeze %dma_start3A_647 : memref<1x1x128xi32, #tpu.memory_space<vmem>> -> memref<128xi32, #tpu.memory_space<vmem>>
    %dma_start3A_649 = arith.constant 0 : i32
    %dma_start3A_650 = arith.constant 0 : i32
    %dma_start3A_651 = tpu.memref_slice %arg6[%dma_start3A_649, %dma_start3A_650] : memref<10240x16xf32, #tpu.memory_space<vmem_shared>> -> memref<10240x16xf32, #tpu.memory_space<vmem_shared>>
    tpu.enqueue_indirect_dma source(%dma_start3A_645 : memref<128x16xf32, #tpu.memory_space<vmem>>) target(%dma_start3A_651 : memref<10240x16xf32, #tpu.memory_space<vmem_shared>>) offsets(%dma_start3A_648 : memref<128xi32, #tpu.memory_space<vmem>>) semaphore(%arg10 : memref<!tpu.dma_semaphore, #tpu.memory_space<semaphore_mem>>) {add = true}
    %dma_start3A_652 = arith.constant 1 : i32
    %dma_start3A_653 = arith.constant 1 : i32
    %dma_start3A_654 = arith.constant 1 : i32
    %dma_start3A_655 = arith.constant 896 : i32
    %dma_start3A_656 = arith.constant 0 : i32
    %dma_start3A_657 = tpu.memref_slice %arg8[%dma_start3A_652, %dma_start3A_655, %dma_start3A_656] : memref<2x2000x16xf32, #tpu.memory_space<vmem>> -> memref<1x128x16xf32, #tpu.memory_space<vmem>>
    %dma_start3A_658 = tpu.memref_squeeze %dma_start3A_657 : memref<1x128x16xf32, #tpu.memory_space<vmem>> -> memref<128x16xf32, #tpu.memory_space<vmem>>
    %dma_start3A_659 = arith.constant 896 : i32
    %dma_start3A_660 = tpu.memref_slice %arg7[%dma_start3A_653, %dma_start3A_654, %dma_start3A_659] : memref<2x2x2000xi32, #tpu.memory_space<vmem>> -> memref<1x1x128xi32, #tpu.memory_space<vmem>>
    %dma_start3A_661 = tpu.memref_squeeze %dma_start3A_660 : memref<1x1x128xi32, #tpu.memory_space<vmem>> -> memref<128xi32, #tpu.memory_space<vmem>>
    %dma_start3A_662 = arith.constant 0 : i32
    %dma_start3A_663 = arith.constant 0 : i32
    %dma_start3A_664 = tpu.memref_slice %arg6[%dma_start3A_662, %dma_start3A_663] : memref<10240x16xf32, #tpu.memory_space<vmem_shared>> -> memref<10240x16xf32, #tpu.memory_space<vmem_shared>>
    tpu.enqueue_indirect_dma source(%dma_start3A_658 : memref<128x16xf32, #tpu.memory_space<vmem>>) target(%dma_start3A_664 : memref<10240x16xf32, #tpu.memory_space<vmem_shared>>) offsets(%dma_start3A_661 : memref<128xi32, #tpu.memory_space<vmem>>) semaphore(%arg10 : memref<!tpu.dma_semaphore, #tpu.memory_space<semaphore_mem>>) {add = true}
    %dma_start3A_665 = arith.constant 1 : i32
    %dma_start3A_666 = arith.constant 1 : i32
    %dma_start3A_667 = arith.constant 1 : i32
    %dma_start3A_668 = arith.constant 1024 : i32
    %dma_start3A_669 = arith.constant 0 : i32
    %dma_start3A_670 = tpu.memref_slice %arg8[%dma_start3A_665, %dma_start3A_668, %dma_start3A_669] : memref<2x2000x16xf32, #tpu.memory_space<vmem>> -> memref<1x128x16xf32, #tpu.memory_space<vmem>>
    %dma_start3A_671 = tpu.memref_squeeze %dma_start3A_670 : memref<1x128x16xf32, #tpu.memory_space<vmem>> -> memref<128x16xf32, #tpu.memory_space<vmem>>
    %dma_start3A_672 = arith.constant 1024 : i32
    %dma_start3A_673 = tpu.memref_slice %arg7[%dma_start3A_666, %dma_start3A_667, %dma_start3A_672] : memref<2x2x2000xi32, #tpu.memory_space<vmem>> -> memref<1x1x128xi32, #tpu.memory_space<vmem>>
    %dma_start3A_674 = tpu.memref_squeeze %dma_start3A_673 : memref<1x1x128xi32, #tpu.memory_space<vmem>> -> memref<128xi32, #tpu.memory_space<vmem>>
    %dma_start3A_675 = arith.constant 0 : i32
    %dma_start3A_676 = arith.constant 0 : i32
    %dma_start3A_677 = tpu.memref_slice %arg6[%dma_start3A_675, %dma_start3A_676] : memref<10240x16xf32, #tpu.memory_space<vmem_shared>> -> memref<10240x16xf32, #tpu.memory_space<vmem_shared>>
    tpu.enqueue_indirect_dma source(%dma_start3A_671 : memref<128x16xf32, #tpu.memory_space<vmem>>) target(%dma_start3A_677 : memref<10240x16xf32, #tpu.memory_space<vmem_shared>>) offsets(%dma_start3A_674 : memref<128xi32, #tpu.memory_space<vmem>>) semaphore(%arg10 : memref<!tpu.dma_semaphore, #tpu.memory_space<semaphore_mem>>) {add = true}
    %dma_start3A_678 = arith.constant 1 : i32
    %dma_start3A_679 = arith.constant 1 : i32
    %dma_start3A_680 = arith.constant 1 : i32
    %dma_start3A_681 = arith.constant 1152 : i32
    %dma_start3A_682 = arith.constant 0 : i32
    %dma_start3A_683 = tpu.memref_slice %arg8[%dma_start3A_678, %dma_start3A_681, %dma_start3A_682] : memref<2x2000x16xf32, #tpu.memory_space<vmem>> -> memref<1x128x16xf32, #tpu.memory_space<vmem>>
    %dma_start3A_684 = tpu.memref_squeeze %dma_start3A_683 : memref<1x128x16xf32, #tpu.memory_space<vmem>> -> memref<128x16xf32, #tpu.memory_space<vmem>>
    %dma_start3A_685 = arith.constant 1152 : i32
    %dma_start3A_686 = tpu.memref_slice %arg7[%dma_start3A_679, %dma_start3A_680, %dma_start3A_685] : memref<2x2x2000xi32, #tpu.memory_space<vmem>> -> memref<1x1x128xi32, #tpu.memory_space<vmem>>
    %dma_start3A_687 = tpu.memref_squeeze %dma_start3A_686 : memref<1x1x128xi32, #tpu.memory_space<vmem>> -> memref<128xi32, #tpu.memory_space<vmem>>
    %dma_start3A_688 = arith.constant 0 : i32
    %dma_start3A_689 = arith.constant 0 : i32
    %dma_start3A_690 = tpu.memref_slice %arg6[%dma_start3A_688, %dma_start3A_689] : memref<10240x16xf32, #tpu.memory_space<vmem_shared>> -> memref<10240x16xf32, #tpu.memory_space<vmem_shared>>
    tpu.enqueue_indirect_dma source(%dma_start3A_684 : memref<128x16xf32, #tpu.memory_space<vmem>>) target(%dma_start3A_690 : memref<10240x16xf32, #tpu.memory_space<vmem_shared>>) offsets(%dma_start3A_687 : memref<128xi32, #tpu.memory_space<vmem>>) semaphore(%arg10 : memref<!tpu.dma_semaphore, #tpu.memory_space<semaphore_mem>>) {add = true}
    %dma_start3A_691 = arith.constant 1 : i32
    %dma_start3A_692 = arith.constant 1 : i32
    %dma_start3A_693 = arith.constant 1 : i32
    %dma_start3A_694 = arith.constant 1280 : i32
    %dma_start3A_695 = arith.constant 0 : i32
    %dma_start3A_696 = tpu.memref_slice %arg8[%dma_start3A_691, %dma_start3A_694, %dma_start3A_695] : memref<2x2000x16xf32, #tpu.memory_space<vmem>> -> memref<1x128x16xf32, #tpu.memory_space<vmem>>
    %dma_start3A_697 = tpu.memref_squeeze %dma_start3A_696 : memref<1x128x16xf32, #tpu.memory_space<vmem>> -> memref<128x16xf32, #tpu.memory_space<vmem>>
    %dma_start3A_698 = arith.constant 1280 : i32
    %dma_start3A_699 = tpu.memref_slice %arg7[%dma_start3A_692, %dma_start3A_693, %dma_start3A_698] : memref<2x2x2000xi32, #tpu.memory_space<vmem>> -> memref<1x1x128xi32, #tpu.memory_space<vmem>>
    %dma_start3A_700 = tpu.memref_squeeze %dma_start3A_699 : memref<1x1x128xi32, #tpu.memory_space<vmem>> -> memref<128xi32, #tpu.memory_space<vmem>>
    %dma_start3A_701 = arith.constant 0 : i32
    %dma_start3A_702 = arith.constant 0 : i32
    %dma_start3A_703 = tpu.memref_slice %arg6[%dma_start3A_701, %dma_start3A_702] : memref<10240x16xf32, #tpu.memory_space<vmem_shared>> -> memref<10240x16xf32, #tpu.memory_space<vmem_shared>>
    tpu.enqueue_indirect_dma source(%dma_start3A_697 : memref<128x16xf32, #tpu.memory_space<vmem>>) target(%dma_start3A_703 : memref<10240x16xf32, #tpu.memory_space<vmem_shared>>) offsets(%dma_start3A_700 : memref<128xi32, #tpu.memory_space<vmem>>) semaphore(%arg10 : memref<!tpu.dma_semaphore, #tpu.memory_space<semaphore_mem>>) {add = true}
    %dma_start3A_704 = arith.constant 1 : i32
    %dma_start3A_705 = arith.constant 1 : i32
    %dma_start3A_706 = arith.constant 1 : i32
    %dma_start3A_707 = arith.constant 1408 : i32
    %dma_start3A_708 = arith.constant 0 : i32
    %dma_start3A_709 = tpu.memref_slice %arg8[%dma_start3A_704, %dma_start3A_707, %dma_start3A_708] : memref<2x2000x16xf32, #tpu.memory_space<vmem>> -> memref<1x128x16xf32, #tpu.memory_space<vmem>>
    %dma_start3A_710 = tpu.memref_squeeze %dma_start3A_709 : memref<1x128x16xf32, #tpu.memory_space<vmem>> -> memref<128x16xf32, #tpu.memory_space<vmem>>
    %dma_start3A_711 = arith.constant 1408 : i32
    %dma_start3A_712 = tpu.memref_slice %arg7[%dma_start3A_705, %dma_start3A_706, %dma_start3A_711] : memref<2x2x2000xi32, #tpu.memory_space<vmem>> -> memref<1x1x128xi32, #tpu.memory_space<vmem>>
    %dma_start3A_713 = tpu.memref_squeeze %dma_start3A_712 : memref<1x1x128xi32, #tpu.memory_space<vmem>> -> memref<128xi32, #tpu.memory_space<vmem>>
    %dma_start3A_714 = arith.constant 0 : i32
    %dma_start3A_715 = arith.constant 0 : i32
    %dma_start3A_716 = tpu.memref_slice %arg6[%dma_start3A_714, %dma_start3A_715] : memref<10240x16xf32, #tpu.memory_space<vmem_shared>> -> memref<10240x16xf32, #tpu.memory_space<vmem_shared>>
    tpu.enqueue_indirect_dma source(%dma_start3A_710 : memref<128x16xf32, #tpu.memory_space<vmem>>) target(%dma_start3A_716 : memref<10240x16xf32, #tpu.memory_space<vmem_shared>>) offsets(%dma_start3A_713 : memref<128xi32, #tpu.memory_space<vmem>>) semaphore(%arg10 : memref<!tpu.dma_semaphore, #tpu.memory_space<semaphore_mem>>) {add = true}
    %dma_start3A_717 = arith.constant 1 : i32
    %dma_start3A_718 = arith.constant 1 : i32
    %dma_start3A_719 = arith.constant 1 : i32
    %dma_start3A_720 = arith.constant 1536 : i32
    %dma_start3A_721 = arith.constant 0 : i32
    %dma_start3A_722 = tpu.memref_slice %arg8[%dma_start3A_717, %dma_start3A_720, %dma_start3A_721] : memref<2x2000x16xf32, #tpu.memory_space<vmem>> -> memref<1x128x16xf32, #tpu.memory_space<vmem>>
    %dma_start3A_723 = tpu.memref_squeeze %dma_start3A_722 : memref<1x128x16xf32, #tpu.memory_space<vmem>> -> memref<128x16xf32, #tpu.memory_space<vmem>>
    %dma_start3A_724 = arith.constant 1536 : i32
    %dma_start3A_725 = tpu.memref_slice %arg7[%dma_start3A_718, %dma_start3A_719, %dma_start3A_724] : memref<2x2x2000xi32, #tpu.memory_space<vmem>> -> memref<1x1x128xi32, #tpu.memory_space<vmem>>
    %dma_start3A_726 = tpu.memref_squeeze %dma_start3A_725 : memref<1x1x128xi32, #tpu.memory_space<vmem>> -> memref<128xi32, #tpu.memory_space<vmem>>
    %dma_start3A_727 = arith.constant 0 : i32
    %dma_start3A_728 = arith.constant 0 : i32
    %dma_start3A_729 = tpu.memref_slice %arg6[%dma_start3A_727, %dma_start3A_728] : memref<10240x16xf32, #tpu.memory_space<vmem_shared>> -> memref<10240x16xf32, #tpu.memory_space<vmem_shared>>
    tpu.enqueue_indirect_dma source(%dma_start3A_723 : memref<128x16xf32, #tpu.memory_space<vmem>>) target(%dma_start3A_729 : memref<10240x16xf32, #tpu.memory_space<vmem_shared>>) offsets(%dma_start3A_726 : memref<128xi32, #tpu.memory_space<vmem>>) semaphore(%arg10 : memref<!tpu.dma_semaphore, #tpu.memory_space<semaphore_mem>>) {add = true}
    %dma_start3A_730 = arith.constant 1 : i32
    %dma_start3A_731 = arith.constant 1 : i32
    %dma_start3A_732 = arith.constant 1 : i32
    %dma_start3A_733 = arith.constant 1664 : i32
    %dma_start3A_734 = arith.constant 0 : i32
    %dma_start3A_735 = tpu.memref_slice %arg8[%dma_start3A_730, %dma_start3A_733, %dma_start3A_734] : memref<2x2000x16xf32, #tpu.memory_space<vmem>> -> memref<1x128x16xf32, #tpu.memory_space<vmem>>
    %dma_start3A_736 = tpu.memref_squeeze %dma_start3A_735 : memref<1x128x16xf32, #tpu.memory_space<vmem>> -> memref<128x16xf32, #tpu.memory_space<vmem>>
    %dma_start3A_737 = arith.constant 1664 : i32
    %dma_start3A_738 = tpu.memref_slice %arg7[%dma_start3A_731, %dma_start3A_732, %dma_start3A_737] : memref<2x2x2000xi32, #tpu.memory_space<vmem>> -> memref<1x1x128xi32, #tpu.memory_space<vmem>>
    %dma_start3A_739 = tpu.memref_squeeze %dma_start3A_738 : memref<1x1x128xi32, #tpu.memory_space<vmem>> -> memref<128xi32, #tpu.memory_space<vmem>>
    %dma_start3A_740 = arith.constant 0 : i32
    %dma_start3A_741 = arith.constant 0 : i32
    %dma_start3A_742 = tpu.memref_slice %arg6[%dma_start3A_740, %dma_start3A_741] : memref<10240x16xf32, #tpu.memory_space<vmem_shared>> -> memref<10240x16xf32, #tpu.memory_space<vmem_shared>>
    tpu.enqueue_indirect_dma source(%dma_start3A_736 : memref<128x16xf32, #tpu.memory_space<vmem>>) target(%dma_start3A_742 : memref<10240x16xf32, #tpu.memory_space<vmem_shared>>) offsets(%dma_start3A_739 : memref<128xi32, #tpu.memory_space<vmem>>) semaphore(%arg10 : memref<!tpu.dma_semaphore, #tpu.memory_space<semaphore_mem>>) {add = true}
    %dma_start3A_743 = arith.constant 1 : i32
    %dma_start3A_744 = arith.constant 1 : i32
    %dma_start3A_745 = arith.constant 1 : i32
    %dma_start3A_746 = arith.constant 1792 : i32
    %dma_start3A_747 = arith.constant 0 : i32
    %dma_start3A_748 = tpu.memref_slice %arg8[%dma_start3A_743, %dma_start3A_746, %dma_start3A_747] : memref<2x2000x16xf32, #tpu.memory_space<vmem>> -> memref<1x128x16xf32, #tpu.memory_space<vmem>>
    %dma_start3A_749 = tpu.memref_squeeze %dma_start3A_748 : memref<1x128x16xf32, #tpu.memory_space<vmem>> -> memref<128x16xf32, #tpu.memory_space<vmem>>
    %dma_start3A_750 = arith.constant 1792 : i32
    %dma_start3A_751 = tpu.memref_slice %arg7[%dma_start3A_744, %dma_start3A_745, %dma_start3A_750] : memref<2x2x2000xi32, #tpu.memory_space<vmem>> -> memref<1x1x128xi32, #tpu.memory_space<vmem>>
    %dma_start3A_752 = tpu.memref_squeeze %dma_start3A_751 : memref<1x1x128xi32, #tpu.memory_space<vmem>> -> memref<128xi32, #tpu.memory_space<vmem>>
    %dma_start3A_753 = arith.constant 0 : i32
    %dma_start3A_754 = arith.constant 0 : i32
    %dma_start3A_755 = tpu.memref_slice %arg6[%dma_start3A_753, %dma_start3A_754] : memref<10240x16xf32, #tpu.memory_space<vmem_shared>> -> memref<10240x16xf32, #tpu.memory_space<vmem_shared>>
    tpu.enqueue_indirect_dma source(%dma_start3A_749 : memref<128x16xf32, #tpu.memory_space<vmem>>) target(%dma_start3A_755 : memref<10240x16xf32, #tpu.memory_space<vmem_shared>>) offsets(%dma_start3A_752 : memref<128xi32, #tpu.memory_space<vmem>>) semaphore(%arg10 : memref<!tpu.dma_semaphore, #tpu.memory_space<semaphore_mem>>) {add = true}
    %dma_start3A_756 = arith.constant 1 : i32
    %dma_start3A_757 = arith.constant 1 : i32
    %dma_start3A_758 = arith.constant 1 : i32
    %dma_start3A_759 = arith.constant 1920 : i32
    %dma_start3A_760 = arith.constant 0 : i32
    %dma_start3A_761 = tpu.memref_slice %arg8[%dma_start3A_756, %dma_start3A_759, %dma_start3A_760] : memref<2x2000x16xf32, #tpu.memory_space<vmem>> -> memref<1x80x16xf32, #tpu.memory_space<vmem>>
    %dma_start3A_762 = tpu.memref_squeeze %dma_start3A_761 : memref<1x80x16xf32, #tpu.memory_space<vmem>> -> memref<80x16xf32, #tpu.memory_space<vmem>>
    %dma_start3A_763 = arith.constant 1920 : i32
    %dma_start3A_764 = tpu.memref_slice %arg7[%dma_start3A_757, %dma_start3A_758, %dma_start3A_763] : memref<2x2x2000xi32, #tpu.memory_space<vmem>> -> memref<1x1x80xi32, #tpu.memory_space<vmem>>
    %dma_start3A_765 = tpu.memref_squeeze %dma_start3A_764 : memref<1x1x80xi32, #tpu.memory_space<vmem>> -> memref<80xi32, #tpu.memory_space<vmem>>
    %dma_start3A_766 = arith.constant 0 : i32
    %dma_start3A_767 = arith.constant 0 : i32
    %dma_start3A_768 = tpu.memref_slice %arg6[%dma_start3A_766, %dma_start3A_767] : memref<10240x16xf32, #tpu.memory_space<vmem_shared>> -> memref<10240x16xf32, #tpu.memory_space<vmem_shared>>
    tpu.enqueue_indirect_dma source(%dma_start3A_762 : memref<80x16xf32, #tpu.memory_space<vmem>>) target(%dma_start3A_768 : memref<10240x16xf32, #tpu.memory_space<vmem_shared>>) offsets(%dma_start3A_765 : memref<80xi32, #tpu.memory_space<vmem>>) semaphore(%arg10 : memref<!tpu.dma_semaphore, #tpu.memory_space<semaphore_mem>>) {add = true}
    %dma_wait3A_769 = arith.constant 1 : i32
    %dma_wait3A_770 = arith.constant 1 : i32
    %dma_wait3A_771 = arith.constant 1 : i32
    %dma_wait3A_772 = arith.constant 0 : i32
    %dma_wait3A_773 = arith.constant 0 : i32
    %dma_wait3A_774 = tpu.memref_slice %arg8[%dma_wait3A_769, %dma_wait3A_772, %dma_wait3A_773] : memref<2x2000x16xf32, #tpu.memory_space<vmem>> -> memref<1x128x16xf32, #tpu.memory_space<vmem>>
    %dma_wait3A_775 = tpu.memref_squeeze %dma_wait3A_774 : memref<1x128x16xf32, #tpu.memory_space<vmem>> -> memref<128x16xf32, #tpu.memory_space<vmem>>
    %dma_wait3A_776 = arith.constant 0 : i32
    %dma_wait3A_777 = tpu.memref_slice %arg7[%dma_wait3A_770, %dma_wait3A_771, %dma_wait3A_776] : memref<2x2x2000xi32, #tpu.memory_space<vmem>> -> memref<1x1x128xi32, #tpu.memory_space<vmem>>
    %dma_wait3A_778 = tpu.memref_squeeze %dma_wait3A_777 : memref<1x1x128xi32, #tpu.memory_space<vmem>> -> memref<128xi32, #tpu.memory_space<vmem>>
    %dma_wait3A_779 = arith.constant 0 : i32
    %dma_wait3A_780 = arith.constant 0 : i32
    %dma_wait3A_781 = tpu.memref_slice %arg6[%dma_wait3A_779, %dma_wait3A_780] : memref<10240x16xf32, #tpu.memory_space<vmem_shared>> -> memref<10240x16xf32, #tpu.memory_space<vmem_shared>>
    tpu.wait_indirect_dma semaphore(%arg10 : memref<!tpu.dma_semaphore, #tpu.memory_space<semaphore_mem>>) src(%dma_wait3A_775 : memref<128x16xf32, #tpu.memory_space<vmem>>) dst(%dma_wait3A_781 : memref<10240x16xf32, #tpu.memory_space<vmem_shared>>)
    %dma_wait3A_782 = arith.constant 1 : i32
    %dma_wait3A_783 = arith.constant 1 : i32
    %dma_wait3A_784 = arith.constant 1 : i32
    %dma_wait3A_785 = arith.constant 128 : i32
    %dma_wait3A_786 = arith.constant 0 : i32
    %dma_wait3A_787 = tpu.memref_slice %arg8[%dma_wait3A_782, %dma_wait3A_785, %dma_wait3A_786] : memref<2x2000x16xf32, #tpu.memory_space<vmem>> -> memref<1x128x16xf32, #tpu.memory_space<vmem>>
    %dma_wait3A_788 = tpu.memref_squeeze %dma_wait3A_787 : memref<1x128x16xf32, #tpu.memory_space<vmem>> -> memref<128x16xf32, #tpu.memory_space<vmem>>
    %dma_wait3A_789 = arith.constant 128 : i32
    %dma_wait3A_790 = tpu.memref_slice %arg7[%dma_wait3A_783, %dma_wait3A_784, %dma_wait3A_789] : memref<2x2x2000xi32, #tpu.memory_space<vmem>> -> memref<1x1x128xi32, #tpu.memory_space<vmem>>
    %dma_wait3A_791 = tpu.memref_squeeze %dma_wait3A_790 : memref<1x1x128xi32, #tpu.memory_space<vmem>> -> memref<128xi32, #tpu.memory_space<vmem>>
    %dma_wait3A_792 = arith.constant 0 : i32
    %dma_wait3A_793 = arith.constant 0 : i32
    %dma_wait3A_794 = tpu.memref_slice %arg6[%dma_wait3A_792, %dma_wait3A_793] : memref<10240x16xf32, #tpu.memory_space<vmem_shared>> -> memref<10240x16xf32, #tpu.memory_space<vmem_shared>>
    tpu.wait_indirect_dma semaphore(%arg10 : memref<!tpu.dma_semaphore, #tpu.memory_space<semaphore_mem>>) src(%dma_wait3A_788 : memref<128x16xf32, #tpu.memory_space<vmem>>) dst(%dma_wait3A_794 : memref<10240x16xf32, #tpu.memory_space<vmem_shared>>)
    %dma_wait3A_795 = arith.constant 1 : i32
    %dma_wait3A_796 = arith.constant 1 : i32
    %dma_wait3A_797 = arith.constant 1 : i32
    %dma_wait3A_798 = arith.constant 256 : i32
    %dma_wait3A_799 = arith.constant 0 : i32
    %dma_wait3A_800 = tpu.memref_slice %arg8[%dma_wait3A_795, %dma_wait3A_798, %dma_wait3A_799] : memref<2x2000x16xf32, #tpu.memory_space<vmem>> -> memref<1x128x16xf32, #tpu.memory_space<vmem>>
    %dma_wait3A_801 = tpu.memref_squeeze %dma_wait3A_800 : memref<1x128x16xf32, #tpu.memory_space<vmem>> -> memref<128x16xf32, #tpu.memory_space<vmem>>
    %dma_wait3A_802 = arith.constant 256 : i32
    %dma_wait3A_803 = tpu.memref_slice %arg7[%dma_wait3A_796, %dma_wait3A_797, %dma_wait3A_802] : memref<2x2x2000xi32, #tpu.memory_space<vmem>> -> memref<1x1x128xi32, #tpu.memory_space<vmem>>
    %dma_wait3A_804 = tpu.memref_squeeze %dma_wait3A_803 : memref<1x1x128xi32, #tpu.memory_space<vmem>> -> memref<128xi32, #tpu.memory_space<vmem>>
    %dma_wait3A_805 = arith.constant 0 : i32
    %dma_wait3A_806 = arith.constant 0 : i32
    %dma_wait3A_807 = tpu.memref_slice %arg6[%dma_wait3A_805, %dma_wait3A_806] : memref<10240x16xf32, #tpu.memory_space<vmem_shared>> -> memref<10240x16xf32, #tpu.memory_space<vmem_shared>>
    tpu.wait_indirect_dma semaphore(%arg10 : memref<!tpu.dma_semaphore, #tpu.memory_space<semaphore_mem>>) src(%dma_wait3A_801 : memref<128x16xf32, #tpu.memory_space<vmem>>) dst(%dma_wait3A_807 : memref<10240x16xf32, #tpu.memory_space<vmem_shared>>)
    %dma_wait3A_808 = arith.constant 1 : i32
    %dma_wait3A_809 = arith.constant 1 : i32
    %dma_wait3A_810 = arith.constant 1 : i32
    %dma_wait3A_811 = arith.constant 384 : i32
    %dma_wait3A_812 = arith.constant 0 : i32
    %dma_wait3A_813 = tpu.memref_slice %arg8[%dma_wait3A_808, %dma_wait3A_811, %dma_wait3A_812] : memref<2x2000x16xf32, #tpu.memory_space<vmem>> -> memref<1x128x16xf32, #tpu.memory_space<vmem>>
    %dma_wait3A_814 = tpu.memref_squeeze %dma_wait3A_813 : memref<1x128x16xf32, #tpu.memory_space<vmem>> -> memref<128x16xf32, #tpu.memory_space<vmem>>
    %dma_wait3A_815 = arith.constant 384 : i32
    %dma_wait3A_816 = tpu.memref_slice %arg7[%dma_wait3A_809, %dma_wait3A_810, %dma_wait3A_815] : memref<2x2x2000xi32, #tpu.memory_space<vmem>> -> memref<1x1x128xi32, #tpu.memory_space<vmem>>
    %dma_wait3A_817 = tpu.memref_squeeze %dma_wait3A_816 : memref<1x1x128xi32, #tpu.memory_space<vmem>> -> memref<128xi32, #tpu.memory_space<vmem>>
    %dma_wait3A_818 = arith.constant 0 : i32
    %dma_wait3A_819 = arith.constant 0 : i32
    %dma_wait3A_820 = tpu.memref_slice %arg6[%dma_wait3A_818, %dma_wait3A_819] : memref<10240x16xf32, #tpu.memory_space<vmem_shared>> -> memref<10240x16xf32, #tpu.memory_space<vmem_shared>>
    tpu.wait_indirect_dma semaphore(%arg10 : memref<!tpu.dma_semaphore, #tpu.memory_space<semaphore_mem>>) src(%dma_wait3A_814 : memref<128x16xf32, #tpu.memory_space<vmem>>) dst(%dma_wait3A_820 : memref<10240x16xf32, #tpu.memory_space<vmem_shared>>)
    %dma_wait3A_821 = arith.constant 1 : i32
    %dma_wait3A_822 = arith.constant 1 : i32
    %dma_wait3A_823 = arith.constant 1 : i32
    %dma_wait3A_824 = arith.constant 512 : i32
    %dma_wait3A_825 = arith.constant 0 : i32
    %dma_wait3A_826 = tpu.memref_slice %arg8[%dma_wait3A_821, %dma_wait3A_824, %dma_wait3A_825] : memref<2x2000x16xf32, #tpu.memory_space<vmem>> -> memref<1x128x16xf32, #tpu.memory_space<vmem>>
    %dma_wait3A_827 = tpu.memref_squeeze %dma_wait3A_826 : memref<1x128x16xf32, #tpu.memory_space<vmem>> -> memref<128x16xf32, #tpu.memory_space<vmem>>
    %dma_wait3A_828 = arith.constant 512 : i32
    %dma_wait3A_829 = tpu.memref_slice %arg7[%dma_wait3A_822, %dma_wait3A_823, %dma_wait3A_828] : memref<2x2x2000xi32, #tpu.memory_space<vmem>> -> memref<1x1x128xi32, #tpu.memory_space<vmem>>
    %dma_wait3A_830 = tpu.memref_squeeze %dma_wait3A_829 : memref<1x1x128xi32, #tpu.memory_space<vmem>> -> memref<128xi32, #tpu.memory_space<vmem>>
    %dma_wait3A_831 = arith.constant 0 : i32
    %dma_wait3A_832 = arith.constant 0 : i32
    %dma_wait3A_833 = tpu.memref_slice %arg6[%dma_wait3A_831, %dma_wait3A_832] : memref<10240x16xf32, #tpu.memory_space<vmem_shared>> -> memref<10240x16xf32, #tpu.memory_space<vmem_shared>>
    tpu.wait_indirect_dma semaphore(%arg10 : memref<!tpu.dma_semaphore, #tpu.memory_space<semaphore_mem>>) src(%dma_wait3A_827 : memref<128x16xf32, #tpu.memory_space<vmem>>) dst(%dma_wait3A_833 : memref<10240x16xf32, #tpu.memory_space<vmem_shared>>)
    %dma_wait3A_834 = arith.constant 1 : i32
    %dma_wait3A_835 = arith.constant 1 : i32
    %dma_wait3A_836 = arith.constant 1 : i32
    %dma_wait3A_837 = arith.constant 640 : i32
    %dma_wait3A_838 = arith.constant 0 : i32
    %dma_wait3A_839 = tpu.memref_slice %arg8[%dma_wait3A_834, %dma_wait3A_837, %dma_wait3A_838] : memref<2x2000x16xf32, #tpu.memory_space<vmem>> -> memref<1x128x16xf32, #tpu.memory_space<vmem>>
    %dma_wait3A_840 = tpu.memref_squeeze %dma_wait3A_839 : memref<1x128x16xf32, #tpu.memory_space<vmem>> -> memref<128x16xf32, #tpu.memory_space<vmem>>
    %dma_wait3A_841 = arith.constant 640 : i32
    %dma_wait3A_842 = tpu.memref_slice %arg7[%dma_wait3A_835, %dma_wait3A_836, %dma_wait3A_841] : memref<2x2x2000xi32, #tpu.memory_space<vmem>> -> memref<1x1x128xi32, #tpu.memory_space<vmem>>
    %dma_wait3A_843 = tpu.memref_squeeze %dma_wait3A_842 : memref<1x1x128xi32, #tpu.memory_space<vmem>> -> memref<128xi32, #tpu.memory_space<vmem>>
    %dma_wait3A_844 = arith.constant 0 : i32
    %dma_wait3A_845 = arith.constant 0 : i32
    %dma_wait3A_846 = tpu.memref_slice %arg6[%dma_wait3A_844, %dma_wait3A_845] : memref<10240x16xf32, #tpu.memory_space<vmem_shared>> -> memref<10240x16xf32, #tpu.memory_space<vmem_shared>>
    tpu.wait_indirect_dma semaphore(%arg10 : memref<!tpu.dma_semaphore, #tpu.memory_space<semaphore_mem>>) src(%dma_wait3A_840 : memref<128x16xf32, #tpu.memory_space<vmem>>) dst(%dma_wait3A_846 : memref<10240x16xf32, #tpu.memory_space<vmem_shared>>)
    %dma_wait3A_847 = arith.constant 1 : i32
    %dma_wait3A_848 = arith.constant 1 : i32
    %dma_wait3A_849 = arith.constant 1 : i32
    %dma_wait3A_850 = arith.constant 768 : i32
    %dma_wait3A_851 = arith.constant 0 : i32
    %dma_wait3A_852 = tpu.memref_slice %arg8[%dma_wait3A_847, %dma_wait3A_850, %dma_wait3A_851] : memref<2x2000x16xf32, #tpu.memory_space<vmem>> -> memref<1x128x16xf32, #tpu.memory_space<vmem>>
    %dma_wait3A_853 = tpu.memref_squeeze %dma_wait3A_852 : memref<1x128x16xf32, #tpu.memory_space<vmem>> -> memref<128x16xf32, #tpu.memory_space<vmem>>
    %dma_wait3A_854 = arith.constant 768 : i32
    %dma_wait3A_855 = tpu.memref_slice %arg7[%dma_wait3A_848, %dma_wait3A_849, %dma_wait3A_854] : memref<2x2x2000xi32, #tpu.memory_space<vmem>> -> memref<1x1x128xi32, #tpu.memory_space<vmem>>
    %dma_wait3A_856 = tpu.memref_squeeze %dma_wait3A_855 : memref<1x1x128xi32, #tpu.memory_space<vmem>> -> memref<128xi32, #tpu.memory_space<vmem>>
    %dma_wait3A_857 = arith.constant 0 : i32
    %dma_wait3A_858 = arith.constant 0 : i32
    %dma_wait3A_859 = tpu.memref_slice %arg6[%dma_wait3A_857, %dma_wait3A_858] : memref<10240x16xf32, #tpu.memory_space<vmem_shared>> -> memref<10240x16xf32, #tpu.memory_space<vmem_shared>>
    tpu.wait_indirect_dma semaphore(%arg10 : memref<!tpu.dma_semaphore, #tpu.memory_space<semaphore_mem>>) src(%dma_wait3A_853 : memref<128x16xf32, #tpu.memory_space<vmem>>) dst(%dma_wait3A_859 : memref<10240x16xf32, #tpu.memory_space<vmem_shared>>)
    %dma_wait3A_860 = arith.constant 1 : i32
    %dma_wait3A_861 = arith.constant 1 : i32
    %dma_wait3A_862 = arith.constant 1 : i32
    %dma_wait3A_863 = arith.constant 896 : i32
    %dma_wait3A_864 = arith.constant 0 : i32
    %dma_wait3A_865 = tpu.memref_slice %arg8[%dma_wait3A_860, %dma_wait3A_863, %dma_wait3A_864] : memref<2x2000x16xf32, #tpu.memory_space<vmem>> -> memref<1x128x16xf32, #tpu.memory_space<vmem>>
    %dma_wait3A_866 = tpu.memref_squeeze %dma_wait3A_865 : memref<1x128x16xf32, #tpu.memory_space<vmem>> -> memref<128x16xf32, #tpu.memory_space<vmem>>
    %dma_wait3A_867 = arith.constant 896 : i32
    %dma_wait3A_868 = tpu.memref_slice %arg7[%dma_wait3A_861, %dma_wait3A_862, %dma_wait3A_867] : memref<2x2x2000xi32, #tpu.memory_space<vmem>> -> memref<1x1x128xi32, #tpu.memory_space<vmem>>
    %dma_wait3A_869 = tpu.memref_squeeze %dma_wait3A_868 : memref<1x1x128xi32, #tpu.memory_space<vmem>> -> memref<128xi32, #tpu.memory_space<vmem>>
    %dma_wait3A_870 = arith.constant 0 : i32
    %dma_wait3A_871 = arith.constant 0 : i32
    %dma_wait3A_872 = tpu.memref_slice %arg6[%dma_wait3A_870, %dma_wait3A_871] : memref<10240x16xf32, #tpu.memory_space<vmem_shared>> -> memref<10240x16xf32, #tpu.memory_space<vmem_shared>>
    tpu.wait_indirect_dma semaphore(%arg10 : memref<!tpu.dma_semaphore, #tpu.memory_space<semaphore_mem>>) src(%dma_wait3A_866 : memref<128x16xf32, #tpu.memory_space<vmem>>) dst(%dma_wait3A_872 : memref<10240x16xf32, #tpu.memory_space<vmem_shared>>)
    %dma_wait3A_873 = arith.constant 1 : i32
    %dma_wait3A_874 = arith.constant 1 : i32
    %dma_wait3A_875 = arith.constant 1 : i32
    %dma_wait3A_876 = arith.constant 1024 : i32
    %dma_wait3A_877 = arith.constant 0 : i32
    %dma_wait3A_878 = tpu.memref_slice %arg8[%dma_wait3A_873, %dma_wait3A_876, %dma_wait3A_877] : memref<2x2000x16xf32, #tpu.memory_space<vmem>> -> memref<1x128x16xf32, #tpu.memory_space<vmem>>
    %dma_wait3A_879 = tpu.memref_squeeze %dma_wait3A_878 : memref<1x128x16xf32, #tpu.memory_space<vmem>> -> memref<128x16xf32, #tpu.memory_space<vmem>>
    %dma_wait3A_880 = arith.constant 1024 : i32
    %dma_wait3A_881 = tpu.memref_slice %arg7[%dma_wait3A_874, %dma_wait3A_875, %dma_wait3A_880] : memref<2x2x2000xi32, #tpu.memory_space<vmem>> -> memref<1x1x128xi32, #tpu.memory_space<vmem>>
    %dma_wait3A_882 = tpu.memref_squeeze %dma_wait3A_881 : memref<1x1x128xi32, #tpu.memory_space<vmem>> -> memref<128xi32, #tpu.memory_space<vmem>>
    %dma_wait3A_883 = arith.constant 0 : i32
    %dma_wait3A_884 = arith.constant 0 : i32
    %dma_wait3A_885 = tpu.memref_slice %arg6[%dma_wait3A_883, %dma_wait3A_884] : memref<10240x16xf32, #tpu.memory_space<vmem_shared>> -> memref<10240x16xf32, #tpu.memory_space<vmem_shared>>
    tpu.wait_indirect_dma semaphore(%arg10 : memref<!tpu.dma_semaphore, #tpu.memory_space<semaphore_mem>>) src(%dma_wait3A_879 : memref<128x16xf32, #tpu.memory_space<vmem>>) dst(%dma_wait3A_885 : memref<10240x16xf32, #tpu.memory_space<vmem_shared>>)
    %dma_wait3A_886 = arith.constant 1 : i32
    %dma_wait3A_887 = arith.constant 1 : i32
    %dma_wait3A_888 = arith.constant 1 : i32
    %dma_wait3A_889 = arith.constant 1152 : i32
    %dma_wait3A_890 = arith.constant 0 : i32
    %dma_wait3A_891 = tpu.memref_slice %arg8[%dma_wait3A_886, %dma_wait3A_889, %dma_wait3A_890] : memref<2x2000x16xf32, #tpu.memory_space<vmem>> -> memref<1x128x16xf32, #tpu.memory_space<vmem>>
    %dma_wait3A_892 = tpu.memref_squeeze %dma_wait3A_891 : memref<1x128x16xf32, #tpu.memory_space<vmem>> -> memref<128x16xf32, #tpu.memory_space<vmem>>
    %dma_wait3A_893 = arith.constant 1152 : i32
    %dma_wait3A_894 = tpu.memref_slice %arg7[%dma_wait3A_887, %dma_wait3A_888, %dma_wait3A_893] : memref<2x2x2000xi32, #tpu.memory_space<vmem>> -> memref<1x1x128xi32, #tpu.memory_space<vmem>>
    %dma_wait3A_895 = tpu.memref_squeeze %dma_wait3A_894 : memref<1x1x128xi32, #tpu.memory_space<vmem>> -> memref<128xi32, #tpu.memory_space<vmem>>
    %dma_wait3A_896 = arith.constant 0 : i32
    %dma_wait3A_897 = arith.constant 0 : i32
    %dma_wait3A_898 = tpu.memref_slice %arg6[%dma_wait3A_896, %dma_wait3A_897] : memref<10240x16xf32, #tpu.memory_space<vmem_shared>> -> memref<10240x16xf32, #tpu.memory_space<vmem_shared>>
    tpu.wait_indirect_dma semaphore(%arg10 : memref<!tpu.dma_semaphore, #tpu.memory_space<semaphore_mem>>) src(%dma_wait3A_892 : memref<128x16xf32, #tpu.memory_space<vmem>>) dst(%dma_wait3A_898 : memref<10240x16xf32, #tpu.memory_space<vmem_shared>>)
    %dma_wait3A_899 = arith.constant 1 : i32
    %dma_wait3A_900 = arith.constant 1 : i32
    %dma_wait3A_901 = arith.constant 1 : i32
    %dma_wait3A_902 = arith.constant 1280 : i32
    %dma_wait3A_903 = arith.constant 0 : i32
    %dma_wait3A_904 = tpu.memref_slice %arg8[%dma_wait3A_899, %dma_wait3A_902, %dma_wait3A_903] : memref<2x2000x16xf32, #tpu.memory_space<vmem>> -> memref<1x128x16xf32, #tpu.memory_space<vmem>>
    %dma_wait3A_905 = tpu.memref_squeeze %dma_wait3A_904 : memref<1x128x16xf32, #tpu.memory_space<vmem>> -> memref<128x16xf32, #tpu.memory_space<vmem>>
    %dma_wait3A_906 = arith.constant 1280 : i32
    %dma_wait3A_907 = tpu.memref_slice %arg7[%dma_wait3A_900, %dma_wait3A_901, %dma_wait3A_906] : memref<2x2x2000xi32, #tpu.memory_space<vmem>> -> memref<1x1x128xi32, #tpu.memory_space<vmem>>
    %dma_wait3A_908 = tpu.memref_squeeze %dma_wait3A_907 : memref<1x1x128xi32, #tpu.memory_space<vmem>> -> memref<128xi32, #tpu.memory_space<vmem>>
    %dma_wait3A_909 = arith.constant 0 : i32
    %dma_wait3A_910 = arith.constant 0 : i32
    %dma_wait3A_911 = tpu.memref_slice %arg6[%dma_wait3A_909, %dma_wait3A_910] : memref<10240x16xf32, #tpu.memory_space<vmem_shared>> -> memref<10240x16xf32, #tpu.memory_space<vmem_shared>>
    tpu.wait_indirect_dma semaphore(%arg10 : memref<!tpu.dma_semaphore, #tpu.memory_space<semaphore_mem>>) src(%dma_wait3A_905 : memref<128x16xf32, #tpu.memory_space<vmem>>) dst(%dma_wait3A_911 : memref<10240x16xf32, #tpu.memory_space<vmem_shared>>)
    %dma_wait3A_912 = arith.constant 1 : i32
    %dma_wait3A_913 = arith.constant 1 : i32
    %dma_wait3A_914 = arith.constant 1 : i32
    %dma_wait3A_915 = arith.constant 1408 : i32
    %dma_wait3A_916 = arith.constant 0 : i32
    %dma_wait3A_917 = tpu.memref_slice %arg8[%dma_wait3A_912, %dma_wait3A_915, %dma_wait3A_916] : memref<2x2000x16xf32, #tpu.memory_space<vmem>> -> memref<1x128x16xf32, #tpu.memory_space<vmem>>
    %dma_wait3A_918 = tpu.memref_squeeze %dma_wait3A_917 : memref<1x128x16xf32, #tpu.memory_space<vmem>> -> memref<128x16xf32, #tpu.memory_space<vmem>>
    %dma_wait3A_919 = arith.constant 1408 : i32
    %dma_wait3A_920 = tpu.memref_slice %arg7[%dma_wait3A_913, %dma_wait3A_914, %dma_wait3A_919] : memref<2x2x2000xi32, #tpu.memory_space<vmem>> -> memref<1x1x128xi32, #tpu.memory_space<vmem>>
    %dma_wait3A_921 = tpu.memref_squeeze %dma_wait3A_920 : memref<1x1x128xi32, #tpu.memory_space<vmem>> -> memref<128xi32, #tpu.memory_space<vmem>>
    %dma_wait3A_922 = arith.constant 0 : i32
    %dma_wait3A_923 = arith.constant 0 : i32
    %dma_wait3A_924 = tpu.memref_slice %arg6[%dma_wait3A_922, %dma_wait3A_923] : memref<10240x16xf32, #tpu.memory_space<vmem_shared>> -> memref<10240x16xf32, #tpu.memory_space<vmem_shared>>
    tpu.wait_indirect_dma semaphore(%arg10 : memref<!tpu.dma_semaphore, #tpu.memory_space<semaphore_mem>>) src(%dma_wait3A_918 : memref<128x16xf32, #tpu.memory_space<vmem>>) dst(%dma_wait3A_924 : memref<10240x16xf32, #tpu.memory_space<vmem_shared>>)
    %dma_wait3A_925 = arith.constant 1 : i32
    %dma_wait3A_926 = arith.constant 1 : i32
    %dma_wait3A_927 = arith.constant 1 : i32
    %dma_wait3A_928 = arith.constant 1536 : i32
    %dma_wait3A_929 = arith.constant 0 : i32
    %dma_wait3A_930 = tpu.memref_slice %arg8[%dma_wait3A_925, %dma_wait3A_928, %dma_wait3A_929] : memref<2x2000x16xf32, #tpu.memory_space<vmem>> -> memref<1x128x16xf32, #tpu.memory_space<vmem>>
    %dma_wait3A_931 = tpu.memref_squeeze %dma_wait3A_930 : memref<1x128x16xf32, #tpu.memory_space<vmem>> -> memref<128x16xf32, #tpu.memory_space<vmem>>
    %dma_wait3A_932 = arith.constant 1536 : i32
    %dma_wait3A_933 = tpu.memref_slice %arg7[%dma_wait3A_926, %dma_wait3A_927, %dma_wait3A_932] : memref<2x2x2000xi32, #tpu.memory_space<vmem>> -> memref<1x1x128xi32, #tpu.memory_space<vmem>>
    %dma_wait3A_934 = tpu.memref_squeeze %dma_wait3A_933 : memref<1x1x128xi32, #tpu.memory_space<vmem>> -> memref<128xi32, #tpu.memory_space<vmem>>
    %dma_wait3A_935 = arith.constant 0 : i32
    %dma_wait3A_936 = arith.constant 0 : i32
    %dma_wait3A_937 = tpu.memref_slice %arg6[%dma_wait3A_935, %dma_wait3A_936] : memref<10240x16xf32, #tpu.memory_space<vmem_shared>> -> memref<10240x16xf32, #tpu.memory_space<vmem_shared>>
    tpu.wait_indirect_dma semaphore(%arg10 : memref<!tpu.dma_semaphore, #tpu.memory_space<semaphore_mem>>) src(%dma_wait3A_931 : memref<128x16xf32, #tpu.memory_space<vmem>>) dst(%dma_wait3A_937 : memref<10240x16xf32, #tpu.memory_space<vmem_shared>>)
    %dma_wait3A_938 = arith.constant 1 : i32
    %dma_wait3A_939 = arith.constant 1 : i32
    %dma_wait3A_940 = arith.constant 1 : i32
    %dma_wait3A_941 = arith.constant 1664 : i32
    %dma_wait3A_942 = arith.constant 0 : i32
    %dma_wait3A_943 = tpu.memref_slice %arg8[%dma_wait3A_938, %dma_wait3A_941, %dma_wait3A_942] : memref<2x2000x16xf32, #tpu.memory_space<vmem>> -> memref<1x128x16xf32, #tpu.memory_space<vmem>>
    %dma_wait3A_944 = tpu.memref_squeeze %dma_wait3A_943 : memref<1x128x16xf32, #tpu.memory_space<vmem>> -> memref<128x16xf32, #tpu.memory_space<vmem>>
    %dma_wait3A_945 = arith.constant 1664 : i32
    %dma_wait3A_946 = tpu.memref_slice %arg7[%dma_wait3A_939, %dma_wait3A_940, %dma_wait3A_945] : memref<2x2x2000xi32, #tpu.memory_space<vmem>> -> memref<1x1x128xi32, #tpu.memory_space<vmem>>
    %dma_wait3A_947 = tpu.memref_squeeze %dma_wait3A_946 : memref<1x1x128xi32, #tpu.memory_space<vmem>> -> memref<128xi32, #tpu.memory_space<vmem>>
    %dma_wait3A_948 = arith.constant 0 : i32
    %dma_wait3A_949 = arith.constant 0 : i32
    %dma_wait3A_950 = tpu.memref_slice %arg6[%dma_wait3A_948, %dma_wait3A_949] : memref<10240x16xf32, #tpu.memory_space<vmem_shared>> -> memref<10240x16xf32, #tpu.memory_space<vmem_shared>>
    tpu.wait_indirect_dma semaphore(%arg10 : memref<!tpu.dma_semaphore, #tpu.memory_space<semaphore_mem>>) src(%dma_wait3A_944 : memref<128x16xf32, #tpu.memory_space<vmem>>) dst(%dma_wait3A_950 : memref<10240x16xf32, #tpu.memory_space<vmem_shared>>)
    %dma_wait3A_951 = arith.constant 1 : i32
    %dma_wait3A_952 = arith.constant 1 : i32
    %dma_wait3A_953 = arith.constant 1 : i32
    %dma_wait3A_954 = arith.constant 1792 : i32
    %dma_wait3A_955 = arith.constant 0 : i32
    %dma_wait3A_956 = tpu.memref_slice %arg8[%dma_wait3A_951, %dma_wait3A_954, %dma_wait3A_955] : memref<2x2000x16xf32, #tpu.memory_space<vmem>> -> memref<1x128x16xf32, #tpu.memory_space<vmem>>
    %dma_wait3A_957 = tpu.memref_squeeze %dma_wait3A_956 : memref<1x128x16xf32, #tpu.memory_space<vmem>> -> memref<128x16xf32, #tpu.memory_space<vmem>>
    %dma_wait3A_958 = arith.constant 1792 : i32
    %dma_wait3A_959 = tpu.memref_slice %arg7[%dma_wait3A_952, %dma_wait3A_953, %dma_wait3A_958] : memref<2x2x2000xi32, #tpu.memory_space<vmem>> -> memref<1x1x128xi32, #tpu.memory_space<vmem>>
    %dma_wait3A_960 = tpu.memref_squeeze %dma_wait3A_959 : memref<1x1x128xi32, #tpu.memory_space<vmem>> -> memref<128xi32, #tpu.memory_space<vmem>>
    %dma_wait3A_961 = arith.constant 0 : i32
    %dma_wait3A_962 = arith.constant 0 : i32
    %dma_wait3A_963 = tpu.memref_slice %arg6[%dma_wait3A_961, %dma_wait3A_962] : memref<10240x16xf32, #tpu.memory_space<vmem_shared>> -> memref<10240x16xf32, #tpu.memory_space<vmem_shared>>
    tpu.wait_indirect_dma semaphore(%arg10 : memref<!tpu.dma_semaphore, #tpu.memory_space<semaphore_mem>>) src(%dma_wait3A_957 : memref<128x16xf32, #tpu.memory_space<vmem>>) dst(%dma_wait3A_963 : memref<10240x16xf32, #tpu.memory_space<vmem_shared>>)
    %dma_wait3A_964 = arith.constant 1 : i32
    %dma_wait3A_965 = arith.constant 1 : i32
    %dma_wait3A_966 = arith.constant 1 : i32
    %dma_wait3A_967 = arith.constant 1920 : i32
    %dma_wait3A_968 = arith.constant 0 : i32
    %dma_wait3A_969 = tpu.memref_slice %arg8[%dma_wait3A_964, %dma_wait3A_967, %dma_wait3A_968] : memref<2x2000x16xf32, #tpu.memory_space<vmem>> -> memref<1x80x16xf32, #tpu.memory_space<vmem>>
    %dma_wait3A_970 = tpu.memref_squeeze %dma_wait3A_969 : memref<1x80x16xf32, #tpu.memory_space<vmem>> -> memref<80x16xf32, #tpu.memory_space<vmem>>
    %dma_wait3A_971 = arith.constant 1920 : i32
    %dma_wait3A_972 = tpu.memref_slice %arg7[%dma_wait3A_965, %dma_wait3A_966, %dma_wait3A_971] : memref<2x2x2000xi32, #tpu.memory_space<vmem>> -> memref<1x1x80xi32, #tpu.memory_space<vmem>>
    %dma_wait3A_973 = tpu.memref_squeeze %dma_wait3A_972 : memref<1x1x80xi32, #tpu.memory_space<vmem>> -> memref<80xi32, #tpu.memory_space<vmem>>
    %dma_wait3A_974 = arith.constant 0 : i32
    %dma_wait3A_975 = arith.constant 0 : i32
    %dma_wait3A_976 = tpu.memref_slice %arg6[%dma_wait3A_974, %dma_wait3A_975] : memref<10240x16xf32, #tpu.memory_space<vmem_shared>> -> memref<10240x16xf32, #tpu.memory_space<vmem_shared>>
    tpu.wait_indirect_dma semaphore(%arg10 : memref<!tpu.dma_semaphore, #tpu.memory_space<semaphore_mem>>) src(%dma_wait3A_970 : memref<80x16xf32, #tpu.memory_space<vmem>>) dst(%dma_wait3A_976 : memref<10240x16xf32, #tpu.memory_space<vmem_shared>>)
    %dma_wait3A_977 = arith.constant 0 : i32
    %dma_wait3A_978 = arith.constant 0 : i32
    %dma_wait3A_979 = arith.constant 0 : i32
    %dma_wait3A_980 = tpu.memref_slice %arg7[%dma_wait3A_977, %dma_wait3A_978, %dma_wait3A_979] : memref<2x2x2000xi32, #tpu.memory_space<vmem>> -> memref<1x2x2000xi32, #tpu.memory_space<vmem>>
    %dma_wait3A_981 = tpu.memref_squeeze %dma_wait3A_980 : memref<1x2x2000xi32, #tpu.memory_space<vmem>> -> memref<2x2000xi32, #tpu.memory_space<vmem>>
    %dma_wait3A_982 = arith.constant 0 : i32
    %dma_wait3A_983 = tpu.memref_slice %arg2[%dma_wait3A_982, %multiple_of3A_534] : memref<2x320000xi32, #tpu.memory_space<hbm>> -> memref<2x2000xi32, #tpu.memory_space<hbm>>
    %dma_wait3A_984 = arith.constant 0 : i32
    %dma_wait3A_985 = arith.constant 0 : i32
    %dma_wait3A_986 = tpu.memref_slice %arg7[%dma_wait3A_977, %dma_wait3A_984, %dma_wait3A_985] : memref<2x2x2000xi32, #tpu.memory_space<vmem>> -> memref<1x2x2000xi32, #tpu.memory_space<vmem>>
    %dma_wait3A_987 = tpu.memref_squeeze %dma_wait3A_986 : memref<1x2x2000xi32, #tpu.memory_space<vmem>> -> memref<2x2000xi32, #tpu.memory_space<vmem>>
    %dma_wait3A_988 = arith.constant 0 : i32
    %dma_wait3A_989 = tpu.memref_slice %arg2[%dma_wait3A_988, %multiple_of3A_534] : memref<2x320000xi32, #tpu.memory_space<hbm>> -> memref<2x2000xi32, #tpu.memory_space<hbm>>
    tpu.wait_dma2 semaphore(%arg9 : memref<!tpu.dma_semaphore, #tpu.memory_space<semaphore_mem>>) src(%dma_wait3A_989 : memref<2x2000xi32, #tpu.memory_space<hbm>>) dst(%dma_wait3A_987 : memref<2x2000xi32, #tpu.memory_space<vmem>>)
    %dma_wait3A_990 = arith.constant 0 : i32
    %dma_wait3A_991 = arith.constant 0 : i32
    %dma_wait3A_992 = arith.constant 0 : i32
    %dma_wait3A_993 = tpu.memref_slice %arg8[%dma_wait3A_990, %dma_wait3A_991, %dma_wait3A_992] : memref<2x2000x16xf32, #tpu.memory_space<vmem>> -> memref<1x2000x16xf32, #tpu.memory_space<vmem>>
    %dma_wait3A_994 = tpu.memref_squeeze %dma_wait3A_993 : memref<1x2000x16xf32, #tpu.memory_space<vmem>> -> memref<2000x16xf32, #tpu.memory_space<vmem>>
    %dma_wait3A_995 = arith.constant 0 : i32
    %dma_wait3A_996 = tpu.memref_slice %arg3[%multiple_of3A_534, %dma_wait3A_995] : memref<320000x16xf32, #tpu.memory_space<hbm>> -> memref<2000x16xf32, #tpu.memory_space<hbm>>
    %dma_wait3A_997 = arith.constant 0 : i32
    %dma_wait3A_998 = arith.constant 0 : i32
    %dma_wait3A_999 = tpu.memref_slice %arg8[%dma_wait3A_990, %dma_wait3A_997, %dma_wait3A_998] : memref<2x2000x16xf32, #tpu.memory_space<vmem>> -> memref<1x2000x16xf32, #tpu.memory_space<vmem>>
    %dma_wait3A_1000 = tpu.memref_squeeze %dma_wait3A_999 : memref<1x2000x16xf32, #tpu.memory_space<vmem>> -> memref<2000x16xf32, #tpu.memory_space<vmem>>
    %dma_wait3A_1001 = arith.constant 0 : i32
    %dma_wait3A_1002 = tpu.memref_slice %arg3[%multiple_of3A_534, %dma_wait3A_1001] : memref<320000x16xf32, #tpu.memory_space<hbm>> -> memref<2000x16xf32, #tpu.memory_space<hbm>>
    tpu.wait_dma2 semaphore(%arg9 : memref<!tpu.dma_semaphore, #tpu.memory_space<semaphore_mem>>) src(%dma_wait3A_1002 : memref<2000x16xf32, #tpu.memory_space<hbm>>) dst(%dma_wait3A_1000 : memref<2000x16xf32, #tpu.memory_space<vmem>>)
    %mul3A_1003 = arith.constant 10000 : i32
    %mul3A_1004 = arith.muli %add3A, %mul3A_1003 : i32
    %add3A_1005 = arith.constant 6000 : i32
    %add3A_1006 = arith.addi %mul3A_1004, %add3A_1005 : i32
    %multiple_of3A_1007 = tpu.assume_multiple %add3A_1006, 2000 : i32
    %dma_start3A_1008 = arith.constant 1 : i32
    %dma_start3A_1009 = arith.constant 0 : i32
    %dma_start3A_1010 = arith.constant 0 : i32
    %dma_start3A_1011 = tpu.memref_slice %arg7[%dma_start3A_1008, %dma_start3A_1009, %dma_start3A_1010] : memref<2x2x2000xi32, #tpu.memory_space<vmem>> -> memref<1x2x2000xi32, #tpu.memory_space<vmem>>
    %dma_start3A_1012 = tpu.memref_squeeze %dma_start3A_1011 : memref<1x2x2000xi32, #tpu.memory_space<vmem>> -> memref<2x2000xi32, #tpu.memory_space<vmem>>
    %dma_start3A_1013 = arith.constant 0 : i32
    %dma_start3A_1014 = tpu.memref_slice %arg2[%dma_start3A_1013, %multiple_of3A_1007] : memref<2x320000xi32, #tpu.memory_space<hbm>> -> memref<2x2000xi32, #tpu.memory_space<hbm>>
    %dma_start3A_1015 = arith.constant 0 : i32
    %dma_start3A_1016 = arith.constant 0 : i32
    %dma_start3A_1017 = tpu.memref_slice %arg7[%dma_start3A_1008, %dma_start3A_1015, %dma_start3A_1016] : memref<2x2x2000xi32, #tpu.memory_space<vmem>> -> memref<1x2x2000xi32, #tpu.memory_space<vmem>>
    %dma_start3A_1018 = tpu.memref_squeeze %dma_start3A_1017 : memref<1x2x2000xi32, #tpu.memory_space<vmem>> -> memref<2x2000xi32, #tpu.memory_space<vmem>>
    %dma_start3A_1019 = arith.constant 0 : i32
    %dma_start3A_1020 = tpu.memref_slice %arg2[%dma_start3A_1019, %multiple_of3A_1007] : memref<2x320000xi32, #tpu.memory_space<hbm>> -> memref<2x2000xi32, #tpu.memory_space<hbm>>
    tpu.enqueue_dma source(%dma_start3A_1020 : memref<2x2000xi32, #tpu.memory_space<hbm>>) target(%dma_start3A_1018 : memref<2x2000xi32, #tpu.memory_space<vmem>>) target_semaphore(%arg9 : memref<!tpu.dma_semaphore, #tpu.memory_space<semaphore_mem>>)
    %dma_start3A_1021 = arith.constant 1 : i32
    %dma_start3A_1022 = arith.constant 0 : i32
    %dma_start3A_1023 = arith.constant 0 : i32
    %dma_start3A_1024 = tpu.memref_slice %arg8[%dma_start3A_1021, %dma_start3A_1022, %dma_start3A_1023] : memref<2x2000x16xf32, #tpu.memory_space<vmem>> -> memref<1x2000x16xf32, #tpu.memory_space<vmem>>
    %dma_start3A_1025 = tpu.memref_squeeze %dma_start3A_1024 : memref<1x2000x16xf32, #tpu.memory_space<vmem>> -> memref<2000x16xf32, #tpu.memory_space<vmem>>
    %dma_start3A_1026 = arith.constant 0 : i32
    %dma_start3A_1027 = tpu.memref_slice %arg3[%multiple_of3A_1007, %dma_start3A_1026] : memref<320000x16xf32, #tpu.memory_space<hbm>> -> memref<2000x16xf32, #tpu.memory_space<hbm>>
    %dma_start3A_1028 = arith.constant 0 : i32
    %dma_start3A_1029 = arith.constant 0 : i32
    %dma_start3A_1030 = tpu.memref_slice %arg8[%dma_start3A_1021, %dma_start3A_1028, %dma_start3A_1029] : memref<2x2000x16xf32, #tpu.memory_space<vmem>> -> memref<1x2000x16xf32, #tpu.memory_space<vmem>>
    %dma_start3A_1031 = tpu.memref_squeeze %dma_start3A_1030 : memref<1x2000x16xf32, #tpu.memory_space<vmem>> -> memref<2000x16xf32, #tpu.memory_space<vmem>>
    %dma_start3A_1032 = arith.constant 0 : i32
    %dma_start3A_1033 = tpu.memref_slice %arg3[%multiple_of3A_1007, %dma_start3A_1032] : memref<320000x16xf32, #tpu.memory_space<hbm>> -> memref<2000x16xf32, #tpu.memory_space<hbm>>
    tpu.enqueue_dma source(%dma_start3A_1033 : memref<2000x16xf32, #tpu.memory_space<hbm>>) target(%dma_start3A_1031 : memref<2000x16xf32, #tpu.memory_space<vmem>>) target_semaphore(%arg9 : memref<!tpu.dma_semaphore, #tpu.memory_space<semaphore_mem>>)
    %dma_start3A_1034 = arith.constant 0 : i32
    %dma_start3A_1035 = arith.constant 0 : i32
    %dma_start3A_1036 = arith.constant 1 : i32
    %dma_start3A_1037 = arith.constant 0 : i32
    %dma_start3A_1038 = arith.constant 0 : i32
    %dma_start3A_1039 = tpu.memref_slice %arg8[%dma_start3A_1034, %dma_start3A_1037, %dma_start3A_1038] : memref<2x2000x16xf32, #tpu.memory_space<vmem>> -> memref<1x128x16xf32, #tpu.memory_space<vmem>>
    %dma_start3A_1040 = tpu.memref_squeeze %dma_start3A_1039 : memref<1x128x16xf32, #tpu.memory_space<vmem>> -> memref<128x16xf32, #tpu.memory_space<vmem>>
    %dma_start3A_1041 = arith.constant 0 : i32
    %dma_start3A_1042 = tpu.memref_slice %arg7[%dma_start3A_1035, %dma_start3A_1036, %dma_start3A_1041] : memref<2x2x2000xi32, #tpu.memory_space<vmem>> -> memref<1x1x128xi32, #tpu.memory_space<vmem>>
    %dma_start3A_1043 = tpu.memref_squeeze %dma_start3A_1042 : memref<1x1x128xi32, #tpu.memory_space<vmem>> -> memref<128xi32, #tpu.memory_space<vmem>>
    %dma_start3A_1044 = arith.constant 0 : i32
    %dma_start3A_1045 = arith.constant 0 : i32
    %dma_start3A_1046 = tpu.memref_slice %arg6[%dma_start3A_1044, %dma_start3A_1045] : memref<10240x16xf32, #tpu.memory_space<vmem_shared>> -> memref<10240x16xf32, #tpu.memory_space<vmem_shared>>
    tpu.enqueue_indirect_dma source(%dma_start3A_1040 : memref<128x16xf32, #tpu.memory_space<vmem>>) target(%dma_start3A_1046 : memref<10240x16xf32, #tpu.memory_space<vmem_shared>>) offsets(%dma_start3A_1043 : memref<128xi32, #tpu.memory_space<vmem>>) semaphore(%arg10 : memref<!tpu.dma_semaphore, #tpu.memory_space<semaphore_mem>>) {add = true}
    %dma_start3A_1047 = arith.constant 0 : i32
    %dma_start3A_1048 = arith.constant 0 : i32
    %dma_start3A_1049 = arith.constant 1 : i32
    %dma_start3A_1050 = arith.constant 128 : i32
    %dma_start3A_1051 = arith.constant 0 : i32
    %dma_start3A_1052 = tpu.memref_slice %arg8[%dma_start3A_1047, %dma_start3A_1050, %dma_start3A_1051] : memref<2x2000x16xf32, #tpu.memory_space<vmem>> -> memref<1x128x16xf32, #tpu.memory_space<vmem>>
    %dma_start3A_1053 = tpu.memref_squeeze %dma_start3A_1052 : memref<1x128x16xf32, #tpu.memory_space<vmem>> -> memref<128x16xf32, #tpu.memory_space<vmem>>
    %dma_start3A_1054 = arith.constant 128 : i32
    %dma_start3A_1055 = tpu.memref_slice %arg7[%dma_start3A_1048, %dma_start3A_1049, %dma_start3A_1054] : memref<2x2x2000xi32, #tpu.memory_space<vmem>> -> memref<1x1x128xi32, #tpu.memory_space<vmem>>
    %dma_start3A_1056 = tpu.memref_squeeze %dma_start3A_1055 : memref<1x1x128xi32, #tpu.memory_space<vmem>> -> memref<128xi32, #tpu.memory_space<vmem>>
    %dma_start3A_1057 = arith.constant 0 : i32
    %dma_start3A_1058 = arith.constant 0 : i32
    %dma_start3A_1059 = tpu.memref_slice %arg6[%dma_start3A_1057, %dma_start3A_1058] : memref<10240x16xf32, #tpu.memory_space<vmem_shared>> -> memref<10240x16xf32, #tpu.memory_space<vmem_shared>>
    tpu.enqueue_indirect_dma source(%dma_start3A_1053 : memref<128x16xf32, #tpu.memory_space<vmem>>) target(%dma_start3A_1059 : memref<10240x16xf32, #tpu.memory_space<vmem_shared>>) offsets(%dma_start3A_1056 : memref<128xi32, #tpu.memory_space<vmem>>) semaphore(%arg10 : memref<!tpu.dma_semaphore, #tpu.memory_space<semaphore_mem>>) {add = true}
    %dma_start3A_1060 = arith.constant 0 : i32
    %dma_start3A_1061 = arith.constant 0 : i32
    %dma_start3A_1062 = arith.constant 1 : i32
    %dma_start3A_1063 = arith.constant 256 : i32
    %dma_start3A_1064 = arith.constant 0 : i32
    %dma_start3A_1065 = tpu.memref_slice %arg8[%dma_start3A_1060, %dma_start3A_1063, %dma_start3A_1064] : memref<2x2000x16xf32, #tpu.memory_space<vmem>> -> memref<1x128x16xf32, #tpu.memory_space<vmem>>
    %dma_start3A_1066 = tpu.memref_squeeze %dma_start3A_1065 : memref<1x128x16xf32, #tpu.memory_space<vmem>> -> memref<128x16xf32, #tpu.memory_space<vmem>>
    %dma_start3A_1067 = arith.constant 256 : i32
    %dma_start3A_1068 = tpu.memref_slice %arg7[%dma_start3A_1061, %dma_start3A_1062, %dma_start3A_1067] : memref<2x2x2000xi32, #tpu.memory_space<vmem>> -> memref<1x1x128xi32, #tpu.memory_space<vmem>>
    %dma_start3A_1069 = tpu.memref_squeeze %dma_start3A_1068 : memref<1x1x128xi32, #tpu.memory_space<vmem>> -> memref<128xi32, #tpu.memory_space<vmem>>
    %dma_start3A_1070 = arith.constant 0 : i32
    %dma_start3A_1071 = arith.constant 0 : i32
    %dma_start3A_1072 = tpu.memref_slice %arg6[%dma_start3A_1070, %dma_start3A_1071] : memref<10240x16xf32, #tpu.memory_space<vmem_shared>> -> memref<10240x16xf32, #tpu.memory_space<vmem_shared>>
    tpu.enqueue_indirect_dma source(%dma_start3A_1066 : memref<128x16xf32, #tpu.memory_space<vmem>>) target(%dma_start3A_1072 : memref<10240x16xf32, #tpu.memory_space<vmem_shared>>) offsets(%dma_start3A_1069 : memref<128xi32, #tpu.memory_space<vmem>>) semaphore(%arg10 : memref<!tpu.dma_semaphore, #tpu.memory_space<semaphore_mem>>) {add = true}
    %dma_start3A_1073 = arith.constant 0 : i32
    %dma_start3A_1074 = arith.constant 0 : i32
    %dma_start3A_1075 = arith.constant 1 : i32
    %dma_start3A_1076 = arith.constant 384 : i32
    %dma_start3A_1077 = arith.constant 0 : i32
    %dma_start3A_1078 = tpu.memref_slice %arg8[%dma_start3A_1073, %dma_start3A_1076, %dma_start3A_1077] : memref<2x2000x16xf32, #tpu.memory_space<vmem>> -> memref<1x128x16xf32, #tpu.memory_space<vmem>>
    %dma_start3A_1079 = tpu.memref_squeeze %dma_start3A_1078 : memref<1x128x16xf32, #tpu.memory_space<vmem>> -> memref<128x16xf32, #tpu.memory_space<vmem>>
    %dma_start3A_1080 = arith.constant 384 : i32
    %dma_start3A_1081 = tpu.memref_slice %arg7[%dma_start3A_1074, %dma_start3A_1075, %dma_start3A_1080] : memref<2x2x2000xi32, #tpu.memory_space<vmem>> -> memref<1x1x128xi32, #tpu.memory_space<vmem>>
    %dma_start3A_1082 = tpu.memref_squeeze %dma_start3A_1081 : memref<1x1x128xi32, #tpu.memory_space<vmem>> -> memref<128xi32, #tpu.memory_space<vmem>>
    %dma_start3A_1083 = arith.constant 0 : i32
    %dma_start3A_1084 = arith.constant 0 : i32
    %dma_start3A_1085 = tpu.memref_slice %arg6[%dma_start3A_1083, %dma_start3A_1084] : memref<10240x16xf32, #tpu.memory_space<vmem_shared>> -> memref<10240x16xf32, #tpu.memory_space<vmem_shared>>
    tpu.enqueue_indirect_dma source(%dma_start3A_1079 : memref<128x16xf32, #tpu.memory_space<vmem>>) target(%dma_start3A_1085 : memref<10240x16xf32, #tpu.memory_space<vmem_shared>>) offsets(%dma_start3A_1082 : memref<128xi32, #tpu.memory_space<vmem>>) semaphore(%arg10 : memref<!tpu.dma_semaphore, #tpu.memory_space<semaphore_mem>>) {add = true}
    %dma_start3A_1086 = arith.constant 0 : i32
    %dma_start3A_1087 = arith.constant 0 : i32
    %dma_start3A_1088 = arith.constant 1 : i32
    %dma_start3A_1089 = arith.constant 512 : i32
    %dma_start3A_1090 = arith.constant 0 : i32
    %dma_start3A_1091 = tpu.memref_slice %arg8[%dma_start3A_1086, %dma_start3A_1089, %dma_start3A_1090] : memref<2x2000x16xf32, #tpu.memory_space<vmem>> -> memref<1x128x16xf32, #tpu.memory_space<vmem>>
    %dma_start3A_1092 = tpu.memref_squeeze %dma_start3A_1091 : memref<1x128x16xf32, #tpu.memory_space<vmem>> -> memref<128x16xf32, #tpu.memory_space<vmem>>
    %dma_start3A_1093 = arith.constant 512 : i32
    %dma_start3A_1094 = tpu.memref_slice %arg7[%dma_start3A_1087, %dma_start3A_1088, %dma_start3A_1093] : memref<2x2x2000xi32, #tpu.memory_space<vmem>> -> memref<1x1x128xi32, #tpu.memory_space<vmem>>
    %dma_start3A_1095 = tpu.memref_squeeze %dma_start3A_1094 : memref<1x1x128xi32, #tpu.memory_space<vmem>> -> memref<128xi32, #tpu.memory_space<vmem>>
    %dma_start3A_1096 = arith.constant 0 : i32
    %dma_start3A_1097 = arith.constant 0 : i32
    %dma_start3A_1098 = tpu.memref_slice %arg6[%dma_start3A_1096, %dma_start3A_1097] : memref<10240x16xf32, #tpu.memory_space<vmem_shared>> -> memref<10240x16xf32, #tpu.memory_space<vmem_shared>>
    tpu.enqueue_indirect_dma source(%dma_start3A_1092 : memref<128x16xf32, #tpu.memory_space<vmem>>) target(%dma_start3A_1098 : memref<10240x16xf32, #tpu.memory_space<vmem_shared>>) offsets(%dma_start3A_1095 : memref<128xi32, #tpu.memory_space<vmem>>) semaphore(%arg10 : memref<!tpu.dma_semaphore, #tpu.memory_space<semaphore_mem>>) {add = true}
    %dma_start3A_1099 = arith.constant 0 : i32
    %dma_start3A_1100 = arith.constant 0 : i32
    %dma_start3A_1101 = arith.constant 1 : i32
    %dma_start3A_1102 = arith.constant 640 : i32
    %dma_start3A_1103 = arith.constant 0 : i32
    %dma_start3A_1104 = tpu.memref_slice %arg8[%dma_start3A_1099, %dma_start3A_1102, %dma_start3A_1103] : memref<2x2000x16xf32, #tpu.memory_space<vmem>> -> memref<1x128x16xf32, #tpu.memory_space<vmem>>
    %dma_start3A_1105 = tpu.memref_squeeze %dma_start3A_1104 : memref<1x128x16xf32, #tpu.memory_space<vmem>> -> memref<128x16xf32, #tpu.memory_space<vmem>>
    %dma_start3A_1106 = arith.constant 640 : i32
    %dma_start3A_1107 = tpu.memref_slice %arg7[%dma_start3A_1100, %dma_start3A_1101, %dma_start3A_1106] : memref<2x2x2000xi32, #tpu.memory_space<vmem>> -> memref<1x1x128xi32, #tpu.memory_space<vmem>>
    %dma_start3A_1108 = tpu.memref_squeeze %dma_start3A_1107 : memref<1x1x128xi32, #tpu.memory_space<vmem>> -> memref<128xi32, #tpu.memory_space<vmem>>
    %dma_start3A_1109 = arith.constant 0 : i32
    %dma_start3A_1110 = arith.constant 0 : i32
    %dma_start3A_1111 = tpu.memref_slice %arg6[%dma_start3A_1109, %dma_start3A_1110] : memref<10240x16xf32, #tpu.memory_space<vmem_shared>> -> memref<10240x16xf32, #tpu.memory_space<vmem_shared>>
    tpu.enqueue_indirect_dma source(%dma_start3A_1105 : memref<128x16xf32, #tpu.memory_space<vmem>>) target(%dma_start3A_1111 : memref<10240x16xf32, #tpu.memory_space<vmem_shared>>) offsets(%dma_start3A_1108 : memref<128xi32, #tpu.memory_space<vmem>>) semaphore(%arg10 : memref<!tpu.dma_semaphore, #tpu.memory_space<semaphore_mem>>) {add = true}
    %dma_start3A_1112 = arith.constant 0 : i32
    %dma_start3A_1113 = arith.constant 0 : i32
    %dma_start3A_1114 = arith.constant 1 : i32
    %dma_start3A_1115 = arith.constant 768 : i32
    %dma_start3A_1116 = arith.constant 0 : i32
    %dma_start3A_1117 = tpu.memref_slice %arg8[%dma_start3A_1112, %dma_start3A_1115, %dma_start3A_1116] : memref<2x2000x16xf32, #tpu.memory_space<vmem>> -> memref<1x128x16xf32, #tpu.memory_space<vmem>>
    %dma_start3A_1118 = tpu.memref_squeeze %dma_start3A_1117 : memref<1x128x16xf32, #tpu.memory_space<vmem>> -> memref<128x16xf32, #tpu.memory_space<vmem>>
    %dma_start3A_1119 = arith.constant 768 : i32
    %dma_start3A_1120 = tpu.memref_slice %arg7[%dma_start3A_1113, %dma_start3A_1114, %dma_start3A_1119] : memref<2x2x2000xi32, #tpu.memory_space<vmem>> -> memref<1x1x128xi32, #tpu.memory_space<vmem>>
    %dma_start3A_1121 = tpu.memref_squeeze %dma_start3A_1120 : memref<1x1x128xi32, #tpu.memory_space<vmem>> -> memref<128xi32, #tpu.memory_space<vmem>>
    %dma_start3A_1122 = arith.constant 0 : i32
    %dma_start3A_1123 = arith.constant 0 : i32
    %dma_start3A_1124 = tpu.memref_slice %arg6[%dma_start3A_1122, %dma_start3A_1123] : memref<10240x16xf32, #tpu.memory_space<vmem_shared>> -> memref<10240x16xf32, #tpu.memory_space<vmem_shared>>
    tpu.enqueue_indirect_dma source(%dma_start3A_1118 : memref<128x16xf32, #tpu.memory_space<vmem>>) target(%dma_start3A_1124 : memref<10240x16xf32, #tpu.memory_space<vmem_shared>>) offsets(%dma_start3A_1121 : memref<128xi32, #tpu.memory_space<vmem>>) semaphore(%arg10 : memref<!tpu.dma_semaphore, #tpu.memory_space<semaphore_mem>>) {add = true}
    %dma_start3A_1125 = arith.constant 0 : i32
    %dma_start3A_1126 = arith.constant 0 : i32
    %dma_start3A_1127 = arith.constant 1 : i32
    %dma_start3A_1128 = arith.constant 896 : i32
    %dma_start3A_1129 = arith.constant 0 : i32
    %dma_start3A_1130 = tpu.memref_slice %arg8[%dma_start3A_1125, %dma_start3A_1128, %dma_start3A_1129] : memref<2x2000x16xf32, #tpu.memory_space<vmem>> -> memref<1x128x16xf32, #tpu.memory_space<vmem>>
    %dma_start3A_1131 = tpu.memref_squeeze %dma_start3A_1130 : memref<1x128x16xf32, #tpu.memory_space<vmem>> -> memref<128x16xf32, #tpu.memory_space<vmem>>
    %dma_start3A_1132 = arith.constant 896 : i32
    %dma_start3A_1133 = tpu.memref_slice %arg7[%dma_start3A_1126, %dma_start3A_1127, %dma_start3A_1132] : memref<2x2x2000xi32, #tpu.memory_space<vmem>> -> memref<1x1x128xi32, #tpu.memory_space<vmem>>
    %dma_start3A_1134 = tpu.memref_squeeze %dma_start3A_1133 : memref<1x1x128xi32, #tpu.memory_space<vmem>> -> memref<128xi32, #tpu.memory_space<vmem>>
    %dma_start3A_1135 = arith.constant 0 : i32
    %dma_start3A_1136 = arith.constant 0 : i32
    %dma_start3A_1137 = tpu.memref_slice %arg6[%dma_start3A_1135, %dma_start3A_1136] : memref<10240x16xf32, #tpu.memory_space<vmem_shared>> -> memref<10240x16xf32, #tpu.memory_space<vmem_shared>>
    tpu.enqueue_indirect_dma source(%dma_start3A_1131 : memref<128x16xf32, #tpu.memory_space<vmem>>) target(%dma_start3A_1137 : memref<10240x16xf32, #tpu.memory_space<vmem_shared>>) offsets(%dma_start3A_1134 : memref<128xi32, #tpu.memory_space<vmem>>) semaphore(%arg10 : memref<!tpu.dma_semaphore, #tpu.memory_space<semaphore_mem>>) {add = true}
    %dma_start3A_1138 = arith.constant 0 : i32
    %dma_start3A_1139 = arith.constant 0 : i32
    %dma_start3A_1140 = arith.constant 1 : i32
    %dma_start3A_1141 = arith.constant 1024 : i32
    %dma_start3A_1142 = arith.constant 0 : i32
    %dma_start3A_1143 = tpu.memref_slice %arg8[%dma_start3A_1138, %dma_start3A_1141, %dma_start3A_1142] : memref<2x2000x16xf32, #tpu.memory_space<vmem>> -> memref<1x128x16xf32, #tpu.memory_space<vmem>>
    %dma_start3A_1144 = tpu.memref_squeeze %dma_start3A_1143 : memref<1x128x16xf32, #tpu.memory_space<vmem>> -> memref<128x16xf32, #tpu.memory_space<vmem>>
    %dma_start3A_1145 = arith.constant 1024 : i32
    %dma_start3A_1146 = tpu.memref_slice %arg7[%dma_start3A_1139, %dma_start3A_1140, %dma_start3A_1145] : memref<2x2x2000xi32, #tpu.memory_space<vmem>> -> memref<1x1x128xi32, #tpu.memory_space<vmem>>
    %dma_start3A_1147 = tpu.memref_squeeze %dma_start3A_1146 : memref<1x1x128xi32, #tpu.memory_space<vmem>> -> memref<128xi32, #tpu.memory_space<vmem>>
    %dma_start3A_1148 = arith.constant 0 : i32
    %dma_start3A_1149 = arith.constant 0 : i32
    %dma_start3A_1150 = tpu.memref_slice %arg6[%dma_start3A_1148, %dma_start3A_1149] : memref<10240x16xf32, #tpu.memory_space<vmem_shared>> -> memref<10240x16xf32, #tpu.memory_space<vmem_shared>>
    tpu.enqueue_indirect_dma source(%dma_start3A_1144 : memref<128x16xf32, #tpu.memory_space<vmem>>) target(%dma_start3A_1150 : memref<10240x16xf32, #tpu.memory_space<vmem_shared>>) offsets(%dma_start3A_1147 : memref<128xi32, #tpu.memory_space<vmem>>) semaphore(%arg10 : memref<!tpu.dma_semaphore, #tpu.memory_space<semaphore_mem>>) {add = true}
    %dma_start3A_1151 = arith.constant 0 : i32
    %dma_start3A_1152 = arith.constant 0 : i32
    %dma_start3A_1153 = arith.constant 1 : i32
    %dma_start3A_1154 = arith.constant 1152 : i32
    %dma_start3A_1155 = arith.constant 0 : i32
    %dma_start3A_1156 = tpu.memref_slice %arg8[%dma_start3A_1151, %dma_start3A_1154, %dma_start3A_1155] : memref<2x2000x16xf32, #tpu.memory_space<vmem>> -> memref<1x128x16xf32, #tpu.memory_space<vmem>>
    %dma_start3A_1157 = tpu.memref_squeeze %dma_start3A_1156 : memref<1x128x16xf32, #tpu.memory_space<vmem>> -> memref<128x16xf32, #tpu.memory_space<vmem>>
    %dma_start3A_1158 = arith.constant 1152 : i32
    %dma_start3A_1159 = tpu.memref_slice %arg7[%dma_start3A_1152, %dma_start3A_1153, %dma_start3A_1158] : memref<2x2x2000xi32, #tpu.memory_space<vmem>> -> memref<1x1x128xi32, #tpu.memory_space<vmem>>
    %dma_start3A_1160 = tpu.memref_squeeze %dma_start3A_1159 : memref<1x1x128xi32, #tpu.memory_space<vmem>> -> memref<128xi32, #tpu.memory_space<vmem>>
    %dma_start3A_1161 = arith.constant 0 : i32
    %dma_start3A_1162 = arith.constant 0 : i32
    %dma_start3A_1163 = tpu.memref_slice %arg6[%dma_start3A_1161, %dma_start3A_1162] : memref<10240x16xf32, #tpu.memory_space<vmem_shared>> -> memref<10240x16xf32, #tpu.memory_space<vmem_shared>>
    tpu.enqueue_indirect_dma source(%dma_start3A_1157 : memref<128x16xf32, #tpu.memory_space<vmem>>) target(%dma_start3A_1163 : memref<10240x16xf32, #tpu.memory_space<vmem_shared>>) offsets(%dma_start3A_1160 : memref<128xi32, #tpu.memory_space<vmem>>) semaphore(%arg10 : memref<!tpu.dma_semaphore, #tpu.memory_space<semaphore_mem>>) {add = true}
    %dma_start3A_1164 = arith.constant 0 : i32
    %dma_start3A_1165 = arith.constant 0 : i32
    %dma_start3A_1166 = arith.constant 1 : i32
    %dma_start3A_1167 = arith.constant 1280 : i32
    %dma_start3A_1168 = arith.constant 0 : i32
    %dma_start3A_1169 = tpu.memref_slice %arg8[%dma_start3A_1164, %dma_start3A_1167, %dma_start3A_1168] : memref<2x2000x16xf32, #tpu.memory_space<vmem>> -> memref<1x128x16xf32, #tpu.memory_space<vmem>>
    %dma_start3A_1170 = tpu.memref_squeeze %dma_start3A_1169 : memref<1x128x16xf32, #tpu.memory_space<vmem>> -> memref<128x16xf32, #tpu.memory_space<vmem>>
    %dma_start3A_1171 = arith.constant 1280 : i32
    %dma_start3A_1172 = tpu.memref_slice %arg7[%dma_start3A_1165, %dma_start3A_1166, %dma_start3A_1171] : memref<2x2x2000xi32, #tpu.memory_space<vmem>> -> memref<1x1x128xi32, #tpu.memory_space<vmem>>
    %dma_start3A_1173 = tpu.memref_squeeze %dma_start3A_1172 : memref<1x1x128xi32, #tpu.memory_space<vmem>> -> memref<128xi32, #tpu.memory_space<vmem>>
    %dma_start3A_1174 = arith.constant 0 : i32
    %dma_start3A_1175 = arith.constant 0 : i32
    %dma_start3A_1176 = tpu.memref_slice %arg6[%dma_start3A_1174, %dma_start3A_1175] : memref<10240x16xf32, #tpu.memory_space<vmem_shared>> -> memref<10240x16xf32, #tpu.memory_space<vmem_shared>>
    tpu.enqueue_indirect_dma source(%dma_start3A_1170 : memref<128x16xf32, #tpu.memory_space<vmem>>) target(%dma_start3A_1176 : memref<10240x16xf32, #tpu.memory_space<vmem_shared>>) offsets(%dma_start3A_1173 : memref<128xi32, #tpu.memory_space<vmem>>) semaphore(%arg10 : memref<!tpu.dma_semaphore, #tpu.memory_space<semaphore_mem>>) {add = true}
    %dma_start3A_1177 = arith.constant 0 : i32
    %dma_start3A_1178 = arith.constant 0 : i32
    %dma_start3A_1179 = arith.constant 1 : i32
    %dma_start3A_1180 = arith.constant 1408 : i32
    %dma_start3A_1181 = arith.constant 0 : i32
    %dma_start3A_1182 = tpu.memref_slice %arg8[%dma_start3A_1177, %dma_start3A_1180, %dma_start3A_1181] : memref<2x2000x16xf32, #tpu.memory_space<vmem>> -> memref<1x128x16xf32, #tpu.memory_space<vmem>>
    %dma_start3A_1183 = tpu.memref_squeeze %dma_start3A_1182 : memref<1x128x16xf32, #tpu.memory_space<vmem>> -> memref<128x16xf32, #tpu.memory_space<vmem>>
    %dma_start3A_1184 = arith.constant 1408 : i32
    %dma_start3A_1185 = tpu.memref_slice %arg7[%dma_start3A_1178, %dma_start3A_1179, %dma_start3A_1184] : memref<2x2x2000xi32, #tpu.memory_space<vmem>> -> memref<1x1x128xi32, #tpu.memory_space<vmem>>
    %dma_start3A_1186 = tpu.memref_squeeze %dma_start3A_1185 : memref<1x1x128xi32, #tpu.memory_space<vmem>> -> memref<128xi32, #tpu.memory_space<vmem>>
    %dma_start3A_1187 = arith.constant 0 : i32
    %dma_start3A_1188 = arith.constant 0 : i32
    %dma_start3A_1189 = tpu.memref_slice %arg6[%dma_start3A_1187, %dma_start3A_1188] : memref<10240x16xf32, #tpu.memory_space<vmem_shared>> -> memref<10240x16xf32, #tpu.memory_space<vmem_shared>>
    tpu.enqueue_indirect_dma source(%dma_start3A_1183 : memref<128x16xf32, #tpu.memory_space<vmem>>) target(%dma_start3A_1189 : memref<10240x16xf32, #tpu.memory_space<vmem_shared>>) offsets(%dma_start3A_1186 : memref<128xi32, #tpu.memory_space<vmem>>) semaphore(%arg10 : memref<!tpu.dma_semaphore, #tpu.memory_space<semaphore_mem>>) {add = true}
    %dma_start3A_1190 = arith.constant 0 : i32
    %dma_start3A_1191 = arith.constant 0 : i32
    %dma_start3A_1192 = arith.constant 1 : i32
    %dma_start3A_1193 = arith.constant 1536 : i32
    %dma_start3A_1194 = arith.constant 0 : i32
    %dma_start3A_1195 = tpu.memref_slice %arg8[%dma_start3A_1190, %dma_start3A_1193, %dma_start3A_1194] : memref<2x2000x16xf32, #tpu.memory_space<vmem>> -> memref<1x128x16xf32, #tpu.memory_space<vmem>>
    %dma_start3A_1196 = tpu.memref_squeeze %dma_start3A_1195 : memref<1x128x16xf32, #tpu.memory_space<vmem>> -> memref<128x16xf32, #tpu.memory_space<vmem>>
    %dma_start3A_1197 = arith.constant 1536 : i32
    %dma_start3A_1198 = tpu.memref_slice %arg7[%dma_start3A_1191, %dma_start3A_1192, %dma_start3A_1197] : memref<2x2x2000xi32, #tpu.memory_space<vmem>> -> memref<1x1x128xi32, #tpu.memory_space<vmem>>
    %dma_start3A_1199 = tpu.memref_squeeze %dma_start3A_1198 : memref<1x1x128xi32, #tpu.memory_space<vmem>> -> memref<128xi32, #tpu.memory_space<vmem>>
    %dma_start3A_1200 = arith.constant 0 : i32
    %dma_start3A_1201 = arith.constant 0 : i32
    %dma_start3A_1202 = tpu.memref_slice %arg6[%dma_start3A_1200, %dma_start3A_1201] : memref<10240x16xf32, #tpu.memory_space<vmem_shared>> -> memref<10240x16xf32, #tpu.memory_space<vmem_shared>>
    tpu.enqueue_indirect_dma source(%dma_start3A_1196 : memref<128x16xf32, #tpu.memory_space<vmem>>) target(%dma_start3A_1202 : memref<10240x16xf32, #tpu.memory_space<vmem_shared>>) offsets(%dma_start3A_1199 : memref<128xi32, #tpu.memory_space<vmem>>) semaphore(%arg10 : memref<!tpu.dma_semaphore, #tpu.memory_space<semaphore_mem>>) {add = true}
    %dma_start3A_1203 = arith.constant 0 : i32
    %dma_start3A_1204 = arith.constant 0 : i32
    %dma_start3A_1205 = arith.constant 1 : i32
    %dma_start3A_1206 = arith.constant 1664 : i32
    %dma_start3A_1207 = arith.constant 0 : i32
    %dma_start3A_1208 = tpu.memref_slice %arg8[%dma_start3A_1203, %dma_start3A_1206, %dma_start3A_1207] : memref<2x2000x16xf32, #tpu.memory_space<vmem>> -> memref<1x128x16xf32, #tpu.memory_space<vmem>>
    %dma_start3A_1209 = tpu.memref_squeeze %dma_start3A_1208 : memref<1x128x16xf32, #tpu.memory_space<vmem>> -> memref<128x16xf32, #tpu.memory_space<vmem>>
    %dma_start3A_1210 = arith.constant 1664 : i32
    %dma_start3A_1211 = tpu.memref_slice %arg7[%dma_start3A_1204, %dma_start3A_1205, %dma_start3A_1210] : memref<2x2x2000xi32, #tpu.memory_space<vmem>> -> memref<1x1x128xi32, #tpu.memory_space<vmem>>
    %dma_start3A_1212 = tpu.memref_squeeze %dma_start3A_1211 : memref<1x1x128xi32, #tpu.memory_space<vmem>> -> memref<128xi32, #tpu.memory_space<vmem>>
    %dma_start3A_1213 = arith.constant 0 : i32
    %dma_start3A_1214 = arith.constant 0 : i32
    %dma_start3A_1215 = tpu.memref_slice %arg6[%dma_start3A_1213, %dma_start3A_1214] : memref<10240x16xf32, #tpu.memory_space<vmem_shared>> -> memref<10240x16xf32, #tpu.memory_space<vmem_shared>>
    tpu.enqueue_indirect_dma source(%dma_start3A_1209 : memref<128x16xf32, #tpu.memory_space<vmem>>) target(%dma_start3A_1215 : memref<10240x16xf32, #tpu.memory_space<vmem_shared>>) offsets(%dma_start3A_1212 : memref<128xi32, #tpu.memory_space<vmem>>) semaphore(%arg10 : memref<!tpu.dma_semaphore, #tpu.memory_space<semaphore_mem>>) {add = true}
    %dma_start3A_1216 = arith.constant 0 : i32
    %dma_start3A_1217 = arith.constant 0 : i32
    %dma_start3A_1218 = arith.constant 1 : i32
    %dma_start3A_1219 = arith.constant 1792 : i32
    %dma_start3A_1220 = arith.constant 0 : i32
    %dma_start3A_1221 = tpu.memref_slice %arg8[%dma_start3A_1216, %dma_start3A_1219, %dma_start3A_1220] : memref<2x2000x16xf32, #tpu.memory_space<vmem>> -> memref<1x128x16xf32, #tpu.memory_space<vmem>>
    %dma_start3A_1222 = tpu.memref_squeeze %dma_start3A_1221 : memref<1x128x16xf32, #tpu.memory_space<vmem>> -> memref<128x16xf32, #tpu.memory_space<vmem>>
    %dma_start3A_1223 = arith.constant 1792 : i32
    %dma_start3A_1224 = tpu.memref_slice %arg7[%dma_start3A_1217, %dma_start3A_1218, %dma_start3A_1223] : memref<2x2x2000xi32, #tpu.memory_space<vmem>> -> memref<1x1x128xi32, #tpu.memory_space<vmem>>
    %dma_start3A_1225 = tpu.memref_squeeze %dma_start3A_1224 : memref<1x1x128xi32, #tpu.memory_space<vmem>> -> memref<128xi32, #tpu.memory_space<vmem>>
    %dma_start3A_1226 = arith.constant 0 : i32
    %dma_start3A_1227 = arith.constant 0 : i32
    %dma_start3A_1228 = tpu.memref_slice %arg6[%dma_start3A_1226, %dma_start3A_1227] : memref<10240x16xf32, #tpu.memory_space<vmem_shared>> -> memref<10240x16xf32, #tpu.memory_space<vmem_shared>>
    tpu.enqueue_indirect_dma source(%dma_start3A_1222 : memref<128x16xf32, #tpu.memory_space<vmem>>) target(%dma_start3A_1228 : memref<10240x16xf32, #tpu.memory_space<vmem_shared>>) offsets(%dma_start3A_1225 : memref<128xi32, #tpu.memory_space<vmem>>) semaphore(%arg10 : memref<!tpu.dma_semaphore, #tpu.memory_space<semaphore_mem>>) {add = true}
    %dma_start3A_1229 = arith.constant 0 : i32
    %dma_start3A_1230 = arith.constant 0 : i32
    %dma_start3A_1231 = arith.constant 1 : i32
    %dma_start3A_1232 = arith.constant 1920 : i32
    %dma_start3A_1233 = arith.constant 0 : i32
    %dma_start3A_1234 = tpu.memref_slice %arg8[%dma_start3A_1229, %dma_start3A_1232, %dma_start3A_1233] : memref<2x2000x16xf32, #tpu.memory_space<vmem>> -> memref<1x80x16xf32, #tpu.memory_space<vmem>>
    %dma_start3A_1235 = tpu.memref_squeeze %dma_start3A_1234 : memref<1x80x16xf32, #tpu.memory_space<vmem>> -> memref<80x16xf32, #tpu.memory_space<vmem>>
    %dma_start3A_1236 = arith.constant 1920 : i32
    %dma_start3A_1237 = tpu.memref_slice %arg7[%dma_start3A_1230, %dma_start3A_1231, %dma_start3A_1236] : memref<2x2x2000xi32, #tpu.memory_space<vmem>> -> memref<1x1x80xi32, #tpu.memory_space<vmem>>
    %dma_start3A_1238 = tpu.memref_squeeze %dma_start3A_1237 : memref<1x1x80xi32, #tpu.memory_space<vmem>> -> memref<80xi32, #tpu.memory_space<vmem>>
    %dma_start3A_1239 = arith.constant 0 : i32
    %dma_start3A_1240 = arith.constant 0 : i32
    %dma_start3A_1241 = tpu.memref_slice %arg6[%dma_start3A_1239, %dma_start3A_1240] : memref<10240x16xf32, #tpu.memory_space<vmem_shared>> -> memref<10240x16xf32, #tpu.memory_space<vmem_shared>>
    tpu.enqueue_indirect_dma source(%dma_start3A_1235 : memref<80x16xf32, #tpu.memory_space<vmem>>) target(%dma_start3A_1241 : memref<10240x16xf32, #tpu.memory_space<vmem_shared>>) offsets(%dma_start3A_1238 : memref<80xi32, #tpu.memory_space<vmem>>) semaphore(%arg10 : memref<!tpu.dma_semaphore, #tpu.memory_space<semaphore_mem>>) {add = true}
    %dma_wait3A_1242 = arith.constant 0 : i32
    %dma_wait3A_1243 = arith.constant 0 : i32
    %dma_wait3A_1244 = arith.constant 1 : i32
    %dma_wait3A_1245 = arith.constant 0 : i32
    %dma_wait3A_1246 = arith.constant 0 : i32
    %dma_wait3A_1247 = tpu.memref_slice %arg8[%dma_wait3A_1242, %dma_wait3A_1245, %dma_wait3A_1246] : memref<2x2000x16xf32, #tpu.memory_space<vmem>> -> memref<1x128x16xf32, #tpu.memory_space<vmem>>
    %dma_wait3A_1248 = tpu.memref_squeeze %dma_wait3A_1247 : memref<1x128x16xf32, #tpu.memory_space<vmem>> -> memref<128x16xf32, #tpu.memory_space<vmem>>
    %dma_wait3A_1249 = arith.constant 0 : i32
    %dma_wait3A_1250 = tpu.memref_slice %arg7[%dma_wait3A_1243, %dma_wait3A_1244, %dma_wait3A_1249] : memref<2x2x2000xi32, #tpu.memory_space<vmem>> -> memref<1x1x128xi32, #tpu.memory_space<vmem>>
    %dma_wait3A_1251 = tpu.memref_squeeze %dma_wait3A_1250 : memref<1x1x128xi32, #tpu.memory_space<vmem>> -> memref<128xi32, #tpu.memory_space<vmem>>
    %dma_wait3A_1252 = arith.constant 0 : i32
    %dma_wait3A_1253 = arith.constant 0 : i32
    %dma_wait3A_1254 = tpu.memref_slice %arg6[%dma_wait3A_1252, %dma_wait3A_1253] : memref<10240x16xf32, #tpu.memory_space<vmem_shared>> -> memref<10240x16xf32, #tpu.memory_space<vmem_shared>>
    tpu.wait_indirect_dma semaphore(%arg10 : memref<!tpu.dma_semaphore, #tpu.memory_space<semaphore_mem>>) src(%dma_wait3A_1248 : memref<128x16xf32, #tpu.memory_space<vmem>>) dst(%dma_wait3A_1254 : memref<10240x16xf32, #tpu.memory_space<vmem_shared>>)
    %dma_wait3A_1255 = arith.constant 0 : i32
    %dma_wait3A_1256 = arith.constant 0 : i32
    %dma_wait3A_1257 = arith.constant 1 : i32
    %dma_wait3A_1258 = arith.constant 128 : i32
    %dma_wait3A_1259 = arith.constant 0 : i32
    %dma_wait3A_1260 = tpu.memref_slice %arg8[%dma_wait3A_1255, %dma_wait3A_1258, %dma_wait3A_1259] : memref<2x2000x16xf32, #tpu.memory_space<vmem>> -> memref<1x128x16xf32, #tpu.memory_space<vmem>>
    %dma_wait3A_1261 = tpu.memref_squeeze %dma_wait3A_1260 : memref<1x128x16xf32, #tpu.memory_space<vmem>> -> memref<128x16xf32, #tpu.memory_space<vmem>>
    %dma_wait3A_1262 = arith.constant 128 : i32
    %dma_wait3A_1263 = tpu.memref_slice %arg7[%dma_wait3A_1256, %dma_wait3A_1257, %dma_wait3A_1262] : memref<2x2x2000xi32, #tpu.memory_space<vmem>> -> memref<1x1x128xi32, #tpu.memory_space<vmem>>
    %dma_wait3A_1264 = tpu.memref_squeeze %dma_wait3A_1263 : memref<1x1x128xi32, #tpu.memory_space<vmem>> -> memref<128xi32, #tpu.memory_space<vmem>>
    %dma_wait3A_1265 = arith.constant 0 : i32
    %dma_wait3A_1266 = arith.constant 0 : i32
    %dma_wait3A_1267 = tpu.memref_slice %arg6[%dma_wait3A_1265, %dma_wait3A_1266] : memref<10240x16xf32, #tpu.memory_space<vmem_shared>> -> memref<10240x16xf32, #tpu.memory_space<vmem_shared>>
    tpu.wait_indirect_dma semaphore(%arg10 : memref<!tpu.dma_semaphore, #tpu.memory_space<semaphore_mem>>) src(%dma_wait3A_1261 : memref<128x16xf32, #tpu.memory_space<vmem>>) dst(%dma_wait3A_1267 : memref<10240x16xf32, #tpu.memory_space<vmem_shared>>)
    %dma_wait3A_1268 = arith.constant 0 : i32
    %dma_wait3A_1269 = arith.constant 0 : i32
    %dma_wait3A_1270 = arith.constant 1 : i32
    %dma_wait3A_1271 = arith.constant 256 : i32
    %dma_wait3A_1272 = arith.constant 0 : i32
    %dma_wait3A_1273 = tpu.memref_slice %arg8[%dma_wait3A_1268, %dma_wait3A_1271, %dma_wait3A_1272] : memref<2x2000x16xf32, #tpu.memory_space<vmem>> -> memref<1x128x16xf32, #tpu.memory_space<vmem>>
    %dma_wait3A_1274 = tpu.memref_squeeze %dma_wait3A_1273 : memref<1x128x16xf32, #tpu.memory_space<vmem>> -> memref<128x16xf32, #tpu.memory_space<vmem>>
    %dma_wait3A_1275 = arith.constant 256 : i32
    %dma_wait3A_1276 = tpu.memref_slice %arg7[%dma_wait3A_1269, %dma_wait3A_1270, %dma_wait3A_1275] : memref<2x2x2000xi32, #tpu.memory_space<vmem>> -> memref<1x1x128xi32, #tpu.memory_space<vmem>>
    %dma_wait3A_1277 = tpu.memref_squeeze %dma_wait3A_1276 : memref<1x1x128xi32, #tpu.memory_space<vmem>> -> memref<128xi32, #tpu.memory_space<vmem>>
    %dma_wait3A_1278 = arith.constant 0 : i32
    %dma_wait3A_1279 = arith.constant 0 : i32
    %dma_wait3A_1280 = tpu.memref_slice %arg6[%dma_wait3A_1278, %dma_wait3A_1279] : memref<10240x16xf32, #tpu.memory_space<vmem_shared>> -> memref<10240x16xf32, #tpu.memory_space<vmem_shared>>
    tpu.wait_indirect_dma semaphore(%arg10 : memref<!tpu.dma_semaphore, #tpu.memory_space<semaphore_mem>>) src(%dma_wait3A_1274 : memref<128x16xf32, #tpu.memory_space<vmem>>) dst(%dma_wait3A_1280 : memref<10240x16xf32, #tpu.memory_space<vmem_shared>>)
    %dma_wait3A_1281 = arith.constant 0 : i32
    %dma_wait3A_1282 = arith.constant 0 : i32
    %dma_wait3A_1283 = arith.constant 1 : i32
    %dma_wait3A_1284 = arith.constant 384 : i32
    %dma_wait3A_1285 = arith.constant 0 : i32
    %dma_wait3A_1286 = tpu.memref_slice %arg8[%dma_wait3A_1281, %dma_wait3A_1284, %dma_wait3A_1285] : memref<2x2000x16xf32, #tpu.memory_space<vmem>> -> memref<1x128x16xf32, #tpu.memory_space<vmem>>
    %dma_wait3A_1287 = tpu.memref_squeeze %dma_wait3A_1286 : memref<1x128x16xf32, #tpu.memory_space<vmem>> -> memref<128x16xf32, #tpu.memory_space<vmem>>
    %dma_wait3A_1288 = arith.constant 384 : i32
    %dma_wait3A_1289 = tpu.memref_slice %arg7[%dma_wait3A_1282, %dma_wait3A_1283, %dma_wait3A_1288] : memref<2x2x2000xi32, #tpu.memory_space<vmem>> -> memref<1x1x128xi32, #tpu.memory_space<vmem>>
    %dma_wait3A_1290 = tpu.memref_squeeze %dma_wait3A_1289 : memref<1x1x128xi32, #tpu.memory_space<vmem>> -> memref<128xi32, #tpu.memory_space<vmem>>
    %dma_wait3A_1291 = arith.constant 0 : i32
    %dma_wait3A_1292 = arith.constant 0 : i32
    %dma_wait3A_1293 = tpu.memref_slice %arg6[%dma_wait3A_1291, %dma_wait3A_1292] : memref<10240x16xf32, #tpu.memory_space<vmem_shared>> -> memref<10240x16xf32, #tpu.memory_space<vmem_shared>>
    tpu.wait_indirect_dma semaphore(%arg10 : memref<!tpu.dma_semaphore, #tpu.memory_space<semaphore_mem>>) src(%dma_wait3A_1287 : memref<128x16xf32, #tpu.memory_space<vmem>>) dst(%dma_wait3A_1293 : memref<10240x16xf32, #tpu.memory_space<vmem_shared>>)
    %dma_wait3A_1294 = arith.constant 0 : i32
    %dma_wait3A_1295 = arith.constant 0 : i32
    %dma_wait3A_1296 = arith.constant 1 : i32
    %dma_wait3A_1297 = arith.constant 512 : i32
    %dma_wait3A_1298 = arith.constant 0 : i32
    %dma_wait3A_1299 = tpu.memref_slice %arg8[%dma_wait3A_1294, %dma_wait3A_1297, %dma_wait3A_1298] : memref<2x2000x16xf32, #tpu.memory_space<vmem>> -> memref<1x128x16xf32, #tpu.memory_space<vmem>>
    %dma_wait3A_1300 = tpu.memref_squeeze %dma_wait3A_1299 : memref<1x128x16xf32, #tpu.memory_space<vmem>> -> memref<128x16xf32, #tpu.memory_space<vmem>>
    %dma_wait3A_1301 = arith.constant 512 : i32
    %dma_wait3A_1302 = tpu.memref_slice %arg7[%dma_wait3A_1295, %dma_wait3A_1296, %dma_wait3A_1301] : memref<2x2x2000xi32, #tpu.memory_space<vmem>> -> memref<1x1x128xi32, #tpu.memory_space<vmem>>
    %dma_wait3A_1303 = tpu.memref_squeeze %dma_wait3A_1302 : memref<1x1x128xi32, #tpu.memory_space<vmem>> -> memref<128xi32, #tpu.memory_space<vmem>>
    %dma_wait3A_1304 = arith.constant 0 : i32
    %dma_wait3A_1305 = arith.constant 0 : i32
    %dma_wait3A_1306 = tpu.memref_slice %arg6[%dma_wait3A_1304, %dma_wait3A_1305] : memref<10240x16xf32, #tpu.memory_space<vmem_shared>> -> memref<10240x16xf32, #tpu.memory_space<vmem_shared>>
    tpu.wait_indirect_dma semaphore(%arg10 : memref<!tpu.dma_semaphore, #tpu.memory_space<semaphore_mem>>) src(%dma_wait3A_1300 : memref<128x16xf32, #tpu.memory_space<vmem>>) dst(%dma_wait3A_1306 : memref<10240x16xf32, #tpu.memory_space<vmem_shared>>)
    %dma_wait3A_1307 = arith.constant 0 : i32
    %dma_wait3A_1308 = arith.constant 0 : i32
    %dma_wait3A_1309 = arith.constant 1 : i32
    %dma_wait3A_1310 = arith.constant 640 : i32
    %dma_wait3A_1311 = arith.constant 0 : i32
    %dma_wait3A_1312 = tpu.memref_slice %arg8[%dma_wait3A_1307, %dma_wait3A_1310, %dma_wait3A_1311] : memref<2x2000x16xf32, #tpu.memory_space<vmem>> -> memref<1x128x16xf32, #tpu.memory_space<vmem>>
    %dma_wait3A_1313 = tpu.memref_squeeze %dma_wait3A_1312 : memref<1x128x16xf32, #tpu.memory_space<vmem>> -> memref<128x16xf32, #tpu.memory_space<vmem>>
    %dma_wait3A_1314 = arith.constant 640 : i32
    %dma_wait3A_1315 = tpu.memref_slice %arg7[%dma_wait3A_1308, %dma_wait3A_1309, %dma_wait3A_1314] : memref<2x2x2000xi32, #tpu.memory_space<vmem>> -> memref<1x1x128xi32, #tpu.memory_space<vmem>>
    %dma_wait3A_1316 = tpu.memref_squeeze %dma_wait3A_1315 : memref<1x1x128xi32, #tpu.memory_space<vmem>> -> memref<128xi32, #tpu.memory_space<vmem>>
    %dma_wait3A_1317 = arith.constant 0 : i32
    %dma_wait3A_1318 = arith.constant 0 : i32
    %dma_wait3A_1319 = tpu.memref_slice %arg6[%dma_wait3A_1317, %dma_wait3A_1318] : memref<10240x16xf32, #tpu.memory_space<vmem_shared>> -> memref<10240x16xf32, #tpu.memory_space<vmem_shared>>
    tpu.wait_indirect_dma semaphore(%arg10 : memref<!tpu.dma_semaphore, #tpu.memory_space<semaphore_mem>>) src(%dma_wait3A_1313 : memref<128x16xf32, #tpu.memory_space<vmem>>) dst(%dma_wait3A_1319 : memref<10240x16xf32, #tpu.memory_space<vmem_shared>>)
    %dma_wait3A_1320 = arith.constant 0 : i32
    %dma_wait3A_1321 = arith.constant 0 : i32
    %dma_wait3A_1322 = arith.constant 1 : i32
    %dma_wait3A_1323 = arith.constant 768 : i32
    %dma_wait3A_1324 = arith.constant 0 : i32
    %dma_wait3A_1325 = tpu.memref_slice %arg8[%dma_wait3A_1320, %dma_wait3A_1323, %dma_wait3A_1324] : memref<2x2000x16xf32, #tpu.memory_space<vmem>> -> memref<1x128x16xf32, #tpu.memory_space<vmem>>
    %dma_wait3A_1326 = tpu.memref_squeeze %dma_wait3A_1325 : memref<1x128x16xf32, #tpu.memory_space<vmem>> -> memref<128x16xf32, #tpu.memory_space<vmem>>
    %dma_wait3A_1327 = arith.constant 768 : i32
    %dma_wait3A_1328 = tpu.memref_slice %arg7[%dma_wait3A_1321, %dma_wait3A_1322, %dma_wait3A_1327] : memref<2x2x2000xi32, #tpu.memory_space<vmem>> -> memref<1x1x128xi32, #tpu.memory_space<vmem>>
    %dma_wait3A_1329 = tpu.memref_squeeze %dma_wait3A_1328 : memref<1x1x128xi32, #tpu.memory_space<vmem>> -> memref<128xi32, #tpu.memory_space<vmem>>
    %dma_wait3A_1330 = arith.constant 0 : i32
    %dma_wait3A_1331 = arith.constant 0 : i32
    %dma_wait3A_1332 = tpu.memref_slice %arg6[%dma_wait3A_1330, %dma_wait3A_1331] : memref<10240x16xf32, #tpu.memory_space<vmem_shared>> -> memref<10240x16xf32, #tpu.memory_space<vmem_shared>>
    tpu.wait_indirect_dma semaphore(%arg10 : memref<!tpu.dma_semaphore, #tpu.memory_space<semaphore_mem>>) src(%dma_wait3A_1326 : memref<128x16xf32, #tpu.memory_space<vmem>>) dst(%dma_wait3A_1332 : memref<10240x16xf32, #tpu.memory_space<vmem_shared>>)
    %dma_wait3A_1333 = arith.constant 0 : i32
    %dma_wait3A_1334 = arith.constant 0 : i32
    %dma_wait3A_1335 = arith.constant 1 : i32
    %dma_wait3A_1336 = arith.constant 896 : i32
    %dma_wait3A_1337 = arith.constant 0 : i32
    %dma_wait3A_1338 = tpu.memref_slice %arg8[%dma_wait3A_1333, %dma_wait3A_1336, %dma_wait3A_1337] : memref<2x2000x16xf32, #tpu.memory_space<vmem>> -> memref<1x128x16xf32, #tpu.memory_space<vmem>>
    %dma_wait3A_1339 = tpu.memref_squeeze %dma_wait3A_1338 : memref<1x128x16xf32, #tpu.memory_space<vmem>> -> memref<128x16xf32, #tpu.memory_space<vmem>>
    %dma_wait3A_1340 = arith.constant 896 : i32
    %dma_wait3A_1341 = tpu.memref_slice %arg7[%dma_wait3A_1334, %dma_wait3A_1335, %dma_wait3A_1340] : memref<2x2x2000xi32, #tpu.memory_space<vmem>> -> memref<1x1x128xi32, #tpu.memory_space<vmem>>
    %dma_wait3A_1342 = tpu.memref_squeeze %dma_wait3A_1341 : memref<1x1x128xi32, #tpu.memory_space<vmem>> -> memref<128xi32, #tpu.memory_space<vmem>>
    %dma_wait3A_1343 = arith.constant 0 : i32
    %dma_wait3A_1344 = arith.constant 0 : i32
    %dma_wait3A_1345 = tpu.memref_slice %arg6[%dma_wait3A_1343, %dma_wait3A_1344] : memref<10240x16xf32, #tpu.memory_space<vmem_shared>> -> memref<10240x16xf32, #tpu.memory_space<vmem_shared>>
    tpu.wait_indirect_dma semaphore(%arg10 : memref<!tpu.dma_semaphore, #tpu.memory_space<semaphore_mem>>) src(%dma_wait3A_1339 : memref<128x16xf32, #tpu.memory_space<vmem>>) dst(%dma_wait3A_1345 : memref<10240x16xf32, #tpu.memory_space<vmem_shared>>)
    %dma_wait3A_1346 = arith.constant 0 : i32
    %dma_wait3A_1347 = arith.constant 0 : i32
    %dma_wait3A_1348 = arith.constant 1 : i32
    %dma_wait3A_1349 = arith.constant 1024 : i32
    %dma_wait3A_1350 = arith.constant 0 : i32
    %dma_wait3A_1351 = tpu.memref_slice %arg8[%dma_wait3A_1346, %dma_wait3A_1349, %dma_wait3A_1350] : memref<2x2000x16xf32, #tpu.memory_space<vmem>> -> memref<1x128x16xf32, #tpu.memory_space<vmem>>
    %dma_wait3A_1352 = tpu.memref_squeeze %dma_wait3A_1351 : memref<1x128x16xf32, #tpu.memory_space<vmem>> -> memref<128x16xf32, #tpu.memory_space<vmem>>
    %dma_wait3A_1353 = arith.constant 1024 : i32
    %dma_wait3A_1354 = tpu.memref_slice %arg7[%dma_wait3A_1347, %dma_wait3A_1348, %dma_wait3A_1353] : memref<2x2x2000xi32, #tpu.memory_space<vmem>> -> memref<1x1x128xi32, #tpu.memory_space<vmem>>
    %dma_wait3A_1355 = tpu.memref_squeeze %dma_wait3A_1354 : memref<1x1x128xi32, #tpu.memory_space<vmem>> -> memref<128xi32, #tpu.memory_space<vmem>>
    %dma_wait3A_1356 = arith.constant 0 : i32
    %dma_wait3A_1357 = arith.constant 0 : i32
    %dma_wait3A_1358 = tpu.memref_slice %arg6[%dma_wait3A_1356, %dma_wait3A_1357] : memref<10240x16xf32, #tpu.memory_space<vmem_shared>> -> memref<10240x16xf32, #tpu.memory_space<vmem_shared>>
    tpu.wait_indirect_dma semaphore(%arg10 : memref<!tpu.dma_semaphore, #tpu.memory_space<semaphore_mem>>) src(%dma_wait3A_1352 : memref<128x16xf32, #tpu.memory_space<vmem>>) dst(%dma_wait3A_1358 : memref<10240x16xf32, #tpu.memory_space<vmem_shared>>)
    %dma_wait3A_1359 = arith.constant 0 : i32
    %dma_wait3A_1360 = arith.constant 0 : i32
    %dma_wait3A_1361 = arith.constant 1 : i32
    %dma_wait3A_1362 = arith.constant 1152 : i32
    %dma_wait3A_1363 = arith.constant 0 : i32
    %dma_wait3A_1364 = tpu.memref_slice %arg8[%dma_wait3A_1359, %dma_wait3A_1362, %dma_wait3A_1363] : memref<2x2000x16xf32, #tpu.memory_space<vmem>> -> memref<1x128x16xf32, #tpu.memory_space<vmem>>
    %dma_wait3A_1365 = tpu.memref_squeeze %dma_wait3A_1364 : memref<1x128x16xf32, #tpu.memory_space<vmem>> -> memref<128x16xf32, #tpu.memory_space<vmem>>
    %dma_wait3A_1366 = arith.constant 1152 : i32
    %dma_wait3A_1367 = tpu.memref_slice %arg7[%dma_wait3A_1360, %dma_wait3A_1361, %dma_wait3A_1366] : memref<2x2x2000xi32, #tpu.memory_space<vmem>> -> memref<1x1x128xi32, #tpu.memory_space<vmem>>
    %dma_wait3A_1368 = tpu.memref_squeeze %dma_wait3A_1367 : memref<1x1x128xi32, #tpu.memory_space<vmem>> -> memref<128xi32, #tpu.memory_space<vmem>>
    %dma_wait3A_1369 = arith.constant 0 : i32
    %dma_wait3A_1370 = arith.constant 0 : i32
    %dma_wait3A_1371 = tpu.memref_slice %arg6[%dma_wait3A_1369, %dma_wait3A_1370] : memref<10240x16xf32, #tpu.memory_space<vmem_shared>> -> memref<10240x16xf32, #tpu.memory_space<vmem_shared>>
    tpu.wait_indirect_dma semaphore(%arg10 : memref<!tpu.dma_semaphore, #tpu.memory_space<semaphore_mem>>) src(%dma_wait3A_1365 : memref<128x16xf32, #tpu.memory_space<vmem>>) dst(%dma_wait3A_1371 : memref<10240x16xf32, #tpu.memory_space<vmem_shared>>)
    %dma_wait3A_1372 = arith.constant 0 : i32
    %dma_wait3A_1373 = arith.constant 0 : i32
    %dma_wait3A_1374 = arith.constant 1 : i32
    %dma_wait3A_1375 = arith.constant 1280 : i32
    %dma_wait3A_1376 = arith.constant 0 : i32
    %dma_wait3A_1377 = tpu.memref_slice %arg8[%dma_wait3A_1372, %dma_wait3A_1375, %dma_wait3A_1376] : memref<2x2000x16xf32, #tpu.memory_space<vmem>> -> memref<1x128x16xf32, #tpu.memory_space<vmem>>
    %dma_wait3A_1378 = tpu.memref_squeeze %dma_wait3A_1377 : memref<1x128x16xf32, #tpu.memory_space<vmem>> -> memref<128x16xf32, #tpu.memory_space<vmem>>
    %dma_wait3A_1379 = arith.constant 1280 : i32
    %dma_wait3A_1380 = tpu.memref_slice %arg7[%dma_wait3A_1373, %dma_wait3A_1374, %dma_wait3A_1379] : memref<2x2x2000xi32, #tpu.memory_space<vmem>> -> memref<1x1x128xi32, #tpu.memory_space<vmem>>
    %dma_wait3A_1381 = tpu.memref_squeeze %dma_wait3A_1380 : memref<1x1x128xi32, #tpu.memory_space<vmem>> -> memref<128xi32, #tpu.memory_space<vmem>>
    %dma_wait3A_1382 = arith.constant 0 : i32
    %dma_wait3A_1383 = arith.constant 0 : i32
    %dma_wait3A_1384 = tpu.memref_slice %arg6[%dma_wait3A_1382, %dma_wait3A_1383] : memref<10240x16xf32, #tpu.memory_space<vmem_shared>> -> memref<10240x16xf32, #tpu.memory_space<vmem_shared>>
    tpu.wait_indirect_dma semaphore(%arg10 : memref<!tpu.dma_semaphore, #tpu.memory_space<semaphore_mem>>) src(%dma_wait3A_1378 : memref<128x16xf32, #tpu.memory_space<vmem>>) dst(%dma_wait3A_1384 : memref<10240x16xf32, #tpu.memory_space<vmem_shared>>)
    %dma_wait3A_1385 = arith.constant 0 : i32
    %dma_wait3A_1386 = arith.constant 0 : i32
    %dma_wait3A_1387 = arith.constant 1 : i32
    %dma_wait3A_1388 = arith.constant 1408 : i32
    %dma_wait3A_1389 = arith.constant 0 : i32
    %dma_wait3A_1390 = tpu.memref_slice %arg8[%dma_wait3A_1385, %dma_wait3A_1388, %dma_wait3A_1389] : memref<2x2000x16xf32, #tpu.memory_space<vmem>> -> memref<1x128x16xf32, #tpu.memory_space<vmem>>
    %dma_wait3A_1391 = tpu.memref_squeeze %dma_wait3A_1390 : memref<1x128x16xf32, #tpu.memory_space<vmem>> -> memref<128x16xf32, #tpu.memory_space<vmem>>
    %dma_wait3A_1392 = arith.constant 1408 : i32
    %dma_wait3A_1393 = tpu.memref_slice %arg7[%dma_wait3A_1386, %dma_wait3A_1387, %dma_wait3A_1392] : memref<2x2x2000xi32, #tpu.memory_space<vmem>> -> memref<1x1x128xi32, #tpu.memory_space<vmem>>
    %dma_wait3A_1394 = tpu.memref_squeeze %dma_wait3A_1393 : memref<1x1x128xi32, #tpu.memory_space<vmem>> -> memref<128xi32, #tpu.memory_space<vmem>>
    %dma_wait3A_1395 = arith.constant 0 : i32
    %dma_wait3A_1396 = arith.constant 0 : i32
    %dma_wait3A_1397 = tpu.memref_slice %arg6[%dma_wait3A_1395, %dma_wait3A_1396] : memref<10240x16xf32, #tpu.memory_space<vmem_shared>> -> memref<10240x16xf32, #tpu.memory_space<vmem_shared>>
    tpu.wait_indirect_dma semaphore(%arg10 : memref<!tpu.dma_semaphore, #tpu.memory_space<semaphore_mem>>) src(%dma_wait3A_1391 : memref<128x16xf32, #tpu.memory_space<vmem>>) dst(%dma_wait3A_1397 : memref<10240x16xf32, #tpu.memory_space<vmem_shared>>)
    %dma_wait3A_1398 = arith.constant 0 : i32
    %dma_wait3A_1399 = arith.constant 0 : i32
    %dma_wait3A_1400 = arith.constant 1 : i32
    %dma_wait3A_1401 = arith.constant 1536 : i32
    %dma_wait3A_1402 = arith.constant 0 : i32
    %dma_wait3A_1403 = tpu.memref_slice %arg8[%dma_wait3A_1398, %dma_wait3A_1401, %dma_wait3A_1402] : memref<2x2000x16xf32, #tpu.memory_space<vmem>> -> memref<1x128x16xf32, #tpu.memory_space<vmem>>
    %dma_wait3A_1404 = tpu.memref_squeeze %dma_wait3A_1403 : memref<1x128x16xf32, #tpu.memory_space<vmem>> -> memref<128x16xf32, #tpu.memory_space<vmem>>
    %dma_wait3A_1405 = arith.constant 1536 : i32
    %dma_wait3A_1406 = tpu.memref_slice %arg7[%dma_wait3A_1399, %dma_wait3A_1400, %dma_wait3A_1405] : memref<2x2x2000xi32, #tpu.memory_space<vmem>> -> memref<1x1x128xi32, #tpu.memory_space<vmem>>
    %dma_wait3A_1407 = tpu.memref_squeeze %dma_wait3A_1406 : memref<1x1x128xi32, #tpu.memory_space<vmem>> -> memref<128xi32, #tpu.memory_space<vmem>>
    %dma_wait3A_1408 = arith.constant 0 : i32
    %dma_wait3A_1409 = arith.constant 0 : i32
    %dma_wait3A_1410 = tpu.memref_slice %arg6[%dma_wait3A_1408, %dma_wait3A_1409] : memref<10240x16xf32, #tpu.memory_space<vmem_shared>> -> memref<10240x16xf32, #tpu.memory_space<vmem_shared>>
    tpu.wait_indirect_dma semaphore(%arg10 : memref<!tpu.dma_semaphore, #tpu.memory_space<semaphore_mem>>) src(%dma_wait3A_1404 : memref<128x16xf32, #tpu.memory_space<vmem>>) dst(%dma_wait3A_1410 : memref<10240x16xf32, #tpu.memory_space<vmem_shared>>)
    %dma_wait3A_1411 = arith.constant 0 : i32
    %dma_wait3A_1412 = arith.constant 0 : i32
    %dma_wait3A_1413 = arith.constant 1 : i32
    %dma_wait3A_1414 = arith.constant 1664 : i32
    %dma_wait3A_1415 = arith.constant 0 : i32
    %dma_wait3A_1416 = tpu.memref_slice %arg8[%dma_wait3A_1411, %dma_wait3A_1414, %dma_wait3A_1415] : memref<2x2000x16xf32, #tpu.memory_space<vmem>> -> memref<1x128x16xf32, #tpu.memory_space<vmem>>
    %dma_wait3A_1417 = tpu.memref_squeeze %dma_wait3A_1416 : memref<1x128x16xf32, #tpu.memory_space<vmem>> -> memref<128x16xf32, #tpu.memory_space<vmem>>
    %dma_wait3A_1418 = arith.constant 1664 : i32
    %dma_wait3A_1419 = tpu.memref_slice %arg7[%dma_wait3A_1412, %dma_wait3A_1413, %dma_wait3A_1418] : memref<2x2x2000xi32, #tpu.memory_space<vmem>> -> memref<1x1x128xi32, #tpu.memory_space<vmem>>
    %dma_wait3A_1420 = tpu.memref_squeeze %dma_wait3A_1419 : memref<1x1x128xi32, #tpu.memory_space<vmem>> -> memref<128xi32, #tpu.memory_space<vmem>>
    %dma_wait3A_1421 = arith.constant 0 : i32
    %dma_wait3A_1422 = arith.constant 0 : i32
    %dma_wait3A_1423 = tpu.memref_slice %arg6[%dma_wait3A_1421, %dma_wait3A_1422] : memref<10240x16xf32, #tpu.memory_space<vmem_shared>> -> memref<10240x16xf32, #tpu.memory_space<vmem_shared>>
    tpu.wait_indirect_dma semaphore(%arg10 : memref<!tpu.dma_semaphore, #tpu.memory_space<semaphore_mem>>) src(%dma_wait3A_1417 : memref<128x16xf32, #tpu.memory_space<vmem>>) dst(%dma_wait3A_1423 : memref<10240x16xf32, #tpu.memory_space<vmem_shared>>)
    %dma_wait3A_1424 = arith.constant 0 : i32
    %dma_wait3A_1425 = arith.constant 0 : i32
    %dma_wait3A_1426 = arith.constant 1 : i32
    %dma_wait3A_1427 = arith.constant 1792 : i32
    %dma_wait3A_1428 = arith.constant 0 : i32
    %dma_wait3A_1429 = tpu.memref_slice %arg8[%dma_wait3A_1424, %dma_wait3A_1427, %dma_wait3A_1428] : memref<2x2000x16xf32, #tpu.memory_space<vmem>> -> memref<1x128x16xf32, #tpu.memory_space<vmem>>
    %dma_wait3A_1430 = tpu.memref_squeeze %dma_wait3A_1429 : memref<1x128x16xf32, #tpu.memory_space<vmem>> -> memref<128x16xf32, #tpu.memory_space<vmem>>
    %dma_wait3A_1431 = arith.constant 1792 : i32
    %dma_wait3A_1432 = tpu.memref_slice %arg7[%dma_wait3A_1425, %dma_wait3A_1426, %dma_wait3A_1431] : memref<2x2x2000xi32, #tpu.memory_space<vmem>> -> memref<1x1x128xi32, #tpu.memory_space<vmem>>
    %dma_wait3A_1433 = tpu.memref_squeeze %dma_wait3A_1432 : memref<1x1x128xi32, #tpu.memory_space<vmem>> -> memref<128xi32, #tpu.memory_space<vmem>>
    %dma_wait3A_1434 = arith.constant 0 : i32
    %dma_wait3A_1435 = arith.constant 0 : i32
    %dma_wait3A_1436 = tpu.memref_slice %arg6[%dma_wait3A_1434, %dma_wait3A_1435] : memref<10240x16xf32, #tpu.memory_space<vmem_shared>> -> memref<10240x16xf32, #tpu.memory_space<vmem_shared>>
    tpu.wait_indirect_dma semaphore(%arg10 : memref<!tpu.dma_semaphore, #tpu.memory_space<semaphore_mem>>) src(%dma_wait3A_1430 : memref<128x16xf32, #tpu.memory_space<vmem>>) dst(%dma_wait3A_1436 : memref<10240x16xf32, #tpu.memory_space<vmem_shared>>)
    %dma_wait3A_1437 = arith.constant 0 : i32
    %dma_wait3A_1438 = arith.constant 0 : i32
    %dma_wait3A_1439 = arith.constant 1 : i32
    %dma_wait3A_1440 = arith.constant 1920 : i32
    %dma_wait3A_1441 = arith.constant 0 : i32
    %dma_wait3A_1442 = tpu.memref_slice %arg8[%dma_wait3A_1437, %dma_wait3A_1440, %dma_wait3A_1441] : memref<2x2000x16xf32, #tpu.memory_space<vmem>> -> memref<1x80x16xf32, #tpu.memory_space<vmem>>
    %dma_wait3A_1443 = tpu.memref_squeeze %dma_wait3A_1442 : memref<1x80x16xf32, #tpu.memory_space<vmem>> -> memref<80x16xf32, #tpu.memory_space<vmem>>
    %dma_wait3A_1444 = arith.constant 1920 : i32
    %dma_wait3A_1445 = tpu.memref_slice %arg7[%dma_wait3A_1438, %dma_wait3A_1439, %dma_wait3A_1444] : memref<2x2x2000xi32, #tpu.memory_space<vmem>> -> memref<1x1x80xi32, #tpu.memory_space<vmem>>
    %dma_wait3A_1446 = tpu.memref_squeeze %dma_wait3A_1445 : memref<1x1x80xi32, #tpu.memory_space<vmem>> -> memref<80xi32, #tpu.memory_space<vmem>>
    %dma_wait3A_1447 = arith.constant 0 : i32
    %dma_wait3A_1448 = arith.constant 0 : i32
    %dma_wait3A_1449 = tpu.memref_slice %arg6[%dma_wait3A_1447, %dma_wait3A_1448] : memref<10240x16xf32, #tpu.memory_space<vmem_shared>> -> memref<10240x16xf32, #tpu.memory_space<vmem_shared>>
    tpu.wait_indirect_dma semaphore(%arg10 : memref<!tpu.dma_semaphore, #tpu.memory_space<semaphore_mem>>) src(%dma_wait3A_1443 : memref<80x16xf32, #tpu.memory_space<vmem>>) dst(%dma_wait3A_1449 : memref<10240x16xf32, #tpu.memory_space<vmem_shared>>)
    %dma_wait3A_1450 = arith.constant 1 : i32
    %dma_wait3A_1451 = arith.constant 0 : i32
    %dma_wait3A_1452 = arith.constant 0 : i32
    %dma_wait3A_1453 = tpu.memref_slice %arg7[%dma_wait3A_1450, %dma_wait3A_1451, %dma_wait3A_1452] : memref<2x2x2000xi32, #tpu.memory_space<vmem>> -> memref<1x2x2000xi32, #tpu.memory_space<vmem>>
    %dma_wait3A_1454 = tpu.memref_squeeze %dma_wait3A_1453 : memref<1x2x2000xi32, #tpu.memory_space<vmem>> -> memref<2x2000xi32, #tpu.memory_space<vmem>>
    %dma_wait3A_1455 = arith.constant 0 : i32
    %dma_wait3A_1456 = tpu.memref_slice %arg2[%dma_wait3A_1455, %multiple_of3A_1007] : memref<2x320000xi32, #tpu.memory_space<hbm>> -> memref<2x2000xi32, #tpu.memory_space<hbm>>
    %dma_wait3A_1457 = arith.constant 0 : i32
    %dma_wait3A_1458 = arith.constant 0 : i32
    %dma_wait3A_1459 = tpu.memref_slice %arg7[%dma_wait3A_1450, %dma_wait3A_1457, %dma_wait3A_1458] : memref<2x2x2000xi32, #tpu.memory_space<vmem>> -> memref<1x2x2000xi32, #tpu.memory_space<vmem>>
    %dma_wait3A_1460 = tpu.memref_squeeze %dma_wait3A_1459 : memref<1x2x2000xi32, #tpu.memory_space<vmem>> -> memref<2x2000xi32, #tpu.memory_space<vmem>>
    %dma_wait3A_1461 = arith.constant 0 : i32
    %dma_wait3A_1462 = tpu.memref_slice %arg2[%dma_wait3A_1461, %multiple_of3A_1007] : memref<2x320000xi32, #tpu.memory_space<hbm>> -> memref<2x2000xi32, #tpu.memory_space<hbm>>
    tpu.wait_dma2 semaphore(%arg9 : memref<!tpu.dma_semaphore, #tpu.memory_space<semaphore_mem>>) src(%dma_wait3A_1462 : memref<2x2000xi32, #tpu.memory_space<hbm>>) dst(%dma_wait3A_1460 : memref<2x2000xi32, #tpu.memory_space<vmem>>)
    %dma_wait3A_1463 = arith.constant 1 : i32
    %dma_wait3A_1464 = arith.constant 0 : i32
    %dma_wait3A_1465 = arith.constant 0 : i32
    %dma_wait3A_1466 = tpu.memref_slice %arg8[%dma_wait3A_1463, %dma_wait3A_1464, %dma_wait3A_1465] : memref<2x2000x16xf32, #tpu.memory_space<vmem>> -> memref<1x2000x16xf32, #tpu.memory_space<vmem>>
    %dma_wait3A_1467 = tpu.memref_squeeze %dma_wait3A_1466 : memref<1x2000x16xf32, #tpu.memory_space<vmem>> -> memref<2000x16xf32, #tpu.memory_space<vmem>>
    %dma_wait3A_1468 = arith.constant 0 : i32
    %dma_wait3A_1469 = tpu.memref_slice %arg3[%multiple_of3A_1007, %dma_wait3A_1468] : memref<320000x16xf32, #tpu.memory_space<hbm>> -> memref<2000x16xf32, #tpu.memory_space<hbm>>
    %dma_wait3A_1470 = arith.constant 0 : i32
    %dma_wait3A_1471 = arith.constant 0 : i32
    %dma_wait3A_1472 = tpu.memref_slice %arg8[%dma_wait3A_1463, %dma_wait3A_1470, %dma_wait3A_1471] : memref<2x2000x16xf32, #tpu.memory_space<vmem>> -> memref<1x2000x16xf32, #tpu.memory_space<vmem>>
    %dma_wait3A_1473 = tpu.memref_squeeze %dma_wait3A_1472 : memref<1x2000x16xf32, #tpu.memory_space<vmem>> -> memref<2000x16xf32, #tpu.memory_space<vmem>>
    %dma_wait3A_1474 = arith.constant 0 : i32
    %dma_wait3A_1475 = tpu.memref_slice %arg3[%multiple_of3A_1007, %dma_wait3A_1474] : memref<320000x16xf32, #tpu.memory_space<hbm>> -> memref<2000x16xf32, #tpu.memory_space<hbm>>
    tpu.wait_dma2 semaphore(%arg9 : memref<!tpu.dma_semaphore, #tpu.memory_space<semaphore_mem>>) src(%dma_wait3A_1475 : memref<2000x16xf32, #tpu.memory_space<hbm>>) dst(%dma_wait3A_1473 : memref<2000x16xf32, #tpu.memory_space<vmem>>)
    %mul3A_1476 = arith.constant 10000 : i32
    %mul3A_1477 = arith.muli %add3A, %mul3A_1476 : i32
    %add3A_1478 = arith.constant 8000 : i32
    %add3A_1479 = arith.addi %mul3A_1477, %add3A_1478 : i32
    %multiple_of3A_1480 = tpu.assume_multiple %add3A_1479, 2000 : i32
    %dma_start3A_1481 = arith.constant 0 : i32
    %dma_start3A_1482 = arith.constant 0 : i32
    %dma_start3A_1483 = arith.constant 0 : i32
    %dma_start3A_1484 = tpu.memref_slice %arg7[%dma_start3A_1481, %dma_start3A_1482, %dma_start3A_1483] : memref<2x2x2000xi32, #tpu.memory_space<vmem>> -> memref<1x2x2000xi32, #tpu.memory_space<vmem>>
    %dma_start3A_1485 = tpu.memref_squeeze %dma_start3A_1484 : memref<1x2x2000xi32, #tpu.memory_space<vmem>> -> memref<2x2000xi32, #tpu.memory_space<vmem>>
    %dma_start3A_1486 = arith.constant 0 : i32
    %dma_start3A_1487 = tpu.memref_slice %arg2[%dma_start3A_1486, %multiple_of3A_1480] : memref<2x320000xi32, #tpu.memory_space<hbm>> -> memref<2x2000xi32, #tpu.memory_space<hbm>>
    %dma_start3A_1488 = arith.constant 0 : i32
    %dma_start3A_1489 = arith.constant 0 : i32
    %dma_start3A_1490 = tpu.memref_slice %arg7[%dma_start3A_1481, %dma_start3A_1488, %dma_start3A_1489] : memref<2x2x2000xi32, #tpu.memory_space<vmem>> -> memref<1x2x2000xi32, #tpu.memory_space<vmem>>
    %dma_start3A_1491 = tpu.memref_squeeze %dma_start3A_1490 : memref<1x2x2000xi32, #tpu.memory_space<vmem>> -> memref<2x2000xi32, #tpu.memory_space<vmem>>
    %dma_start3A_1492 = arith.constant 0 : i32
    %dma_start3A_1493 = tpu.memref_slice %arg2[%dma_start3A_1492, %multiple_of3A_1480] : memref<2x320000xi32, #tpu.memory_space<hbm>> -> memref<2x2000xi32, #tpu.memory_space<hbm>>
    tpu.enqueue_dma source(%dma_start3A_1493 : memref<2x2000xi32, #tpu.memory_space<hbm>>) target(%dma_start3A_1491 : memref<2x2000xi32, #tpu.memory_space<vmem>>) target_semaphore(%arg9 : memref<!tpu.dma_semaphore, #tpu.memory_space<semaphore_mem>>)
    %dma_start3A_1494 = arith.constant 0 : i32
    %dma_start3A_1495 = arith.constant 0 : i32
    %dma_start3A_1496 = arith.constant 0 : i32
    %dma_start3A_1497 = tpu.memref_slice %arg8[%dma_start3A_1494, %dma_start3A_1495, %dma_start3A_1496] : memref<2x2000x16xf32, #tpu.memory_space<vmem>> -> memref<1x2000x16xf32, #tpu.memory_space<vmem>>
    %dma_start3A_1498 = tpu.memref_squeeze %dma_start3A_1497 : memref<1x2000x16xf32, #tpu.memory_space<vmem>> -> memref<2000x16xf32, #tpu.memory_space<vmem>>
    %dma_start3A_1499 = arith.constant 0 : i32
    %dma_start3A_1500 = tpu.memref_slice %arg3[%multiple_of3A_1480, %dma_start3A_1499] : memref<320000x16xf32, #tpu.memory_space<hbm>> -> memref<2000x16xf32, #tpu.memory_space<hbm>>
    %dma_start3A_1501 = arith.constant 0 : i32
    %dma_start3A_1502 = arith.constant 0 : i32
    %dma_start3A_1503 = tpu.memref_slice %arg8[%dma_start3A_1494, %dma_start3A_1501, %dma_start3A_1502] : memref<2x2000x16xf32, #tpu.memory_space<vmem>> -> memref<1x2000x16xf32, #tpu.memory_space<vmem>>
    %dma_start3A_1504 = tpu.memref_squeeze %dma_start3A_1503 : memref<1x2000x16xf32, #tpu.memory_space<vmem>> -> memref<2000x16xf32, #tpu.memory_space<vmem>>
    %dma_start3A_1505 = arith.constant 0 : i32
    %dma_start3A_1506 = tpu.memref_slice %arg3[%multiple_of3A_1480, %dma_start3A_1505] : memref<320000x16xf32, #tpu.memory_space<hbm>> -> memref<2000x16xf32, #tpu.memory_space<hbm>>
    tpu.enqueue_dma source(%dma_start3A_1506 : memref<2000x16xf32, #tpu.memory_space<hbm>>) target(%dma_start3A_1504 : memref<2000x16xf32, #tpu.memory_space<vmem>>) target_semaphore(%arg9 : memref<!tpu.dma_semaphore, #tpu.memory_space<semaphore_mem>>)
    %dma_start3A_1507 = arith.constant 1 : i32
    %dma_start3A_1508 = arith.constant 1 : i32
    %dma_start3A_1509 = arith.constant 1 : i32
    %dma_start3A_1510 = arith.constant 0 : i32
    %dma_start3A_1511 = arith.constant 0 : i32
    %dma_start3A_1512 = tpu.memref_slice %arg8[%dma_start3A_1507, %dma_start3A_1510, %dma_start3A_1511] : memref<2x2000x16xf32, #tpu.memory_space<vmem>> -> memref<1x128x16xf32, #tpu.memory_space<vmem>>
    %dma_start3A_1513 = tpu.memref_squeeze %dma_start3A_1512 : memref<1x128x16xf32, #tpu.memory_space<vmem>> -> memref<128x16xf32, #tpu.memory_space<vmem>>
    %dma_start3A_1514 = arith.constant 0 : i32
    %dma_start3A_1515 = tpu.memref_slice %arg7[%dma_start3A_1508, %dma_start3A_1509, %dma_start3A_1514] : memref<2x2x2000xi32, #tpu.memory_space<vmem>> -> memref<1x1x128xi32, #tpu.memory_space<vmem>>
    %dma_start3A_1516 = tpu.memref_squeeze %dma_start3A_1515 : memref<1x1x128xi32, #tpu.memory_space<vmem>> -> memref<128xi32, #tpu.memory_space<vmem>>
    %dma_start3A_1517 = arith.constant 0 : i32
    %dma_start3A_1518 = arith.constant 0 : i32
    %dma_start3A_1519 = tpu.memref_slice %arg6[%dma_start3A_1517, %dma_start3A_1518] : memref<10240x16xf32, #tpu.memory_space<vmem_shared>> -> memref<10240x16xf32, #tpu.memory_space<vmem_shared>>
    tpu.enqueue_indirect_dma source(%dma_start3A_1513 : memref<128x16xf32, #tpu.memory_space<vmem>>) target(%dma_start3A_1519 : memref<10240x16xf32, #tpu.memory_space<vmem_shared>>) offsets(%dma_start3A_1516 : memref<128xi32, #tpu.memory_space<vmem>>) semaphore(%arg10 : memref<!tpu.dma_semaphore, #tpu.memory_space<semaphore_mem>>) {add = true}
    %dma_start3A_1520 = arith.constant 1 : i32
    %dma_start3A_1521 = arith.constant 1 : i32
    %dma_start3A_1522 = arith.constant 1 : i32
    %dma_start3A_1523 = arith.constant 128 : i32
    %dma_start3A_1524 = arith.constant 0 : i32
    %dma_start3A_1525 = tpu.memref_slice %arg8[%dma_start3A_1520, %dma_start3A_1523, %dma_start3A_1524] : memref<2x2000x16xf32, #tpu.memory_space<vmem>> -> memref<1x128x16xf32, #tpu.memory_space<vmem>>
    %dma_start3A_1526 = tpu.memref_squeeze %dma_start3A_1525 : memref<1x128x16xf32, #tpu.memory_space<vmem>> -> memref<128x16xf32, #tpu.memory_space<vmem>>
    %dma_start3A_1527 = arith.constant 128 : i32
    %dma_start3A_1528 = tpu.memref_slice %arg7[%dma_start3A_1521, %dma_start3A_1522, %dma_start3A_1527] : memref<2x2x2000xi32, #tpu.memory_space<vmem>> -> memref<1x1x128xi32, #tpu.memory_space<vmem>>
    %dma_start3A_1529 = tpu.memref_squeeze %dma_start3A_1528 : memref<1x1x128xi32, #tpu.memory_space<vmem>> -> memref<128xi32, #tpu.memory_space<vmem>>
    %dma_start3A_1530 = arith.constant 0 : i32
    %dma_start3A_1531 = arith.constant 0 : i32
    %dma_start3A_1532 = tpu.memref_slice %arg6[%dma_start3A_1530, %dma_start3A_1531] : memref<10240x16xf32, #tpu.memory_space<vmem_shared>> -> memref<10240x16xf32, #tpu.memory_space<vmem_shared>>
    tpu.enqueue_indirect_dma source(%dma_start3A_1526 : memref<128x16xf32, #tpu.memory_space<vmem>>) target(%dma_start3A_1532 : memref<10240x16xf32, #tpu.memory_space<vmem_shared>>) offsets(%dma_start3A_1529 : memref<128xi32, #tpu.memory_space<vmem>>) semaphore(%arg10 : memref<!tpu.dma_semaphore, #tpu.memory_space<semaphore_mem>>) {add = true}
    %dma_start3A_1533 = arith.constant 1 : i32
    %dma_start3A_1534 = arith.constant 1 : i32
    %dma_start3A_1535 = arith.constant 1 : i32
    %dma_start3A_1536 = arith.constant 256 : i32
    %dma_start3A_1537 = arith.constant 0 : i32
    %dma_start3A_1538 = tpu.memref_slice %arg8[%dma_start3A_1533, %dma_start3A_1536, %dma_start3A_1537] : memref<2x2000x16xf32, #tpu.memory_space<vmem>> -> memref<1x128x16xf32, #tpu.memory_space<vmem>>
    %dma_start3A_1539 = tpu.memref_squeeze %dma_start3A_1538 : memref<1x128x16xf32, #tpu.memory_space<vmem>> -> memref<128x16xf32, #tpu.memory_space<vmem>>
    %dma_start3A_1540 = arith.constant 256 : i32
    %dma_start3A_1541 = tpu.memref_slice %arg7[%dma_start3A_1534, %dma_start3A_1535, %dma_start3A_1540] : memref<2x2x2000xi32, #tpu.memory_space<vmem>> -> memref<1x1x128xi32, #tpu.memory_space<vmem>>
    %dma_start3A_1542 = tpu.memref_squeeze %dma_start3A_1541 : memref<1x1x128xi32, #tpu.memory_space<vmem>> -> memref<128xi32, #tpu.memory_space<vmem>>
    %dma_start3A_1543 = arith.constant 0 : i32
    %dma_start3A_1544 = arith.constant 0 : i32
    %dma_start3A_1545 = tpu.memref_slice %arg6[%dma_start3A_1543, %dma_start3A_1544] : memref<10240x16xf32, #tpu.memory_space<vmem_shared>> -> memref<10240x16xf32, #tpu.memory_space<vmem_shared>>
    tpu.enqueue_indirect_dma source(%dma_start3A_1539 : memref<128x16xf32, #tpu.memory_space<vmem>>) target(%dma_start3A_1545 : memref<10240x16xf32, #tpu.memory_space<vmem_shared>>) offsets(%dma_start3A_1542 : memref<128xi32, #tpu.memory_space<vmem>>) semaphore(%arg10 : memref<!tpu.dma_semaphore, #tpu.memory_space<semaphore_mem>>) {add = true}
    %dma_start3A_1546 = arith.constant 1 : i32
    %dma_start3A_1547 = arith.constant 1 : i32
    %dma_start3A_1548 = arith.constant 1 : i32
    %dma_start3A_1549 = arith.constant 384 : i32
    %dma_start3A_1550 = arith.constant 0 : i32
    %dma_start3A_1551 = tpu.memref_slice %arg8[%dma_start3A_1546, %dma_start3A_1549, %dma_start3A_1550] : memref<2x2000x16xf32, #tpu.memory_space<vmem>> -> memref<1x128x16xf32, #tpu.memory_space<vmem>>
    %dma_start3A_1552 = tpu.memref_squeeze %dma_start3A_1551 : memref<1x128x16xf32, #tpu.memory_space<vmem>> -> memref<128x16xf32, #tpu.memory_space<vmem>>
    %dma_start3A_1553 = arith.constant 384 : i32
    %dma_start3A_1554 = tpu.memref_slice %arg7[%dma_start3A_1547, %dma_start3A_1548, %dma_start3A_1553] : memref<2x2x2000xi32, #tpu.memory_space<vmem>> -> memref<1x1x128xi32, #tpu.memory_space<vmem>>
    %dma_start3A_1555 = tpu.memref_squeeze %dma_start3A_1554 : memref<1x1x128xi32, #tpu.memory_space<vmem>> -> memref<128xi32, #tpu.memory_space<vmem>>
    %dma_start3A_1556 = arith.constant 0 : i32
    %dma_start3A_1557 = arith.constant 0 : i32
    %dma_start3A_1558 = tpu.memref_slice %arg6[%dma_start3A_1556, %dma_start3A_1557] : memref<10240x16xf32, #tpu.memory_space<vmem_shared>> -> memref<10240x16xf32, #tpu.memory_space<vmem_shared>>
    tpu.enqueue_indirect_dma source(%dma_start3A_1552 : memref<128x16xf32, #tpu.memory_space<vmem>>) target(%dma_start3A_1558 : memref<10240x16xf32, #tpu.memory_space<vmem_shared>>) offsets(%dma_start3A_1555 : memref<128xi32, #tpu.memory_space<vmem>>) semaphore(%arg10 : memref<!tpu.dma_semaphore, #tpu.memory_space<semaphore_mem>>) {add = true}
    %dma_start3A_1559 = arith.constant 1 : i32
    %dma_start3A_1560 = arith.constant 1 : i32
    %dma_start3A_1561 = arith.constant 1 : i32
    %dma_start3A_1562 = arith.constant 512 : i32
    %dma_start3A_1563 = arith.constant 0 : i32
    %dma_start3A_1564 = tpu.memref_slice %arg8[%dma_start3A_1559, %dma_start3A_1562, %dma_start3A_1563] : memref<2x2000x16xf32, #tpu.memory_space<vmem>> -> memref<1x128x16xf32, #tpu.memory_space<vmem>>
    %dma_start3A_1565 = tpu.memref_squeeze %dma_start3A_1564 : memref<1x128x16xf32, #tpu.memory_space<vmem>> -> memref<128x16xf32, #tpu.memory_space<vmem>>
    %dma_start3A_1566 = arith.constant 512 : i32
    %dma_start3A_1567 = tpu.memref_slice %arg7[%dma_start3A_1560, %dma_start3A_1561, %dma_start3A_1566] : memref<2x2x2000xi32, #tpu.memory_space<vmem>> -> memref<1x1x128xi32, #tpu.memory_space<vmem>>
    %dma_start3A_1568 = tpu.memref_squeeze %dma_start3A_1567 : memref<1x1x128xi32, #tpu.memory_space<vmem>> -> memref<128xi32, #tpu.memory_space<vmem>>
    %dma_start3A_1569 = arith.constant 0 : i32
    %dma_start3A_1570 = arith.constant 0 : i32
    %dma_start3A_1571 = tpu.memref_slice %arg6[%dma_start3A_1569, %dma_start3A_1570] : memref<10240x16xf32, #tpu.memory_space<vmem_shared>> -> memref<10240x16xf32, #tpu.memory_space<vmem_shared>>
    tpu.enqueue_indirect_dma source(%dma_start3A_1565 : memref<128x16xf32, #tpu.memory_space<vmem>>) target(%dma_start3A_1571 : memref<10240x16xf32, #tpu.memory_space<vmem_shared>>) offsets(%dma_start3A_1568 : memref<128xi32, #tpu.memory_space<vmem>>) semaphore(%arg10 : memref<!tpu.dma_semaphore, #tpu.memory_space<semaphore_mem>>) {add = true}
    %dma_start3A_1572 = arith.constant 1 : i32
    %dma_start3A_1573 = arith.constant 1 : i32
    %dma_start3A_1574 = arith.constant 1 : i32
    %dma_start3A_1575 = arith.constant 640 : i32
    %dma_start3A_1576 = arith.constant 0 : i32
    %dma_start3A_1577 = tpu.memref_slice %arg8[%dma_start3A_1572, %dma_start3A_1575, %dma_start3A_1576] : memref<2x2000x16xf32, #tpu.memory_space<vmem>> -> memref<1x128x16xf32, #tpu.memory_space<vmem>>
    %dma_start3A_1578 = tpu.memref_squeeze %dma_start3A_1577 : memref<1x128x16xf32, #tpu.memory_space<vmem>> -> memref<128x16xf32, #tpu.memory_space<vmem>>
    %dma_start3A_1579 = arith.constant 640 : i32
    %dma_start3A_1580 = tpu.memref_slice %arg7[%dma_start3A_1573, %dma_start3A_1574, %dma_start3A_1579] : memref<2x2x2000xi32, #tpu.memory_space<vmem>> -> memref<1x1x128xi32, #tpu.memory_space<vmem>>
    %dma_start3A_1581 = tpu.memref_squeeze %dma_start3A_1580 : memref<1x1x128xi32, #tpu.memory_space<vmem>> -> memref<128xi32, #tpu.memory_space<vmem>>
    %dma_start3A_1582 = arith.constant 0 : i32
    %dma_start3A_1583 = arith.constant 0 : i32
    %dma_start3A_1584 = tpu.memref_slice %arg6[%dma_start3A_1582, %dma_start3A_1583] : memref<10240x16xf32, #tpu.memory_space<vmem_shared>> -> memref<10240x16xf32, #tpu.memory_space<vmem_shared>>
    tpu.enqueue_indirect_dma source(%dma_start3A_1578 : memref<128x16xf32, #tpu.memory_space<vmem>>) target(%dma_start3A_1584 : memref<10240x16xf32, #tpu.memory_space<vmem_shared>>) offsets(%dma_start3A_1581 : memref<128xi32, #tpu.memory_space<vmem>>) semaphore(%arg10 : memref<!tpu.dma_semaphore, #tpu.memory_space<semaphore_mem>>) {add = true}
    %dma_start3A_1585 = arith.constant 1 : i32
    %dma_start3A_1586 = arith.constant 1 : i32
    %dma_start3A_1587 = arith.constant 1 : i32
    %dma_start3A_1588 = arith.constant 768 : i32
    %dma_start3A_1589 = arith.constant 0 : i32
    %dma_start3A_1590 = tpu.memref_slice %arg8[%dma_start3A_1585, %dma_start3A_1588, %dma_start3A_1589] : memref<2x2000x16xf32, #tpu.memory_space<vmem>> -> memref<1x128x16xf32, #tpu.memory_space<vmem>>
    %dma_start3A_1591 = tpu.memref_squeeze %dma_start3A_1590 : memref<1x128x16xf32, #tpu.memory_space<vmem>> -> memref<128x16xf32, #tpu.memory_space<vmem>>
    %dma_start3A_1592 = arith.constant 768 : i32
    %dma_start3A_1593 = tpu.memref_slice %arg7[%dma_start3A_1586, %dma_start3A_1587, %dma_start3A_1592] : memref<2x2x2000xi32, #tpu.memory_space<vmem>> -> memref<1x1x128xi32, #tpu.memory_space<vmem>>
    %dma_start3A_1594 = tpu.memref_squeeze %dma_start3A_1593 : memref<1x1x128xi32, #tpu.memory_space<vmem>> -> memref<128xi32, #tpu.memory_space<vmem>>
    %dma_start3A_1595 = arith.constant 0 : i32
    %dma_start3A_1596 = arith.constant 0 : i32
    %dma_start3A_1597 = tpu.memref_slice %arg6[%dma_start3A_1595, %dma_start3A_1596] : memref<10240x16xf32, #tpu.memory_space<vmem_shared>> -> memref<10240x16xf32, #tpu.memory_space<vmem_shared>>
    tpu.enqueue_indirect_dma source(%dma_start3A_1591 : memref<128x16xf32, #tpu.memory_space<vmem>>) target(%dma_start3A_1597 : memref<10240x16xf32, #tpu.memory_space<vmem_shared>>) offsets(%dma_start3A_1594 : memref<128xi32, #tpu.memory_space<vmem>>) semaphore(%arg10 : memref<!tpu.dma_semaphore, #tpu.memory_space<semaphore_mem>>) {add = true}
    %dma_start3A_1598 = arith.constant 1 : i32
    %dma_start3A_1599 = arith.constant 1 : i32
    %dma_start3A_1600 = arith.constant 1 : i32
    %dma_start3A_1601 = arith.constant 896 : i32
    %dma_start3A_1602 = arith.constant 0 : i32
    %dma_start3A_1603 = tpu.memref_slice %arg8[%dma_start3A_1598, %dma_start3A_1601, %dma_start3A_1602] : memref<2x2000x16xf32, #tpu.memory_space<vmem>> -> memref<1x128x16xf32, #tpu.memory_space<vmem>>
    %dma_start3A_1604 = tpu.memref_squeeze %dma_start3A_1603 : memref<1x128x16xf32, #tpu.memory_space<vmem>> -> memref<128x16xf32, #tpu.memory_space<vmem>>
    %dma_start3A_1605 = arith.constant 896 : i32
    %dma_start3A_1606 = tpu.memref_slice %arg7[%dma_start3A_1599, %dma_start3A_1600, %dma_start3A_1605] : memref<2x2x2000xi32, #tpu.memory_space<vmem>> -> memref<1x1x128xi32, #tpu.memory_space<vmem>>
    %dma_start3A_1607 = tpu.memref_squeeze %dma_start3A_1606 : memref<1x1x128xi32, #tpu.memory_space<vmem>> -> memref<128xi32, #tpu.memory_space<vmem>>
    %dma_start3A_1608 = arith.constant 0 : i32
    %dma_start3A_1609 = arith.constant 0 : i32
    %dma_start3A_1610 = tpu.memref_slice %arg6[%dma_start3A_1608, %dma_start3A_1609] : memref<10240x16xf32, #tpu.memory_space<vmem_shared>> -> memref<10240x16xf32, #tpu.memory_space<vmem_shared>>
    tpu.enqueue_indirect_dma source(%dma_start3A_1604 : memref<128x16xf32, #tpu.memory_space<vmem>>) target(%dma_start3A_1610 : memref<10240x16xf32, #tpu.memory_space<vmem_shared>>) offsets(%dma_start3A_1607 : memref<128xi32, #tpu.memory_space<vmem>>) semaphore(%arg10 : memref<!tpu.dma_semaphore, #tpu.memory_space<semaphore_mem>>) {add = true}
    %dma_start3A_1611 = arith.constant 1 : i32
    %dma_start3A_1612 = arith.constant 1 : i32
    %dma_start3A_1613 = arith.constant 1 : i32
    %dma_start3A_1614 = arith.constant 1024 : i32
    %dma_start3A_1615 = arith.constant 0 : i32
    %dma_start3A_1616 = tpu.memref_slice %arg8[%dma_start3A_1611, %dma_start3A_1614, %dma_start3A_1615] : memref<2x2000x16xf32, #tpu.memory_space<vmem>> -> memref<1x128x16xf32, #tpu.memory_space<vmem>>
    %dma_start3A_1617 = tpu.memref_squeeze %dma_start3A_1616 : memref<1x128x16xf32, #tpu.memory_space<vmem>> -> memref<128x16xf32, #tpu.memory_space<vmem>>
    %dma_start3A_1618 = arith.constant 1024 : i32
    %dma_start3A_1619 = tpu.memref_slice %arg7[%dma_start3A_1612, %dma_start3A_1613, %dma_start3A_1618] : memref<2x2x2000xi32, #tpu.memory_space<vmem>> -> memref<1x1x128xi32, #tpu.memory_space<vmem>>
    %dma_start3A_1620 = tpu.memref_squeeze %dma_start3A_1619 : memref<1x1x128xi32, #tpu.memory_space<vmem>> -> memref<128xi32, #tpu.memory_space<vmem>>
    %dma_start3A_1621 = arith.constant 0 : i32
    %dma_start3A_1622 = arith.constant 0 : i32
    %dma_start3A_1623 = tpu.memref_slice %arg6[%dma_start3A_1621, %dma_start3A_1622] : memref<10240x16xf32, #tpu.memory_space<vmem_shared>> -> memref<10240x16xf32, #tpu.memory_space<vmem_shared>>
    tpu.enqueue_indirect_dma source(%dma_start3A_1617 : memref<128x16xf32, #tpu.memory_space<vmem>>) target(%dma_start3A_1623 : memref<10240x16xf32, #tpu.memory_space<vmem_shared>>) offsets(%dma_start3A_1620 : memref<128xi32, #tpu.memory_space<vmem>>) semaphore(%arg10 : memref<!tpu.dma_semaphore, #tpu.memory_space<semaphore_mem>>) {add = true}
    %dma_start3A_1624 = arith.constant 1 : i32
    %dma_start3A_1625 = arith.constant 1 : i32
    %dma_start3A_1626 = arith.constant 1 : i32
    %dma_start3A_1627 = arith.constant 1152 : i32
    %dma_start3A_1628 = arith.constant 0 : i32
    %dma_start3A_1629 = tpu.memref_slice %arg8[%dma_start3A_1624, %dma_start3A_1627, %dma_start3A_1628] : memref<2x2000x16xf32, #tpu.memory_space<vmem>> -> memref<1x128x16xf32, #tpu.memory_space<vmem>>
    %dma_start3A_1630 = tpu.memref_squeeze %dma_start3A_1629 : memref<1x128x16xf32, #tpu.memory_space<vmem>> -> memref<128x16xf32, #tpu.memory_space<vmem>>
    %dma_start3A_1631 = arith.constant 1152 : i32
    %dma_start3A_1632 = tpu.memref_slice %arg7[%dma_start3A_1625, %dma_start3A_1626, %dma_start3A_1631] : memref<2x2x2000xi32, #tpu.memory_space<vmem>> -> memref<1x1x128xi32, #tpu.memory_space<vmem>>
    %dma_start3A_1633 = tpu.memref_squeeze %dma_start3A_1632 : memref<1x1x128xi32, #tpu.memory_space<vmem>> -> memref<128xi32, #tpu.memory_space<vmem>>
    %dma_start3A_1634 = arith.constant 0 : i32
    %dma_start3A_1635 = arith.constant 0 : i32
    %dma_start3A_1636 = tpu.memref_slice %arg6[%dma_start3A_1634, %dma_start3A_1635] : memref<10240x16xf32, #tpu.memory_space<vmem_shared>> -> memref<10240x16xf32, #tpu.memory_space<vmem_shared>>
    tpu.enqueue_indirect_dma source(%dma_start3A_1630 : memref<128x16xf32, #tpu.memory_space<vmem>>) target(%dma_start3A_1636 : memref<10240x16xf32, #tpu.memory_space<vmem_shared>>) offsets(%dma_start3A_1633 : memref<128xi32, #tpu.memory_space<vmem>>) semaphore(%arg10 : memref<!tpu.dma_semaphore, #tpu.memory_space<semaphore_mem>>) {add = true}
    %dma_start3A_1637 = arith.constant 1 : i32
    %dma_start3A_1638 = arith.constant 1 : i32
    %dma_start3A_1639 = arith.constant 1 : i32
    %dma_start3A_1640 = arith.constant 1280 : i32
    %dma_start3A_1641 = arith.constant 0 : i32
    %dma_start3A_1642 = tpu.memref_slice %arg8[%dma_start3A_1637, %dma_start3A_1640, %dma_start3A_1641] : memref<2x2000x16xf32, #tpu.memory_space<vmem>> -> memref<1x128x16xf32, #tpu.memory_space<vmem>>
    %dma_start3A_1643 = tpu.memref_squeeze %dma_start3A_1642 : memref<1x128x16xf32, #tpu.memory_space<vmem>> -> memref<128x16xf32, #tpu.memory_space<vmem>>
    %dma_start3A_1644 = arith.constant 1280 : i32
    %dma_start3A_1645 = tpu.memref_slice %arg7[%dma_start3A_1638, %dma_start3A_1639, %dma_start3A_1644] : memref<2x2x2000xi32, #tpu.memory_space<vmem>> -> memref<1x1x128xi32, #tpu.memory_space<vmem>>
    %dma_start3A_1646 = tpu.memref_squeeze %dma_start3A_1645 : memref<1x1x128xi32, #tpu.memory_space<vmem>> -> memref<128xi32, #tpu.memory_space<vmem>>
    %dma_start3A_1647 = arith.constant 0 : i32
    %dma_start3A_1648 = arith.constant 0 : i32
    %dma_start3A_1649 = tpu.memref_slice %arg6[%dma_start3A_1647, %dma_start3A_1648] : memref<10240x16xf32, #tpu.memory_space<vmem_shared>> -> memref<10240x16xf32, #tpu.memory_space<vmem_shared>>
    tpu.enqueue_indirect_dma source(%dma_start3A_1643 : memref<128x16xf32, #tpu.memory_space<vmem>>) target(%dma_start3A_1649 : memref<10240x16xf32, #tpu.memory_space<vmem_shared>>) offsets(%dma_start3A_1646 : memref<128xi32, #tpu.memory_space<vmem>>) semaphore(%arg10 : memref<!tpu.dma_semaphore, #tpu.memory_space<semaphore_mem>>) {add = true}
    %dma_start3A_1650 = arith.constant 1 : i32
    %dma_start3A_1651 = arith.constant 1 : i32
    %dma_start3A_1652 = arith.constant 1 : i32
    %dma_start3A_1653 = arith.constant 1408 : i32
    %dma_start3A_1654 = arith.constant 0 : i32
    %dma_start3A_1655 = tpu.memref_slice %arg8[%dma_start3A_1650, %dma_start3A_1653, %dma_start3A_1654] : memref<2x2000x16xf32, #tpu.memory_space<vmem>> -> memref<1x128x16xf32, #tpu.memory_space<vmem>>
    %dma_start3A_1656 = tpu.memref_squeeze %dma_start3A_1655 : memref<1x128x16xf32, #tpu.memory_space<vmem>> -> memref<128x16xf32, #tpu.memory_space<vmem>>
    %dma_start3A_1657 = arith.constant 1408 : i32
    %dma_start3A_1658 = tpu.memref_slice %arg7[%dma_start3A_1651, %dma_start3A_1652, %dma_start3A_1657] : memref<2x2x2000xi32, #tpu.memory_space<vmem>> -> memref<1x1x128xi32, #tpu.memory_space<vmem>>
    %dma_start3A_1659 = tpu.memref_squeeze %dma_start3A_1658 : memref<1x1x128xi32, #tpu.memory_space<vmem>> -> memref<128xi32, #tpu.memory_space<vmem>>
    %dma_start3A_1660 = arith.constant 0 : i32
    %dma_start3A_1661 = arith.constant 0 : i32
    %dma_start3A_1662 = tpu.memref_slice %arg6[%dma_start3A_1660, %dma_start3A_1661] : memref<10240x16xf32, #tpu.memory_space<vmem_shared>> -> memref<10240x16xf32, #tpu.memory_space<vmem_shared>>
    tpu.enqueue_indirect_dma source(%dma_start3A_1656 : memref<128x16xf32, #tpu.memory_space<vmem>>) target(%dma_start3A_1662 : memref<10240x16xf32, #tpu.memory_space<vmem_shared>>) offsets(%dma_start3A_1659 : memref<128xi32, #tpu.memory_space<vmem>>) semaphore(%arg10 : memref<!tpu.dma_semaphore, #tpu.memory_space<semaphore_mem>>) {add = true}
    %dma_start3A_1663 = arith.constant 1 : i32
    %dma_start3A_1664 = arith.constant 1 : i32
    %dma_start3A_1665 = arith.constant 1 : i32
    %dma_start3A_1666 = arith.constant 1536 : i32
    %dma_start3A_1667 = arith.constant 0 : i32
    %dma_start3A_1668 = tpu.memref_slice %arg8[%dma_start3A_1663, %dma_start3A_1666, %dma_start3A_1667] : memref<2x2000x16xf32, #tpu.memory_space<vmem>> -> memref<1x128x16xf32, #tpu.memory_space<vmem>>
    %dma_start3A_1669 = tpu.memref_squeeze %dma_start3A_1668 : memref<1x128x16xf32, #tpu.memory_space<vmem>> -> memref<128x16xf32, #tpu.memory_space<vmem>>
    %dma_start3A_1670 = arith.constant 1536 : i32
    %dma_start3A_1671 = tpu.memref_slice %arg7[%dma_start3A_1664, %dma_start3A_1665, %dma_start3A_1670] : memref<2x2x2000xi32, #tpu.memory_space<vmem>> -> memref<1x1x128xi32, #tpu.memory_space<vmem>>
    %dma_start3A_1672 = tpu.memref_squeeze %dma_start3A_1671 : memref<1x1x128xi32, #tpu.memory_space<vmem>> -> memref<128xi32, #tpu.memory_space<vmem>>
    %dma_start3A_1673 = arith.constant 0 : i32
    %dma_start3A_1674 = arith.constant 0 : i32
    %dma_start3A_1675 = tpu.memref_slice %arg6[%dma_start3A_1673, %dma_start3A_1674] : memref<10240x16xf32, #tpu.memory_space<vmem_shared>> -> memref<10240x16xf32, #tpu.memory_space<vmem_shared>>
    tpu.enqueue_indirect_dma source(%dma_start3A_1669 : memref<128x16xf32, #tpu.memory_space<vmem>>) target(%dma_start3A_1675 : memref<10240x16xf32, #tpu.memory_space<vmem_shared>>) offsets(%dma_start3A_1672 : memref<128xi32, #tpu.memory_space<vmem>>) semaphore(%arg10 : memref<!tpu.dma_semaphore, #tpu.memory_space<semaphore_mem>>) {add = true}
    %dma_start3A_1676 = arith.constant 1 : i32
    %dma_start3A_1677 = arith.constant 1 : i32
    %dma_start3A_1678 = arith.constant 1 : i32
    %dma_start3A_1679 = arith.constant 1664 : i32
    %dma_start3A_1680 = arith.constant 0 : i32
    %dma_start3A_1681 = tpu.memref_slice %arg8[%dma_start3A_1676, %dma_start3A_1679, %dma_start3A_1680] : memref<2x2000x16xf32, #tpu.memory_space<vmem>> -> memref<1x128x16xf32, #tpu.memory_space<vmem>>
    %dma_start3A_1682 = tpu.memref_squeeze %dma_start3A_1681 : memref<1x128x16xf32, #tpu.memory_space<vmem>> -> memref<128x16xf32, #tpu.memory_space<vmem>>
    %dma_start3A_1683 = arith.constant 1664 : i32
    %dma_start3A_1684 = tpu.memref_slice %arg7[%dma_start3A_1677, %dma_start3A_1678, %dma_start3A_1683] : memref<2x2x2000xi32, #tpu.memory_space<vmem>> -> memref<1x1x128xi32, #tpu.memory_space<vmem>>
    %dma_start3A_1685 = tpu.memref_squeeze %dma_start3A_1684 : memref<1x1x128xi32, #tpu.memory_space<vmem>> -> memref<128xi32, #tpu.memory_space<vmem>>
    %dma_start3A_1686 = arith.constant 0 : i32
    %dma_start3A_1687 = arith.constant 0 : i32
    %dma_start3A_1688 = tpu.memref_slice %arg6[%dma_start3A_1686, %dma_start3A_1687] : memref<10240x16xf32, #tpu.memory_space<vmem_shared>> -> memref<10240x16xf32, #tpu.memory_space<vmem_shared>>
    tpu.enqueue_indirect_dma source(%dma_start3A_1682 : memref<128x16xf32, #tpu.memory_space<vmem>>) target(%dma_start3A_1688 : memref<10240x16xf32, #tpu.memory_space<vmem_shared>>) offsets(%dma_start3A_1685 : memref<128xi32, #tpu.memory_space<vmem>>) semaphore(%arg10 : memref<!tpu.dma_semaphore, #tpu.memory_space<semaphore_mem>>) {add = true}
    %dma_start3A_1689 = arith.constant 1 : i32
    %dma_start3A_1690 = arith.constant 1 : i32
    %dma_start3A_1691 = arith.constant 1 : i32
    %dma_start3A_1692 = arith.constant 1792 : i32
    %dma_start3A_1693 = arith.constant 0 : i32
    %dma_start3A_1694 = tpu.memref_slice %arg8[%dma_start3A_1689, %dma_start3A_1692, %dma_start3A_1693] : memref<2x2000x16xf32, #tpu.memory_space<vmem>> -> memref<1x128x16xf32, #tpu.memory_space<vmem>>
    %dma_start3A_1695 = tpu.memref_squeeze %dma_start3A_1694 : memref<1x128x16xf32, #tpu.memory_space<vmem>> -> memref<128x16xf32, #tpu.memory_space<vmem>>
    %dma_start3A_1696 = arith.constant 1792 : i32
    %dma_start3A_1697 = tpu.memref_slice %arg7[%dma_start3A_1690, %dma_start3A_1691, %dma_start3A_1696] : memref<2x2x2000xi32, #tpu.memory_space<vmem>> -> memref<1x1x128xi32, #tpu.memory_space<vmem>>
    %dma_start3A_1698 = tpu.memref_squeeze %dma_start3A_1697 : memref<1x1x128xi32, #tpu.memory_space<vmem>> -> memref<128xi32, #tpu.memory_space<vmem>>
    %dma_start3A_1699 = arith.constant 0 : i32
    %dma_start3A_1700 = arith.constant 0 : i32
    %dma_start3A_1701 = tpu.memref_slice %arg6[%dma_start3A_1699, %dma_start3A_1700] : memref<10240x16xf32, #tpu.memory_space<vmem_shared>> -> memref<10240x16xf32, #tpu.memory_space<vmem_shared>>
    tpu.enqueue_indirect_dma source(%dma_start3A_1695 : memref<128x16xf32, #tpu.memory_space<vmem>>) target(%dma_start3A_1701 : memref<10240x16xf32, #tpu.memory_space<vmem_shared>>) offsets(%dma_start3A_1698 : memref<128xi32, #tpu.memory_space<vmem>>) semaphore(%arg10 : memref<!tpu.dma_semaphore, #tpu.memory_space<semaphore_mem>>) {add = true}
    %dma_start3A_1702 = arith.constant 1 : i32
    %dma_start3A_1703 = arith.constant 1 : i32
    %dma_start3A_1704 = arith.constant 1 : i32
    %dma_start3A_1705 = arith.constant 1920 : i32
    %dma_start3A_1706 = arith.constant 0 : i32
    %dma_start3A_1707 = tpu.memref_slice %arg8[%dma_start3A_1702, %dma_start3A_1705, %dma_start3A_1706] : memref<2x2000x16xf32, #tpu.memory_space<vmem>> -> memref<1x80x16xf32, #tpu.memory_space<vmem>>
    %dma_start3A_1708 = tpu.memref_squeeze %dma_start3A_1707 : memref<1x80x16xf32, #tpu.memory_space<vmem>> -> memref<80x16xf32, #tpu.memory_space<vmem>>
    %dma_start3A_1709 = arith.constant 1920 : i32
    %dma_start3A_1710 = tpu.memref_slice %arg7[%dma_start3A_1703, %dma_start3A_1704, %dma_start3A_1709] : memref<2x2x2000xi32, #tpu.memory_space<vmem>> -> memref<1x1x80xi32, #tpu.memory_space<vmem>>
    %dma_start3A_1711 = tpu.memref_squeeze %dma_start3A_1710 : memref<1x1x80xi32, #tpu.memory_space<vmem>> -> memref<80xi32, #tpu.memory_space<vmem>>
    %dma_start3A_1712 = arith.constant 0 : i32
    %dma_start3A_1713 = arith.constant 0 : i32
    %dma_start3A_1714 = tpu.memref_slice %arg6[%dma_start3A_1712, %dma_start3A_1713] : memref<10240x16xf32, #tpu.memory_space<vmem_shared>> -> memref<10240x16xf32, #tpu.memory_space<vmem_shared>>
    tpu.enqueue_indirect_dma source(%dma_start3A_1708 : memref<80x16xf32, #tpu.memory_space<vmem>>) target(%dma_start3A_1714 : memref<10240x16xf32, #tpu.memory_space<vmem_shared>>) offsets(%dma_start3A_1711 : memref<80xi32, #tpu.memory_space<vmem>>) semaphore(%arg10 : memref<!tpu.dma_semaphore, #tpu.memory_space<semaphore_mem>>) {add = true}
    %dma_wait3A_1715 = arith.constant 1 : i32
    %dma_wait3A_1716 = arith.constant 1 : i32
    %dma_wait3A_1717 = arith.constant 1 : i32
    %dma_wait3A_1718 = arith.constant 0 : i32
    %dma_wait3A_1719 = arith.constant 0 : i32
    %dma_wait3A_1720 = tpu.memref_slice %arg8[%dma_wait3A_1715, %dma_wait3A_1718, %dma_wait3A_1719] : memref<2x2000x16xf32, #tpu.memory_space<vmem>> -> memref<1x128x16xf32, #tpu.memory_space<vmem>>
    %dma_wait3A_1721 = tpu.memref_squeeze %dma_wait3A_1720 : memref<1x128x16xf32, #tpu.memory_space<vmem>> -> memref<128x16xf32, #tpu.memory_space<vmem>>
    %dma_wait3A_1722 = arith.constant 0 : i32
    %dma_wait3A_1723 = tpu.memref_slice %arg7[%dma_wait3A_1716, %dma_wait3A_1717, %dma_wait3A_1722] : memref<2x2x2000xi32, #tpu.memory_space<vmem>> -> memref<1x1x128xi32, #tpu.memory_space<vmem>>
    %dma_wait3A_1724 = tpu.memref_squeeze %dma_wait3A_1723 : memref<1x1x128xi32, #tpu.memory_space<vmem>> -> memref<128xi32, #tpu.memory_space<vmem>>
    %dma_wait3A_1725 = arith.constant 0 : i32
    %dma_wait3A_1726 = arith.constant 0 : i32
    %dma_wait3A_1727 = tpu.memref_slice %arg6[%dma_wait3A_1725, %dma_wait3A_1726] : memref<10240x16xf32, #tpu.memory_space<vmem_shared>> -> memref<10240x16xf32, #tpu.memory_space<vmem_shared>>
    tpu.wait_indirect_dma semaphore(%arg10 : memref<!tpu.dma_semaphore, #tpu.memory_space<semaphore_mem>>) src(%dma_wait3A_1721 : memref<128x16xf32, #tpu.memory_space<vmem>>) dst(%dma_wait3A_1727 : memref<10240x16xf32, #tpu.memory_space<vmem_shared>>)
    %dma_wait3A_1728 = arith.constant 1 : i32
    %dma_wait3A_1729 = arith.constant 1 : i32
    %dma_wait3A_1730 = arith.constant 1 : i32
    %dma_wait3A_1731 = arith.constant 128 : i32
    %dma_wait3A_1732 = arith.constant 0 : i32
    %dma_wait3A_1733 = tpu.memref_slice %arg8[%dma_wait3A_1728, %dma_wait3A_1731, %dma_wait3A_1732] : memref<2x2000x16xf32, #tpu.memory_space<vmem>> -> memref<1x128x16xf32, #tpu.memory_space<vmem>>
    %dma_wait3A_1734 = tpu.memref_squeeze %dma_wait3A_1733 : memref<1x128x16xf32, #tpu.memory_space<vmem>> -> memref<128x16xf32, #tpu.memory_space<vmem>>
    %dma_wait3A_1735 = arith.constant 128 : i32
    %dma_wait3A_1736 = tpu.memref_slice %arg7[%dma_wait3A_1729, %dma_wait3A_1730, %dma_wait3A_1735] : memref<2x2x2000xi32, #tpu.memory_space<vmem>> -> memref<1x1x128xi32, #tpu.memory_space<vmem>>
    %dma_wait3A_1737 = tpu.memref_squeeze %dma_wait3A_1736 : memref<1x1x128xi32, #tpu.memory_space<vmem>> -> memref<128xi32, #tpu.memory_space<vmem>>
    %dma_wait3A_1738 = arith.constant 0 : i32
    %dma_wait3A_1739 = arith.constant 0 : i32
    %dma_wait3A_1740 = tpu.memref_slice %arg6[%dma_wait3A_1738, %dma_wait3A_1739] : memref<10240x16xf32, #tpu.memory_space<vmem_shared>> -> memref<10240x16xf32, #tpu.memory_space<vmem_shared>>
    tpu.wait_indirect_dma semaphore(%arg10 : memref<!tpu.dma_semaphore, #tpu.memory_space<semaphore_mem>>) src(%dma_wait3A_1734 : memref<128x16xf32, #tpu.memory_space<vmem>>) dst(%dma_wait3A_1740 : memref<10240x16xf32, #tpu.memory_space<vmem_shared>>)
    %dma_wait3A_1741 = arith.constant 1 : i32
    %dma_wait3A_1742 = arith.constant 1 : i32
    %dma_wait3A_1743 = arith.constant 1 : i32
    %dma_wait3A_1744 = arith.constant 256 : i32
    %dma_wait3A_1745 = arith.constant 0 : i32
    %dma_wait3A_1746 = tpu.memref_slice %arg8[%dma_wait3A_1741, %dma_wait3A_1744, %dma_wait3A_1745] : memref<2x2000x16xf32, #tpu.memory_space<vmem>> -> memref<1x128x16xf32, #tpu.memory_space<vmem>>
    %dma_wait3A_1747 = tpu.memref_squeeze %dma_wait3A_1746 : memref<1x128x16xf32, #tpu.memory_space<vmem>> -> memref<128x16xf32, #tpu.memory_space<vmem>>
    %dma_wait3A_1748 = arith.constant 256 : i32
    %dma_wait3A_1749 = tpu.memref_slice %arg7[%dma_wait3A_1742, %dma_wait3A_1743, %dma_wait3A_1748] : memref<2x2x2000xi32, #tpu.memory_space<vmem>> -> memref<1x1x128xi32, #tpu.memory_space<vmem>>
    %dma_wait3A_1750 = tpu.memref_squeeze %dma_wait3A_1749 : memref<1x1x128xi32, #tpu.memory_space<vmem>> -> memref<128xi32, #tpu.memory_space<vmem>>
    %dma_wait3A_1751 = arith.constant 0 : i32
    %dma_wait3A_1752 = arith.constant 0 : i32
    %dma_wait3A_1753 = tpu.memref_slice %arg6[%dma_wait3A_1751, %dma_wait3A_1752] : memref<10240x16xf32, #tpu.memory_space<vmem_shared>> -> memref<10240x16xf32, #tpu.memory_space<vmem_shared>>
    tpu.wait_indirect_dma semaphore(%arg10 : memref<!tpu.dma_semaphore, #tpu.memory_space<semaphore_mem>>) src(%dma_wait3A_1747 : memref<128x16xf32, #tpu.memory_space<vmem>>) dst(%dma_wait3A_1753 : memref<10240x16xf32, #tpu.memory_space<vmem_shared>>)
    %dma_wait3A_1754 = arith.constant 1 : i32
    %dma_wait3A_1755 = arith.constant 1 : i32
    %dma_wait3A_1756 = arith.constant 1 : i32
    %dma_wait3A_1757 = arith.constant 384 : i32
    %dma_wait3A_1758 = arith.constant 0 : i32
    %dma_wait3A_1759 = tpu.memref_slice %arg8[%dma_wait3A_1754, %dma_wait3A_1757, %dma_wait3A_1758] : memref<2x2000x16xf32, #tpu.memory_space<vmem>> -> memref<1x128x16xf32, #tpu.memory_space<vmem>>
    %dma_wait3A_1760 = tpu.memref_squeeze %dma_wait3A_1759 : memref<1x128x16xf32, #tpu.memory_space<vmem>> -> memref<128x16xf32, #tpu.memory_space<vmem>>
    %dma_wait3A_1761 = arith.constant 384 : i32
    %dma_wait3A_1762 = tpu.memref_slice %arg7[%dma_wait3A_1755, %dma_wait3A_1756, %dma_wait3A_1761] : memref<2x2x2000xi32, #tpu.memory_space<vmem>> -> memref<1x1x128xi32, #tpu.memory_space<vmem>>
    %dma_wait3A_1763 = tpu.memref_squeeze %dma_wait3A_1762 : memref<1x1x128xi32, #tpu.memory_space<vmem>> -> memref<128xi32, #tpu.memory_space<vmem>>
    %dma_wait3A_1764 = arith.constant 0 : i32
    %dma_wait3A_1765 = arith.constant 0 : i32
    %dma_wait3A_1766 = tpu.memref_slice %arg6[%dma_wait3A_1764, %dma_wait3A_1765] : memref<10240x16xf32, #tpu.memory_space<vmem_shared>> -> memref<10240x16xf32, #tpu.memory_space<vmem_shared>>
    tpu.wait_indirect_dma semaphore(%arg10 : memref<!tpu.dma_semaphore, #tpu.memory_space<semaphore_mem>>) src(%dma_wait3A_1760 : memref<128x16xf32, #tpu.memory_space<vmem>>) dst(%dma_wait3A_1766 : memref<10240x16xf32, #tpu.memory_space<vmem_shared>>)
    %dma_wait3A_1767 = arith.constant 1 : i32
    %dma_wait3A_1768 = arith.constant 1 : i32
    %dma_wait3A_1769 = arith.constant 1 : i32
    %dma_wait3A_1770 = arith.constant 512 : i32
    %dma_wait3A_1771 = arith.constant 0 : i32
    %dma_wait3A_1772 = tpu.memref_slice %arg8[%dma_wait3A_1767, %dma_wait3A_1770, %dma_wait3A_1771] : memref<2x2000x16xf32, #tpu.memory_space<vmem>> -> memref<1x128x16xf32, #tpu.memory_space<vmem>>
    %dma_wait3A_1773 = tpu.memref_squeeze %dma_wait3A_1772 : memref<1x128x16xf32, #tpu.memory_space<vmem>> -> memref<128x16xf32, #tpu.memory_space<vmem>>
    %dma_wait3A_1774 = arith.constant 512 : i32
    %dma_wait3A_1775 = tpu.memref_slice %arg7[%dma_wait3A_1768, %dma_wait3A_1769, %dma_wait3A_1774] : memref<2x2x2000xi32, #tpu.memory_space<vmem>> -> memref<1x1x128xi32, #tpu.memory_space<vmem>>
    %dma_wait3A_1776 = tpu.memref_squeeze %dma_wait3A_1775 : memref<1x1x128xi32, #tpu.memory_space<vmem>> -> memref<128xi32, #tpu.memory_space<vmem>>
    %dma_wait3A_1777 = arith.constant 0 : i32
    %dma_wait3A_1778 = arith.constant 0 : i32
    %dma_wait3A_1779 = tpu.memref_slice %arg6[%dma_wait3A_1777, %dma_wait3A_1778] : memref<10240x16xf32, #tpu.memory_space<vmem_shared>> -> memref<10240x16xf32, #tpu.memory_space<vmem_shared>>
    tpu.wait_indirect_dma semaphore(%arg10 : memref<!tpu.dma_semaphore, #tpu.memory_space<semaphore_mem>>) src(%dma_wait3A_1773 : memref<128x16xf32, #tpu.memory_space<vmem>>) dst(%dma_wait3A_1779 : memref<10240x16xf32, #tpu.memory_space<vmem_shared>>)
    %dma_wait3A_1780 = arith.constant 1 : i32
    %dma_wait3A_1781 = arith.constant 1 : i32
    %dma_wait3A_1782 = arith.constant 1 : i32
    %dma_wait3A_1783 = arith.constant 640 : i32
    %dma_wait3A_1784 = arith.constant 0 : i32
    %dma_wait3A_1785 = tpu.memref_slice %arg8[%dma_wait3A_1780, %dma_wait3A_1783, %dma_wait3A_1784] : memref<2x2000x16xf32, #tpu.memory_space<vmem>> -> memref<1x128x16xf32, #tpu.memory_space<vmem>>
    %dma_wait3A_1786 = tpu.memref_squeeze %dma_wait3A_1785 : memref<1x128x16xf32, #tpu.memory_space<vmem>> -> memref<128x16xf32, #tpu.memory_space<vmem>>
    %dma_wait3A_1787 = arith.constant 640 : i32
    %dma_wait3A_1788 = tpu.memref_slice %arg7[%dma_wait3A_1781, %dma_wait3A_1782, %dma_wait3A_1787] : memref<2x2x2000xi32, #tpu.memory_space<vmem>> -> memref<1x1x128xi32, #tpu.memory_space<vmem>>
    %dma_wait3A_1789 = tpu.memref_squeeze %dma_wait3A_1788 : memref<1x1x128xi32, #tpu.memory_space<vmem>> -> memref<128xi32, #tpu.memory_space<vmem>>
    %dma_wait3A_1790 = arith.constant 0 : i32
    %dma_wait3A_1791 = arith.constant 0 : i32
    %dma_wait3A_1792 = tpu.memref_slice %arg6[%dma_wait3A_1790, %dma_wait3A_1791] : memref<10240x16xf32, #tpu.memory_space<vmem_shared>> -> memref<10240x16xf32, #tpu.memory_space<vmem_shared>>
    tpu.wait_indirect_dma semaphore(%arg10 : memref<!tpu.dma_semaphore, #tpu.memory_space<semaphore_mem>>) src(%dma_wait3A_1786 : memref<128x16xf32, #tpu.memory_space<vmem>>) dst(%dma_wait3A_1792 : memref<10240x16xf32, #tpu.memory_space<vmem_shared>>)
    %dma_wait3A_1793 = arith.constant 1 : i32
    %dma_wait3A_1794 = arith.constant 1 : i32
    %dma_wait3A_1795 = arith.constant 1 : i32
    %dma_wait3A_1796 = arith.constant 768 : i32
    %dma_wait3A_1797 = arith.constant 0 : i32
    %dma_wait3A_1798 = tpu.memref_slice %arg8[%dma_wait3A_1793, %dma_wait3A_1796, %dma_wait3A_1797] : memref<2x2000x16xf32, #tpu.memory_space<vmem>> -> memref<1x128x16xf32, #tpu.memory_space<vmem>>
    %dma_wait3A_1799 = tpu.memref_squeeze %dma_wait3A_1798 : memref<1x128x16xf32, #tpu.memory_space<vmem>> -> memref<128x16xf32, #tpu.memory_space<vmem>>
    %dma_wait3A_1800 = arith.constant 768 : i32
    %dma_wait3A_1801 = tpu.memref_slice %arg7[%dma_wait3A_1794, %dma_wait3A_1795, %dma_wait3A_1800] : memref<2x2x2000xi32, #tpu.memory_space<vmem>> -> memref<1x1x128xi32, #tpu.memory_space<vmem>>
    %dma_wait3A_1802 = tpu.memref_squeeze %dma_wait3A_1801 : memref<1x1x128xi32, #tpu.memory_space<vmem>> -> memref<128xi32, #tpu.memory_space<vmem>>
    %dma_wait3A_1803 = arith.constant 0 : i32
    %dma_wait3A_1804 = arith.constant 0 : i32
    %dma_wait3A_1805 = tpu.memref_slice %arg6[%dma_wait3A_1803, %dma_wait3A_1804] : memref<10240x16xf32, #tpu.memory_space<vmem_shared>> -> memref<10240x16xf32, #tpu.memory_space<vmem_shared>>
    tpu.wait_indirect_dma semaphore(%arg10 : memref<!tpu.dma_semaphore, #tpu.memory_space<semaphore_mem>>) src(%dma_wait3A_1799 : memref<128x16xf32, #tpu.memory_space<vmem>>) dst(%dma_wait3A_1805 : memref<10240x16xf32, #tpu.memory_space<vmem_shared>>)
    %dma_wait3A_1806 = arith.constant 1 : i32
    %dma_wait3A_1807 = arith.constant 1 : i32
    %dma_wait3A_1808 = arith.constant 1 : i32
    %dma_wait3A_1809 = arith.constant 896 : i32
    %dma_wait3A_1810 = arith.constant 0 : i32
    %dma_wait3A_1811 = tpu.memref_slice %arg8[%dma_wait3A_1806, %dma_wait3A_1809, %dma_wait3A_1810] : memref<2x2000x16xf32, #tpu.memory_space<vmem>> -> memref<1x128x16xf32, #tpu.memory_space<vmem>>
    %dma_wait3A_1812 = tpu.memref_squeeze %dma_wait3A_1811 : memref<1x128x16xf32, #tpu.memory_space<vmem>> -> memref<128x16xf32, #tpu.memory_space<vmem>>
    %dma_wait3A_1813 = arith.constant 896 : i32
    %dma_wait3A_1814 = tpu.memref_slice %arg7[%dma_wait3A_1807, %dma_wait3A_1808, %dma_wait3A_1813] : memref<2x2x2000xi32, #tpu.memory_space<vmem>> -> memref<1x1x128xi32, #tpu.memory_space<vmem>>
    %dma_wait3A_1815 = tpu.memref_squeeze %dma_wait3A_1814 : memref<1x1x128xi32, #tpu.memory_space<vmem>> -> memref<128xi32, #tpu.memory_space<vmem>>
    %dma_wait3A_1816 = arith.constant 0 : i32
    %dma_wait3A_1817 = arith.constant 0 : i32
    %dma_wait3A_1818 = tpu.memref_slice %arg6[%dma_wait3A_1816, %dma_wait3A_1817] : memref<10240x16xf32, #tpu.memory_space<vmem_shared>> -> memref<10240x16xf32, #tpu.memory_space<vmem_shared>>
    tpu.wait_indirect_dma semaphore(%arg10 : memref<!tpu.dma_semaphore, #tpu.memory_space<semaphore_mem>>) src(%dma_wait3A_1812 : memref<128x16xf32, #tpu.memory_space<vmem>>) dst(%dma_wait3A_1818 : memref<10240x16xf32, #tpu.memory_space<vmem_shared>>)
    %dma_wait3A_1819 = arith.constant 1 : i32
    %dma_wait3A_1820 = arith.constant 1 : i32
    %dma_wait3A_1821 = arith.constant 1 : i32
    %dma_wait3A_1822 = arith.constant 1024 : i32
    %dma_wait3A_1823 = arith.constant 0 : i32
    %dma_wait3A_1824 = tpu.memref_slice %arg8[%dma_wait3A_1819, %dma_wait3A_1822, %dma_wait3A_1823] : memref<2x2000x16xf32, #tpu.memory_space<vmem>> -> memref<1x128x16xf32, #tpu.memory_space<vmem>>
    %dma_wait3A_1825 = tpu.memref_squeeze %dma_wait3A_1824 : memref<1x128x16xf32, #tpu.memory_space<vmem>> -> memref<128x16xf32, #tpu.memory_space<vmem>>
    %dma_wait3A_1826 = arith.constant 1024 : i32
    %dma_wait3A_1827 = tpu.memref_slice %arg7[%dma_wait3A_1820, %dma_wait3A_1821, %dma_wait3A_1826] : memref<2x2x2000xi32, #tpu.memory_space<vmem>> -> memref<1x1x128xi32, #tpu.memory_space<vmem>>
    %dma_wait3A_1828 = tpu.memref_squeeze %dma_wait3A_1827 : memref<1x1x128xi32, #tpu.memory_space<vmem>> -> memref<128xi32, #tpu.memory_space<vmem>>
    %dma_wait3A_1829 = arith.constant 0 : i32
    %dma_wait3A_1830 = arith.constant 0 : i32
    %dma_wait3A_1831 = tpu.memref_slice %arg6[%dma_wait3A_1829, %dma_wait3A_1830] : memref<10240x16xf32, #tpu.memory_space<vmem_shared>> -> memref<10240x16xf32, #tpu.memory_space<vmem_shared>>
    tpu.wait_indirect_dma semaphore(%arg10 : memref<!tpu.dma_semaphore, #tpu.memory_space<semaphore_mem>>) src(%dma_wait3A_1825 : memref<128x16xf32, #tpu.memory_space<vmem>>) dst(%dma_wait3A_1831 : memref<10240x16xf32, #tpu.memory_space<vmem_shared>>)
    %dma_wait3A_1832 = arith.constant 1 : i32
    %dma_wait3A_1833 = arith.constant 1 : i32
    %dma_wait3A_1834 = arith.constant 1 : i32
    %dma_wait3A_1835 = arith.constant 1152 : i32
    %dma_wait3A_1836 = arith.constant 0 : i32
    %dma_wait3A_1837 = tpu.memref_slice %arg8[%dma_wait3A_1832, %dma_wait3A_1835, %dma_wait3A_1836] : memref<2x2000x16xf32, #tpu.memory_space<vmem>> -> memref<1x128x16xf32, #tpu.memory_space<vmem>>
    %dma_wait3A_1838 = tpu.memref_squeeze %dma_wait3A_1837 : memref<1x128x16xf32, #tpu.memory_space<vmem>> -> memref<128x16xf32, #tpu.memory_space<vmem>>
    %dma_wait3A_1839 = arith.constant 1152 : i32
    %dma_wait3A_1840 = tpu.memref_slice %arg7[%dma_wait3A_1833, %dma_wait3A_1834, %dma_wait3A_1839] : memref<2x2x2000xi32, #tpu.memory_space<vmem>> -> memref<1x1x128xi32, #tpu.memory_space<vmem>>
    %dma_wait3A_1841 = tpu.memref_squeeze %dma_wait3A_1840 : memref<1x1x128xi32, #tpu.memory_space<vmem>> -> memref<128xi32, #tpu.memory_space<vmem>>
    %dma_wait3A_1842 = arith.constant 0 : i32
    %dma_wait3A_1843 = arith.constant 0 : i32
    %dma_wait3A_1844 = tpu.memref_slice %arg6[%dma_wait3A_1842, %dma_wait3A_1843] : memref<10240x16xf32, #tpu.memory_space<vmem_shared>> -> memref<10240x16xf32, #tpu.memory_space<vmem_shared>>
    tpu.wait_indirect_dma semaphore(%arg10 : memref<!tpu.dma_semaphore, #tpu.memory_space<semaphore_mem>>) src(%dma_wait3A_1838 : memref<128x16xf32, #tpu.memory_space<vmem>>) dst(%dma_wait3A_1844 : memref<10240x16xf32, #tpu.memory_space<vmem_shared>>)
    %dma_wait3A_1845 = arith.constant 1 : i32
    %dma_wait3A_1846 = arith.constant 1 : i32
    %dma_wait3A_1847 = arith.constant 1 : i32
    %dma_wait3A_1848 = arith.constant 1280 : i32
    %dma_wait3A_1849 = arith.constant 0 : i32
    %dma_wait3A_1850 = tpu.memref_slice %arg8[%dma_wait3A_1845, %dma_wait3A_1848, %dma_wait3A_1849] : memref<2x2000x16xf32, #tpu.memory_space<vmem>> -> memref<1x128x16xf32, #tpu.memory_space<vmem>>
    %dma_wait3A_1851 = tpu.memref_squeeze %dma_wait3A_1850 : memref<1x128x16xf32, #tpu.memory_space<vmem>> -> memref<128x16xf32, #tpu.memory_space<vmem>>
    %dma_wait3A_1852 = arith.constant 1280 : i32
    %dma_wait3A_1853 = tpu.memref_slice %arg7[%dma_wait3A_1846, %dma_wait3A_1847, %dma_wait3A_1852] : memref<2x2x2000xi32, #tpu.memory_space<vmem>> -> memref<1x1x128xi32, #tpu.memory_space<vmem>>
    %dma_wait3A_1854 = tpu.memref_squeeze %dma_wait3A_1853 : memref<1x1x128xi32, #tpu.memory_space<vmem>> -> memref<128xi32, #tpu.memory_space<vmem>>
    %dma_wait3A_1855 = arith.constant 0 : i32
    %dma_wait3A_1856 = arith.constant 0 : i32
    %dma_wait3A_1857 = tpu.memref_slice %arg6[%dma_wait3A_1855, %dma_wait3A_1856] : memref<10240x16xf32, #tpu.memory_space<vmem_shared>> -> memref<10240x16xf32, #tpu.memory_space<vmem_shared>>
    tpu.wait_indirect_dma semaphore(%arg10 : memref<!tpu.dma_semaphore, #tpu.memory_space<semaphore_mem>>) src(%dma_wait3A_1851 : memref<128x16xf32, #tpu.memory_space<vmem>>) dst(%dma_wait3A_1857 : memref<10240x16xf32, #tpu.memory_space<vmem_shared>>)
    %dma_wait3A_1858 = arith.constant 1 : i32
    %dma_wait3A_1859 = arith.constant 1 : i32
    %dma_wait3A_1860 = arith.constant 1 : i32
    %dma_wait3A_1861 = arith.constant 1408 : i32
    %dma_wait3A_1862 = arith.constant 0 : i32
    %dma_wait3A_1863 = tpu.memref_slice %arg8[%dma_wait3A_1858, %dma_wait3A_1861, %dma_wait3A_1862] : memref<2x2000x16xf32, #tpu.memory_space<vmem>> -> memref<1x128x16xf32, #tpu.memory_space<vmem>>
    %dma_wait3A_1864 = tpu.memref_squeeze %dma_wait3A_1863 : memref<1x128x16xf32, #tpu.memory_space<vmem>> -> memref<128x16xf32, #tpu.memory_space<vmem>>
    %dma_wait3A_1865 = arith.constant 1408 : i32
    %dma_wait3A_1866 = tpu.memref_slice %arg7[%dma_wait3A_1859, %dma_wait3A_1860, %dma_wait3A_1865] : memref<2x2x2000xi32, #tpu.memory_space<vmem>> -> memref<1x1x128xi32, #tpu.memory_space<vmem>>
    %dma_wait3A_1867 = tpu.memref_squeeze %dma_wait3A_1866 : memref<1x1x128xi32, #tpu.memory_space<vmem>> -> memref<128xi32, #tpu.memory_space<vmem>>
    %dma_wait3A_1868 = arith.constant 0 : i32
    %dma_wait3A_1869 = arith.constant 0 : i32
    %dma_wait3A_1870 = tpu.memref_slice %arg6[%dma_wait3A_1868, %dma_wait3A_1869] : memref<10240x16xf32, #tpu.memory_space<vmem_shared>> -> memref<10240x16xf32, #tpu.memory_space<vmem_shared>>
    tpu.wait_indirect_dma semaphore(%arg10 : memref<!tpu.dma_semaphore, #tpu.memory_space<semaphore_mem>>) src(%dma_wait3A_1864 : memref<128x16xf32, #tpu.memory_space<vmem>>) dst(%dma_wait3A_1870 : memref<10240x16xf32, #tpu.memory_space<vmem_shared>>)
    %dma_wait3A_1871 = arith.constant 1 : i32
    %dma_wait3A_1872 = arith.constant 1 : i32
    %dma_wait3A_1873 = arith.constant 1 : i32
    %dma_wait3A_1874 = arith.constant 1536 : i32
    %dma_wait3A_1875 = arith.constant 0 : i32
    %dma_wait3A_1876 = tpu.memref_slice %arg8[%dma_wait3A_1871, %dma_wait3A_1874, %dma_wait3A_1875] : memref<2x2000x16xf32, #tpu.memory_space<vmem>> -> memref<1x128x16xf32, #tpu.memory_space<vmem>>
    %dma_wait3A_1877 = tpu.memref_squeeze %dma_wait3A_1876 : memref<1x128x16xf32, #tpu.memory_space<vmem>> -> memref<128x16xf32, #tpu.memory_space<vmem>>
    %dma_wait3A_1878 = arith.constant 1536 : i32
    %dma_wait3A_1879 = tpu.memref_slice %arg7[%dma_wait3A_1872, %dma_wait3A_1873, %dma_wait3A_1878] : memref<2x2x2000xi32, #tpu.memory_space<vmem>> -> memref<1x1x128xi32, #tpu.memory_space<vmem>>
    %dma_wait3A_1880 = tpu.memref_squeeze %dma_wait3A_1879 : memref<1x1x128xi32, #tpu.memory_space<vmem>> -> memref<128xi32, #tpu.memory_space<vmem>>
    %dma_wait3A_1881 = arith.constant 0 : i32
    %dma_wait3A_1882 = arith.constant 0 : i32
    %dma_wait3A_1883 = tpu.memref_slice %arg6[%dma_wait3A_1881, %dma_wait3A_1882] : memref<10240x16xf32, #tpu.memory_space<vmem_shared>> -> memref<10240x16xf32, #tpu.memory_space<vmem_shared>>
    tpu.wait_indirect_dma semaphore(%arg10 : memref<!tpu.dma_semaphore, #tpu.memory_space<semaphore_mem>>) src(%dma_wait3A_1877 : memref<128x16xf32, #tpu.memory_space<vmem>>) dst(%dma_wait3A_1883 : memref<10240x16xf32, #tpu.memory_space<vmem_shared>>)
    %dma_wait3A_1884 = arith.constant 1 : i32
    %dma_wait3A_1885 = arith.constant 1 : i32
    %dma_wait3A_1886 = arith.constant 1 : i32
    %dma_wait3A_1887 = arith.constant 1664 : i32
    %dma_wait3A_1888 = arith.constant 0 : i32
    %dma_wait3A_1889 = tpu.memref_slice %arg8[%dma_wait3A_1884, %dma_wait3A_1887, %dma_wait3A_1888] : memref<2x2000x16xf32, #tpu.memory_space<vmem>> -> memref<1x128x16xf32, #tpu.memory_space<vmem>>
    %dma_wait3A_1890 = tpu.memref_squeeze %dma_wait3A_1889 : memref<1x128x16xf32, #tpu.memory_space<vmem>> -> memref<128x16xf32, #tpu.memory_space<vmem>>
    %dma_wait3A_1891 = arith.constant 1664 : i32
    %dma_wait3A_1892 = tpu.memref_slice %arg7[%dma_wait3A_1885, %dma_wait3A_1886, %dma_wait3A_1891] : memref<2x2x2000xi32, #tpu.memory_space<vmem>> -> memref<1x1x128xi32, #tpu.memory_space<vmem>>
    %dma_wait3A_1893 = tpu.memref_squeeze %dma_wait3A_1892 : memref<1x1x128xi32, #tpu.memory_space<vmem>> -> memref<128xi32, #tpu.memory_space<vmem>>
    %dma_wait3A_1894 = arith.constant 0 : i32
    %dma_wait3A_1895 = arith.constant 0 : i32
    %dma_wait3A_1896 = tpu.memref_slice %arg6[%dma_wait3A_1894, %dma_wait3A_1895] : memref<10240x16xf32, #tpu.memory_space<vmem_shared>> -> memref<10240x16xf32, #tpu.memory_space<vmem_shared>>
    tpu.wait_indirect_dma semaphore(%arg10 : memref<!tpu.dma_semaphore, #tpu.memory_space<semaphore_mem>>) src(%dma_wait3A_1890 : memref<128x16xf32, #tpu.memory_space<vmem>>) dst(%dma_wait3A_1896 : memref<10240x16xf32, #tpu.memory_space<vmem_shared>>)
    %dma_wait3A_1897 = arith.constant 1 : i32
    %dma_wait3A_1898 = arith.constant 1 : i32
    %dma_wait3A_1899 = arith.constant 1 : i32
    %dma_wait3A_1900 = arith.constant 1792 : i32
    %dma_wait3A_1901 = arith.constant 0 : i32
    %dma_wait3A_1902 = tpu.memref_slice %arg8[%dma_wait3A_1897, %dma_wait3A_1900, %dma_wait3A_1901] : memref<2x2000x16xf32, #tpu.memory_space<vmem>> -> memref<1x128x16xf32, #tpu.memory_space<vmem>>
    %dma_wait3A_1903 = tpu.memref_squeeze %dma_wait3A_1902 : memref<1x128x16xf32, #tpu.memory_space<vmem>> -> memref<128x16xf32, #tpu.memory_space<vmem>>
    %dma_wait3A_1904 = arith.constant 1792 : i32
    %dma_wait3A_1905 = tpu.memref_slice %arg7[%dma_wait3A_1898, %dma_wait3A_1899, %dma_wait3A_1904] : memref<2x2x2000xi32, #tpu.memory_space<vmem>> -> memref<1x1x128xi32, #tpu.memory_space<vmem>>
    %dma_wait3A_1906 = tpu.memref_squeeze %dma_wait3A_1905 : memref<1x1x128xi32, #tpu.memory_space<vmem>> -> memref<128xi32, #tpu.memory_space<vmem>>
    %dma_wait3A_1907 = arith.constant 0 : i32
    %dma_wait3A_1908 = arith.constant 0 : i32
    %dma_wait3A_1909 = tpu.memref_slice %arg6[%dma_wait3A_1907, %dma_wait3A_1908] : memref<10240x16xf32, #tpu.memory_space<vmem_shared>> -> memref<10240x16xf32, #tpu.memory_space<vmem_shared>>
    tpu.wait_indirect_dma semaphore(%arg10 : memref<!tpu.dma_semaphore, #tpu.memory_space<semaphore_mem>>) src(%dma_wait3A_1903 : memref<128x16xf32, #tpu.memory_space<vmem>>) dst(%dma_wait3A_1909 : memref<10240x16xf32, #tpu.memory_space<vmem_shared>>)
    %dma_wait3A_1910 = arith.constant 1 : i32
    %dma_wait3A_1911 = arith.constant 1 : i32
    %dma_wait3A_1912 = arith.constant 1 : i32
    %dma_wait3A_1913 = arith.constant 1920 : i32
    %dma_wait3A_1914 = arith.constant 0 : i32
    %dma_wait3A_1915 = tpu.memref_slice %arg8[%dma_wait3A_1910, %dma_wait3A_1913, %dma_wait3A_1914] : memref<2x2000x16xf32, #tpu.memory_space<vmem>> -> memref<1x80x16xf32, #tpu.memory_space<vmem>>
    %dma_wait3A_1916 = tpu.memref_squeeze %dma_wait3A_1915 : memref<1x80x16xf32, #tpu.memory_space<vmem>> -> memref<80x16xf32, #tpu.memory_space<vmem>>
    %dma_wait3A_1917 = arith.constant 1920 : i32
    %dma_wait3A_1918 = tpu.memref_slice %arg7[%dma_wait3A_1911, %dma_wait3A_1912, %dma_wait3A_1917] : memref<2x2x2000xi32, #tpu.memory_space<vmem>> -> memref<1x1x80xi32, #tpu.memory_space<vmem>>
    %dma_wait3A_1919 = tpu.memref_squeeze %dma_wait3A_1918 : memref<1x1x80xi32, #tpu.memory_space<vmem>> -> memref<80xi32, #tpu.memory_space<vmem>>
    %dma_wait3A_1920 = arith.constant 0 : i32
    %dma_wait3A_1921 = arith.constant 0 : i32
    %dma_wait3A_1922 = tpu.memref_slice %arg6[%dma_wait3A_1920, %dma_wait3A_1921] : memref<10240x16xf32, #tpu.memory_space<vmem_shared>> -> memref<10240x16xf32, #tpu.memory_space<vmem_shared>>
    tpu.wait_indirect_dma semaphore(%arg10 : memref<!tpu.dma_semaphore, #tpu.memory_space<semaphore_mem>>) src(%dma_wait3A_1916 : memref<80x16xf32, #tpu.memory_space<vmem>>) dst(%dma_wait3A_1922 : memref<10240x16xf32, #tpu.memory_space<vmem_shared>>)
    %dma_wait3A_1923 = arith.constant 0 : i32
    %dma_wait3A_1924 = arith.constant 0 : i32
    %dma_wait3A_1925 = arith.constant 0 : i32
    %dma_wait3A_1926 = tpu.memref_slice %arg7[%dma_wait3A_1923, %dma_wait3A_1924, %dma_wait3A_1925] : memref<2x2x2000xi32, #tpu.memory_space<vmem>> -> memref<1x2x2000xi32, #tpu.memory_space<vmem>>
    %dma_wait3A_1927 = tpu.memref_squeeze %dma_wait3A_1926 : memref<1x2x2000xi32, #tpu.memory_space<vmem>> -> memref<2x2000xi32, #tpu.memory_space<vmem>>
    %dma_wait3A_1928 = arith.constant 0 : i32
    %dma_wait3A_1929 = tpu.memref_slice %arg2[%dma_wait3A_1928, %multiple_of3A_1480] : memref<2x320000xi32, #tpu.memory_space<hbm>> -> memref<2x2000xi32, #tpu.memory_space<hbm>>
    %dma_wait3A_1930 = arith.constant 0 : i32
    %dma_wait3A_1931 = arith.constant 0 : i32
    %dma_wait3A_1932 = tpu.memref_slice %arg7[%dma_wait3A_1923, %dma_wait3A_1930, %dma_wait3A_1931] : memref<2x2x2000xi32, #tpu.memory_space<vmem>> -> memref<1x2x2000xi32, #tpu.memory_space<vmem>>
    %dma_wait3A_1933 = tpu.memref_squeeze %dma_wait3A_1932 : memref<1x2x2000xi32, #tpu.memory_space<vmem>> -> memref<2x2000xi32, #tpu.memory_space<vmem>>
    %dma_wait3A_1934 = arith.constant 0 : i32
    %dma_wait3A_1935 = tpu.memref_slice %arg2[%dma_wait3A_1934, %multiple_of3A_1480] : memref<2x320000xi32, #tpu.memory_space<hbm>> -> memref<2x2000xi32, #tpu.memory_space<hbm>>
    tpu.wait_dma2 semaphore(%arg9 : memref<!tpu.dma_semaphore, #tpu.memory_space<semaphore_mem>>) src(%dma_wait3A_1935 : memref<2x2000xi32, #tpu.memory_space<hbm>>) dst(%dma_wait3A_1933 : memref<2x2000xi32, #tpu.memory_space<vmem>>)
    %dma_wait3A_1936 = arith.constant 0 : i32
    %dma_wait3A_1937 = arith.constant 0 : i32
    %dma_wait3A_1938 = arith.constant 0 : i32
    %dma_wait3A_1939 = tpu.memref_slice %arg8[%dma_wait3A_1936, %dma_wait3A_1937, %dma_wait3A_1938] : memref<2x2000x16xf32, #tpu.memory_space<vmem>> -> memref<1x2000x16xf32, #tpu.memory_space<vmem>>
    %dma_wait3A_1940 = tpu.memref_squeeze %dma_wait3A_1939 : memref<1x2000x16xf32, #tpu.memory_space<vmem>> -> memref<2000x16xf32, #tpu.memory_space<vmem>>
    %dma_wait3A_1941 = arith.constant 0 : i32
    %dma_wait3A_1942 = tpu.memref_slice %arg3[%multiple_of3A_1480, %dma_wait3A_1941] : memref<320000x16xf32, #tpu.memory_space<hbm>> -> memref<2000x16xf32, #tpu.memory_space<hbm>>
    %dma_wait3A_1943 = arith.constant 0 : i32
    %dma_wait3A_1944 = arith.constant 0 : i32
    %dma_wait3A_1945 = tpu.memref_slice %arg8[%dma_wait3A_1936, %dma_wait3A_1943, %dma_wait3A_1944] : memref<2x2000x16xf32, #tpu.memory_space<vmem>> -> memref<1x2000x16xf32, #tpu.memory_space<vmem>>
    %dma_wait3A_1946 = tpu.memref_squeeze %dma_wait3A_1945 : memref<1x2000x16xf32, #tpu.memory_space<vmem>> -> memref<2000x16xf32, #tpu.memory_space<vmem>>
    %dma_wait3A_1947 = arith.constant 0 : i32
    %dma_wait3A_1948 = tpu.memref_slice %arg3[%multiple_of3A_1480, %dma_wait3A_1947] : memref<320000x16xf32, #tpu.memory_space<hbm>> -> memref<2000x16xf32, #tpu.memory_space<hbm>>
    tpu.wait_dma2 semaphore(%arg9 : memref<!tpu.dma_semaphore, #tpu.memory_space<semaphore_mem>>) src(%dma_wait3A_1948 : memref<2000x16xf32, #tpu.memory_space<hbm>>) dst(%dma_wait3A_1946 : memref<2000x16xf32, #tpu.memory_space<vmem>>)
    %dma_start3A_1949 = arith.constant 0 : i32
    %dma_start3A_1950 = arith.constant 0 : i32
    %dma_start3A_1951 = arith.constant 1 : i32
    %dma_start3A_1952 = arith.constant 0 : i32
    %dma_start3A_1953 = arith.constant 0 : i32
    %dma_start3A_1954 = tpu.memref_slice %arg8[%dma_start3A_1949, %dma_start3A_1952, %dma_start3A_1953] : memref<2x2000x16xf32, #tpu.memory_space<vmem>> -> memref<1x128x16xf32, #tpu.memory_space<vmem>>
    %dma_start3A_1955 = tpu.memref_squeeze %dma_start3A_1954 : memref<1x128x16xf32, #tpu.memory_space<vmem>> -> memref<128x16xf32, #tpu.memory_space<vmem>>
    %dma_start3A_1956 = arith.constant 0 : i32
    %dma_start3A_1957 = tpu.memref_slice %arg7[%dma_start3A_1950, %dma_start3A_1951, %dma_start3A_1956] : memref<2x2x2000xi32, #tpu.memory_space<vmem>> -> memref<1x1x128xi32, #tpu.memory_space<vmem>>
    %dma_start3A_1958 = tpu.memref_squeeze %dma_start3A_1957 : memref<1x1x128xi32, #tpu.memory_space<vmem>> -> memref<128xi32, #tpu.memory_space<vmem>>
    %dma_start3A_1959 = arith.constant 0 : i32
    %dma_start3A_1960 = arith.constant 0 : i32
    %dma_start3A_1961 = tpu.memref_slice %arg6[%dma_start3A_1959, %dma_start3A_1960] : memref<10240x16xf32, #tpu.memory_space<vmem_shared>> -> memref<10240x16xf32, #tpu.memory_space<vmem_shared>>
    tpu.enqueue_indirect_dma source(%dma_start3A_1955 : memref<128x16xf32, #tpu.memory_space<vmem>>) target(%dma_start3A_1961 : memref<10240x16xf32, #tpu.memory_space<vmem_shared>>) offsets(%dma_start3A_1958 : memref<128xi32, #tpu.memory_space<vmem>>) semaphore(%arg10 : memref<!tpu.dma_semaphore, #tpu.memory_space<semaphore_mem>>) {add = true}
    %dma_start3A_1962 = arith.constant 0 : i32
    %dma_start3A_1963 = arith.constant 0 : i32
    %dma_start3A_1964 = arith.constant 1 : i32
    %dma_start3A_1965 = arith.constant 128 : i32
    %dma_start3A_1966 = arith.constant 0 : i32
    %dma_start3A_1967 = tpu.memref_slice %arg8[%dma_start3A_1962, %dma_start3A_1965, %dma_start3A_1966] : memref<2x2000x16xf32, #tpu.memory_space<vmem>> -> memref<1x128x16xf32, #tpu.memory_space<vmem>>
    %dma_start3A_1968 = tpu.memref_squeeze %dma_start3A_1967 : memref<1x128x16xf32, #tpu.memory_space<vmem>> -> memref<128x16xf32, #tpu.memory_space<vmem>>
    %dma_start3A_1969 = arith.constant 128 : i32
    %dma_start3A_1970 = tpu.memref_slice %arg7[%dma_start3A_1963, %dma_start3A_1964, %dma_start3A_1969] : memref<2x2x2000xi32, #tpu.memory_space<vmem>> -> memref<1x1x128xi32, #tpu.memory_space<vmem>>
    %dma_start3A_1971 = tpu.memref_squeeze %dma_start3A_1970 : memref<1x1x128xi32, #tpu.memory_space<vmem>> -> memref<128xi32, #tpu.memory_space<vmem>>
    %dma_start3A_1972 = arith.constant 0 : i32
    %dma_start3A_1973 = arith.constant 0 : i32
    %dma_start3A_1974 = tpu.memref_slice %arg6[%dma_start3A_1972, %dma_start3A_1973] : memref<10240x16xf32, #tpu.memory_space<vmem_shared>> -> memref<10240x16xf32, #tpu.memory_space<vmem_shared>>
    tpu.enqueue_indirect_dma source(%dma_start3A_1968 : memref<128x16xf32, #tpu.memory_space<vmem>>) target(%dma_start3A_1974 : memref<10240x16xf32, #tpu.memory_space<vmem_shared>>) offsets(%dma_start3A_1971 : memref<128xi32, #tpu.memory_space<vmem>>) semaphore(%arg10 : memref<!tpu.dma_semaphore, #tpu.memory_space<semaphore_mem>>) {add = true}
    %dma_start3A_1975 = arith.constant 0 : i32
    %dma_start3A_1976 = arith.constant 0 : i32
    %dma_start3A_1977 = arith.constant 1 : i32
    %dma_start3A_1978 = arith.constant 256 : i32
    %dma_start3A_1979 = arith.constant 0 : i32
    %dma_start3A_1980 = tpu.memref_slice %arg8[%dma_start3A_1975, %dma_start3A_1978, %dma_start3A_1979] : memref<2x2000x16xf32, #tpu.memory_space<vmem>> -> memref<1x128x16xf32, #tpu.memory_space<vmem>>
    %dma_start3A_1981 = tpu.memref_squeeze %dma_start3A_1980 : memref<1x128x16xf32, #tpu.memory_space<vmem>> -> memref<128x16xf32, #tpu.memory_space<vmem>>
    %dma_start3A_1982 = arith.constant 256 : i32
    %dma_start3A_1983 = tpu.memref_slice %arg7[%dma_start3A_1976, %dma_start3A_1977, %dma_start3A_1982] : memref<2x2x2000xi32, #tpu.memory_space<vmem>> -> memref<1x1x128xi32, #tpu.memory_space<vmem>>
    %dma_start3A_1984 = tpu.memref_squeeze %dma_start3A_1983 : memref<1x1x128xi32, #tpu.memory_space<vmem>> -> memref<128xi32, #tpu.memory_space<vmem>>
    %dma_start3A_1985 = arith.constant 0 : i32
    %dma_start3A_1986 = arith.constant 0 : i32
    %dma_start3A_1987 = tpu.memref_slice %arg6[%dma_start3A_1985, %dma_start3A_1986] : memref<10240x16xf32, #tpu.memory_space<vmem_shared>> -> memref<10240x16xf32, #tpu.memory_space<vmem_shared>>
    tpu.enqueue_indirect_dma source(%dma_start3A_1981 : memref<128x16xf32, #tpu.memory_space<vmem>>) target(%dma_start3A_1987 : memref<10240x16xf32, #tpu.memory_space<vmem_shared>>) offsets(%dma_start3A_1984 : memref<128xi32, #tpu.memory_space<vmem>>) semaphore(%arg10 : memref<!tpu.dma_semaphore, #tpu.memory_space<semaphore_mem>>) {add = true}
    %dma_start3A_1988 = arith.constant 0 : i32
    %dma_start3A_1989 = arith.constant 0 : i32
    %dma_start3A_1990 = arith.constant 1 : i32
    %dma_start3A_1991 = arith.constant 384 : i32
    %dma_start3A_1992 = arith.constant 0 : i32
    %dma_start3A_1993 = tpu.memref_slice %arg8[%dma_start3A_1988, %dma_start3A_1991, %dma_start3A_1992] : memref<2x2000x16xf32, #tpu.memory_space<vmem>> -> memref<1x128x16xf32, #tpu.memory_space<vmem>>
    %dma_start3A_1994 = tpu.memref_squeeze %dma_start3A_1993 : memref<1x128x16xf32, #tpu.memory_space<vmem>> -> memref<128x16xf32, #tpu.memory_space<vmem>>
    %dma_start3A_1995 = arith.constant 384 : i32
    %dma_start3A_1996 = tpu.memref_slice %arg7[%dma_start3A_1989, %dma_start3A_1990, %dma_start3A_1995] : memref<2x2x2000xi32, #tpu.memory_space<vmem>> -> memref<1x1x128xi32, #tpu.memory_space<vmem>>
    %dma_start3A_1997 = tpu.memref_squeeze %dma_start3A_1996 : memref<1x1x128xi32, #tpu.memory_space<vmem>> -> memref<128xi32, #tpu.memory_space<vmem>>
    %dma_start3A_1998 = arith.constant 0 : i32
    %dma_start3A_1999 = arith.constant 0 : i32
    %dma_start3A_2000 = tpu.memref_slice %arg6[%dma_start3A_1998, %dma_start3A_1999] : memref<10240x16xf32, #tpu.memory_space<vmem_shared>> -> memref<10240x16xf32, #tpu.memory_space<vmem_shared>>
    tpu.enqueue_indirect_dma source(%dma_start3A_1994 : memref<128x16xf32, #tpu.memory_space<vmem>>) target(%dma_start3A_2000 : memref<10240x16xf32, #tpu.memory_space<vmem_shared>>) offsets(%dma_start3A_1997 : memref<128xi32, #tpu.memory_space<vmem>>) semaphore(%arg10 : memref<!tpu.dma_semaphore, #tpu.memory_space<semaphore_mem>>) {add = true}
    %dma_start3A_2001 = arith.constant 0 : i32
    %dma_start3A_2002 = arith.constant 0 : i32
    %dma_start3A_2003 = arith.constant 1 : i32
    %dma_start3A_2004 = arith.constant 512 : i32
    %dma_start3A_2005 = arith.constant 0 : i32
    %dma_start3A_2006 = tpu.memref_slice %arg8[%dma_start3A_2001, %dma_start3A_2004, %dma_start3A_2005] : memref<2x2000x16xf32, #tpu.memory_space<vmem>> -> memref<1x128x16xf32, #tpu.memory_space<vmem>>
    %dma_start3A_2007 = tpu.memref_squeeze %dma_start3A_2006 : memref<1x128x16xf32, #tpu.memory_space<vmem>> -> memref<128x16xf32, #tpu.memory_space<vmem>>
    %dma_start3A_2008 = arith.constant 512 : i32
    %dma_start3A_2009 = tpu.memref_slice %arg7[%dma_start3A_2002, %dma_start3A_2003, %dma_start3A_2008] : memref<2x2x2000xi32, #tpu.memory_space<vmem>> -> memref<1x1x128xi32, #tpu.memory_space<vmem>>
    %dma_start3A_2010 = tpu.memref_squeeze %dma_start3A_2009 : memref<1x1x128xi32, #tpu.memory_space<vmem>> -> memref<128xi32, #tpu.memory_space<vmem>>
    %dma_start3A_2011 = arith.constant 0 : i32
    %dma_start3A_2012 = arith.constant 0 : i32
    %dma_start3A_2013 = tpu.memref_slice %arg6[%dma_start3A_2011, %dma_start3A_2012] : memref<10240x16xf32, #tpu.memory_space<vmem_shared>> -> memref<10240x16xf32, #tpu.memory_space<vmem_shared>>
    tpu.enqueue_indirect_dma source(%dma_start3A_2007 : memref<128x16xf32, #tpu.memory_space<vmem>>) target(%dma_start3A_2013 : memref<10240x16xf32, #tpu.memory_space<vmem_shared>>) offsets(%dma_start3A_2010 : memref<128xi32, #tpu.memory_space<vmem>>) semaphore(%arg10 : memref<!tpu.dma_semaphore, #tpu.memory_space<semaphore_mem>>) {add = true}
    %dma_start3A_2014 = arith.constant 0 : i32
    %dma_start3A_2015 = arith.constant 0 : i32
    %dma_start3A_2016 = arith.constant 1 : i32
    %dma_start3A_2017 = arith.constant 640 : i32
    %dma_start3A_2018 = arith.constant 0 : i32
    %dma_start3A_2019 = tpu.memref_slice %arg8[%dma_start3A_2014, %dma_start3A_2017, %dma_start3A_2018] : memref<2x2000x16xf32, #tpu.memory_space<vmem>> -> memref<1x128x16xf32, #tpu.memory_space<vmem>>
    %dma_start3A_2020 = tpu.memref_squeeze %dma_start3A_2019 : memref<1x128x16xf32, #tpu.memory_space<vmem>> -> memref<128x16xf32, #tpu.memory_space<vmem>>
    %dma_start3A_2021 = arith.constant 640 : i32
    %dma_start3A_2022 = tpu.memref_slice %arg7[%dma_start3A_2015, %dma_start3A_2016, %dma_start3A_2021] : memref<2x2x2000xi32, #tpu.memory_space<vmem>> -> memref<1x1x128xi32, #tpu.memory_space<vmem>>
    %dma_start3A_2023 = tpu.memref_squeeze %dma_start3A_2022 : memref<1x1x128xi32, #tpu.memory_space<vmem>> -> memref<128xi32, #tpu.memory_space<vmem>>
    %dma_start3A_2024 = arith.constant 0 : i32
    %dma_start3A_2025 = arith.constant 0 : i32
    %dma_start3A_2026 = tpu.memref_slice %arg6[%dma_start3A_2024, %dma_start3A_2025] : memref<10240x16xf32, #tpu.memory_space<vmem_shared>> -> memref<10240x16xf32, #tpu.memory_space<vmem_shared>>
    tpu.enqueue_indirect_dma source(%dma_start3A_2020 : memref<128x16xf32, #tpu.memory_space<vmem>>) target(%dma_start3A_2026 : memref<10240x16xf32, #tpu.memory_space<vmem_shared>>) offsets(%dma_start3A_2023 : memref<128xi32, #tpu.memory_space<vmem>>) semaphore(%arg10 : memref<!tpu.dma_semaphore, #tpu.memory_space<semaphore_mem>>) {add = true}
    %dma_start3A_2027 = arith.constant 0 : i32
    %dma_start3A_2028 = arith.constant 0 : i32
    %dma_start3A_2029 = arith.constant 1 : i32
    %dma_start3A_2030 = arith.constant 768 : i32
    %dma_start3A_2031 = arith.constant 0 : i32
    %dma_start3A_2032 = tpu.memref_slice %arg8[%dma_start3A_2027, %dma_start3A_2030, %dma_start3A_2031] : memref<2x2000x16xf32, #tpu.memory_space<vmem>> -> memref<1x128x16xf32, #tpu.memory_space<vmem>>
    %dma_start3A_2033 = tpu.memref_squeeze %dma_start3A_2032 : memref<1x128x16xf32, #tpu.memory_space<vmem>> -> memref<128x16xf32, #tpu.memory_space<vmem>>
    %dma_start3A_2034 = arith.constant 768 : i32
    %dma_start3A_2035 = tpu.memref_slice %arg7[%dma_start3A_2028, %dma_start3A_2029, %dma_start3A_2034] : memref<2x2x2000xi32, #tpu.memory_space<vmem>> -> memref<1x1x128xi32, #tpu.memory_space<vmem>>
    %dma_start3A_2036 = tpu.memref_squeeze %dma_start3A_2035 : memref<1x1x128xi32, #tpu.memory_space<vmem>> -> memref<128xi32, #tpu.memory_space<vmem>>
    %dma_start3A_2037 = arith.constant 0 : i32
    %dma_start3A_2038 = arith.constant 0 : i32
    %dma_start3A_2039 = tpu.memref_slice %arg6[%dma_start3A_2037, %dma_start3A_2038] : memref<10240x16xf32, #tpu.memory_space<vmem_shared>> -> memref<10240x16xf32, #tpu.memory_space<vmem_shared>>
    tpu.enqueue_indirect_dma source(%dma_start3A_2033 : memref<128x16xf32, #tpu.memory_space<vmem>>) target(%dma_start3A_2039 : memref<10240x16xf32, #tpu.memory_space<vmem_shared>>) offsets(%dma_start3A_2036 : memref<128xi32, #tpu.memory_space<vmem>>) semaphore(%arg10 : memref<!tpu.dma_semaphore, #tpu.memory_space<semaphore_mem>>) {add = true}
    %dma_start3A_2040 = arith.constant 0 : i32
    %dma_start3A_2041 = arith.constant 0 : i32
    %dma_start3A_2042 = arith.constant 1 : i32
    %dma_start3A_2043 = arith.constant 896 : i32
    %dma_start3A_2044 = arith.constant 0 : i32
    %dma_start3A_2045 = tpu.memref_slice %arg8[%dma_start3A_2040, %dma_start3A_2043, %dma_start3A_2044] : memref<2x2000x16xf32, #tpu.memory_space<vmem>> -> memref<1x128x16xf32, #tpu.memory_space<vmem>>
    %dma_start3A_2046 = tpu.memref_squeeze %dma_start3A_2045 : memref<1x128x16xf32, #tpu.memory_space<vmem>> -> memref<128x16xf32, #tpu.memory_space<vmem>>
    %dma_start3A_2047 = arith.constant 896 : i32
    %dma_start3A_2048 = tpu.memref_slice %arg7[%dma_start3A_2041, %dma_start3A_2042, %dma_start3A_2047] : memref<2x2x2000xi32, #tpu.memory_space<vmem>> -> memref<1x1x128xi32, #tpu.memory_space<vmem>>
    %dma_start3A_2049 = tpu.memref_squeeze %dma_start3A_2048 : memref<1x1x128xi32, #tpu.memory_space<vmem>> -> memref<128xi32, #tpu.memory_space<vmem>>
    %dma_start3A_2050 = arith.constant 0 : i32
    %dma_start3A_2051 = arith.constant 0 : i32
    %dma_start3A_2052 = tpu.memref_slice %arg6[%dma_start3A_2050, %dma_start3A_2051] : memref<10240x16xf32, #tpu.memory_space<vmem_shared>> -> memref<10240x16xf32, #tpu.memory_space<vmem_shared>>
    tpu.enqueue_indirect_dma source(%dma_start3A_2046 : memref<128x16xf32, #tpu.memory_space<vmem>>) target(%dma_start3A_2052 : memref<10240x16xf32, #tpu.memory_space<vmem_shared>>) offsets(%dma_start3A_2049 : memref<128xi32, #tpu.memory_space<vmem>>) semaphore(%arg10 : memref<!tpu.dma_semaphore, #tpu.memory_space<semaphore_mem>>) {add = true}
    %dma_start3A_2053 = arith.constant 0 : i32
    %dma_start3A_2054 = arith.constant 0 : i32
    %dma_start3A_2055 = arith.constant 1 : i32
    %dma_start3A_2056 = arith.constant 1024 : i32
    %dma_start3A_2057 = arith.constant 0 : i32
    %dma_start3A_2058 = tpu.memref_slice %arg8[%dma_start3A_2053, %dma_start3A_2056, %dma_start3A_2057] : memref<2x2000x16xf32, #tpu.memory_space<vmem>> -> memref<1x128x16xf32, #tpu.memory_space<vmem>>
    %dma_start3A_2059 = tpu.memref_squeeze %dma_start3A_2058 : memref<1x128x16xf32, #tpu.memory_space<vmem>> -> memref<128x16xf32, #tpu.memory_space<vmem>>
    %dma_start3A_2060 = arith.constant 1024 : i32
    %dma_start3A_2061 = tpu.memref_slice %arg7[%dma_start3A_2054, %dma_start3A_2055, %dma_start3A_2060] : memref<2x2x2000xi32, #tpu.memory_space<vmem>> -> memref<1x1x128xi32, #tpu.memory_space<vmem>>
    %dma_start3A_2062 = tpu.memref_squeeze %dma_start3A_2061 : memref<1x1x128xi32, #tpu.memory_space<vmem>> -> memref<128xi32, #tpu.memory_space<vmem>>
    %dma_start3A_2063 = arith.constant 0 : i32
    %dma_start3A_2064 = arith.constant 0 : i32
    %dma_start3A_2065 = tpu.memref_slice %arg6[%dma_start3A_2063, %dma_start3A_2064] : memref<10240x16xf32, #tpu.memory_space<vmem_shared>> -> memref<10240x16xf32, #tpu.memory_space<vmem_shared>>
    tpu.enqueue_indirect_dma source(%dma_start3A_2059 : memref<128x16xf32, #tpu.memory_space<vmem>>) target(%dma_start3A_2065 : memref<10240x16xf32, #tpu.memory_space<vmem_shared>>) offsets(%dma_start3A_2062 : memref<128xi32, #tpu.memory_space<vmem>>) semaphore(%arg10 : memref<!tpu.dma_semaphore, #tpu.memory_space<semaphore_mem>>) {add = true}
    %dma_start3A_2066 = arith.constant 0 : i32
    %dma_start3A_2067 = arith.constant 0 : i32
    %dma_start3A_2068 = arith.constant 1 : i32
    %dma_start3A_2069 = arith.constant 1152 : i32
    %dma_start3A_2070 = arith.constant 0 : i32
    %dma_start3A_2071 = tpu.memref_slice %arg8[%dma_start3A_2066, %dma_start3A_2069, %dma_start3A_2070] : memref<2x2000x16xf32, #tpu.memory_space<vmem>> -> memref<1x128x16xf32, #tpu.memory_space<vmem>>
    %dma_start3A_2072 = tpu.memref_squeeze %dma_start3A_2071 : memref<1x128x16xf32, #tpu.memory_space<vmem>> -> memref<128x16xf32, #tpu.memory_space<vmem>>
    %dma_start3A_2073 = arith.constant 1152 : i32
    %dma_start3A_2074 = tpu.memref_slice %arg7[%dma_start3A_2067, %dma_start3A_2068, %dma_start3A_2073] : memref<2x2x2000xi32, #tpu.memory_space<vmem>> -> memref<1x1x128xi32, #tpu.memory_space<vmem>>
    %dma_start3A_2075 = tpu.memref_squeeze %dma_start3A_2074 : memref<1x1x128xi32, #tpu.memory_space<vmem>> -> memref<128xi32, #tpu.memory_space<vmem>>
    %dma_start3A_2076 = arith.constant 0 : i32
    %dma_start3A_2077 = arith.constant 0 : i32
    %dma_start3A_2078 = tpu.memref_slice %arg6[%dma_start3A_2076, %dma_start3A_2077] : memref<10240x16xf32, #tpu.memory_space<vmem_shared>> -> memref<10240x16xf32, #tpu.memory_space<vmem_shared>>
    tpu.enqueue_indirect_dma source(%dma_start3A_2072 : memref<128x16xf32, #tpu.memory_space<vmem>>) target(%dma_start3A_2078 : memref<10240x16xf32, #tpu.memory_space<vmem_shared>>) offsets(%dma_start3A_2075 : memref<128xi32, #tpu.memory_space<vmem>>) semaphore(%arg10 : memref<!tpu.dma_semaphore, #tpu.memory_space<semaphore_mem>>) {add = true}
    %dma_start3A_2079 = arith.constant 0 : i32
    %dma_start3A_2080 = arith.constant 0 : i32
    %dma_start3A_2081 = arith.constant 1 : i32
    %dma_start3A_2082 = arith.constant 1280 : i32
    %dma_start3A_2083 = arith.constant 0 : i32
    %dma_start3A_2084 = tpu.memref_slice %arg8[%dma_start3A_2079, %dma_start3A_2082, %dma_start3A_2083] : memref<2x2000x16xf32, #tpu.memory_space<vmem>> -> memref<1x128x16xf32, #tpu.memory_space<vmem>>
    %dma_start3A_2085 = tpu.memref_squeeze %dma_start3A_2084 : memref<1x128x16xf32, #tpu.memory_space<vmem>> -> memref<128x16xf32, #tpu.memory_space<vmem>>
    %dma_start3A_2086 = arith.constant 1280 : i32
    %dma_start3A_2087 = tpu.memref_slice %arg7[%dma_start3A_2080, %dma_start3A_2081, %dma_start3A_2086] : memref<2x2x2000xi32, #tpu.memory_space<vmem>> -> memref<1x1x128xi32, #tpu.memory_space<vmem>>
    %dma_start3A_2088 = tpu.memref_squeeze %dma_start3A_2087 : memref<1x1x128xi32, #tpu.memory_space<vmem>> -> memref<128xi32, #tpu.memory_space<vmem>>
    %dma_start3A_2089 = arith.constant 0 : i32
    %dma_start3A_2090 = arith.constant 0 : i32
    %dma_start3A_2091 = tpu.memref_slice %arg6[%dma_start3A_2089, %dma_start3A_2090] : memref<10240x16xf32, #tpu.memory_space<vmem_shared>> -> memref<10240x16xf32, #tpu.memory_space<vmem_shared>>
    tpu.enqueue_indirect_dma source(%dma_start3A_2085 : memref<128x16xf32, #tpu.memory_space<vmem>>) target(%dma_start3A_2091 : memref<10240x16xf32, #tpu.memory_space<vmem_shared>>) offsets(%dma_start3A_2088 : memref<128xi32, #tpu.memory_space<vmem>>) semaphore(%arg10 : memref<!tpu.dma_semaphore, #tpu.memory_space<semaphore_mem>>) {add = true}
    %dma_start3A_2092 = arith.constant 0 : i32
    %dma_start3A_2093 = arith.constant 0 : i32
    %dma_start3A_2094 = arith.constant 1 : i32
    %dma_start3A_2095 = arith.constant 1408 : i32
    %dma_start3A_2096 = arith.constant 0 : i32
    %dma_start3A_2097 = tpu.memref_slice %arg8[%dma_start3A_2092, %dma_start3A_2095, %dma_start3A_2096] : memref<2x2000x16xf32, #tpu.memory_space<vmem>> -> memref<1x128x16xf32, #tpu.memory_space<vmem>>
    %dma_start3A_2098 = tpu.memref_squeeze %dma_start3A_2097 : memref<1x128x16xf32, #tpu.memory_space<vmem>> -> memref<128x16xf32, #tpu.memory_space<vmem>>
    %dma_start3A_2099 = arith.constant 1408 : i32
    %dma_start3A_2100 = tpu.memref_slice %arg7[%dma_start3A_2093, %dma_start3A_2094, %dma_start3A_2099] : memref<2x2x2000xi32, #tpu.memory_space<vmem>> -> memref<1x1x128xi32, #tpu.memory_space<vmem>>
    %dma_start3A_2101 = tpu.memref_squeeze %dma_start3A_2100 : memref<1x1x128xi32, #tpu.memory_space<vmem>> -> memref<128xi32, #tpu.memory_space<vmem>>
    %dma_start3A_2102 = arith.constant 0 : i32
    %dma_start3A_2103 = arith.constant 0 : i32
    %dma_start3A_2104 = tpu.memref_slice %arg6[%dma_start3A_2102, %dma_start3A_2103] : memref<10240x16xf32, #tpu.memory_space<vmem_shared>> -> memref<10240x16xf32, #tpu.memory_space<vmem_shared>>
    tpu.enqueue_indirect_dma source(%dma_start3A_2098 : memref<128x16xf32, #tpu.memory_space<vmem>>) target(%dma_start3A_2104 : memref<10240x16xf32, #tpu.memory_space<vmem_shared>>) offsets(%dma_start3A_2101 : memref<128xi32, #tpu.memory_space<vmem>>) semaphore(%arg10 : memref<!tpu.dma_semaphore, #tpu.memory_space<semaphore_mem>>) {add = true}
    %dma_start3A_2105 = arith.constant 0 : i32
    %dma_start3A_2106 = arith.constant 0 : i32
    %dma_start3A_2107 = arith.constant 1 : i32
    %dma_start3A_2108 = arith.constant 1536 : i32
    %dma_start3A_2109 = arith.constant 0 : i32
    %dma_start3A_2110 = tpu.memref_slice %arg8[%dma_start3A_2105, %dma_start3A_2108, %dma_start3A_2109] : memref<2x2000x16xf32, #tpu.memory_space<vmem>> -> memref<1x128x16xf32, #tpu.memory_space<vmem>>
    %dma_start3A_2111 = tpu.memref_squeeze %dma_start3A_2110 : memref<1x128x16xf32, #tpu.memory_space<vmem>> -> memref<128x16xf32, #tpu.memory_space<vmem>>
    %dma_start3A_2112 = arith.constant 1536 : i32
    %dma_start3A_2113 = tpu.memref_slice %arg7[%dma_start3A_2106, %dma_start3A_2107, %dma_start3A_2112] : memref<2x2x2000xi32, #tpu.memory_space<vmem>> -> memref<1x1x128xi32, #tpu.memory_space<vmem>>
    %dma_start3A_2114 = tpu.memref_squeeze %dma_start3A_2113 : memref<1x1x128xi32, #tpu.memory_space<vmem>> -> memref<128xi32, #tpu.memory_space<vmem>>
    %dma_start3A_2115 = arith.constant 0 : i32
    %dma_start3A_2116 = arith.constant 0 : i32
    %dma_start3A_2117 = tpu.memref_slice %arg6[%dma_start3A_2115, %dma_start3A_2116] : memref<10240x16xf32, #tpu.memory_space<vmem_shared>> -> memref<10240x16xf32, #tpu.memory_space<vmem_shared>>
    tpu.enqueue_indirect_dma source(%dma_start3A_2111 : memref<128x16xf32, #tpu.memory_space<vmem>>) target(%dma_start3A_2117 : memref<10240x16xf32, #tpu.memory_space<vmem_shared>>) offsets(%dma_start3A_2114 : memref<128xi32, #tpu.memory_space<vmem>>) semaphore(%arg10 : memref<!tpu.dma_semaphore, #tpu.memory_space<semaphore_mem>>) {add = true}
    %dma_start3A_2118 = arith.constant 0 : i32
    %dma_start3A_2119 = arith.constant 0 : i32
    %dma_start3A_2120 = arith.constant 1 : i32
    %dma_start3A_2121 = arith.constant 1664 : i32
    %dma_start3A_2122 = arith.constant 0 : i32
    %dma_start3A_2123 = tpu.memref_slice %arg8[%dma_start3A_2118, %dma_start3A_2121, %dma_start3A_2122] : memref<2x2000x16xf32, #tpu.memory_space<vmem>> -> memref<1x128x16xf32, #tpu.memory_space<vmem>>
    %dma_start3A_2124 = tpu.memref_squeeze %dma_start3A_2123 : memref<1x128x16xf32, #tpu.memory_space<vmem>> -> memref<128x16xf32, #tpu.memory_space<vmem>>
    %dma_start3A_2125 = arith.constant 1664 : i32
    %dma_start3A_2126 = tpu.memref_slice %arg7[%dma_start3A_2119, %dma_start3A_2120, %dma_start3A_2125] : memref<2x2x2000xi32, #tpu.memory_space<vmem>> -> memref<1x1x128xi32, #tpu.memory_space<vmem>>
    %dma_start3A_2127 = tpu.memref_squeeze %dma_start3A_2126 : memref<1x1x128xi32, #tpu.memory_space<vmem>> -> memref<128xi32, #tpu.memory_space<vmem>>
    %dma_start3A_2128 = arith.constant 0 : i32
    %dma_start3A_2129 = arith.constant 0 : i32
    %dma_start3A_2130 = tpu.memref_slice %arg6[%dma_start3A_2128, %dma_start3A_2129] : memref<10240x16xf32, #tpu.memory_space<vmem_shared>> -> memref<10240x16xf32, #tpu.memory_space<vmem_shared>>
    tpu.enqueue_indirect_dma source(%dma_start3A_2124 : memref<128x16xf32, #tpu.memory_space<vmem>>) target(%dma_start3A_2130 : memref<10240x16xf32, #tpu.memory_space<vmem_shared>>) offsets(%dma_start3A_2127 : memref<128xi32, #tpu.memory_space<vmem>>) semaphore(%arg10 : memref<!tpu.dma_semaphore, #tpu.memory_space<semaphore_mem>>) {add = true}
    %dma_start3A_2131 = arith.constant 0 : i32
    %dma_start3A_2132 = arith.constant 0 : i32
    %dma_start3A_2133 = arith.constant 1 : i32
    %dma_start3A_2134 = arith.constant 1792 : i32
    %dma_start3A_2135 = arith.constant 0 : i32
    %dma_start3A_2136 = tpu.memref_slice %arg8[%dma_start3A_2131, %dma_start3A_2134, %dma_start3A_2135] : memref<2x2000x16xf32, #tpu.memory_space<vmem>> -> memref<1x128x16xf32, #tpu.memory_space<vmem>>
    %dma_start3A_2137 = tpu.memref_squeeze %dma_start3A_2136 : memref<1x128x16xf32, #tpu.memory_space<vmem>> -> memref<128x16xf32, #tpu.memory_space<vmem>>
    %dma_start3A_2138 = arith.constant 1792 : i32
    %dma_start3A_2139 = tpu.memref_slice %arg7[%dma_start3A_2132, %dma_start3A_2133, %dma_start3A_2138] : memref<2x2x2000xi32, #tpu.memory_space<vmem>> -> memref<1x1x128xi32, #tpu.memory_space<vmem>>
    %dma_start3A_2140 = tpu.memref_squeeze %dma_start3A_2139 : memref<1x1x128xi32, #tpu.memory_space<vmem>> -> memref<128xi32, #tpu.memory_space<vmem>>
    %dma_start3A_2141 = arith.constant 0 : i32
    %dma_start3A_2142 = arith.constant 0 : i32
    %dma_start3A_2143 = tpu.memref_slice %arg6[%dma_start3A_2141, %dma_start3A_2142] : memref<10240x16xf32, #tpu.memory_space<vmem_shared>> -> memref<10240x16xf32, #tpu.memory_space<vmem_shared>>
    tpu.enqueue_indirect_dma source(%dma_start3A_2137 : memref<128x16xf32, #tpu.memory_space<vmem>>) target(%dma_start3A_2143 : memref<10240x16xf32, #tpu.memory_space<vmem_shared>>) offsets(%dma_start3A_2140 : memref<128xi32, #tpu.memory_space<vmem>>) semaphore(%arg10 : memref<!tpu.dma_semaphore, #tpu.memory_space<semaphore_mem>>) {add = true}
    %dma_start3A_2144 = arith.constant 0 : i32
    %dma_start3A_2145 = arith.constant 0 : i32
    %dma_start3A_2146 = arith.constant 1 : i32
    %dma_start3A_2147 = arith.constant 1920 : i32
    %dma_start3A_2148 = arith.constant 0 : i32
    %dma_start3A_2149 = tpu.memref_slice %arg8[%dma_start3A_2144, %dma_start3A_2147, %dma_start3A_2148] : memref<2x2000x16xf32, #tpu.memory_space<vmem>> -> memref<1x80x16xf32, #tpu.memory_space<vmem>>
    %dma_start3A_2150 = tpu.memref_squeeze %dma_start3A_2149 : memref<1x80x16xf32, #tpu.memory_space<vmem>> -> memref<80x16xf32, #tpu.memory_space<vmem>>
    %dma_start3A_2151 = arith.constant 1920 : i32
    %dma_start3A_2152 = tpu.memref_slice %arg7[%dma_start3A_2145, %dma_start3A_2146, %dma_start3A_2151] : memref<2x2x2000xi32, #tpu.memory_space<vmem>> -> memref<1x1x80xi32, #tpu.memory_space<vmem>>
    %dma_start3A_2153 = tpu.memref_squeeze %dma_start3A_2152 : memref<1x1x80xi32, #tpu.memory_space<vmem>> -> memref<80xi32, #tpu.memory_space<vmem>>
    %dma_start3A_2154 = arith.constant 0 : i32
    %dma_start3A_2155 = arith.constant 0 : i32
    %dma_start3A_2156 = tpu.memref_slice %arg6[%dma_start3A_2154, %dma_start3A_2155] : memref<10240x16xf32, #tpu.memory_space<vmem_shared>> -> memref<10240x16xf32, #tpu.memory_space<vmem_shared>>
    tpu.enqueue_indirect_dma source(%dma_start3A_2150 : memref<80x16xf32, #tpu.memory_space<vmem>>) target(%dma_start3A_2156 : memref<10240x16xf32, #tpu.memory_space<vmem_shared>>) offsets(%dma_start3A_2153 : memref<80xi32, #tpu.memory_space<vmem>>) semaphore(%arg10 : memref<!tpu.dma_semaphore, #tpu.memory_space<semaphore_mem>>) {add = true}
    %dma_wait3A_2157 = arith.constant 0 : i32
    %dma_wait3A_2158 = arith.constant 0 : i32
    %dma_wait3A_2159 = arith.constant 1 : i32
    %dma_wait3A_2160 = arith.constant 0 : i32
    %dma_wait3A_2161 = arith.constant 0 : i32
    %dma_wait3A_2162 = tpu.memref_slice %arg8[%dma_wait3A_2157, %dma_wait3A_2160, %dma_wait3A_2161] : memref<2x2000x16xf32, #tpu.memory_space<vmem>> -> memref<1x128x16xf32, #tpu.memory_space<vmem>>
    %dma_wait3A_2163 = tpu.memref_squeeze %dma_wait3A_2162 : memref<1x128x16xf32, #tpu.memory_space<vmem>> -> memref<128x16xf32, #tpu.memory_space<vmem>>
    %dma_wait3A_2164 = arith.constant 0 : i32
    %dma_wait3A_2165 = tpu.memref_slice %arg7[%dma_wait3A_2158, %dma_wait3A_2159, %dma_wait3A_2164] : memref<2x2x2000xi32, #tpu.memory_space<vmem>> -> memref<1x1x128xi32, #tpu.memory_space<vmem>>
    %dma_wait3A_2166 = tpu.memref_squeeze %dma_wait3A_2165 : memref<1x1x128xi32, #tpu.memory_space<vmem>> -> memref<128xi32, #tpu.memory_space<vmem>>
    %dma_wait3A_2167 = arith.constant 0 : i32
    %dma_wait3A_2168 = arith.constant 0 : i32
    %dma_wait3A_2169 = tpu.memref_slice %arg6[%dma_wait3A_2167, %dma_wait3A_2168] : memref<10240x16xf32, #tpu.memory_space<vmem_shared>> -> memref<10240x16xf32, #tpu.memory_space<vmem_shared>>
    tpu.wait_indirect_dma semaphore(%arg10 : memref<!tpu.dma_semaphore, #tpu.memory_space<semaphore_mem>>) src(%dma_wait3A_2163 : memref<128x16xf32, #tpu.memory_space<vmem>>) dst(%dma_wait3A_2169 : memref<10240x16xf32, #tpu.memory_space<vmem_shared>>)
    %dma_wait3A_2170 = arith.constant 0 : i32
    %dma_wait3A_2171 = arith.constant 0 : i32
    %dma_wait3A_2172 = arith.constant 1 : i32
    %dma_wait3A_2173 = arith.constant 128 : i32
    %dma_wait3A_2174 = arith.constant 0 : i32
    %dma_wait3A_2175 = tpu.memref_slice %arg8[%dma_wait3A_2170, %dma_wait3A_2173, %dma_wait3A_2174] : memref<2x2000x16xf32, #tpu.memory_space<vmem>> -> memref<1x128x16xf32, #tpu.memory_space<vmem>>
    %dma_wait3A_2176 = tpu.memref_squeeze %dma_wait3A_2175 : memref<1x128x16xf32, #tpu.memory_space<vmem>> -> memref<128x16xf32, #tpu.memory_space<vmem>>
    %dma_wait3A_2177 = arith.constant 128 : i32
    %dma_wait3A_2178 = tpu.memref_slice %arg7[%dma_wait3A_2171, %dma_wait3A_2172, %dma_wait3A_2177] : memref<2x2x2000xi32, #tpu.memory_space<vmem>> -> memref<1x1x128xi32, #tpu.memory_space<vmem>>
    %dma_wait3A_2179 = tpu.memref_squeeze %dma_wait3A_2178 : memref<1x1x128xi32, #tpu.memory_space<vmem>> -> memref<128xi32, #tpu.memory_space<vmem>>
    %dma_wait3A_2180 = arith.constant 0 : i32
    %dma_wait3A_2181 = arith.constant 0 : i32
    %dma_wait3A_2182 = tpu.memref_slice %arg6[%dma_wait3A_2180, %dma_wait3A_2181] : memref<10240x16xf32, #tpu.memory_space<vmem_shared>> -> memref<10240x16xf32, #tpu.memory_space<vmem_shared>>
    tpu.wait_indirect_dma semaphore(%arg10 : memref<!tpu.dma_semaphore, #tpu.memory_space<semaphore_mem>>) src(%dma_wait3A_2176 : memref<128x16xf32, #tpu.memory_space<vmem>>) dst(%dma_wait3A_2182 : memref<10240x16xf32, #tpu.memory_space<vmem_shared>>)
    %dma_wait3A_2183 = arith.constant 0 : i32
    %dma_wait3A_2184 = arith.constant 0 : i32
    %dma_wait3A_2185 = arith.constant 1 : i32
    %dma_wait3A_2186 = arith.constant 256 : i32
    %dma_wait3A_2187 = arith.constant 0 : i32
    %dma_wait3A_2188 = tpu.memref_slice %arg8[%dma_wait3A_2183, %dma_wait3A_2186, %dma_wait3A_2187] : memref<2x2000x16xf32, #tpu.memory_space<vmem>> -> memref<1x128x16xf32, #tpu.memory_space<vmem>>
    %dma_wait3A_2189 = tpu.memref_squeeze %dma_wait3A_2188 : memref<1x128x16xf32, #tpu.memory_space<vmem>> -> memref<128x16xf32, #tpu.memory_space<vmem>>
    %dma_wait3A_2190 = arith.constant 256 : i32
    %dma_wait3A_2191 = tpu.memref_slice %arg7[%dma_wait3A_2184, %dma_wait3A_2185, %dma_wait3A_2190] : memref<2x2x2000xi32, #tpu.memory_space<vmem>> -> memref<1x1x128xi32, #tpu.memory_space<vmem>>
    %dma_wait3A_2192 = tpu.memref_squeeze %dma_wait3A_2191 : memref<1x1x128xi32, #tpu.memory_space<vmem>> -> memref<128xi32, #tpu.memory_space<vmem>>
    %dma_wait3A_2193 = arith.constant 0 : i32
    %dma_wait3A_2194 = arith.constant 0 : i32
    %dma_wait3A_2195 = tpu.memref_slice %arg6[%dma_wait3A_2193, %dma_wait3A_2194] : memref<10240x16xf32, #tpu.memory_space<vmem_shared>> -> memref<10240x16xf32, #tpu.memory_space<vmem_shared>>
    tpu.wait_indirect_dma semaphore(%arg10 : memref<!tpu.dma_semaphore, #tpu.memory_space<semaphore_mem>>) src(%dma_wait3A_2189 : memref<128x16xf32, #tpu.memory_space<vmem>>) dst(%dma_wait3A_2195 : memref<10240x16xf32, #tpu.memory_space<vmem_shared>>)
    %dma_wait3A_2196 = arith.constant 0 : i32
    %dma_wait3A_2197 = arith.constant 0 : i32
    %dma_wait3A_2198 = arith.constant 1 : i32
    %dma_wait3A_2199 = arith.constant 384 : i32
    %dma_wait3A_2200 = arith.constant 0 : i32
    %dma_wait3A_2201 = tpu.memref_slice %arg8[%dma_wait3A_2196, %dma_wait3A_2199, %dma_wait3A_2200] : memref<2x2000x16xf32, #tpu.memory_space<vmem>> -> memref<1x128x16xf32, #tpu.memory_space<vmem>>
    %dma_wait3A_2202 = tpu.memref_squeeze %dma_wait3A_2201 : memref<1x128x16xf32, #tpu.memory_space<vmem>> -> memref<128x16xf32, #tpu.memory_space<vmem>>
    %dma_wait3A_2203 = arith.constant 384 : i32
    %dma_wait3A_2204 = tpu.memref_slice %arg7[%dma_wait3A_2197, %dma_wait3A_2198, %dma_wait3A_2203] : memref<2x2x2000xi32, #tpu.memory_space<vmem>> -> memref<1x1x128xi32, #tpu.memory_space<vmem>>
    %dma_wait3A_2205 = tpu.memref_squeeze %dma_wait3A_2204 : memref<1x1x128xi32, #tpu.memory_space<vmem>> -> memref<128xi32, #tpu.memory_space<vmem>>
    %dma_wait3A_2206 = arith.constant 0 : i32
    %dma_wait3A_2207 = arith.constant 0 : i32
    %dma_wait3A_2208 = tpu.memref_slice %arg6[%dma_wait3A_2206, %dma_wait3A_2207] : memref<10240x16xf32, #tpu.memory_space<vmem_shared>> -> memref<10240x16xf32, #tpu.memory_space<vmem_shared>>
    tpu.wait_indirect_dma semaphore(%arg10 : memref<!tpu.dma_semaphore, #tpu.memory_space<semaphore_mem>>) src(%dma_wait3A_2202 : memref<128x16xf32, #tpu.memory_space<vmem>>) dst(%dma_wait3A_2208 : memref<10240x16xf32, #tpu.memory_space<vmem_shared>>)
    %dma_wait3A_2209 = arith.constant 0 : i32
    %dma_wait3A_2210 = arith.constant 0 : i32
    %dma_wait3A_2211 = arith.constant 1 : i32
    %dma_wait3A_2212 = arith.constant 512 : i32
    %dma_wait3A_2213 = arith.constant 0 : i32
    %dma_wait3A_2214 = tpu.memref_slice %arg8[%dma_wait3A_2209, %dma_wait3A_2212, %dma_wait3A_2213] : memref<2x2000x16xf32, #tpu.memory_space<vmem>> -> memref<1x128x16xf32, #tpu.memory_space<vmem>>
    %dma_wait3A_2215 = tpu.memref_squeeze %dma_wait3A_2214 : memref<1x128x16xf32, #tpu.memory_space<vmem>> -> memref<128x16xf32, #tpu.memory_space<vmem>>
    %dma_wait3A_2216 = arith.constant 512 : i32
    %dma_wait3A_2217 = tpu.memref_slice %arg7[%dma_wait3A_2210, %dma_wait3A_2211, %dma_wait3A_2216] : memref<2x2x2000xi32, #tpu.memory_space<vmem>> -> memref<1x1x128xi32, #tpu.memory_space<vmem>>
    %dma_wait3A_2218 = tpu.memref_squeeze %dma_wait3A_2217 : memref<1x1x128xi32, #tpu.memory_space<vmem>> -> memref<128xi32, #tpu.memory_space<vmem>>
    %dma_wait3A_2219 = arith.constant 0 : i32
    %dma_wait3A_2220 = arith.constant 0 : i32
    %dma_wait3A_2221 = tpu.memref_slice %arg6[%dma_wait3A_2219, %dma_wait3A_2220] : memref<10240x16xf32, #tpu.memory_space<vmem_shared>> -> memref<10240x16xf32, #tpu.memory_space<vmem_shared>>
    tpu.wait_indirect_dma semaphore(%arg10 : memref<!tpu.dma_semaphore, #tpu.memory_space<semaphore_mem>>) src(%dma_wait3A_2215 : memref<128x16xf32, #tpu.memory_space<vmem>>) dst(%dma_wait3A_2221 : memref<10240x16xf32, #tpu.memory_space<vmem_shared>>)
    %dma_wait3A_2222 = arith.constant 0 : i32
    %dma_wait3A_2223 = arith.constant 0 : i32
    %dma_wait3A_2224 = arith.constant 1 : i32
    %dma_wait3A_2225 = arith.constant 640 : i32
    %dma_wait3A_2226 = arith.constant 0 : i32
    %dma_wait3A_2227 = tpu.memref_slice %arg8[%dma_wait3A_2222, %dma_wait3A_2225, %dma_wait3A_2226] : memref<2x2000x16xf32, #tpu.memory_space<vmem>> -> memref<1x128x16xf32, #tpu.memory_space<vmem>>
    %dma_wait3A_2228 = tpu.memref_squeeze %dma_wait3A_2227 : memref<1x128x16xf32, #tpu.memory_space<vmem>> -> memref<128x16xf32, #tpu.memory_space<vmem>>
    %dma_wait3A_2229 = arith.constant 640 : i32
    %dma_wait3A_2230 = tpu.memref_slice %arg7[%dma_wait3A_2223, %dma_wait3A_2224, %dma_wait3A_2229] : memref<2x2x2000xi32, #tpu.memory_space<vmem>> -> memref<1x1x128xi32, #tpu.memory_space<vmem>>
    %dma_wait3A_2231 = tpu.memref_squeeze %dma_wait3A_2230 : memref<1x1x128xi32, #tpu.memory_space<vmem>> -> memref<128xi32, #tpu.memory_space<vmem>>
    %dma_wait3A_2232 = arith.constant 0 : i32
    %dma_wait3A_2233 = arith.constant 0 : i32
    %dma_wait3A_2234 = tpu.memref_slice %arg6[%dma_wait3A_2232, %dma_wait3A_2233] : memref<10240x16xf32, #tpu.memory_space<vmem_shared>> -> memref<10240x16xf32, #tpu.memory_space<vmem_shared>>
    tpu.wait_indirect_dma semaphore(%arg10 : memref<!tpu.dma_semaphore, #tpu.memory_space<semaphore_mem>>) src(%dma_wait3A_2228 : memref<128x16xf32, #tpu.memory_space<vmem>>) dst(%dma_wait3A_2234 : memref<10240x16xf32, #tpu.memory_space<vmem_shared>>)
    %dma_wait3A_2235 = arith.constant 0 : i32
    %dma_wait3A_2236 = arith.constant 0 : i32
    %dma_wait3A_2237 = arith.constant 1 : i32
    %dma_wait3A_2238 = arith.constant 768 : i32
    %dma_wait3A_2239 = arith.constant 0 : i32
    %dma_wait3A_2240 = tpu.memref_slice %arg8[%dma_wait3A_2235, %dma_wait3A_2238, %dma_wait3A_2239] : memref<2x2000x16xf32, #tpu.memory_space<vmem>> -> memref<1x128x16xf32, #tpu.memory_space<vmem>>
    %dma_wait3A_2241 = tpu.memref_squeeze %dma_wait3A_2240 : memref<1x128x16xf32, #tpu.memory_space<vmem>> -> memref<128x16xf32, #tpu.memory_space<vmem>>
    %dma_wait3A_2242 = arith.constant 768 : i32
    %dma_wait3A_2243 = tpu.memref_slice %arg7[%dma_wait3A_2236, %dma_wait3A_2237, %dma_wait3A_2242] : memref<2x2x2000xi32, #tpu.memory_space<vmem>> -> memref<1x1x128xi32, #tpu.memory_space<vmem>>
    %dma_wait3A_2244 = tpu.memref_squeeze %dma_wait3A_2243 : memref<1x1x128xi32, #tpu.memory_space<vmem>> -> memref<128xi32, #tpu.memory_space<vmem>>
    %dma_wait3A_2245 = arith.constant 0 : i32
    %dma_wait3A_2246 = arith.constant 0 : i32
    %dma_wait3A_2247 = tpu.memref_slice %arg6[%dma_wait3A_2245, %dma_wait3A_2246] : memref<10240x16xf32, #tpu.memory_space<vmem_shared>> -> memref<10240x16xf32, #tpu.memory_space<vmem_shared>>
    tpu.wait_indirect_dma semaphore(%arg10 : memref<!tpu.dma_semaphore, #tpu.memory_space<semaphore_mem>>) src(%dma_wait3A_2241 : memref<128x16xf32, #tpu.memory_space<vmem>>) dst(%dma_wait3A_2247 : memref<10240x16xf32, #tpu.memory_space<vmem_shared>>)
    %dma_wait3A_2248 = arith.constant 0 : i32
    %dma_wait3A_2249 = arith.constant 0 : i32
    %dma_wait3A_2250 = arith.constant 1 : i32
    %dma_wait3A_2251 = arith.constant 896 : i32
    %dma_wait3A_2252 = arith.constant 0 : i32
    %dma_wait3A_2253 = tpu.memref_slice %arg8[%dma_wait3A_2248, %dma_wait3A_2251, %dma_wait3A_2252] : memref<2x2000x16xf32, #tpu.memory_space<vmem>> -> memref<1x128x16xf32, #tpu.memory_space<vmem>>
    %dma_wait3A_2254 = tpu.memref_squeeze %dma_wait3A_2253 : memref<1x128x16xf32, #tpu.memory_space<vmem>> -> memref<128x16xf32, #tpu.memory_space<vmem>>
    %dma_wait3A_2255 = arith.constant 896 : i32
    %dma_wait3A_2256 = tpu.memref_slice %arg7[%dma_wait3A_2249, %dma_wait3A_2250, %dma_wait3A_2255] : memref<2x2x2000xi32, #tpu.memory_space<vmem>> -> memref<1x1x128xi32, #tpu.memory_space<vmem>>
    %dma_wait3A_2257 = tpu.memref_squeeze %dma_wait3A_2256 : memref<1x1x128xi32, #tpu.memory_space<vmem>> -> memref<128xi32, #tpu.memory_space<vmem>>
    %dma_wait3A_2258 = arith.constant 0 : i32
    %dma_wait3A_2259 = arith.constant 0 : i32
    %dma_wait3A_2260 = tpu.memref_slice %arg6[%dma_wait3A_2258, %dma_wait3A_2259] : memref<10240x16xf32, #tpu.memory_space<vmem_shared>> -> memref<10240x16xf32, #tpu.memory_space<vmem_shared>>
    tpu.wait_indirect_dma semaphore(%arg10 : memref<!tpu.dma_semaphore, #tpu.memory_space<semaphore_mem>>) src(%dma_wait3A_2254 : memref<128x16xf32, #tpu.memory_space<vmem>>) dst(%dma_wait3A_2260 : memref<10240x16xf32, #tpu.memory_space<vmem_shared>>)
    %dma_wait3A_2261 = arith.constant 0 : i32
    %dma_wait3A_2262 = arith.constant 0 : i32
    %dma_wait3A_2263 = arith.constant 1 : i32
    %dma_wait3A_2264 = arith.constant 1024 : i32
    %dma_wait3A_2265 = arith.constant 0 : i32
    %dma_wait3A_2266 = tpu.memref_slice %arg8[%dma_wait3A_2261, %dma_wait3A_2264, %dma_wait3A_2265] : memref<2x2000x16xf32, #tpu.memory_space<vmem>> -> memref<1x128x16xf32, #tpu.memory_space<vmem>>
    %dma_wait3A_2267 = tpu.memref_squeeze %dma_wait3A_2266 : memref<1x128x16xf32, #tpu.memory_space<vmem>> -> memref<128x16xf32, #tpu.memory_space<vmem>>
    %dma_wait3A_2268 = arith.constant 1024 : i32
    %dma_wait3A_2269 = tpu.memref_slice %arg7[%dma_wait3A_2262, %dma_wait3A_2263, %dma_wait3A_2268] : memref<2x2x2000xi32, #tpu.memory_space<vmem>> -> memref<1x1x128xi32, #tpu.memory_space<vmem>>
    %dma_wait3A_2270 = tpu.memref_squeeze %dma_wait3A_2269 : memref<1x1x128xi32, #tpu.memory_space<vmem>> -> memref<128xi32, #tpu.memory_space<vmem>>
    %dma_wait3A_2271 = arith.constant 0 : i32
    %dma_wait3A_2272 = arith.constant 0 : i32
    %dma_wait3A_2273 = tpu.memref_slice %arg6[%dma_wait3A_2271, %dma_wait3A_2272] : memref<10240x16xf32, #tpu.memory_space<vmem_shared>> -> memref<10240x16xf32, #tpu.memory_space<vmem_shared>>
    tpu.wait_indirect_dma semaphore(%arg10 : memref<!tpu.dma_semaphore, #tpu.memory_space<semaphore_mem>>) src(%dma_wait3A_2267 : memref<128x16xf32, #tpu.memory_space<vmem>>) dst(%dma_wait3A_2273 : memref<10240x16xf32, #tpu.memory_space<vmem_shared>>)
    %dma_wait3A_2274 = arith.constant 0 : i32
    %dma_wait3A_2275 = arith.constant 0 : i32
    %dma_wait3A_2276 = arith.constant 1 : i32
    %dma_wait3A_2277 = arith.constant 1152 : i32
    %dma_wait3A_2278 = arith.constant 0 : i32
    %dma_wait3A_2279 = tpu.memref_slice %arg8[%dma_wait3A_2274, %dma_wait3A_2277, %dma_wait3A_2278] : memref<2x2000x16xf32, #tpu.memory_space<vmem>> -> memref<1x128x16xf32, #tpu.memory_space<vmem>>
    %dma_wait3A_2280 = tpu.memref_squeeze %dma_wait3A_2279 : memref<1x128x16xf32, #tpu.memory_space<vmem>> -> memref<128x16xf32, #tpu.memory_space<vmem>>
    %dma_wait3A_2281 = arith.constant 1152 : i32
    %dma_wait3A_2282 = tpu.memref_slice %arg7[%dma_wait3A_2275, %dma_wait3A_2276, %dma_wait3A_2281] : memref<2x2x2000xi32, #tpu.memory_space<vmem>> -> memref<1x1x128xi32, #tpu.memory_space<vmem>>
    %dma_wait3A_2283 = tpu.memref_squeeze %dma_wait3A_2282 : memref<1x1x128xi32, #tpu.memory_space<vmem>> -> memref<128xi32, #tpu.memory_space<vmem>>
    %dma_wait3A_2284 = arith.constant 0 : i32
    %dma_wait3A_2285 = arith.constant 0 : i32
    %dma_wait3A_2286 = tpu.memref_slice %arg6[%dma_wait3A_2284, %dma_wait3A_2285] : memref<10240x16xf32, #tpu.memory_space<vmem_shared>> -> memref<10240x16xf32, #tpu.memory_space<vmem_shared>>
    tpu.wait_indirect_dma semaphore(%arg10 : memref<!tpu.dma_semaphore, #tpu.memory_space<semaphore_mem>>) src(%dma_wait3A_2280 : memref<128x16xf32, #tpu.memory_space<vmem>>) dst(%dma_wait3A_2286 : memref<10240x16xf32, #tpu.memory_space<vmem_shared>>)
    %dma_wait3A_2287 = arith.constant 0 : i32
    %dma_wait3A_2288 = arith.constant 0 : i32
    %dma_wait3A_2289 = arith.constant 1 : i32
    %dma_wait3A_2290 = arith.constant 1280 : i32
    %dma_wait3A_2291 = arith.constant 0 : i32
    %dma_wait3A_2292 = tpu.memref_slice %arg8[%dma_wait3A_2287, %dma_wait3A_2290, %dma_wait3A_2291] : memref<2x2000x16xf32, #tpu.memory_space<vmem>> -> memref<1x128x16xf32, #tpu.memory_space<vmem>>
    %dma_wait3A_2293 = tpu.memref_squeeze %dma_wait3A_2292 : memref<1x128x16xf32, #tpu.memory_space<vmem>> -> memref<128x16xf32, #tpu.memory_space<vmem>>
    %dma_wait3A_2294 = arith.constant 1280 : i32
    %dma_wait3A_2295 = tpu.memref_slice %arg7[%dma_wait3A_2288, %dma_wait3A_2289, %dma_wait3A_2294] : memref<2x2x2000xi32, #tpu.memory_space<vmem>> -> memref<1x1x128xi32, #tpu.memory_space<vmem>>
    %dma_wait3A_2296 = tpu.memref_squeeze %dma_wait3A_2295 : memref<1x1x128xi32, #tpu.memory_space<vmem>> -> memref<128xi32, #tpu.memory_space<vmem>>
    %dma_wait3A_2297 = arith.constant 0 : i32
    %dma_wait3A_2298 = arith.constant 0 : i32
    %dma_wait3A_2299 = tpu.memref_slice %arg6[%dma_wait3A_2297, %dma_wait3A_2298] : memref<10240x16xf32, #tpu.memory_space<vmem_shared>> -> memref<10240x16xf32, #tpu.memory_space<vmem_shared>>
    tpu.wait_indirect_dma semaphore(%arg10 : memref<!tpu.dma_semaphore, #tpu.memory_space<semaphore_mem>>) src(%dma_wait3A_2293 : memref<128x16xf32, #tpu.memory_space<vmem>>) dst(%dma_wait3A_2299 : memref<10240x16xf32, #tpu.memory_space<vmem_shared>>)
    %dma_wait3A_2300 = arith.constant 0 : i32
    %dma_wait3A_2301 = arith.constant 0 : i32
    %dma_wait3A_2302 = arith.constant 1 : i32
    %dma_wait3A_2303 = arith.constant 1408 : i32
    %dma_wait3A_2304 = arith.constant 0 : i32
    %dma_wait3A_2305 = tpu.memref_slice %arg8[%dma_wait3A_2300, %dma_wait3A_2303, %dma_wait3A_2304] : memref<2x2000x16xf32, #tpu.memory_space<vmem>> -> memref<1x128x16xf32, #tpu.memory_space<vmem>>
    %dma_wait3A_2306 = tpu.memref_squeeze %dma_wait3A_2305 : memref<1x128x16xf32, #tpu.memory_space<vmem>> -> memref<128x16xf32, #tpu.memory_space<vmem>>
    %dma_wait3A_2307 = arith.constant 1408 : i32
    %dma_wait3A_2308 = tpu.memref_slice %arg7[%dma_wait3A_2301, %dma_wait3A_2302, %dma_wait3A_2307] : memref<2x2x2000xi32, #tpu.memory_space<vmem>> -> memref<1x1x128xi32, #tpu.memory_space<vmem>>
    %dma_wait3A_2309 = tpu.memref_squeeze %dma_wait3A_2308 : memref<1x1x128xi32, #tpu.memory_space<vmem>> -> memref<128xi32, #tpu.memory_space<vmem>>
    %dma_wait3A_2310 = arith.constant 0 : i32
    %dma_wait3A_2311 = arith.constant 0 : i32
    %dma_wait3A_2312 = tpu.memref_slice %arg6[%dma_wait3A_2310, %dma_wait3A_2311] : memref<10240x16xf32, #tpu.memory_space<vmem_shared>> -> memref<10240x16xf32, #tpu.memory_space<vmem_shared>>
    tpu.wait_indirect_dma semaphore(%arg10 : memref<!tpu.dma_semaphore, #tpu.memory_space<semaphore_mem>>) src(%dma_wait3A_2306 : memref<128x16xf32, #tpu.memory_space<vmem>>) dst(%dma_wait3A_2312 : memref<10240x16xf32, #tpu.memory_space<vmem_shared>>)
    %dma_wait3A_2313 = arith.constant 0 : i32
    %dma_wait3A_2314 = arith.constant 0 : i32
    %dma_wait3A_2315 = arith.constant 1 : i32
    %dma_wait3A_2316 = arith.constant 1536 : i32
    %dma_wait3A_2317 = arith.constant 0 : i32
    %dma_wait3A_2318 = tpu.memref_slice %arg8[%dma_wait3A_2313, %dma_wait3A_2316, %dma_wait3A_2317] : memref<2x2000x16xf32, #tpu.memory_space<vmem>> -> memref<1x128x16xf32, #tpu.memory_space<vmem>>
    %dma_wait3A_2319 = tpu.memref_squeeze %dma_wait3A_2318 : memref<1x128x16xf32, #tpu.memory_space<vmem>> -> memref<128x16xf32, #tpu.memory_space<vmem>>
    %dma_wait3A_2320 = arith.constant 1536 : i32
    %dma_wait3A_2321 = tpu.memref_slice %arg7[%dma_wait3A_2314, %dma_wait3A_2315, %dma_wait3A_2320] : memref<2x2x2000xi32, #tpu.memory_space<vmem>> -> memref<1x1x128xi32, #tpu.memory_space<vmem>>
    %dma_wait3A_2322 = tpu.memref_squeeze %dma_wait3A_2321 : memref<1x1x128xi32, #tpu.memory_space<vmem>> -> memref<128xi32, #tpu.memory_space<vmem>>
    %dma_wait3A_2323 = arith.constant 0 : i32
    %dma_wait3A_2324 = arith.constant 0 : i32
    %dma_wait3A_2325 = tpu.memref_slice %arg6[%dma_wait3A_2323, %dma_wait3A_2324] : memref<10240x16xf32, #tpu.memory_space<vmem_shared>> -> memref<10240x16xf32, #tpu.memory_space<vmem_shared>>
    tpu.wait_indirect_dma semaphore(%arg10 : memref<!tpu.dma_semaphore, #tpu.memory_space<semaphore_mem>>) src(%dma_wait3A_2319 : memref<128x16xf32, #tpu.memory_space<vmem>>) dst(%dma_wait3A_2325 : memref<10240x16xf32, #tpu.memory_space<vmem_shared>>)
    %dma_wait3A_2326 = arith.constant 0 : i32
    %dma_wait3A_2327 = arith.constant 0 : i32
    %dma_wait3A_2328 = arith.constant 1 : i32
    %dma_wait3A_2329 = arith.constant 1664 : i32
    %dma_wait3A_2330 = arith.constant 0 : i32
    %dma_wait3A_2331 = tpu.memref_slice %arg8[%dma_wait3A_2326, %dma_wait3A_2329, %dma_wait3A_2330] : memref<2x2000x16xf32, #tpu.memory_space<vmem>> -> memref<1x128x16xf32, #tpu.memory_space<vmem>>
    %dma_wait3A_2332 = tpu.memref_squeeze %dma_wait3A_2331 : memref<1x128x16xf32, #tpu.memory_space<vmem>> -> memref<128x16xf32, #tpu.memory_space<vmem>>
    %dma_wait3A_2333 = arith.constant 1664 : i32
    %dma_wait3A_2334 = tpu.memref_slice %arg7[%dma_wait3A_2327, %dma_wait3A_2328, %dma_wait3A_2333] : memref<2x2x2000xi32, #tpu.memory_space<vmem>> -> memref<1x1x128xi32, #tpu.memory_space<vmem>>
    %dma_wait3A_2335 = tpu.memref_squeeze %dma_wait3A_2334 : memref<1x1x128xi32, #tpu.memory_space<vmem>> -> memref<128xi32, #tpu.memory_space<vmem>>
    %dma_wait3A_2336 = arith.constant 0 : i32
    %dma_wait3A_2337 = arith.constant 0 : i32
    %dma_wait3A_2338 = tpu.memref_slice %arg6[%dma_wait3A_2336, %dma_wait3A_2337] : memref<10240x16xf32, #tpu.memory_space<vmem_shared>> -> memref<10240x16xf32, #tpu.memory_space<vmem_shared>>
    tpu.wait_indirect_dma semaphore(%arg10 : memref<!tpu.dma_semaphore, #tpu.memory_space<semaphore_mem>>) src(%dma_wait3A_2332 : memref<128x16xf32, #tpu.memory_space<vmem>>) dst(%dma_wait3A_2338 : memref<10240x16xf32, #tpu.memory_space<vmem_shared>>)
    %dma_wait3A_2339 = arith.constant 0 : i32
    %dma_wait3A_2340 = arith.constant 0 : i32
    %dma_wait3A_2341 = arith.constant 1 : i32
    %dma_wait3A_2342 = arith.constant 1792 : i32
    %dma_wait3A_2343 = arith.constant 0 : i32
    %dma_wait3A_2344 = tpu.memref_slice %arg8[%dma_wait3A_2339, %dma_wait3A_2342, %dma_wait3A_2343] : memref<2x2000x16xf32, #tpu.memory_space<vmem>> -> memref<1x128x16xf32, #tpu.memory_space<vmem>>
    %dma_wait3A_2345 = tpu.memref_squeeze %dma_wait3A_2344 : memref<1x128x16xf32, #tpu.memory_space<vmem>> -> memref<128x16xf32, #tpu.memory_space<vmem>>
    %dma_wait3A_2346 = arith.constant 1792 : i32
    %dma_wait3A_2347 = tpu.memref_slice %arg7[%dma_wait3A_2340, %dma_wait3A_2341, %dma_wait3A_2346] : memref<2x2x2000xi32, #tpu.memory_space<vmem>> -> memref<1x1x128xi32, #tpu.memory_space<vmem>>
    %dma_wait3A_2348 = tpu.memref_squeeze %dma_wait3A_2347 : memref<1x1x128xi32, #tpu.memory_space<vmem>> -> memref<128xi32, #tpu.memory_space<vmem>>
    %dma_wait3A_2349 = arith.constant 0 : i32
    %dma_wait3A_2350 = arith.constant 0 : i32
    %dma_wait3A_2351 = tpu.memref_slice %arg6[%dma_wait3A_2349, %dma_wait3A_2350] : memref<10240x16xf32, #tpu.memory_space<vmem_shared>> -> memref<10240x16xf32, #tpu.memory_space<vmem_shared>>
    tpu.wait_indirect_dma semaphore(%arg10 : memref<!tpu.dma_semaphore, #tpu.memory_space<semaphore_mem>>) src(%dma_wait3A_2345 : memref<128x16xf32, #tpu.memory_space<vmem>>) dst(%dma_wait3A_2351 : memref<10240x16xf32, #tpu.memory_space<vmem_shared>>)
    %dma_wait3A_2352 = arith.constant 0 : i32
    %dma_wait3A_2353 = arith.constant 0 : i32
    %dma_wait3A_2354 = arith.constant 1 : i32
    %dma_wait3A_2355 = arith.constant 1920 : i32
    %dma_wait3A_2356 = arith.constant 0 : i32
    %dma_wait3A_2357 = tpu.memref_slice %arg8[%dma_wait3A_2352, %dma_wait3A_2355, %dma_wait3A_2356] : memref<2x2000x16xf32, #tpu.memory_space<vmem>> -> memref<1x80x16xf32, #tpu.memory_space<vmem>>
    %dma_wait3A_2358 = tpu.memref_squeeze %dma_wait3A_2357 : memref<1x80x16xf32, #tpu.memory_space<vmem>> -> memref<80x16xf32, #tpu.memory_space<vmem>>
    %dma_wait3A_2359 = arith.constant 1920 : i32
    %dma_wait3A_2360 = tpu.memref_slice %arg7[%dma_wait3A_2353, %dma_wait3A_2354, %dma_wait3A_2359] : memref<2x2x2000xi32, #tpu.memory_space<vmem>> -> memref<1x1x80xi32, #tpu.memory_space<vmem>>
    %dma_wait3A_2361 = tpu.memref_squeeze %dma_wait3A_2360 : memref<1x1x80xi32, #tpu.memory_space<vmem>> -> memref<80xi32, #tpu.memory_space<vmem>>
    %dma_wait3A_2362 = arith.constant 0 : i32
    %dma_wait3A_2363 = arith.constant 0 : i32
    %dma_wait3A_2364 = tpu.memref_slice %arg6[%dma_wait3A_2362, %dma_wait3A_2363] : memref<10240x16xf32, #tpu.memory_space<vmem_shared>> -> memref<10240x16xf32, #tpu.memory_space<vmem_shared>>
    tpu.wait_indirect_dma semaphore(%arg10 : memref<!tpu.dma_semaphore, #tpu.memory_space<semaphore_mem>>) src(%dma_wait3A_2358 : memref<80x16xf32, #tpu.memory_space<vmem>>) dst(%dma_wait3A_2364 : memref<10240x16xf32, #tpu.memory_space<vmem_shared>>)
    %barrier3A_2365 = arith.constant 0 : index
    tpu.barrier barrier_id(%barrier3A_2365)
    "tpu.region"() ({
      %run_scoped3A = tpu.sem_alloc : memref<!tpu.dma_semaphore, #tpu.memory_space<semaphore_mem>>
      %dma_start3A_2366 = arith.constant 0 : i32
      %dma_start3A_2367 = tpu.memref_slice %arg5[%arg0, %mul3A_2, %dma_start3A_2366] : memref<2x10240x16xf32, #tpu.memory_space<hbm>> -> memref<1x640x16xf32, #tpu.memory_space<hbm>>
      %dma_start3A_2368 = tpu.memref_squeeze %dma_start3A_2367 : memref<1x640x16xf32, #tpu.memory_space<hbm>> -> memref<640x16xf32, #tpu.memory_space<hbm>>
      %dma_start3A_2369 = arith.constant 0 : i32
      %dma_start3A_2370 = tpu.memref_slice %arg6[%mul3A_2, %dma_start3A_2369] : memref<10240x16xf32, #tpu.memory_space<vmem_shared>> -> memref<640x16xf32, #tpu.memory_space<vmem_shared>>
      tpu.enqueue_dma source(%dma_start3A_2370 : memref<640x16xf32, #tpu.memory_space<vmem_shared>>) target(%dma_start3A_2368 : memref<640x16xf32, #tpu.memory_space<hbm>>) target_semaphore(%run_scoped3A : memref<!tpu.dma_semaphore, #tpu.memory_space<semaphore_mem>>)
      %dma_wait3A_2371 = arith.constant 0 : i32
      %dma_wait3A_2372 = tpu.memref_slice %arg5[%arg0, %mul3A_2, %dma_wait3A_2371] : memref<2x10240x16xf32, #tpu.memory_space<hbm>> -> memref<1x640x16xf32, #tpu.memory_space<hbm>>
      %dma_wait3A_2373 = tpu.memref_squeeze %dma_wait3A_2372 : memref<1x640x16xf32, #tpu.memory_space<hbm>> -> memref<640x16xf32, #tpu.memory_space<hbm>>
      %dma_wait3A_2374 = arith.constant 0 : i32
      %dma_wait3A_2375 = tpu.memref_slice %arg6[%mul3A_2, %dma_wait3A_2374] : memref<10240x16xf32, #tpu.memory_space<vmem_shared>> -> memref<640x16xf32, #tpu.memory_space<vmem_shared>>
      tpu.wait_dma2 semaphore(%run_scoped3A : memref<!tpu.dma_semaphore, #tpu.memory_space<semaphore_mem>>) src(%dma_wait3A_2375 : memref<640x16xf32, #tpu.memory_space<vmem_shared>>) dst(%dma_wait3A_2373 : memref<640x16xf32, #tpu.memory_space<hbm>>)
      tpu.yield
    }) : () -> ()
    return
  }
}

#map = affine_map<(d0, d1) -> (0, 0)>
module attributes {stable_mosaic.version = 14 : i64} {
  func.func @k(%arg0: i32, %arg1: i32, %arg2: memref<2x320000xi32, #tpu.memory_space<hbm>>, %arg3: memref<32x10240xf32, #tpu.memory_space<hbm>>, %arg4: memref<2x2x2000xi32, #tpu.memory_space<vmem>>, %arg5: memref<10240xf32, #tpu.memory_space<vmem>>, %arg6: memref<!tpu.dma_semaphore, #tpu.memory_space<semaphore_mem>>) attributes {dimension_semantics = [#tpu.dimension_semantics<core_parallel>, #tpu.dimension_semantics<subcore_parallel>], iteration_bounds = array<i64: 2, 16>, scalar_prefetch = 0 : i64, scratch_operands = 3 : i64, tpu.core_type = #tpu.core_type<sc_vector_subcore>, window_params = [{transform_indices = #map}, {transform_indices = #map}]} {
    %mul3A = arith.constant 2 : i32
    %mul3A_0 = arith.muli %arg1, %mul3A : i32
    %add3A = arith.addi %mul3A_0, %arg0 : i32
    %broadcast_in_dim3A = arith.constant 1.000000e+00 : f32
    %broadcast_in_dim3A_1 = vector.broadcast %broadcast_in_dim3A : f32 to vector<16xf32>
    %broadcast_in_dim3A_2 = arith.constant 0.000000e+00 : f32
    %broadcast_in_dim3A_3 = vector.broadcast %broadcast_in_dim3A_2 : f32 to vector<16xf32>
    %scan3A = arith.constant 0 : i32
    %scan3A_4 = arith.constant 0 : i32
    %scan3A_5 = arith.constant 640 : i32
    %scan3A_6 = arith.addi %scan3A_4, %scan3A_5 : i32
    %scan3A_7 = arith.constant 8 : i32
    scf.for %scan3A_191 = %scan3A_4 to %scan3A_6 step %scan3A_7  : i32 {
      %mul3A_192 = arith.constant 16 : i32
      %mul3A_193 = arith.muli %scan3A_191, %mul3A_192 : i32
      %swap3A = arith.index_cast %mul3A_193 : i32 to index
      %swap3A_194 = tpu.vector_load %arg5[%swap3A] {strides = array<i32>} : memref<10240xf32, #tpu.memory_space<vmem>>, vector<16xf32>,
      tpu.vector_store %arg5[%swap3A], %broadcast_in_dim3A_3 {strides = array<i32>} : memref<10240xf32, #tpu.memory_space<vmem>>, vector<16xf32>,
      %scan3A_195 = arith.constant 1 : i32
      %scan3A_196 = arith.addi %scan3A_191, %scan3A_195 : i32
      %mul3A_197 = arith.constant 16 : i32
      %mul3A_198 = arith.muli %scan3A_196, %mul3A_197 : i32
      %swap3A_199 = arith.index_cast %mul3A_198 : i32 to index
      %swap3A_200 = tpu.vector_load %arg5[%swap3A_199] {strides = array<i32>} : memref<10240xf32, #tpu.memory_space<vmem>>, vector<16xf32>,
      tpu.vector_store %arg5[%swap3A_199], %broadcast_in_dim3A_3 {strides = array<i32>} : memref<10240xf32, #tpu.memory_space<vmem>>, vector<16xf32>,
      %scan3A_201 = arith.constant 2 : i32
      %scan3A_202 = arith.addi %scan3A_191, %scan3A_201 : i32
      %mul3A_203 = arith.constant 16 : i32
      %mul3A_204 = arith.muli %scan3A_202, %mul3A_203 : i32
      %swap3A_205 = arith.index_cast %mul3A_204 : i32 to index
      %swap3A_206 = tpu.vector_load %arg5[%swap3A_205] {strides = array<i32>} : memref<10240xf32, #tpu.memory_space<vmem>>, vector<16xf32>,
      tpu.vector_store %arg5[%swap3A_205], %broadcast_in_dim3A_3 {strides = array<i32>} : memref<10240xf32, #tpu.memory_space<vmem>>, vector<16xf32>,
      %scan3A_207 = arith.constant 3 : i32
      %scan3A_208 = arith.addi %scan3A_191, %scan3A_207 : i32
      %mul3A_209 = arith.constant 16 : i32
      %mul3A_210 = arith.muli %scan3A_208, %mul3A_209 : i32
      %swap3A_211 = arith.index_cast %mul3A_210 : i32 to index
      %swap3A_212 = tpu.vector_load %arg5[%swap3A_211] {strides = array<i32>} : memref<10240xf32, #tpu.memory_space<vmem>>, vector<16xf32>,
      tpu.vector_store %arg5[%swap3A_211], %broadcast_in_dim3A_3 {strides = array<i32>} : memref<10240xf32, #tpu.memory_space<vmem>>, vector<16xf32>,
      %scan3A_213 = arith.constant 4 : i32
      %scan3A_214 = arith.addi %scan3A_191, %scan3A_213 : i32
      %mul3A_215 = arith.constant 16 : i32
      %mul3A_216 = arith.muli %scan3A_214, %mul3A_215 : i32
      %swap3A_217 = arith.index_cast %mul3A_216 : i32 to index
      %swap3A_218 = tpu.vector_load %arg5[%swap3A_217] {strides = array<i32>} : memref<10240xf32, #tpu.memory_space<vmem>>, vector<16xf32>,
      tpu.vector_store %arg5[%swap3A_217], %broadcast_in_dim3A_3 {strides = array<i32>} : memref<10240xf32, #tpu.memory_space<vmem>>, vector<16xf32>,
      %scan3A_219 = arith.constant 5 : i32
      %scan3A_220 = arith.addi %scan3A_191, %scan3A_219 : i32
      %mul3A_221 = arith.constant 16 : i32
      %mul3A_222 = arith.muli %scan3A_220, %mul3A_221 : i32
      %swap3A_223 = arith.index_cast %mul3A_222 : i32 to index
      %swap3A_224 = tpu.vector_load %arg5[%swap3A_223] {strides = array<i32>} : memref<10240xf32, #tpu.memory_space<vmem>>, vector<16xf32>,
      tpu.vector_store %arg5[%swap3A_223], %broadcast_in_dim3A_3 {strides = array<i32>} : memref<10240xf32, #tpu.memory_space<vmem>>, vector<16xf32>,
      %scan3A_225 = arith.constant 6 : i32
      %scan3A_226 = arith.addi %scan3A_191, %scan3A_225 : i32
      %mul3A_227 = arith.constant 16 : i32
      %mul3A_228 = arith.muli %scan3A_226, %mul3A_227 : i32
      %swap3A_229 = arith.index_cast %mul3A_228 : i32 to index
      %swap3A_230 = tpu.vector_load %arg5[%swap3A_229] {strides = array<i32>} : memref<10240xf32, #tpu.memory_space<vmem>>, vector<16xf32>,
      tpu.vector_store %arg5[%swap3A_229], %broadcast_in_dim3A_3 {strides = array<i32>} : memref<10240xf32, #tpu.memory_space<vmem>>, vector<16xf32>,
      %scan3A_231 = arith.constant 7 : i32
      %scan3A_232 = arith.addi %scan3A_191, %scan3A_231 : i32
      %mul3A_233 = arith.constant 16 : i32
      %mul3A_234 = arith.muli %scan3A_232, %mul3A_233 : i32
      %swap3A_235 = arith.index_cast %mul3A_234 : i32 to index
      %swap3A_236 = tpu.vector_load %arg5[%swap3A_235] {strides = array<i32>} : memref<10240xf32, #tpu.memory_space<vmem>>, vector<16xf32>,
      tpu.vector_store %arg5[%swap3A_235], %broadcast_in_dim3A_3 {strides = array<i32>} : memref<10240xf32, #tpu.memory_space<vmem>>, vector<16xf32>,
    }
    %scan3A_8 = arith.constant 640 : i32
    %mul3A_9 = arith.constant 10000 : i32
    %mul3A_10 = arith.muli %add3A, %mul3A_9 : i32
    %add3A_11 = arith.constant 0 : i32
    %add3A_12 = arith.addi %mul3A_10, %add3A_11 : i32
    %multiple_of3A = tpu.assume_multiple %add3A_12, 2000 : i32
    %dma_start3A = arith.constant 0 : i32
    %dma_start3A_13 = arith.constant 0 : i32
    %dma_start3A_14 = arith.constant 0 : i32
    %dma_start3A_15 = tpu.memref_slice %arg4[%dma_start3A, %dma_start3A_13, %dma_start3A_14] : memref<2x2x2000xi32, #tpu.memory_space<vmem>> -> memref<1x2x2000xi32, #tpu.memory_space<vmem>>
    %dma_start3A_16 = tpu.memref_squeeze %dma_start3A_15 : memref<1x2x2000xi32, #tpu.memory_space<vmem>> -> memref<2x2000xi32, #tpu.memory_space<vmem>>
    %dma_start3A_17 = arith.constant 0 : i32
    %dma_start3A_18 = tpu.memref_slice %arg2[%dma_start3A_17, %multiple_of3A] : memref<2x320000xi32, #tpu.memory_space<hbm>> -> memref<2x2000xi32, #tpu.memory_space<hbm>>
    %dma_start3A_19 = arith.constant 0 : i32
    %dma_start3A_20 = arith.constant 0 : i32
    %dma_start3A_21 = tpu.memref_slice %arg4[%dma_start3A, %dma_start3A_19, %dma_start3A_20] : memref<2x2x2000xi32, #tpu.memory_space<vmem>> -> memref<1x2x2000xi32, #tpu.memory_space<vmem>>
    %dma_start3A_22 = tpu.memref_squeeze %dma_start3A_21 : memref<1x2x2000xi32, #tpu.memory_space<vmem>> -> memref<2x2000xi32, #tpu.memory_space<vmem>>
    %dma_start3A_23 = arith.constant 0 : i32
    %dma_start3A_24 = tpu.memref_slice %arg2[%dma_start3A_23, %multiple_of3A] : memref<2x320000xi32, #tpu.memory_space<hbm>> -> memref<2x2000xi32, #tpu.memory_space<hbm>>
    tpu.enqueue_dma source(%dma_start3A_24 : memref<2x2000xi32, #tpu.memory_space<hbm>>) target(%dma_start3A_22 : memref<2x2000xi32, #tpu.memory_space<vmem>>) target_semaphore(%arg6 : memref<!tpu.dma_semaphore, #tpu.memory_space<semaphore_mem>>)
    %dma_wait3A = arith.constant 0 : i32
    %dma_wait3A_25 = arith.constant 0 : i32
    %dma_wait3A_26 = arith.constant 0 : i32
    %dma_wait3A_27 = tpu.memref_slice %arg4[%dma_wait3A, %dma_wait3A_25, %dma_wait3A_26] : memref<2x2x2000xi32, #tpu.memory_space<vmem>> -> memref<1x2x2000xi32, #tpu.memory_space<vmem>>
    %dma_wait3A_28 = tpu.memref_squeeze %dma_wait3A_27 : memref<1x2x2000xi32, #tpu.memory_space<vmem>> -> memref<2x2000xi32, #tpu.memory_space<vmem>>
    %dma_wait3A_29 = arith.constant 0 : i32
    %dma_wait3A_30 = tpu.memref_slice %arg2[%dma_wait3A_29, %multiple_of3A] : memref<2x320000xi32, #tpu.memory_space<hbm>> -> memref<2x2000xi32, #tpu.memory_space<hbm>>
    %dma_wait3A_31 = arith.constant 0 : i32
    %dma_wait3A_32 = arith.constant 0 : i32
    %dma_wait3A_33 = tpu.memref_slice %arg4[%dma_wait3A, %dma_wait3A_31, %dma_wait3A_32] : memref<2x2x2000xi32, #tpu.memory_space<vmem>> -> memref<1x2x2000xi32, #tpu.memory_space<vmem>>
    %dma_wait3A_34 = tpu.memref_squeeze %dma_wait3A_33 : memref<1x2x2000xi32, #tpu.memory_space<vmem>> -> memref<2x2000xi32, #tpu.memory_space<vmem>>
    %dma_wait3A_35 = arith.constant 0 : i32
    %dma_wait3A_36 = tpu.memref_slice %arg2[%dma_wait3A_35, %multiple_of3A] : memref<2x320000xi32, #tpu.memory_space<hbm>> -> memref<2x2000xi32, #tpu.memory_space<hbm>>
    tpu.wait_dma2 semaphore(%arg6 : memref<!tpu.dma_semaphore, #tpu.memory_space<semaphore_mem>>) src(%dma_wait3A_36 : memref<2x2000xi32, #tpu.memory_space<hbm>>) dst(%dma_wait3A_34 : memref<2x2000xi32, #tpu.memory_space<vmem>>)
    %mul3A_37 = arith.constant 10000 : i32
    %mul3A_38 = arith.muli %add3A, %mul3A_37 : i32
    %add3A_39 = arith.constant 2000 : i32
    %add3A_40 = arith.addi %mul3A_38, %add3A_39 : i32
    %multiple_of3A_41 = tpu.assume_multiple %add3A_40, 2000 : i32
    %dma_start3A_42 = arith.constant 1 : i32
    %dma_start3A_43 = arith.constant 0 : i32
    %dma_start3A_44 = arith.constant 0 : i32
    %dma_start3A_45 = tpu.memref_slice %arg4[%dma_start3A_42, %dma_start3A_43, %dma_start3A_44] : memref<2x2x2000xi32, #tpu.memory_space<vmem>> -> memref<1x2x2000xi32, #tpu.memory_space<vmem>>
    %dma_start3A_46 = tpu.memref_squeeze %dma_start3A_45 : memref<1x2x2000xi32, #tpu.memory_space<vmem>> -> memref<2x2000xi32, #tpu.memory_space<vmem>>
    %dma_start3A_47 = arith.constant 0 : i32
    %dma_start3A_48 = tpu.memref_slice %arg2[%dma_start3A_47, %multiple_of3A_41] : memref<2x320000xi32, #tpu.memory_space<hbm>> -> memref<2x2000xi32, #tpu.memory_space<hbm>>
    %dma_start3A_49 = arith.constant 0 : i32
    %dma_start3A_50 = arith.constant 0 : i32
    %dma_start3A_51 = tpu.memref_slice %arg4[%dma_start3A_42, %dma_start3A_49, %dma_start3A_50] : memref<2x2x2000xi32, #tpu.memory_space<vmem>> -> memref<1x2x2000xi32, #tpu.memory_space<vmem>>
    %dma_start3A_52 = tpu.memref_squeeze %dma_start3A_51 : memref<1x2x2000xi32, #tpu.memory_space<vmem>> -> memref<2x2000xi32, #tpu.memory_space<vmem>>
    %dma_start3A_53 = arith.constant 0 : i32
    %dma_start3A_54 = tpu.memref_slice %arg2[%dma_start3A_53, %multiple_of3A_41] : memref<2x320000xi32, #tpu.memory_space<hbm>> -> memref<2x2000xi32, #tpu.memory_space<hbm>>
    tpu.enqueue_dma source(%dma_start3A_54 : memref<2x2000xi32, #tpu.memory_space<hbm>>) target(%dma_start3A_52 : memref<2x2000xi32, #tpu.memory_space<vmem>>) target_semaphore(%arg6 : memref<!tpu.dma_semaphore, #tpu.memory_space<semaphore_mem>>)
    %scan3A_55 = arith.constant 0 : i32
    %scan3A_56 = arith.constant 0 : i32
    %scan3A_57 = arith.constant 125 : i32
    %scan3A_58 = arith.addi %scan3A_56, %scan3A_57 : i32
    %scan3A_59 = arith.constant 5 : i32
    scf.for %scan3A_191 = %scan3A_56 to %scan3A_58 step %scan3A_59  : i32 {
      %mul3A_192 = arith.constant 16 : i32
      %mul3A_193 = arith.muli %scan3A_191, %mul3A_192 : i32
      %get3A = arith.constant 0 : i32
      %get3A_194 = arith.constant 1 : i32
      %get3A_195 = arith.index_cast %get3A : i32 to index
      %get3A_196 = arith.index_cast %get3A_194 : i32 to index
      %get3A_197 = arith.index_cast %mul3A_193 : i32 to index
      %get3A_198 = tpu.vector_load %arg4[%get3A_195, %get3A_196, %get3A_197] {strides = array<i32>} : memref<2x2x2000xi32, #tpu.memory_space<vmem>>, vector<16xi32>,
      tpu.vector_store_idx %arg5[%get3A_198], %broadcast_in_dim3A_1 {add = true} : memref<10240xf32, #tpu.memory_space<vmem>>[vector<16xi32>], vector<16xf32>,
      %scan3A_199 = arith.constant 1 : i32
      %scan3A_200 = arith.addi %scan3A_191, %scan3A_199 : i32
      %mul3A_201 = arith.constant 16 : i32
      %mul3A_202 = arith.muli %scan3A_200, %mul3A_201 : i32
      %get3A_203 = arith.constant 0 : i32
      %get3A_204 = arith.constant 1 : i32
      %get3A_205 = arith.index_cast %get3A_203 : i32 to index
      %get3A_206 = arith.index_cast %get3A_204 : i32 to index
      %get3A_207 = arith.index_cast %mul3A_202 : i32 to index
      %get3A_208 = tpu.vector_load %arg4[%get3A_205, %get3A_206, %get3A_207] {strides = array<i32>} : memref<2x2x2000xi32, #tpu.memory_space<vmem>>, vector<16xi32>,
      tpu.vector_store_idx %arg5[%get3A_208], %broadcast_in_dim3A_1 {add = true} : memref<10240xf32, #tpu.memory_space<vmem>>[vector<16xi32>], vector<16xf32>,
      %scan3A_209 = arith.constant 2 : i32
      %scan3A_210 = arith.addi %scan3A_191, %scan3A_209 : i32
      %mul3A_211 = arith.constant 16 : i32
      %mul3A_212 = arith.muli %scan3A_210, %mul3A_211 : i32
      %get3A_213 = arith.constant 0 : i32
      %get3A_214 = arith.constant 1 : i32
      %get3A_215 = arith.index_cast %get3A_213 : i32 to index
      %get3A_216 = arith.index_cast %get3A_214 : i32 to index
      %get3A_217 = arith.index_cast %mul3A_212 : i32 to index
      %get3A_218 = tpu.vector_load %arg4[%get3A_215, %get3A_216, %get3A_217] {strides = array<i32>} : memref<2x2x2000xi32, #tpu.memory_space<vmem>>, vector<16xi32>,
      tpu.vector_store_idx %arg5[%get3A_218], %broadcast_in_dim3A_1 {add = true} : memref<10240xf32, #tpu.memory_space<vmem>>[vector<16xi32>], vector<16xf32>,
      %scan3A_219 = arith.constant 3 : i32
      %scan3A_220 = arith.addi %scan3A_191, %scan3A_219 : i32
      %mul3A_221 = arith.constant 16 : i32
      %mul3A_222 = arith.muli %scan3A_220, %mul3A_221 : i32
      %get3A_223 = arith.constant 0 : i32
      %get3A_224 = arith.constant 1 : i32
      %get3A_225 = arith.index_cast %get3A_223 : i32 to index
      %get3A_226 = arith.index_cast %get3A_224 : i32 to index
      %get3A_227 = arith.index_cast %mul3A_222 : i32 to index
      %get3A_228 = tpu.vector_load %arg4[%get3A_225, %get3A_226, %get3A_227] {strides = array<i32>} : memref<2x2x2000xi32, #tpu.memory_space<vmem>>, vector<16xi32>,
      tpu.vector_store_idx %arg5[%get3A_228], %broadcast_in_dim3A_1 {add = true} : memref<10240xf32, #tpu.memory_space<vmem>>[vector<16xi32>], vector<16xf32>,
      %scan3A_229 = arith.constant 4 : i32
      %scan3A_230 = arith.addi %scan3A_191, %scan3A_229 : i32
      %mul3A_231 = arith.constant 16 : i32
      %mul3A_232 = arith.muli %scan3A_230, %mul3A_231 : i32
      %get3A_233 = arith.constant 0 : i32
      %get3A_234 = arith.constant 1 : i32
      %get3A_235 = arith.index_cast %get3A_233 : i32 to index
      %get3A_236 = arith.index_cast %get3A_234 : i32 to index
      %get3A_237 = arith.index_cast %mul3A_232 : i32 to index
      %get3A_238 = tpu.vector_load %arg4[%get3A_235, %get3A_236, %get3A_237] {strides = array<i32>} : memref<2x2x2000xi32, #tpu.memory_space<vmem>>, vector<16xi32>,
      tpu.vector_store_idx %arg5[%get3A_238], %broadcast_in_dim3A_1 {add = true} : memref<10240xf32, #tpu.memory_space<vmem>>[vector<16xi32>], vector<16xf32>,
    }
    %scan3A_60 = arith.constant 125 : i32
    %dma_wait3A_61 = arith.constant 1 : i32
    %dma_wait3A_62 = arith.constant 0 : i32
    %dma_wait3A_63 = arith.constant 0 : i32
    %dma_wait3A_64 = tpu.memref_slice %arg4[%dma_wait3A_61, %dma_wait3A_62, %dma_wait3A_63] : memref<2x2x2000xi32, #tpu.memory_space<vmem>> -> memref<1x2x2000xi32, #tpu.memory_space<vmem>>
    %dma_wait3A_65 = tpu.memref_squeeze %dma_wait3A_64 : memref<1x2x2000xi32, #tpu.memory_space<vmem>> -> memref<2x2000xi32, #tpu.memory_space<vmem>>
    %dma_wait3A_66 = arith.constant 0 : i32
    %dma_wait3A_67 = tpu.memref_slice %arg2[%dma_wait3A_66, %multiple_of3A_41] : memref<2x320000xi32, #tpu.memory_space<hbm>> -> memref<2x2000xi32, #tpu.memory_space<hbm>>
    %dma_wait3A_68 = arith.constant 0 : i32
    %dma_wait3A_69 = arith.constant 0 : i32
    %dma_wait3A_70 = tpu.memref_slice %arg4[%dma_wait3A_61, %dma_wait3A_68, %dma_wait3A_69] : memref<2x2x2000xi32, #tpu.memory_space<vmem>> -> memref<1x2x2000xi32, #tpu.memory_space<vmem>>
    %dma_wait3A_71 = tpu.memref_squeeze %dma_wait3A_70 : memref<1x2x2000xi32, #tpu.memory_space<vmem>> -> memref<2x2000xi32, #tpu.memory_space<vmem>>
    %dma_wait3A_72 = arith.constant 0 : i32
    %dma_wait3A_73 = tpu.memref_slice %arg2[%dma_wait3A_72, %multiple_of3A_41] : memref<2x320000xi32, #tpu.memory_space<hbm>> -> memref<2x2000xi32, #tpu.memory_space<hbm>>
    tpu.wait_dma2 semaphore(%arg6 : memref<!tpu.dma_semaphore, #tpu.memory_space<semaphore_mem>>) src(%dma_wait3A_73 : memref<2x2000xi32, #tpu.memory_space<hbm>>) dst(%dma_wait3A_71 : memref<2x2000xi32, #tpu.memory_space<vmem>>)
    %mul3A_74 = arith.constant 10000 : i32
    %mul3A_75 = arith.muli %add3A, %mul3A_74 : i32
    %add3A_76 = arith.constant 4000 : i32
    %add3A_77 = arith.addi %mul3A_75, %add3A_76 : i32
    %multiple_of3A_78 = tpu.assume_multiple %add3A_77, 2000 : i32
    %dma_start3A_79 = arith.constant 0 : i32
    %dma_start3A_80 = arith.constant 0 : i32
    %dma_start3A_81 = arith.constant 0 : i32
    %dma_start3A_82 = tpu.memref_slice %arg4[%dma_start3A_79, %dma_start3A_80, %dma_start3A_81] : memref<2x2x2000xi32, #tpu.memory_space<vmem>> -> memref<1x2x2000xi32, #tpu.memory_space<vmem>>
    %dma_start3A_83 = tpu.memref_squeeze %dma_start3A_82 : memref<1x2x2000xi32, #tpu.memory_space<vmem>> -> memref<2x2000xi32, #tpu.memory_space<vmem>>
    %dma_start3A_84 = arith.constant 0 : i32
    %dma_start3A_85 = tpu.memref_slice %arg2[%dma_start3A_84, %multiple_of3A_78] : memref<2x320000xi32, #tpu.memory_space<hbm>> -> memref<2x2000xi32, #tpu.memory_space<hbm>>
    %dma_start3A_86 = arith.constant 0 : i32
    %dma_start3A_87 = arith.constant 0 : i32
    %dma_start3A_88 = tpu.memref_slice %arg4[%dma_start3A_79, %dma_start3A_86, %dma_start3A_87] : memref<2x2x2000xi32, #tpu.memory_space<vmem>> -> memref<1x2x2000xi32, #tpu.memory_space<vmem>>
    %dma_start3A_89 = tpu.memref_squeeze %dma_start3A_88 : memref<1x2x2000xi32, #tpu.memory_space<vmem>> -> memref<2x2000xi32, #tpu.memory_space<vmem>>
    %dma_start3A_90 = arith.constant 0 : i32
    %dma_start3A_91 = tpu.memref_slice %arg2[%dma_start3A_90, %multiple_of3A_78] : memref<2x320000xi32, #tpu.memory_space<hbm>> -> memref<2x2000xi32, #tpu.memory_space<hbm>>
    tpu.enqueue_dma source(%dma_start3A_91 : memref<2x2000xi32, #tpu.memory_space<hbm>>) target(%dma_start3A_89 : memref<2x2000xi32, #tpu.memory_space<vmem>>) target_semaphore(%arg6 : memref<!tpu.dma_semaphore, #tpu.memory_space<semaphore_mem>>)
    %scan3A_92 = arith.constant 0 : i32
    %scan3A_93 = arith.constant 0 : i32
    %scan3A_94 = arith.constant 125 : i32
    %scan3A_95 = arith.addi %scan3A_93, %scan3A_94 : i32
    %scan3A_96 = arith.constant 5 : i32
    scf.for %scan3A_191 = %scan3A_93 to %scan3A_95 step %scan3A_96  : i32 {
      %mul3A_192 = arith.constant 16 : i32
      %mul3A_193 = arith.muli %scan3A_191, %mul3A_192 : i32
      %get3A = arith.constant 1 : i32
      %get3A_194 = arith.constant 1 : i32
      %get3A_195 = arith.index_cast %get3A : i32 to index
      %get3A_196 = arith.index_cast %get3A_194 : i32 to index
      %get3A_197 = arith.index_cast %mul3A_193 : i32 to index
      %get3A_198 = tpu.vector_load %arg4[%get3A_195, %get3A_196, %get3A_197] {strides = array<i32>} : memref<2x2x2000xi32, #tpu.memory_space<vmem>>, vector<16xi32>,
      tpu.vector_store_idx %arg5[%get3A_198], %broadcast_in_dim3A_1 {add = true} : memref<10240xf32, #tpu.memory_space<vmem>>[vector<16xi32>], vector<16xf32>,
      %scan3A_199 = arith.constant 1 : i32
      %scan3A_200 = arith.addi %scan3A_191, %scan3A_199 : i32
      %mul3A_201 = arith.constant 16 : i32
      %mul3A_202 = arith.muli %scan3A_200, %mul3A_201 : i32
      %get3A_203 = arith.constant 1 : i32
      %get3A_204 = arith.constant 1 : i32
      %get3A_205 = arith.index_cast %get3A_203 : i32 to index
      %get3A_206 = arith.index_cast %get3A_204 : i32 to index
      %get3A_207 = arith.index_cast %mul3A_202 : i32 to index
      %get3A_208 = tpu.vector_load %arg4[%get3A_205, %get3A_206, %get3A_207] {strides = array<i32>} : memref<2x2x2000xi32, #tpu.memory_space<vmem>>, vector<16xi32>,
      tpu.vector_store_idx %arg5[%get3A_208], %broadcast_in_dim3A_1 {add = true} : memref<10240xf32, #tpu.memory_space<vmem>>[vector<16xi32>], vector<16xf32>,
      %scan3A_209 = arith.constant 2 : i32
      %scan3A_210 = arith.addi %scan3A_191, %scan3A_209 : i32
      %mul3A_211 = arith.constant 16 : i32
      %mul3A_212 = arith.muli %scan3A_210, %mul3A_211 : i32
      %get3A_213 = arith.constant 1 : i32
      %get3A_214 = arith.constant 1 : i32
      %get3A_215 = arith.index_cast %get3A_213 : i32 to index
      %get3A_216 = arith.index_cast %get3A_214 : i32 to index
      %get3A_217 = arith.index_cast %mul3A_212 : i32 to index
      %get3A_218 = tpu.vector_load %arg4[%get3A_215, %get3A_216, %get3A_217] {strides = array<i32>} : memref<2x2x2000xi32, #tpu.memory_space<vmem>>, vector<16xi32>,
      tpu.vector_store_idx %arg5[%get3A_218], %broadcast_in_dim3A_1 {add = true} : memref<10240xf32, #tpu.memory_space<vmem>>[vector<16xi32>], vector<16xf32>,
      %scan3A_219 = arith.constant 3 : i32
      %scan3A_220 = arith.addi %scan3A_191, %scan3A_219 : i32
      %mul3A_221 = arith.constant 16 : i32
      %mul3A_222 = arith.muli %scan3A_220, %mul3A_221 : i32
      %get3A_223 = arith.constant 1 : i32
      %get3A_224 = arith.constant 1 : i32
      %get3A_225 = arith.index_cast %get3A_223 : i32 to index
      %get3A_226 = arith.index_cast %get3A_224 : i32 to index
      %get3A_227 = arith.index_cast %mul3A_222 : i32 to index
      %get3A_228 = tpu.vector_load %arg4[%get3A_225, %get3A_226, %get3A_227] {strides = array<i32>} : memref<2x2x2000xi32, #tpu.memory_space<vmem>>, vector<16xi32>,
      tpu.vector_store_idx %arg5[%get3A_228], %broadcast_in_dim3A_1 {add = true} : memref<10240xf32, #tpu.memory_space<vmem>>[vector<16xi32>], vector<16xf32>,
      %scan3A_229 = arith.constant 4 : i32
      %scan3A_230 = arith.addi %scan3A_191, %scan3A_229 : i32
      %mul3A_231 = arith.constant 16 : i32
      %mul3A_232 = arith.muli %scan3A_230, %mul3A_231 : i32
      %get3A_233 = arith.constant 1 : i32
      %get3A_234 = arith.constant 1 : i32
      %get3A_235 = arith.index_cast %get3A_233 : i32 to index
      %get3A_236 = arith.index_cast %get3A_234 : i32 to index
      %get3A_237 = arith.index_cast %mul3A_232 : i32 to index
      %get3A_238 = tpu.vector_load %arg4[%get3A_235, %get3A_236, %get3A_237] {strides = array<i32>} : memref<2x2x2000xi32, #tpu.memory_space<vmem>>, vector<16xi32>,
      tpu.vector_store_idx %arg5[%get3A_238], %broadcast_in_dim3A_1 {add = true} : memref<10240xf32, #tpu.memory_space<vmem>>[vector<16xi32>], vector<16xf32>,
    }
    %scan3A_97 = arith.constant 125 : i32
    %dma_wait3A_98 = arith.constant 0 : i32
    %dma_wait3A_99 = arith.constant 0 : i32
    %dma_wait3A_100 = arith.constant 0 : i32
    %dma_wait3A_101 = tpu.memref_slice %arg4[%dma_wait3A_98, %dma_wait3A_99, %dma_wait3A_100] : memref<2x2x2000xi32, #tpu.memory_space<vmem>> -> memref<1x2x2000xi32, #tpu.memory_space<vmem>>
    %dma_wait3A_102 = tpu.memref_squeeze %dma_wait3A_101 : memref<1x2x2000xi32, #tpu.memory_space<vmem>> -> memref<2x2000xi32, #tpu.memory_space<vmem>>
    %dma_wait3A_103 = arith.constant 0 : i32
    %dma_wait3A_104 = tpu.memref_slice %arg2[%dma_wait3A_103, %multiple_of3A_78] : memref<2x320000xi32, #tpu.memory_space<hbm>> -> memref<2x2000xi32, #tpu.memory_space<hbm>>
    %dma_wait3A_105 = arith.constant 0 : i32
    %dma_wait3A_106 = arith.constant 0 : i32
    %dma_wait3A_107 = tpu.memref_slice %arg4[%dma_wait3A_98, %dma_wait3A_105, %dma_wait3A_106] : memref<2x2x2000xi32, #tpu.memory_space<vmem>> -> memref<1x2x2000xi32, #tpu.memory_space<vmem>>
    %dma_wait3A_108 = tpu.memref_squeeze %dma_wait3A_107 : memref<1x2x2000xi32, #tpu.memory_space<vmem>> -> memref<2x2000xi32, #tpu.memory_space<vmem>>
    %dma_wait3A_109 = arith.constant 0 : i32
    %dma_wait3A_110 = tpu.memref_slice %arg2[%dma_wait3A_109, %multiple_of3A_78] : memref<2x320000xi32, #tpu.memory_space<hbm>> -> memref<2x2000xi32, #tpu.memory_space<hbm>>
    tpu.wait_dma2 semaphore(%arg6 : memref<!tpu.dma_semaphore, #tpu.memory_space<semaphore_mem>>) src(%dma_wait3A_110 : memref<2x2000xi32, #tpu.memory_space<hbm>>) dst(%dma_wait3A_108 : memref<2x2000xi32, #tpu.memory_space<vmem>>)
    %mul3A_111 = arith.constant 10000 : i32
    %mul3A_112 = arith.muli %add3A, %mul3A_111 : i32
    %add3A_113 = arith.constant 6000 : i32
    %add3A_114 = arith.addi %mul3A_112, %add3A_113 : i32
    %multiple_of3A_115 = tpu.assume_multiple %add3A_114, 2000 : i32
    %dma_start3A_116 = arith.constant 1 : i32
    %dma_start3A_117 = arith.constant 0 : i32
    %dma_start3A_118 = arith.constant 0 : i32
    %dma_start3A_119 = tpu.memref_slice %arg4[%dma_start3A_116, %dma_start3A_117, %dma_start3A_118] : memref<2x2x2000xi32, #tpu.memory_space<vmem>> -> memref<1x2x2000xi32, #tpu.memory_space<vmem>>
    %dma_start3A_120 = tpu.memref_squeeze %dma_start3A_119 : memref<1x2x2000xi32, #tpu.memory_space<vmem>> -> memref<2x2000xi32, #tpu.memory_space<vmem>>
    %dma_start3A_121 = arith.constant 0 : i32
    %dma_start3A_122 = tpu.memref_slice %arg2[%dma_start3A_121, %multiple_of3A_115] : memref<2x320000xi32, #tpu.memory_space<hbm>> -> memref<2x2000xi32, #tpu.memory_space<hbm>>
    %dma_start3A_123 = arith.constant 0 : i32
    %dma_start3A_124 = arith.constant 0 : i32
    %dma_start3A_125 = tpu.memref_slice %arg4[%dma_start3A_116, %dma_start3A_123, %dma_start3A_124] : memref<2x2x2000xi32, #tpu.memory_space<vmem>> -> memref<1x2x2000xi32, #tpu.memory_space<vmem>>
    %dma_start3A_126 = tpu.memref_squeeze %dma_start3A_125 : memref<1x2x2000xi32, #tpu.memory_space<vmem>> -> memref<2x2000xi32, #tpu.memory_space<vmem>>
    %dma_start3A_127 = arith.constant 0 : i32
    %dma_start3A_128 = tpu.memref_slice %arg2[%dma_start3A_127, %multiple_of3A_115] : memref<2x320000xi32, #tpu.memory_space<hbm>> -> memref<2x2000xi32, #tpu.memory_space<hbm>>
    tpu.enqueue_dma source(%dma_start3A_128 : memref<2x2000xi32, #tpu.memory_space<hbm>>) target(%dma_start3A_126 : memref<2x2000xi32, #tpu.memory_space<vmem>>) target_semaphore(%arg6 : memref<!tpu.dma_semaphore, #tpu.memory_space<semaphore_mem>>)
    %scan3A_129 = arith.constant 0 : i32
    %scan3A_130 = arith.constant 0 : i32
    %scan3A_131 = arith.constant 125 : i32
    %scan3A_132 = arith.addi %scan3A_130, %scan3A_131 : i32
    %scan3A_133 = arith.constant 5 : i32
    scf.for %scan3A_191 = %scan3A_130 to %scan3A_132 step %scan3A_133  : i32 {
      %mul3A_192 = arith.constant 16 : i32
      %mul3A_193 = arith.muli %scan3A_191, %mul3A_192 : i32
      %get3A = arith.constant 0 : i32
      %get3A_194 = arith.constant 1 : i32
      %get3A_195 = arith.index_cast %get3A : i32 to index
      %get3A_196 = arith.index_cast %get3A_194 : i32 to index
      %get3A_197 = arith.index_cast %mul3A_193 : i32 to index
      %get3A_198 = tpu.vector_load %arg4[%get3A_195, %get3A_196, %get3A_197] {strides = array<i32>} : memref<2x2x2000xi32, #tpu.memory_space<vmem>>, vector<16xi32>,
      tpu.vector_store_idx %arg5[%get3A_198], %broadcast_in_dim3A_1 {add = true} : memref<10240xf32, #tpu.memory_space<vmem>>[vector<16xi32>], vector<16xf32>,
      %scan3A_199 = arith.constant 1 : i32
      %scan3A_200 = arith.addi %scan3A_191, %scan3A_199 : i32
      %mul3A_201 = arith.constant 16 : i32
      %mul3A_202 = arith.muli %scan3A_200, %mul3A_201 : i32
      %get3A_203 = arith.constant 0 : i32
      %get3A_204 = arith.constant 1 : i32
      %get3A_205 = arith.index_cast %get3A_203 : i32 to index
      %get3A_206 = arith.index_cast %get3A_204 : i32 to index
      %get3A_207 = arith.index_cast %mul3A_202 : i32 to index
      %get3A_208 = tpu.vector_load %arg4[%get3A_205, %get3A_206, %get3A_207] {strides = array<i32>} : memref<2x2x2000xi32, #tpu.memory_space<vmem>>, vector<16xi32>,
      tpu.vector_store_idx %arg5[%get3A_208], %broadcast_in_dim3A_1 {add = true} : memref<10240xf32, #tpu.memory_space<vmem>>[vector<16xi32>], vector<16xf32>,
      %scan3A_209 = arith.constant 2 : i32
      %scan3A_210 = arith.addi %scan3A_191, %scan3A_209 : i32
      %mul3A_211 = arith.constant 16 : i32
      %mul3A_212 = arith.muli %scan3A_210, %mul3A_211 : i32
      %get3A_213 = arith.constant 0 : i32
      %get3A_214 = arith.constant 1 : i32
      %get3A_215 = arith.index_cast %get3A_213 : i32 to index
      %get3A_216 = arith.index_cast %get3A_214 : i32 to index
      %get3A_217 = arith.index_cast %mul3A_212 : i32 to index
      %get3A_218 = tpu.vector_load %arg4[%get3A_215, %get3A_216, %get3A_217] {strides = array<i32>} : memref<2x2x2000xi32, #tpu.memory_space<vmem>>, vector<16xi32>,
      tpu.vector_store_idx %arg5[%get3A_218], %broadcast_in_dim3A_1 {add = true} : memref<10240xf32, #tpu.memory_space<vmem>>[vector<16xi32>], vector<16xf32>,
      %scan3A_219 = arith.constant 3 : i32
      %scan3A_220 = arith.addi %scan3A_191, %scan3A_219 : i32
      %mul3A_221 = arith.constant 16 : i32
      %mul3A_222 = arith.muli %scan3A_220, %mul3A_221 : i32
      %get3A_223 = arith.constant 0 : i32
      %get3A_224 = arith.constant 1 : i32
      %get3A_225 = arith.index_cast %get3A_223 : i32 to index
      %get3A_226 = arith.index_cast %get3A_224 : i32 to index
      %get3A_227 = arith.index_cast %mul3A_222 : i32 to index
      %get3A_228 = tpu.vector_load %arg4[%get3A_225, %get3A_226, %get3A_227] {strides = array<i32>} : memref<2x2x2000xi32, #tpu.memory_space<vmem>>, vector<16xi32>,
      tpu.vector_store_idx %arg5[%get3A_228], %broadcast_in_dim3A_1 {add = true} : memref<10240xf32, #tpu.memory_space<vmem>>[vector<16xi32>], vector<16xf32>,
      %scan3A_229 = arith.constant 4 : i32
      %scan3A_230 = arith.addi %scan3A_191, %scan3A_229 : i32
      %mul3A_231 = arith.constant 16 : i32
      %mul3A_232 = arith.muli %scan3A_230, %mul3A_231 : i32
      %get3A_233 = arith.constant 0 : i32
      %get3A_234 = arith.constant 1 : i32
      %get3A_235 = arith.index_cast %get3A_233 : i32 to index
      %get3A_236 = arith.index_cast %get3A_234 : i32 to index
      %get3A_237 = arith.index_cast %mul3A_232 : i32 to index
      %get3A_238 = tpu.vector_load %arg4[%get3A_235, %get3A_236, %get3A_237] {strides = array<i32>} : memref<2x2x2000xi32, #tpu.memory_space<vmem>>, vector<16xi32>,
      tpu.vector_store_idx %arg5[%get3A_238], %broadcast_in_dim3A_1 {add = true} : memref<10240xf32, #tpu.memory_space<vmem>>[vector<16xi32>], vector<16xf32>,
    }
    %scan3A_134 = arith.constant 125 : i32
    %dma_wait3A_135 = arith.constant 1 : i32
    %dma_wait3A_136 = arith.constant 0 : i32
    %dma_wait3A_137 = arith.constant 0 : i32
    %dma_wait3A_138 = tpu.memref_slice %arg4[%dma_wait3A_135, %dma_wait3A_136, %dma_wait3A_137] : memref<2x2x2000xi32, #tpu.memory_space<vmem>> -> memref<1x2x2000xi32, #tpu.memory_space<vmem>>
    %dma_wait3A_139 = tpu.memref_squeeze %dma_wait3A_138 : memref<1x2x2000xi32, #tpu.memory_space<vmem>> -> memref<2x2000xi32, #tpu.memory_space<vmem>>
    %dma_wait3A_140 = arith.constant 0 : i32
    %dma_wait3A_141 = tpu.memref_slice %arg2[%dma_wait3A_140, %multiple_of3A_115] : memref<2x320000xi32, #tpu.memory_space<hbm>> -> memref<2x2000xi32, #tpu.memory_space<hbm>>
    %dma_wait3A_142 = arith.constant 0 : i32
    %dma_wait3A_143 = arith.constant 0 : i32
    %dma_wait3A_144 = tpu.memref_slice %arg4[%dma_wait3A_135, %dma_wait3A_142, %dma_wait3A_143] : memref<2x2x2000xi32, #tpu.memory_space<vmem>> -> memref<1x2x2000xi32, #tpu.memory_space<vmem>>
    %dma_wait3A_145 = tpu.memref_squeeze %dma_wait3A_144 : memref<1x2x2000xi32, #tpu.memory_space<vmem>> -> memref<2x2000xi32, #tpu.memory_space<vmem>>
    %dma_wait3A_146 = arith.constant 0 : i32
    %dma_wait3A_147 = tpu.memref_slice %arg2[%dma_wait3A_146, %multiple_of3A_115] : memref<2x320000xi32, #tpu.memory_space<hbm>> -> memref<2x2000xi32, #tpu.memory_space<hbm>>
    tpu.wait_dma2 semaphore(%arg6 : memref<!tpu.dma_semaphore, #tpu.memory_space<semaphore_mem>>) src(%dma_wait3A_147 : memref<2x2000xi32, #tpu.memory_space<hbm>>) dst(%dma_wait3A_145 : memref<2x2000xi32, #tpu.memory_space<vmem>>)
    %mul3A_148 = arith.constant 10000 : i32
    %mul3A_149 = arith.muli %add3A, %mul3A_148 : i32
    %add3A_150 = arith.constant 8000 : i32
    %add3A_151 = arith.addi %mul3A_149, %add3A_150 : i32
    %multiple_of3A_152 = tpu.assume_multiple %add3A_151, 2000 : i32
    %dma_start3A_153 = arith.constant 0 : i32
    %dma_start3A_154 = arith.constant 0 : i32
    %dma_start3A_155 = arith.constant 0 : i32
    %dma_start3A_156 = tpu.memref_slice %arg4[%dma_start3A_153, %dma_start3A_154, %dma_start3A_155] : memref<2x2x2000xi32, #tpu.memory_space<vmem>> -> memref<1x2x2000xi32, #tpu.memory_space<vmem>>
    %dma_start3A_157 = tpu.memref_squeeze %dma_start3A_156 : memref<1x2x2000xi32, #tpu.memory_space<vmem>> -> memref<2x2000xi32, #tpu.memory_space<vmem>>
    %dma_start3A_158 = arith.constant 0 : i32
    %dma_start3A_159 = tpu.memref_slice %arg2[%dma_start3A_158, %multiple_of3A_152] : memref<2x320000xi32, #tpu.memory_space<hbm>> -> memref<2x2000xi32, #tpu.memory_space<hbm>>
    %dma_start3A_160 = arith.constant 0 : i32
    %dma_start3A_161 = arith.constant 0 : i32
    %dma_start3A_162 = tpu.memref_slice %arg4[%dma_start3A_153, %dma_start3A_160, %dma_start3A_161] : memref<2x2x2000xi32, #tpu.memory_space<vmem>> -> memref<1x2x2000xi32, #tpu.memory_space<vmem>>
    %dma_start3A_163 = tpu.memref_squeeze %dma_start3A_162 : memref<1x2x2000xi32, #tpu.memory_space<vmem>> -> memref<2x2000xi32, #tpu.memory_space<vmem>>
    %dma_start3A_164 = arith.constant 0 : i32
    %dma_start3A_165 = tpu.memref_slice %arg2[%dma_start3A_164, %multiple_of3A_152] : memref<2x320000xi32, #tpu.memory_space<hbm>> -> memref<2x2000xi32, #tpu.memory_space<hbm>>
    tpu.enqueue_dma source(%dma_start3A_165 : memref<2x2000xi32, #tpu.memory_space<hbm>>) target(%dma_start3A_163 : memref<2x2000xi32, #tpu.memory_space<vmem>>) target_semaphore(%arg6 : memref<!tpu.dma_semaphore, #tpu.memory_space<semaphore_mem>>)
    %scan3A_166 = arith.constant 0 : i32
    %scan3A_167 = arith.constant 0 : i32
    %scan3A_168 = arith.constant 125 : i32
    %scan3A_169 = arith.addi %scan3A_167, %scan3A_168 : i32
    %scan3A_170 = arith.constant 5 : i32
    scf.for %scan3A_191 = %scan3A_167 to %scan3A_169 step %scan3A_170  : i32 {
      %mul3A_192 = arith.constant 16 : i32
      %mul3A_193 = arith.muli %scan3A_191, %mul3A_192 : i32
      %get3A = arith.constant 1 : i32
      %get3A_194 = arith.constant 1 : i32
      %get3A_195 = arith.index_cast %get3A : i32 to index
      %get3A_196 = arith.index_cast %get3A_194 : i32 to index
      %get3A_197 = arith.index_cast %mul3A_193 : i32 to index
      %get3A_198 = tpu.vector_load %arg4[%get3A_195, %get3A_196, %get3A_197] {strides = array<i32>} : memref<2x2x2000xi32, #tpu.memory_space<vmem>>, vector<16xi32>,
      tpu.vector_store_idx %arg5[%get3A_198], %broadcast_in_dim3A_1 {add = true} : memref<10240xf32, #tpu.memory_space<vmem>>[vector<16xi32>], vector<16xf32>,
      %scan3A_199 = arith.constant 1 : i32
      %scan3A_200 = arith.addi %scan3A_191, %scan3A_199 : i32
      %mul3A_201 = arith.constant 16 : i32
      %mul3A_202 = arith.muli %scan3A_200, %mul3A_201 : i32
      %get3A_203 = arith.constant 1 : i32
      %get3A_204 = arith.constant 1 : i32
      %get3A_205 = arith.index_cast %get3A_203 : i32 to index
      %get3A_206 = arith.index_cast %get3A_204 : i32 to index
      %get3A_207 = arith.index_cast %mul3A_202 : i32 to index
      %get3A_208 = tpu.vector_load %arg4[%get3A_205, %get3A_206, %get3A_207] {strides = array<i32>} : memref<2x2x2000xi32, #tpu.memory_space<vmem>>, vector<16xi32>,
      tpu.vector_store_idx %arg5[%get3A_208], %broadcast_in_dim3A_1 {add = true} : memref<10240xf32, #tpu.memory_space<vmem>>[vector<16xi32>], vector<16xf32>,
      %scan3A_209 = arith.constant 2 : i32
      %scan3A_210 = arith.addi %scan3A_191, %scan3A_209 : i32
      %mul3A_211 = arith.constant 16 : i32
      %mul3A_212 = arith.muli %scan3A_210, %mul3A_211 : i32
      %get3A_213 = arith.constant 1 : i32
      %get3A_214 = arith.constant 1 : i32
      %get3A_215 = arith.index_cast %get3A_213 : i32 to index
      %get3A_216 = arith.index_cast %get3A_214 : i32 to index
      %get3A_217 = arith.index_cast %mul3A_212 : i32 to index
      %get3A_218 = tpu.vector_load %arg4[%get3A_215, %get3A_216, %get3A_217] {strides = array<i32>} : memref<2x2x2000xi32, #tpu.memory_space<vmem>>, vector<16xi32>,
      tpu.vector_store_idx %arg5[%get3A_218], %broadcast_in_dim3A_1 {add = true} : memref<10240xf32, #tpu.memory_space<vmem>>[vector<16xi32>], vector<16xf32>,
      %scan3A_219 = arith.constant 3 : i32
      %scan3A_220 = arith.addi %scan3A_191, %scan3A_219 : i32
      %mul3A_221 = arith.constant 16 : i32
      %mul3A_222 = arith.muli %scan3A_220, %mul3A_221 : i32
      %get3A_223 = arith.constant 1 : i32
      %get3A_224 = arith.constant 1 : i32
      %get3A_225 = arith.index_cast %get3A_223 : i32 to index
      %get3A_226 = arith.index_cast %get3A_224 : i32 to index
      %get3A_227 = arith.index_cast %mul3A_222 : i32 to index
      %get3A_228 = tpu.vector_load %arg4[%get3A_225, %get3A_226, %get3A_227] {strides = array<i32>} : memref<2x2x2000xi32, #tpu.memory_space<vmem>>, vector<16xi32>,
      tpu.vector_store_idx %arg5[%get3A_228], %broadcast_in_dim3A_1 {add = true} : memref<10240xf32, #tpu.memory_space<vmem>>[vector<16xi32>], vector<16xf32>,
      %scan3A_229 = arith.constant 4 : i32
      %scan3A_230 = arith.addi %scan3A_191, %scan3A_229 : i32
      %mul3A_231 = arith.constant 16 : i32
      %mul3A_232 = arith.muli %scan3A_230, %mul3A_231 : i32
      %get3A_233 = arith.constant 1 : i32
      %get3A_234 = arith.constant 1 : i32
      %get3A_235 = arith.index_cast %get3A_233 : i32 to index
      %get3A_236 = arith.index_cast %get3A_234 : i32 to index
      %get3A_237 = arith.index_cast %mul3A_232 : i32 to index
      %get3A_238 = tpu.vector_load %arg4[%get3A_235, %get3A_236, %get3A_237] {strides = array<i32>} : memref<2x2x2000xi32, #tpu.memory_space<vmem>>, vector<16xi32>,
      tpu.vector_store_idx %arg5[%get3A_238], %broadcast_in_dim3A_1 {add = true} : memref<10240xf32, #tpu.memory_space<vmem>>[vector<16xi32>], vector<16xf32>,
    }
    %scan3A_171 = arith.constant 125 : i32
    %dma_wait3A_172 = arith.constant 0 : i32
    %dma_wait3A_173 = arith.constant 0 : i32
    %dma_wait3A_174 = arith.constant 0 : i32
    %dma_wait3A_175 = tpu.memref_slice %arg4[%dma_wait3A_172, %dma_wait3A_173, %dma_wait3A_174] : memref<2x2x2000xi32, #tpu.memory_space<vmem>> -> memref<1x2x2000xi32, #tpu.memory_space<vmem>>
    %dma_wait3A_176 = tpu.memref_squeeze %dma_wait3A_175 : memref<1x2x2000xi32, #tpu.memory_space<vmem>> -> memref<2x2000xi32, #tpu.memory_space<vmem>>
    %dma_wait3A_177 = arith.constant 0 : i32
    %dma_wait3A_178 = tpu.memref_slice %arg2[%dma_wait3A_177, %multiple_of3A_152] : memref<2x320000xi32, #tpu.memory_space<hbm>> -> memref<2x2000xi32, #tpu.memory_space<hbm>>
    %dma_wait3A_179 = arith.constant 0 : i32
    %dma_wait3A_180 = arith.constant 0 : i32
    %dma_wait3A_181 = tpu.memref_slice %arg4[%dma_wait3A_172, %dma_wait3A_179, %dma_wait3A_180] : memref<2x2x2000xi32, #tpu.memory_space<vmem>> -> memref<1x2x2000xi32, #tpu.memory_space<vmem>>
    %dma_wait3A_182 = tpu.memref_squeeze %dma_wait3A_181 : memref<1x2x2000xi32, #tpu.memory_space<vmem>> -> memref<2x2000xi32, #tpu.memory_space<vmem>>
    %dma_wait3A_183 = arith.constant 0 : i32
    %dma_wait3A_184 = tpu.memref_slice %arg2[%dma_wait3A_183, %multiple_of3A_152] : memref<2x320000xi32, #tpu.memory_space<hbm>> -> memref<2x2000xi32, #tpu.memory_space<hbm>>
    tpu.wait_dma2 semaphore(%arg6 : memref<!tpu.dma_semaphore, #tpu.memory_space<semaphore_mem>>) src(%dma_wait3A_184 : memref<2x2000xi32, #tpu.memory_space<hbm>>) dst(%dma_wait3A_182 : memref<2x2000xi32, #tpu.memory_space<vmem>>)
    %scan3A_185 = arith.constant 0 : i32
    %scan3A_186 = arith.constant 0 : i32
    %scan3A_187 = arith.constant 125 : i32
    %scan3A_188 = arith.addi %scan3A_186, %scan3A_187 : i32
    %scan3A_189 = arith.constant 5 : i32
    scf.for %scan3A_191 = %scan3A_186 to %scan3A_188 step %scan3A_189  : i32 {
      %mul3A_192 = arith.constant 16 : i32
      %mul3A_193 = arith.muli %scan3A_191, %mul3A_192 : i32
      %get3A = arith.constant 0 : i32
      %get3A_194 = arith.constant 1 : i32
      %get3A_195 = arith.index_cast %get3A : i32 to index
      %get3A_196 = arith.index_cast %get3A_194 : i32 to index
      %get3A_197 = arith.index_cast %mul3A_193 : i32 to index
      %get3A_198 = tpu.vector_load %arg4[%get3A_195, %get3A_196, %get3A_197] {strides = array<i32>} : memref<2x2x2000xi32, #tpu.memory_space<vmem>>, vector<16xi32>,
      tpu.vector_store_idx %arg5[%get3A_198], %broadcast_in_dim3A_1 {add = true} : memref<10240xf32, #tpu.memory_space<vmem>>[vector<16xi32>], vector<16xf32>,
      %scan3A_199 = arith.constant 1 : i32
      %scan3A_200 = arith.addi %scan3A_191, %scan3A_199 : i32
      %mul3A_201 = arith.constant 16 : i32
      %mul3A_202 = arith.muli %scan3A_200, %mul3A_201 : i32
      %get3A_203 = arith.constant 0 : i32
      %get3A_204 = arith.constant 1 : i32
      %get3A_205 = arith.index_cast %get3A_203 : i32 to index
      %get3A_206 = arith.index_cast %get3A_204 : i32 to index
      %get3A_207 = arith.index_cast %mul3A_202 : i32 to index
      %get3A_208 = tpu.vector_load %arg4[%get3A_205, %get3A_206, %get3A_207] {strides = array<i32>} : memref<2x2x2000xi32, #tpu.memory_space<vmem>>, vector<16xi32>,
      tpu.vector_store_idx %arg5[%get3A_208], %broadcast_in_dim3A_1 {add = true} : memref<10240xf32, #tpu.memory_space<vmem>>[vector<16xi32>], vector<16xf32>,
      %scan3A_209 = arith.constant 2 : i32
      %scan3A_210 = arith.addi %scan3A_191, %scan3A_209 : i32
      %mul3A_211 = arith.constant 16 : i32
      %mul3A_212 = arith.muli %scan3A_210, %mul3A_211 : i32
      %get3A_213 = arith.constant 0 : i32
      %get3A_214 = arith.constant 1 : i32
      %get3A_215 = arith.index_cast %get3A_213 : i32 to index
      %get3A_216 = arith.index_cast %get3A_214 : i32 to index
      %get3A_217 = arith.index_cast %mul3A_212 : i32 to index
      %get3A_218 = tpu.vector_load %arg4[%get3A_215, %get3A_216, %get3A_217] {strides = array<i32>} : memref<2x2x2000xi32, #tpu.memory_space<vmem>>, vector<16xi32>,
      tpu.vector_store_idx %arg5[%get3A_218], %broadcast_in_dim3A_1 {add = true} : memref<10240xf32, #tpu.memory_space<vmem>>[vector<16xi32>], vector<16xf32>,
      %scan3A_219 = arith.constant 3 : i32
      %scan3A_220 = arith.addi %scan3A_191, %scan3A_219 : i32
      %mul3A_221 = arith.constant 16 : i32
      %mul3A_222 = arith.muli %scan3A_220, %mul3A_221 : i32
      %get3A_223 = arith.constant 0 : i32
      %get3A_224 = arith.constant 1 : i32
      %get3A_225 = arith.index_cast %get3A_223 : i32 to index
      %get3A_226 = arith.index_cast %get3A_224 : i32 to index
      %get3A_227 = arith.index_cast %mul3A_222 : i32 to index
      %get3A_228 = tpu.vector_load %arg4[%get3A_225, %get3A_226, %get3A_227] {strides = array<i32>} : memref<2x2x2000xi32, #tpu.memory_space<vmem>>, vector<16xi32>,
      tpu.vector_store_idx %arg5[%get3A_228], %broadcast_in_dim3A_1 {add = true} : memref<10240xf32, #tpu.memory_space<vmem>>[vector<16xi32>], vector<16xf32>,
      %scan3A_229 = arith.constant 4 : i32
      %scan3A_230 = arith.addi %scan3A_191, %scan3A_229 : i32
      %mul3A_231 = arith.constant 16 : i32
      %mul3A_232 = arith.muli %scan3A_230, %mul3A_231 : i32
      %get3A_233 = arith.constant 0 : i32
      %get3A_234 = arith.constant 1 : i32
      %get3A_235 = arith.index_cast %get3A_233 : i32 to index
      %get3A_236 = arith.index_cast %get3A_234 : i32 to index
      %get3A_237 = arith.index_cast %mul3A_232 : i32 to index
      %get3A_238 = tpu.vector_load %arg4[%get3A_235, %get3A_236, %get3A_237] {strides = array<i32>} : memref<2x2x2000xi32, #tpu.memory_space<vmem>>, vector<16xi32>,
      tpu.vector_store_idx %arg5[%get3A_238], %broadcast_in_dim3A_1 {add = true} : memref<10240xf32, #tpu.memory_space<vmem>>[vector<16xi32>], vector<16xf32>,
    }
    %scan3A_190 = arith.constant 125 : i32
    "tpu.region"() ({
      %run_scoped3A = tpu.sem_alloc : memref<!tpu.dma_semaphore, #tpu.memory_space<semaphore_mem>>
      %dma_start3A_191 = arith.constant 0 : i32
      %dma_start3A_192 = tpu.memref_slice %arg3[%add3A, %dma_start3A_191] : memref<32x10240xf32, #tpu.memory_space<hbm>> -> memref<1x10240xf32, #tpu.memory_space<hbm>>
      %dma_start3A_193 = tpu.memref_squeeze %dma_start3A_192 : memref<1x10240xf32, #tpu.memory_space<hbm>> -> memref<10240xf32, #tpu.memory_space<hbm>>
      %dma_start3A_194 = arith.constant 0 : i32
      %dma_start3A_195 = tpu.memref_slice %arg3[%add3A, %dma_start3A_194] : memref<32x10240xf32, #tpu.memory_space<hbm>> -> memref<1x10240xf32, #tpu.memory_space<hbm>>
      %dma_start3A_196 = tpu.memref_squeeze %dma_start3A_195 : memref<1x10240xf32, #tpu.memory_space<hbm>> -> memref<10240xf32, #tpu.memory_space<hbm>>
      tpu.enqueue_dma source(%arg5 : memref<10240xf32, #tpu.memory_space<vmem>>) target(%dma_start3A_196 : memref<10240xf32, #tpu.memory_space<hbm>>) target_semaphore(%run_scoped3A : memref<!tpu.dma_semaphore, #tpu.memory_space<semaphore_mem>>)
      %dma_wait3A_197 = arith.constant 0 : i32
      %dma_wait3A_198 = tpu.memref_slice %arg3[%add3A, %dma_wait3A_197] : memref<32x10240xf32, #tpu.memory_space<hbm>> -> memref<1x10240xf32, #tpu.memory_space<hbm>>
      %dma_wait3A_199 = tpu.memref_squeeze %dma_wait3A_198 : memref<1x10240xf32, #tpu.memory_space<hbm>> -> memref<10240xf32, #tpu.memory_space<hbm>>
      %dma_wait3A_200 = arith.constant 0 : i32
      %dma_wait3A_201 = tpu.memref_slice %arg3[%add3A, %dma_wait3A_200] : memref<32x10240xf32, #tpu.memory_space<hbm>> -> memref<1x10240xf32, #tpu.memory_space<hbm>>
      %dma_wait3A_202 = tpu.memref_squeeze %dma_wait3A_201 : memref<1x10240xf32, #tpu.memory_space<hbm>> -> memref<10240xf32, #tpu.memory_space<hbm>>
      tpu.wait_dma2 semaphore(%run_scoped3A : memref<!tpu.dma_semaphore, #tpu.memory_space<semaphore_mem>>) src(%arg5 : memref<10240xf32, #tpu.memory_space<vmem>>) dst(%dma_wait3A_202 : memref<10240xf32, #tpu.memory_space<hbm>>)
      tpu.yield
    }) : () -> ()
    return
  }
}

module attributes {stable_mosaic.version = 14 : i64} {
  func.func @body(%arg0: memref<2x10240x16xf32, #tpu.memory_space<vmem>>, %arg1: memref<32x10240xf32, #tpu.memory_space<vmem>>, %arg2: memref<10000x16xf32, #tpu.memory_space<vmem>>) attributes {dimension_semantics = [], scalar_prefetch = 0 : i64, scratch_operands = 0 : i64, tpu.core_type = #tpu.core_type<tc>} {
    %get3A = arith.constant 0 : index
    %get3A_0 = arith.constant 0 : index
    %get3A_1 = arith.constant 0 : index
    %get3A_2 = vector.load %arg0[%get3A, %get3A_0, %get3A_1] : memref<2x10240x16xf32, #tpu.memory_space<vmem>>, vector<1x10240x16xf32>
    %get3A_3 = vector.shape_cast %get3A_2 : vector<1x10240x16xf32> to vector<10240x16xf32>
    %get3A_4 = arith.constant 1 : index
    %get3A_5 = arith.constant 0 : index
    %get3A_6 = arith.constant 0 : index
    %get3A_7 = vector.load %arg0[%get3A_4, %get3A_5, %get3A_6] : memref<2x10240x16xf32, #tpu.memory_space<vmem>>, vector<1x10240x16xf32>
    %get3A_8 = vector.shape_cast %get3A_7 : vector<1x10240x16xf32> to vector<10240x16xf32>
    %add3A = arith.addf %get3A_3, %get3A_8 : vector<10240x16xf32>
    %broadcast_in_dim3A = arith.constant 1.000000e+00 : f32
    %broadcast_in_dim3A_9 = vector.broadcast %broadcast_in_dim3A : f32 to vector<32x1xf32>
    %get3A_10 = arith.constant 0 : index
    %get3A_11 = arith.constant 0 : index
    %get3A_12 = vector.load %arg1[%get3A_10, %get3A_11] : memref<32x10240xf32, #tpu.memory_space<vmem>>, vector<32x10240xf32>
    %dot_general3A = arith.constant dense<0.000000e+00> : vector<10240x1xf32>
    %dot_general3A_13 = tpu.matmul %get3A_12, %broadcast_in_dim3A_9, %dot_general3A {dimension_numbers = #tpu.dot_dimension_numbers<[0], [0], [1], [1], [0, 1, 1, 1], [], []>, transpose_lhs_hint = false} : vector<32x10240xf32>, vector<32x1xf32>, vector<10240x1xf32> -> vector<10240x1xf32>
    %jit3A = arith.constant 1.000000e+00 : f32
    %max3A = vector.broadcast %jit3A : f32 to vector<10240x1xf32>
    %max3A_14 = arith.maximumf %max3A, %dot_general3A_13 : vector<10240x1xf32>
    %div3A = vector.broadcast %max3A_14 : vector<10240x1xf32> to vector<10240x16xf32>
    %div3A_15 = arith.divf %add3A, %div3A : vector<10240x16xf32>
    %slice3A = vector.extract_strided_slice %div3A_15 {offsets = [0, 0], sizes = [10000, 16], strides = [1, 1]} : vector<10240x16xf32> to vector<10000x16xf32>
    %swap3A = arith.constant 0 : index
    %swap3A_16 = arith.constant 0 : index
    %swap3A_17 = vector.load %arg2[%swap3A, %swap3A_16] : memref<10000x16xf32, #tpu.memory_space<vmem>>, vector<10000x16xf32>
    tpu.vector_store %arg2[%swap3A, %swap3A_16], %slice3A {strides = array<i32>} : memref<10000x16xf32, #tpu.memory_space<vmem>>, vector<10000x16xf32>,
    return
  }
}

</mosaic_0001>

<sc_bundles>
// kernel: kernel.5.cloned.1.call-start
scs
__scs_entry_jumppad:
0x0: {  	(pc) =	sbr.rel $0x88, $3  }
0x1: {  	(tag) =	ssettag $0x0;
	lr =	simm.s32 $0x1  }
0x2: {  	[smem:$0x3F9F] =	sst lr;
	_ =	strace $0xD0000000  }
0x3: {  	_ = 	snop  }
0x4: {  	_ = 	snop  }
0x5: {  	_ = 	snop  }
0x6: {  	_ = 	snop  }
0x7: {  	_ = 	snop  }
__scs_overlays_trampoline_lowered:
0x8: {  	[smem:$0x3FAE] =	sst s0  }
0x9: {  	[smem:$0x3FAF] =	sst s1  }
0xa: {  	[smem:$0x3FB0] =	sst s2  }
0xb: {  	[smem:$0x3FB1] =	sst s3  }
0xc: {  	[smem:$0x3FB2] =	sst s4  }
0xd: {  	[smem:$0x3FB3] =	sst s5  }
0xe: {  	[smem:$0x3FB4] =	sst s6  }
0xf: {  	[smem:$0x3FB5] =	sst s7  }
0x10: {  	[smem:$0x3FB6] =	sst s8  }
0x11: {  	[smem:$0x3FB7] =	sst s9;
	s0 =	simm.s32 @!p0 $0x0  }
0x12: {  	s1 =	sld [smem:$0x3F9D];
	s0 =	simm.s32 @p0 $0x1  }
0x13: {  	[smem:$0x3FB8] =	sst s0;
	s0 =	simm.s32 @!p1 $0x0  }
0x14: {  	s2 =	sld [smem:$0x3F9C];
	s0 =	simm.s32 @p1 $0x1  }
0x15: {  	[smem:$0x3FB9] =	sst s0;
	s0 =	simm.s32 @!p2 $0x0  }
0x16: {  	s3 =	sld [smem:$0x3FDB];
	s0 =	simm.s32 @p2 $0x1  }
0x17: {  	s4 =	simm.s32 $0x1BF5;
	[smem:$0x3FBB] =	sst s0  }
0x18: {  	s0 =	sld [smem:$0x3F9E];
	_ =	swait.ge [sflag:s4], $0x0  }
0x19: {  	s7 =	sld [smem:$0x3F9F]  }
0x1a: {  	s8 =	sadd.s32 $0xFFFFE003, lr  }
0x1b: {  	s9 =	sadd.s32 $0xFFFFFEF7, lr;
	s5 =	simm.s32 $0xFFFFFFFF;
	p2 =	slt.u32 s8, $0xFFFFF086  }
0x1c: {  	p1 =	slt.u32 s9, $0xF7A;
	s5 =	simm.s32 @!p2 $0x0  }
0x1d: {  	s5 =	simm.s32 @p1 $0x1;
	p0 =	seq.s32 s7, s2  }
0x1e: {  	s7 =	smul.u32 @!p0 $0xF7A, s2;
	p2 =	seq.s32 @!p0 s5, $0x0  }
0x1f: {  	s9 =	smul.u32 $0xF7A, s1;
	s8 =	simm.s32 @!p0 $0x1BF5;
	p2 =	por !p2, p0  }
0x20: {  	[sflag:s8] =	ssyncset.s32 @!p0 $0xFFFFF086;
	s6 =	sadd.s32 @!p0 s3, s7;
	s7 =	simm.s32 @!p0 $0x108  }
0x21: {  	s3 =	sadd.s32 s3, s9;
	s6 =	sadd.s32 @!p0 $0x88, s6;
	s7 =	simm.s32 @p2 $0x1082  }
0x22: {  	[simem:s7], [sflag:s8] =	dma.local @!p0 [hbm:s6], $0xF7A  }
0x23: {  	s9 =	sor.u32 $0xD0000000, s2;
	s6 =	simm.s32 $0x108;
	_ =	swait.ge @!p0 [sflag:s8], $0x0  }
0x24: {  	s3 =	sadd.s32 $0x88, s3;
	s6 =	simm.s32 @!p1 $0x1082;
	[sflag:s4] =	ssyncset.s32 $0xFFFFF086  }
0x25: {  	[simem:s6], [sflag:s4] =	dma.local [hbm:s3], $0xF7A  }
0x26: {  	[smem:$0x3F9F] =	sst s1;
	(tag) =	ssettag s2;
	_ =	strace s9  }
0x27: {  	s1 =	sld [smem:$0x3FAF]  }
0x28: {  	s2 =	sld [smem:$0x3FB0]  }
0x29: {  	s4 =	sld [smem:$0x3FB2]  }
0x2a: {  	p0 =	seq.s32 s5, $0x0;
	s5 =	sld [smem:$0x3FB3]  }
0x2b: {  	s6 =	sld [smem:$0x3FB4]  }
0x2c: {  	s7 =	sld [smem:$0x3FB5]  }
0x2d: {  	s3 =	simm.s32 $0x108;
	s8 =	sld [smem:$0x3FB6]  }
0x2e: {  	s3 =	simm.s32 @!p0 $0x1082;
	s9 =	sld [smem:$0x3FB7]  }
0x2f: {  	lr =	sadd.s32 s0, s3;
	s0 =	sld [smem:$0x3FAE]  }
0x30: {  	s3 =	sld [smem:$0x3FB1]  }
0x31: {  	[smem:$0x3FBA] =	sst s10  }
0x32: {  	s10 =	sld [smem:$0x3FB8];
	_ =	sdelay $0x3  }
0x33: {  	p0 =	seq.s32 s10, $0x1;
	s10 =	sld [smem:$0x3FBA];
	_ =	sdelay $0x3  }
0x34: {  	[smem:$0x3FBA] =	sst s10  }
0x35: {  	s10 =	sld [smem:$0x3FB9];
	_ =	sdelay $0x3  }
0x36: {  	p1 =	seq.s32 s10, $0x1;
	s10 =	sld [smem:$0x3FBA];
	_ =	sdelay $0x3  }
0x37: {  	[smem:$0x3FBA] =	sst s10  }
0x38: {  	s10 =	sld [smem:$0x3FBB]  }
0x39: {  	_ = 	snop;
	(pc) =	sbr.ind lr, $3  }
0x3a: {  	_ = 	snop  }
0x3b: {  	_ = 	snop  }
0x3c: {  	p2 =	seq.s32 s10, $0x1;
	s10 =	sld [smem:$0x3FBA]  }
0x3d: {  	_ =	shalt  }
0x3e: {  	_ =	shalt  }
0x3f: {  	_ =	shalt  }
0x40: {  	_ =	shalt  }
0x41: {  	_ =	shalt  }
0x42: {  	_ =	shalt  }
0x43: {  	_ =	shalt  }
0x44: {  	_ =	shalt  }
0x45: {  	_ =	shalt  }
0x46: {  	_ =	shalt  }
0x47: {  	_ =	shalt  }
0x48: {  	_ =	shalt  }
0x49: {  	_ =	shalt  }
0x4a: {  	_ =	shalt  }
0x4b: {  	_ =	shalt  }
0x4c: {  	_ =	shalt  }
0x4d: {  	_ =	shalt  }
0x4e: {  	_ =	shalt  }
0x4f: {  	_ =	shalt  }
0x50: {  	_ =	shalt  }
0x51: {  	_ =	shalt  }
0x52: {  	_ =	shalt  }
0x53: {  	_ =	shalt  }
0x54: {  	_ =	shalt  }
0x55: {  	_ =	shalt  }
0x56: {  	_ =	shalt  }
0x57: {  	_ =	shalt  }
0x58: {  	_ =	shalt  }
0x59: {  	_ =	shalt  }
0x5a: {  	_ =	shalt  }
0x5b: {  	_ =	shalt  }
0x5c: {  	_ =	shalt  }
0x5d: {  	_ =	shalt  }
0x5e: {  	_ =	shalt  }
0x5f: {  	_ =	shalt  }
0x60: {  	_ =	shalt  }
0x61: {  	_ =	shalt  }
0x62: {  	_ =	shalt  }
0x63: {  	_ =	shalt  }
0x64: {  	_ =	shalt  }
0x65: {  	_ =	shalt  }
0x66: {  	_ =	shalt  }
0x67: {  	_ =	shalt  }
0x68: {  	_ =	shalt  }
0x69: {  	_ =	shalt  }
0x6a: {  	_ =	shalt  }
0x6b: {  	_ =	shalt  }
0x6c: {  	_ =	shalt  }
0x6d: {  	_ =	shalt  }
0x6e: {  	_ =	shalt  }
0x6f: {  	_ =	shalt  }
0x70: {  	_ =	shalt  }
0x71: {  	_ =	shalt  }
0x72: {  	_ =	shalt  }
0x73: {  	_ =	shalt  }
0x74: {  	_ =	shalt  }
0x75: {  	_ =	shalt  }
0x76: {  	_ =	shalt  }
0x77: {  	_ =	shalt  }
0x78: {  	_ =	shalt  }
0x79: {  	_ =	shalt  }
0x7a: {  	_ =	shalt  }
0x7b: {  	_ =	shalt  }
0x7c: {  	_ =	shalt  }
0x7d: {  	_ =	shalt  }
0x7e: {  	_ =	shalt  }
0x7f: {  	_ =	shalt  }
0x80: {  	_ =	shalt  }
0x81: {  	_ =	shalt  }
0x82: {  	_ =	shalt  }
0x83: {  	_ =	shalt  }
0x84: {  	_ =	shalt  }
0x85: {  	_ =	shalt  }
0x86: {  	_ =	shalt  }
0x87: {  	_ =	shalt  }
.Lfunc_end0:
.L_simem_size_0:
called_computation_lowered:
.L_overlay_start_0:
0x88: {  	s2 =	sld [smem:$0x3FD9]  }
0x89: {  	s3 =	sld [smem:$0x3FFE];
	_ =	sdelay $0x1  }
0x8a: {  	s1 =	srdreg.scid  }
0x8b: {  	s0 =	sand.u32 $0x1, s1  }
0x8c: {  	s17 =	sshll.u32 s0, $0xA;
	s2 =	sadd.s32 s3, s2  }
0x8d: {  	s2 =	sadd.s32 s2, s17  }
0x8e: {  	[smem:$0x3FC6] =	sst s2  }
0x8f: {  	_ = 	snop  }
0x90: {  	s2 =	sld [smem:$0x3FD0];
	(tm) =	ssettm $0x1  }
0x91: {  	s18 =	sld [smem:$0x3FFB];
	_ =	sdelay $0x3  }
0x92: {  	_ =	strace s18  }
0x93: {  	s3 =	sld [smem:$0x3FFC];
	_ =	sdelay $0x3  }
0x94: {  	_ =	strace s3  }
0x95: {  	s3 =	sld [smem:$0x3FFD];
	_ =	sdelay $0x3  }
0x96: {  	_ =	strace s3  }
0x97: {  	_ =	strace $0x8FFFFFFF  }
0x98: {  	s19 =	sld [smem:$0x3FDB];
	_ =	sdelay $0x1  }
0x99: {  	s4 =	simm.s32 $_scs_section_size  }
0x9a: {  	s5 =	simm.s32 $_size__tile_overlayer_lowered;
	s6 =	simm.s32 $_tile_overlayer_lowered  }
0x9b: {  	s22 =	simm.s32 $0x1BFF;
	s21 =	sshll.u32 s6, $0x1;
	s3 =	sadd.s32 s4, s19  }
0x9c: {  	s7 =	simm.s32 $0x0;
	s20 =	sshll.u32 s5, $0x1;
	s5 =	sadd.s32 s21, s3  }
0x9d: {  	[timem:s7], [sflag:s22] =	dma.local [hbm:s5], s20  }
0x9e: {  	_ =	swait.ge [sflag:s22], s20  }
0x9f: {  	s4 =	ssub.s32 $0x0, s20;
	[sflag:s22] =	ssyncset.done $0x0  }
0xa0: {  	[sflag:s22] =	ssyncadd.s32 s4;
	_ =	sdelay $0x1  }
0xa1: {  	s23 =	simm.s32 $0x1B8B  }
0xa2: {  	_ =	swait.ge [sflag:s23], $0x1  }
0xa3: {  	[sflag:s23] =	ssyncset.done $0x0  }
0xa4: {  	s25 =	simm.s32 $0x1B8E;
	s24 =	sld [smem:$0x3FFE];
	[sflag:s23] =	ssyncadd.s32 $0xFFFFFFFF  }
0xa5: {  	s26 =	simm.s32 $execute0_lowered;
	[smem:$0x3FD2] =	sst s25  }
0xa6: {  	s5 =	sshll.u32 s26, $0x1;
	_ =	strace $0x80000046;
	[dreg:$0x1] =	wrdreg $0xFFFFFFFF  }
0xa7: {  	s28 =	simm.s32 $_size_execute0_lowered;
	s3 =	sadd.s32 s3, s5;
	[dreg:$0x0] =	wrdreg $0x0  }
0xa8: {  	s5 =	sshll.u32 s28, $0x1;
	[dreg:$0x2] =	wrdreg s3  }
0xa9: {  	[dreg:$0x3] =	wrdreg s5  }
0xaa: {  	[dreg:$0x4] =	wrdreg $0xC0  }
0xab: {  	_ =	task [dreg:s7], $0x5FFFF  }
0xac: {  	[dreg:$0x1] =	wrdreg $0xFFFFFFFF  }
0xad: {  	[dreg:$0x0] =	wrdreg $0x60  }
0xae: {  	[dreg:$0x2] =	wrdreg s24  }
0xaf: {  	[dreg:$0x3] =	wrdreg s2  }
0xb0: {  	[dreg:$0x4] =	wrdreg $0x0  }
0xb1: {  	[dreg:$0x5] =	wrdreg $0x9  }
0xb2: {  	_ =	task.clear_ibuf [dreg:s7], $0x6FFFF;
	_ =	strace $0x90000046  }
0xb3: {  	s29 =	simm.s32 $0x9;
	_ =	strace $0x80000048  }
0xb4: {  	_ =	swait.ge [sflag:s29], $0x1  }
0xb5: {  	[sflag:s29] =	ssyncadd.s32 $0xFFFFFFFF  }
0xb6: {  	_ =	strace $0x90000048  }
0xb7: {  	_ =	sfence  }
0xb8: {  	s30 =	sld [smem:$0x0];
	_ =	sdelay $0x2  }
0xb9: {  	s31 =	sshll.u32 s1, $0xD;
	s1 =	sshrl.u32 s1, $0x2  }
0xba: {  	s3 =	sand.u32 $0x4000, s31;
	s1 =	sadd.s32 s1, s30  }
0xbb: {  	s0 =	sor.u32 s3, s0;
	s1 =	sshll.u32 s1, $0x11  }
0xbc: {  	s0 =	sor.u32 s1, s0  }
0xbd: {  	s0 =	sadd.s32 $0x8F2B, s0  }
0xbe: {  	[sflag:s0] =	ssyncadd.remote.s32 $0x1  }
0xbf: {  	_ =	sfence.sel $0xFFFF  }
0xc0: {  	[dreg:$0x0] =	wrdreg $0xFFFFFFFF;
	(pc) =	sbr.abs _section_cstart, $3  }
0xc1: {  	[dreg:$0x1] =	wrdreg $0xFFFFFFFF  }
0xc2: {  	_ =	task.clear_ibuf [dreg:s7], $0x2FFFF;
	_ =	strace $0x9FFFFFFF  }
0xc3: {  	(tm) =	ssettm $0x7FFFFFFF  }
tec
execute0_lowered:
.L_overlay_start_1:
0x0: {  	(tag) =	ssettag $0x1  }
0x1: {  	s0 =	rddreg [dreg:$0x0]  }
0x2: {  	s1 =	rddreg [dreg:$0x1]  }
0x3: {  	s2 =	rddreg [dreg:$0x2];
	s18 =	simm.s32 $0x0  }
0x4: {  	s9 =	srdreg.scid;
	s11 =	stileid.u32;
	p0 =	por $0x0, $0x0  }
0x5: {  	[dreg:$0x4] =	wrdreg s1;
	s1 =	sand.u32 $0x1, s9;
	s3 =	smul.u32 $0x2800, s11  }
0x6: {  	s4 =	sshll.u32 s11, $0x1;
	[smem:$0x7FF] =	sst s18;
	s7 =	sadd.s32 $0x800, s0  }
0x7: {  	s8 =	sadd.s32 $0x4F6200, s0;
	s30 =	sshll.u32 s11, $0x6;
	s11 =	simm.s32 $0xCC40  }
0x8: {  	s5 =	smul.u32 $0x28000, s1;
	s4 =	sor.u32 s1, s4;
	_ =	strace $0x80000047  }
0x9: {  	s1 =	ssub.s32 $0x2, s1;
	s31 =	sor.u32 $0x1C03, s30;
	s6 =	smul.u32 $0x2710, s4  }
0xa: {  	s4 =	smul.u32 $0x4E20, s4;
	s13 =	sshrl.u32 s1, $0x1;
	s28 =	sadd.s32 s3, s2  }
0xb: {  	[dreg:$0x11] =	wrdreg s31;
	s5 =	sadd.s32 s3, s5;
	s1 =	ssub.s32 s1, s13  }
0xc: {  	s5 =	sshrl.u32 s5, $0x3;
	s9 =	sshrl.u32 s6, $0x3;
	s4 =	sadd.s32 s8, s4  }
0xd: {  	s12 =	sadd.s32 $0x7D0, s6;
	s21 =	sadd.s32 $0x1770, s6;
	s0 =	sadd.s32 s5, s0  }
0xe: {  	s10 =	sadd.s32 s7, s9;
	[dreg:$0x6] =	wrdreg s4;
	s14 =	sshrl.u32 s12, $0x3  }
0xf: {  	s5 =	sshll.u32 s12, $0x1;
	s22 =	sshrl.u32 s21, $0x3;
	s9 =	simm.s32 $0x1  }
0x10: {  	s12 =	simm.s32 $0x4070;
	[dreg:$0x5] =	wrdreg s10;
	s4 =	sadd.s32 s7, s14  }
0x11: {  	s10 =	sadd.s32 $0xFA0, s6;
	s15 =	sadd.s32 s8, s5;
	s5 =	sshll.u32 s21, $0x1  }
0x12: {  	s6 =	sadd.s32 $0x1F40, s6;
	s0 =	sadd.s32 $0x14200, s0;
	s21 =	simm.s32 $0x4740  }
0x13: {  	s14 =	simm.s32 $0xC440;
	[dreg:$0x7] =	wrdreg s4;
	s16 =	sshrl.u32 s10, $0x3  }
0x14: {  	[dreg:$0x8] =	wrdreg s15;
	s19 =	sshll.u32 s10, $0x1;
	s4 =	sadd.s32 s7, s22  }
0x15: {  	s23 =	sadd.s32 s8, s5;
	s24 =	sshrl.u32 s6, $0x3;
	s26 =	sshll.u32 s6, $0x1  }
0x16: {  	[dreg:$0xf] =	wrdreg s0;
	s5 =	sshrl.u32 s28, $0x3;
	s22 =	simm.s32 $0x4E200  }
0x17: {  	s17 =	sadd.s32 s7, s16;
	[dreg:$0xb] =	wrdreg s4;
	s16 =	smax.u32 s1, $0x1  }
0x18: {  	s6 =	simm.s32 $0x2;
	[dreg:$0xc] =	wrdreg s23;
	p1 =	sne.s32 s16, $0x1  }
.Ltmp0:
0x19: {  	s29 =	sadd.s32 s8, s26;
	s26 =	rddreg [dreg:$0x4];
	(pc) =	sbr.rel @!p1 .LBB2_5-.Ltmp0, $4  }
0x1a: {  	s10 =	simm.s32 $0x3FF0;
	s20 =	sadd.s32 s8, s19;
	[dreg:$0x9] =	wrdreg s17  }
0x1b: {  	s25 =	sadd.s32 s7, s24;
	s4 =	simm.s32 $0x3;
	[dreg:$0xa] =	wrdreg s20  }
0x1c: {  	s1 =	simm.s32 $0x7D0;
	s7 =	simm.s32 $0x80;
	[dreg:$0xd] =	wrdreg s25  }
0x1d: {  	s24 =	simm.s32 $0x50;
	[dreg:$0xe] =	wrdreg s29;
	s0 =	sadd.s32 $0xFFFFFFFF, s16  }
0x1e: {  	[spmem:s5], [sflag:s31] =	dma.local [hbm:s26], $0x500  }
0x1f: {  	_ =	swait.ge [sflag:s4], $0x500  }
0x20: {  	[sflag:s4] =	ssyncset.done $0x0  }
0x21: {  	[sflag:s4] =	ssyncadd.s32 $0xFFFFFB00  }
0x22: {  	[bflag:$0x0] =	sbarrier.arrive $0xFFFF  }
0x23: {  	s3 =	simm.s32 $0x2800;
	s30 =	rddreg [dreg:$0x5]  }
0x24: {  	[tilespmem:s3], [sflag:$0x1] =	stream.strided.gather [hbm4b:s30+s1], $0xFA0, s22, s1, $0x38;
	[tilespmem:$0x14140] =	vst v63  }
0x25: {  	s25 =	rddreg [dreg:$0x6]  }
0x26: {  	[tilespmem:s21], [sflag:$0x1] =	stream.linear.gather [hbm4b:s25+s18], $0x7D00, $0x38;
	[tilespmem:$0x14140] =	vst v63  }
0x27: {  	_ =	swait.ge [sflag:s9], $0xFA0  }
0x28: {  	[sflag:s9] =	ssyncset.done $0x0  }
0x29: {  	[sflag:s9] =	ssyncadd.s32 $0xFFFFF060  }
0x2a: {  	_ =	swait.ge [sflag:s9], $0x7D00  }
0x2b: {  	[sflag:s9] =	ssyncset.done $0x0  }
0x2c: {  	s30 =	simm.s32 $0x37A0;
	s3 =	rddreg [dreg:$0x7];
	[sflag:s9] =	ssyncadd.s32 $0xFFFF8300  }
0x2d: {  	[tilespmem:s30], [sflag:$0x1] =	stream.strided.gather [hbm4b:s3+s1], $0xFA0, s22, s1, $0x38;
	[tilespmem:$0x14140] =	vst v63  }
0x2e: {  	s4 =	rddreg [dreg:$0x8]  }
0x2f: {  	[tilespmem:s14], [sflag:$0x1] =	stream.linear.gather [hbm4b:s4+s18], $0x7D00, $0x38;
	[tilespmem:$0x14140] =	vst v63  }
0x30: {  	s8 =	simm.s32 $0x2FD0  }
0x31: {  	[spmem:s2] =	stream.indirect.scatter.add.f32 [tilespmem:s21], [sflag:$0x2], $0x10, s8, s7, $0xb8;
	[tilespmem:$0x14140] =	vst v63  }
0x32: {  	s15 =	simm.s32 $0x4F40;
	s14 =	simm.s32 $0x3050  }
0x33: {  	[spmem:s2] =	stream.indirect.scatter.add.f32 [tilespmem:s15], [sflag:$0x2], $0x10, s14, s7, $0xb8;
	[tilespmem:$0x14140] =	vst v63  }
0x34: {  	s16 =	simm.s32 $0x30D0;
	s17 =	simm.s32 $0x5740  }
0x35: {  	[spmem:s2] =	stream.indirect.scatter.add.f32 [tilespmem:s17], [sflag:$0x2], $0x10, s16, s7, $0xb8;
	[tilespmem:$0x14140] =	vst v63  }
0x36: {  	s19 =	simm.s32 $0x5F40;
	s18 =	simm.s32 $0x3150  }
0x37: {  	[spmem:s2] =	stream.indirect.scatter.add.f32 [tilespmem:s19], [sflag:$0x2], $0x10, s18, s7, $0xb8;
	[tilespmem:$0x14140] =	vst v63  }
0x38: {  	s20 =	simm.s32 $0x31D0;
	s21 =	simm.s32 $0x6740  }
0x39: {  	[spmem:s2] =	stream.indirect.scatter.add.f32 [tilespmem:s21], [sflag:$0x2], $0x10, s20, s7, $0xb8;
	[tilespmem:$0x14140] =	vst v63  }
0x3a: {  	s23 =	simm.s32 $0x6F40;
	s22 =	simm.s32 $0x3250  }
0x3b: {  	[spmem:s2] =	stream.indirect.scatter.add.f32 [tilespmem:s23], [sflag:$0x2], $0x10, s22, s7, $0xb8;
	[tilespmem:$0x14140] =	vst v63  }
0x3c: {  	s24 =	simm.s32 $0x32D0;
	s25 =	simm.s32 $0x7740  }
0x3d: {  	[spmem:s2] =	stream.indirect.scatter.add.f32 [tilespmem:s25], [sflag:$0x2], $0x10, s24, s7, $0xb8;
	[tilespmem:$0x14140] =	vst v63  }
0x3e: {  	s26 =	simm.s32 $0x3350;
	s28 =	simm.s32 $0x7F40  }
0x3f: {  	[spmem:s2] =	stream.indirect.scatter.add.f32 [tilespmem:s28], [sflag:$0x2], $0x10, s26, s7, $0xb8;
	[tilespmem:$0x14140] =	vst v63  }
0x40: {  	s29 =	simm.s32 $0x33D0;
	s8 =	simm.s32 $0x8740  }
0x41: {  	[spmem:s2] =	stream.indirect.scatter.add.f32 [tilespmem:s8], [sflag:$0x2], $0x10, s29, s7, $0xb8;
	[tilespmem:$0x14140] =	vst v63  }
0x42: {  	s14 =	simm.s32 $0x8F40;
	s8 =	simm.s32 $0x3450  }
0x43: {  	[spmem:s2] =	stream.indirect.scatter.add.f32 [tilespmem:s14], [sflag:$0x2], $0x10, s8, s7, $0xb8;
	[tilespmem:$0x14140] =	vst v63  }
0x44: {  	s15 =	simm.s32 $0x34D0;
	s16 =	simm.s32 $0x9740  }
0x45: {  	[spmem:s2] =	stream.indirect.scatter.add.f32 [tilespmem:s16], [sflag:$0x2], $0x10, s15, s7, $0xb8;
	[tilespmem:$0x14140] =	vst v63  }
0x46: {  	s17 =	simm.s32 $0x3550;
	s18 =	simm.s32 $0x9F40  }
0x47: {  	[spmem:s2] =	stream.indirect.scatter.add.f32 [tilespmem:s18], [sflag:$0x2], $0x10, s17, s7, $0xb8;
	[tilespmem:$0x14140] =	vst v63  }
0x48: {  	s19 =	simm.s32 $0x35D0;
	s20 =	simm.s32 $0xA740  }
0x49: {  	[spmem:s2] =	stream.indirect.scatter.add.f32 [tilespmem:s20], [sflag:$0x2], $0x10, s19, s7, $0xb8;
	[tilespmem:$0x14140] =	vst v63  }
0x4a: {  	[dreg:$0x10] =	wrdreg s5;
	s23 =	simm.s32 $0x3650;
	s24 =	simm.s32 $0xAF40  }
0x4b: {  	[spmem:s2] =	stream.indirect.scatter.add.f32 [tilespmem:s24], [sflag:$0x2], $0x10, s23, s7, $0xb8;
	[tilespmem:$0x14140] =	vst v63  }
0x4c: {  	[dreg:$0x12] =	wrdreg s0;
	s25 =	simm.s32 $0x36D0;
	s26 =	simm.s32 $0xB740  }
0x4d: {  	[spmem:s2] =	stream.indirect.scatter.add.f32 [tilespmem:s26], [sflag:$0x2], $0x10, s25, s7, $0xb8;
	[tilespmem:$0x14140] =	vst v63  }
0x4e: {  	s21 =	simm.s32 $0x50;
	s28 =	simm.s32 $0x3750;
	s29 =	simm.s32 $0xBF40  }
0x4f: {  	[spmem:s2] =	stream.indirect.scatter.add.f32 [tilespmem:s29], [sflag:$0x2], $0x10, s28, s21, $0xb8;
	[tilespmem:$0x14140] =	vst v63  }
0x50: {  	_ =	swait.ge [sflag:s6], $0x800  }
0x51: {  	[sflag:s6] =	ssyncset.done $0x0  }
0x52: {  	[sflag:s6] =	ssyncadd.s32 $0xFFFFF800  }
0x53: {  	_ =	swait.ge [sflag:s6], $0x800  }
0x54: {  	[sflag:s6] =	ssyncset.done $0x0  }
0x55: {  	[sflag:s6] =	ssyncadd.s32 $0xFFFFF800  }
0x56: {  	_ =	swait.ge [sflag:s6], $0x800  }
0x57: {  	[sflag:s6] =	ssyncset.done $0x0  }
0x58: {  	[sflag:s6] =	ssyncadd.s32 $0xFFFFF800  }
0x59: {  	_ =	swait.ge [sflag:s6], $0x800  }
0x5a: {  	[sflag:s6] =	ssyncset.done $0x0  }
0x5b: {  	[sflag:s6] =	ssyncadd.s32 $0xFFFFF800  }
0x5c: {  	_ =	swait.ge [sflag:s6], $0x800  }
0x5d: {  	[sflag:s6] =	ssyncset.done $0x0  }
0x5e: {  	[sflag:s6] =	ssyncadd.s32 $0xFFFFF800  }
0x5f: {  	_ =	swait.ge [sflag:s6], $0x800  }
0x60: {  	[sflag:s6] =	ssyncset.done $0x0  }
0x61: {  	[sflag:s6] =	ssyncadd.s32 $0xFFFFF800  }
0x62: {  	_ =	swait.ge [sflag:s6], $0x800  }
0x63: {  	[sflag:s6] =	ssyncset.done $0x0  }
0x64: {  	[sflag:s6] =	ssyncadd.s32 $0xFFFFF800  }
0x65: {  	_ =	swait.ge [sflag:s6], $0x800  }
0x66: {  	[sflag:s6] =	ssyncset.done $0x0  }
0x67: {  	[sflag:s6] =	ssyncadd.s32 $0xFFFFF800  }
0x68: {  	_ =	swait.ge [sflag:s6], $0x800  }
0x69: {  	[sflag:s6] =	ssyncset.done $0x0  }
0x6a: {  	[sflag:s6] =	ssyncadd.s32 $0xFFFFF800  }
0x6b: {  	_ =	swait.ge [sflag:s6], $0x800  }
0x6c: {  	[sflag:s6] =	ssyncset.done $0x0  }
0x6d: {  	[sflag:s6] =	ssyncadd.s32 $0xFFFFF800  }
0x6e: {  	_ =	swait.ge [sflag:s6], $0x800  }
0x6f: {  	[sflag:s6] =	ssyncset.done $0x0  }
0x70: {  	[sflag:s6] =	ssyncadd.s32 $0xFFFFF800  }
0x71: {  	_ =	swait.ge [sflag:s6], $0x800  }
0x72: {  	[sflag:s6] =	ssyncset.done $0x0  }
0x73: {  	[sflag:s6] =	ssyncadd.s32 $0xFFFFF800  }
0x74: {  	_ =	swait.ge [sflag:s6], $0x800  }
0x75: {  	[sflag:s6] =	ssyncset.done $0x0  }
0x76: {  	[sflag:s6] =	ssyncadd.s32 $0xFFFFF800  }
0x77: {  	_ =	swait.ge [sflag:s6], $0x800  }
0x78: {  	[sflag:s6] =	ssyncset.done $0x0  }
0x79: {  	[sflag:s6] =	ssyncadd.s32 $0xFFFFF800  }
0x7a: {  	_ =	swait.ge [sflag:s6], $0x800  }
0x7b: {  	[sflag:s6] =	ssyncset.done $0x0  }
0x7c: {  	[sflag:s6] =	ssyncadd.s32 $0xFFFFF800  }
0x7d: {  	_ =	swait.ge [sflag:s6], $0x500  }
0x7e: {  	[sflag:s6] =	ssyncset.done $0x0  }
0x7f: {  	[sflag:s6] =	ssyncadd.s32 $0xFFFFFB00  }
0x80: {  	_ =	swait.ge [sflag:s9], $0xFA0  }
0x81: {  	[sflag:s9] =	ssyncset.done $0x0  }
0x82: {  	[sflag:s9] =	ssyncadd.s32 $0xFFFFF060  }
0x83: {  	_ =	swait.ge [sflag:s9], $0x7D00  }
0x84: {  	s13 =	simm.s32 $0x2800;
	s3 =	simm.s32 $0x4E200;
	[sflag:s9] =	ssyncset.done $0x0  }
0x85: {  	s4 =	simm.s32 $0x7D0;
	s14 =	rddreg [dreg:$0x9];
	[sflag:s9] =	ssyncadd.s32 $0xFFFF8300  }
0x86: {  	[tilespmem:s13], [sflag:$0x1] =	stream.strided.gather [hbm4b:s14+s4], $0xFA0, s3, s4, $0x38;
	[tilespmem:$0x14140] =	vst v63  }
0x87: {  	s0 =	simm.s32 $0x0;
	s22 =	simm.s32 $0x4740;
	s15 =	rddreg [dreg:$0xa]  }
0x88: {  	[tilespmem:s22], [sflag:$0x1] =	stream.linear.gather [hbm4b:s15+s0], $0x7D00, $0x38;
	[tilespmem:$0x14140] =	vst v63  }
0x89: {  	s1 =	simm.s32 $0xC440;
	s16 =	simm.s32 $0x3F70  }
0x8a: {  	[spmem:s2] =	stream.indirect.scatter.add.f32 [tilespmem:s1], [sflag:$0x2], $0x10, s16, s7, $0xb8;
	[tilespmem:$0x14140] =	vst v63  }
0x8b: {  	_ = 	snop  }
0x8c: {  	[spmem:s2] =	stream.indirect.scatter.add.f32 [tilespmem:s11], [sflag:$0x2], $0x10, s10, s7, $0xb8;
	[tilespmem:$0x14140] =	vst v63  }
0x8d: {  	s17 =	simm.s32 $0xD440  }
0x8e: {  	[spmem:s2] =	stream.indirect.scatter.add.f32 [tilespmem:s17], [sflag:$0x2], $0x10, s12, s7, $0xb8;
	[tilespmem:$0x14140] =	vst v63  }
0x8f: {  	s18 =	simm.s32 $0x40F0;
	s19 =	simm.s32 $0xDC40  }
0x90: {  	[spmem:s2] =	stream.indirect.scatter.add.f32 [tilespmem:s19], [sflag:$0x2], $0x10, s18, s7, $0xb8;
	[tilespmem:$0x14140] =	vst v63  }
0x91: {  	s20 =	simm.s32 $0x4170;
	s23 =	simm.s32 $0xE440  }
0x92: {  	[spmem:s2] =	stream.indirect.scatter.add.f32 [tilespmem:s23], [sflag:$0x2], $0x10, s20, s7, $0xb8;
	[tilespmem:$0x14140] =	vst v63  }
0x93: {  	s24 =	simm.s32 $0x41F0;
	s25 =	simm.s32 $0xEC40  }
0x94: {  	[spmem:s2] =	stream.indirect.scatter.add.f32 [tilespmem:s25], [sflag:$0x2], $0x10, s24, s7, $0xb8;
	[tilespmem:$0x14140] =	vst v63  }
0x95: {  	s26 =	simm.s32 $0x4270;
	s28 =	simm.s32 $0xF440  }
0x96: {  	[spmem:s2] =	stream.indirect.scatter.add.f32 [tilespmem:s28], [sflag:$0x2], $0x10, s26, s7, $0xb8;
	[tilespmem:$0x14140] =	vst v63  }
0x97: {  	s29 =	simm.s32 $0x42F0;
	s23 =	simm.s32 $0xFC40  }
0x98: {  	[spmem:s2] =	stream.indirect.scatter.add.f32 [tilespmem:s23], [sflag:$0x2], $0x10, s29, s7, $0xb8;
	[tilespmem:$0x14140] =	vst v63  }
0x99: {  	s20 =	simm.s32 $0x10440;
	s29 =	simm.s32 $0x4370  }
0x9a: {  	[spmem:s2] =	stream.indirect.scatter.add.f32 [tilespmem:s20], [sflag:$0x2], $0x10, s29, s7, $0xb8;
	[tilespmem:$0x14140] =	vst v63  }
0x9b: {  	s19 =	simm.s32 $0x10C40;
	s28 =	simm.s32 $0x43F0  }
0x9c: {  	[spmem:s2] =	stream.indirect.scatter.add.f32 [tilespmem:s19], [sflag:$0x2], $0x10, s28, s7, $0xb8;
	[tilespmem:$0x14140] =	vst v63  }
0x9d: {  	s17 =	simm.s32 $0x11440;
	s24 =	simm.s32 $0x4470  }
0x9e: {  	[spmem:s2] =	stream.indirect.scatter.add.f32 [tilespmem:s17], [sflag:$0x2], $0x10, s24, s7, $0xb8;
	[tilespmem:$0x14140] =	vst v63  }
0x9f: {  	s15 =	simm.s32 $0x11C40;
	s18 =	simm.s32 $0x44F0  }
0xa0: {  	[spmem:s2] =	stream.indirect.scatter.add.f32 [tilespmem:s15], [sflag:$0x2], $0x10, s18, s7, $0xb8;
	[tilespmem:$0x14140] =	vst v63  }
0xa1: {  	s13 =	simm.s32 $0x12440;
	s16 =	simm.s32 $0x4570  }
0xa2: {  	[spmem:s2] =	stream.indirect.scatter.add.f32 [tilespmem:s13], [sflag:$0x2], $0x10, s16, s7, $0xb8;
	[tilespmem:$0x14140] =	vst v63  }
0xa3: {  	s14 =	simm.s32 $0x45F0;
	s11 =	simm.s32 $0x12C40  }
0xa4: {  	[spmem:s2] =	stream.indirect.scatter.add.f32 [tilespmem:s11], [sflag:$0x2], $0x10, s14, s7, $0xb8;
	[tilespmem:$0x14140] =	vst v63  }
0xa5: {  	s8 =	simm.s32 $0x13440;
	s12 =	simm.s32 $0x4670  }
0xa6: {  	[spmem:s2] =	stream.indirect.scatter.add.f32 [tilespmem:s8], [sflag:$0x2], $0x10, s12, s7, $0xb8;
	[tilespmem:$0x14140] =	vst v63  }
0xa7: {  	s5 =	simm.s32 $0x13C40;
	s10 =	simm.s32 $0x46F0  }
0xa8: {  	[spmem:s2] =	stream.indirect.scatter.add.f32 [tilespmem:s5], [sflag:$0x2], $0x10, s10, s21, $0xb8;
	[tilespmem:$0x14140] =	vst v63  }
0xa9: {  	_ =	swait.ge [sflag:s6], $0x800  }
0xaa: {  	[sflag:s6] =	ssyncset.done $0x0  }
0xab: {  	[sflag:s6] =	ssyncadd.s32 $0xFFFFF800  }
0xac: {  	_ =	swait.ge [sflag:s6], $0x800  }
0xad: {  	[sflag:s6] =	ssyncset.done $0x0  }
0xae: {  	[sflag:s6] =	ssyncadd.s32 $0xFFFFF800  }
0xaf: {  	_ =	swait.ge [sflag:s6], $0x800  }
0xb0: {  	[sflag:s6] =	ssyncset.done $0x0  }
0xb1: {  	[sflag:s6] =	ssyncadd.s32 $0xFFFFF800  }
0xb2: {  	_ =	swait.ge [sflag:s6], $0x800  }
0xb3: {  	[sflag:s6] =	ssyncset.done $0x0  }
0xb4: {  	[sflag:s6] =	ssyncadd.s32 $0xFFFFF800  }
0xb5: {  	_ =	swait.ge [sflag:s6], $0x800  }
0xb6: {  	[sflag:s6] =	ssyncset.done $0x0  }
0xb7: {  	[sflag:s6] =	ssyncadd.s32 $0xFFFFF800  }
0xb8: {  	_ =	swait.ge [sflag:s6], $0x800  }
0xb9: {  	[sflag:s6] =	ssyncset.done $0x0  }
0xba: {  	[sflag:s6] =	ssyncadd.s32 $0xFFFFF800  }
0xbb: {  	_ =	swait.ge [sflag:s6], $0x800  }
0xbc: {  	[sflag:s6] =	ssyncset.done $0x0  }
0xbd: {  	[sflag:s6] =	ssyncadd.s32 $0xFFFFF800  }
0xbe: {  	_ =	swait.ge [sflag:s6], $0x800  }
0xbf: {  	[sflag:s6] =	ssyncset.done $0x0  }
0xc0: {  	[sflag:s6] =	ssyncadd.s32 $0xFFFFF800  }
0xc1: {  	_ =	swait.ge [sflag:s6], $0x800  }
0xc2: {  	[sflag:s6] =	ssyncset.done $0x0  }
0xc3: {  	[sflag:s6] =	ssyncadd.s32 $0xFFFFF800  }
0xc4: {  	_ =	swait.ge [sflag:s6], $0x800  }
0xc5: {  	[sflag:s6] =	ssyncset.done $0x0  }
0xc6: {  	[sflag:s6] =	ssyncadd.s32 $0xFFFFF800  }
0xc7: {  	_ =	swait.ge [sflag:s6], $0x800  }
0xc8: {  	[sflag:s6] =	ssyncset.done $0x0  }
0xc9: {  	[sflag:s6] =	ssyncadd.s32 $0xFFFFF800  }
0xca: {  	_ =	swait.ge [sflag:s6], $0x800  }
0xcb: {  	[sflag:s6] =	ssyncset.done $0x0  }
0xcc: {  	[sflag:s6] =	ssyncadd.s32 $0xFFFFF800  }
0xcd: {  	_ =	swait.ge [sflag:s6], $0x800  }
0xce: {  	[sflag:s6] =	ssyncset.done $0x0  }
0xcf: {  	[sflag:s6] =	ssyncadd.s32 $0xFFFFF800  }
0xd0: {  	_ =	swait.ge [sflag:s6], $0x800  }
0xd1: {  	[sflag:s6] =	ssyncset.done $0x0  }
0xd2: {  	[sflag:s6] =	ssyncadd.s32 $0xFFFFF800  }
0xd3: {  	_ =	swait.ge [sflag:s6], $0x800  }
0xd4: {  	[sflag:s6] =	ssyncset.done $0x0  }
0xd5: {  	[sflag:s6] =	ssyncadd.s32 $0xFFFFF800  }
0xd6: {  	_ =	swait.ge [sflag:s6], $0x500  }
0xd7: {  	[sflag:s6] =	ssyncset.done $0x0  }
0xd8: {  	[sflag:s6] =	ssyncadd.s32 $0xFFFFFB00  }
0xd9: {  	_ =	swait.ge [sflag:s9], $0xFA0  }
0xda: {  	[sflag:s9] =	ssyncset.done $0x0  }
0xdb: {  	[sflag:s9] =	ssyncadd.s32 $0xFFFFF060  }
0xdc: {  	_ =	swait.ge [sflag:s9], $0x7D00  }
0xdd: {  	[sflag:s9] =	ssyncset.done $0x0  }
0xde: {  	s25 =	rddreg [dreg:$0xb];
	[sflag:s9] =	ssyncadd.s32 $0xFFFF8300  }
0xdf: {  	[tilespmem:s30], [sflag:$0x1] =	stream.strided.gather [hbm4b:s25+s4], $0xFA0, s3, s4, $0x38;
	[tilespmem:$0x14140] =	vst v63  }
0xe0: {  	s26 =	rddreg [dreg:$0xc]  }
0xe1: {  	[tilespmem:s1], [sflag:$0x1] =	stream.linear.gather [hbm4b:s26+s0], $0x7D00, $0x38;
	[tilespmem:$0x14140] =	vst v63  }
0xe2: {  	s30 =	simm.s32 $0x2FD0  }
0xe3: {  	[spmem:s2] =	stream.indirect.scatter.add.f32 [tilespmem:s22], [sflag:$0x2], $0x10, s30, s7, $0xb8;
	[tilespmem:$0x14140] =	vst v63  }
0xe4: {  	s26 =	simm.s32 $0x3050;
	s30 =	simm.s32 $0x4F40  }
0xe5: {  	[spmem:s2] =	stream.indirect.scatter.add.f32 [tilespmem:s30], [sflag:$0x2], $0x10, s26, s7, $0xb8;
	[tilespmem:$0x14140] =	vst v63  }
0xe6: {  	s26 =	simm.s32 $0x30D0;
	s30 =	simm.s32 $0x5740  }
0xe7: {  	[spmem:s2] =	stream.indirect.scatter.add.f32 [tilespmem:s30], [sflag:$0x2], $0x10, s26, s7, $0xb8;
	[tilespmem:$0x14140] =	vst v63  }
0xe8: {  	s26 =	simm.s32 $0x3150;
	s30 =	simm.s32 $0x5F40  }
0xe9: {  	[spmem:s2] =	stream.indirect.scatter.add.f32 [tilespmem:s30], [sflag:$0x2], $0x10, s26, s7, $0xb8;
	[tilespmem:$0x14140] =	vst v63  }
0xea: {  	s26 =	simm.s32 $0x31D0;
	s30 =	simm.s32 $0x6740  }
0xeb: {  	[spmem:s2] =	stream.indirect.scatter.add.f32 [tilespmem:s30], [sflag:$0x2], $0x10, s26, s7, $0xb8;
	[tilespmem:$0x14140] =	vst v63  }
0xec: {  	s26 =	simm.s32 $0x3250;
	s30 =	simm.s32 $0x6F40  }
0xed: {  	[spmem:s2] =	stream.indirect.scatter.add.f32 [tilespmem:s30], [sflag:$0x2], $0x10, s26, s7, $0xb8;
	[tilespmem:$0x14140] =	vst v63  }
0xee: {  	s26 =	simm.s32 $0x32D0;
	s30 =	simm.s32 $0x7740  }
0xef: {  	[spmem:s2] =	stream.indirect.scatter.add.f32 [tilespmem:s30], [sflag:$0x2], $0x10, s26, s7, $0xb8;
	[tilespmem:$0x14140] =	vst v63  }
0xf0: {  	s26 =	simm.s32 $0x3350;
	s30 =	simm.s32 $0x7F40  }
0xf1: {  	[spmem:s2] =	stream.indirect.scatter.add.f32 [tilespmem:s30], [sflag:$0x2], $0x10, s26, s7, $0xb8;
	[tilespmem:$0x14140] =	vst v63  }
0xf2: {  	s26 =	simm.s32 $0x33D0;
	s30 =	simm.s32 $0x8740  }
0xf3: {  	[spmem:s2] =	stream.indirect.scatter.add.f32 [tilespmem:s30], [sflag:$0x2], $0x10, s26, s7, $0xb8;
	[tilespmem:$0x14140] =	vst v63  }
0xf4: {  	s26 =	simm.s32 $0x3450;
	s30 =	simm.s32 $0x8F40  }
0xf5: {  	[spmem:s2] =	stream.indirect.scatter.add.f32 [tilespmem:s30], [sflag:$0x2], $0x10, s26, s7, $0xb8;
	[tilespmem:$0x14140] =	vst v63  }
0xf6: {  	s26 =	simm.s32 $0x34D0;
	s30 =	simm.s32 $0x9740  }
0xf7: {  	[spmem:s2] =	stream.indirect.scatter.add.f32 [tilespmem:s30], [sflag:$0x2], $0x10, s26, s7, $0xb8;
	[tilespmem:$0x14140] =	vst v63  }
0xf8: {  	s26 =	simm.s32 $0x3550;
	s30 =	simm.s32 $0x9F40  }
0xf9: {  	[spmem:s2] =	stream.indirect.scatter.add.f32 [tilespmem:s30], [sflag:$0x2], $0x10, s26, s7, $0xb8;
	[tilespmem:$0x14140] =	vst v63  }
0xfa: {  	s26 =	simm.s32 $0x35D0;
	s30 =	simm.s32 $0xA740  }
0xfb: {  	[spmem:s2] =	stream.indirect.scatter.add.f32 [tilespmem:s30], [sflag:$0x2], $0x10, s26, s7, $0xb8;
	[tilespmem:$0x14140] =	vst v63  }
0xfc: {  	s26 =	simm.s32 $0x3650;
	s30 =	simm.s32 $0xAF40  }
0xfd: {  	[spmem:s2] =	stream.indirect.scatter.add.f32 [tilespmem:s30], [sflag:$0x2], $0x10, s26, s7, $0xb8;
	[tilespmem:$0x14140] =	vst v63  }
0xfe: {  	s26 =	simm.s32 $0xB740;
	s30 =	simm.s32 $0x36D0  }
0xff: {  	[spmem:s2] =	stream.indirect.scatter.add.f32 [tilespmem:s26], [sflag:$0x2], $0x10, s30, s7, $0xb8;
	[tilespmem:$0x14140] =	vst v63  }
0x100: {  	s26 =	simm.s32 $0xBF40;
	s30 =	simm.s32 $0x3750  }
0x101: {  	[spmem:s2] =	stream.indirect.scatter.add.f32 [tilespmem:s26], [sflag:$0x2], $0x10, s30, s21, $0xb8;
	[tilespmem:$0x14140] =	vst v63  }
0x102: {  	_ =	swait.ge [sflag:s6], $0x800  }
0x103: {  	[sflag:s6] =	ssyncset.done $0x0  }
0x104: {  	[sflag:s6] =	ssyncadd.s32 $0xFFFFF800  }
0x105: {  	_ =	swait.ge [sflag:s6], $0x800  }
0x106: {  	[sflag:s6] =	ssyncset.done $0x0  }
0x107: {  	[sflag:s6] =	ssyncadd.s32 $0xFFFFF800  }
0x108: {  	_ =	swait.ge [sflag:s6], $0x800  }
0x109: {  	[sflag:s6] =	ssyncset.done $0x0  }
0x10a: {  	[sflag:s6] =	ssyncadd.s32 $0xFFFFF800  }
0x10b: {  	_ =	swait.ge [sflag:s6], $0x800  }
0x10c: {  	[sflag:s6] =	ssyncset.done $0x0  }
0x10d: {  	[sflag:s6] =	ssyncadd.s32 $0xFFFFF800  }
0x10e: {  	_ =	swait.ge [sflag:s6], $0x800  }
0x10f: {  	[sflag:s6] =	ssyncset.done $0x0  }
0x110: {  	[sflag:s6] =	ssyncadd.s32 $0xFFFFF800  }
0x111: {  	_ =	swait.ge [sflag:s6], $0x800  }
0x112: {  	[sflag:s6] =	ssyncset.done $0x0  }
0x113: {  	[sflag:s6] =	ssyncadd.s32 $0xFFFFF800  }
0x114: {  	_ =	swait.ge [sflag:s6], $0x800  }
0x115: {  	[sflag:s6] =	ssyncset.done $0x0  }
0x116: {  	[sflag:s6] =	ssyncadd.s32 $0xFFFFF800  }
0x117: {  	_ =	swait.ge [sflag:s6], $0x800  }
0x118: {  	[sflag:s6] =	ssyncset.done $0x0  }
0x119: {  	[sflag:s6] =	ssyncadd.s32 $0xFFFFF800  }
0x11a: {  	_ =	swait.ge [sflag:s6], $0x800  }
0x11b: {  	[sflag:s6] =	ssyncset.done $0x0  }
0x11c: {  	[sflag:s6] =	ssyncadd.s32 $0xFFFFF800  }
0x11d: {  	_ =	swait.ge [sflag:s6], $0x800  }
0x11e: {  	[sflag:s6] =	ssyncset.done $0x0  }
0x11f: {  	[sflag:s6] =	ssyncadd.s32 $0xFFFFF800  }
0x120: {  	_ =	swait.ge [sflag:s6], $0x800  }
0x121: {  	[sflag:s6] =	ssyncset.done $0x0  }
0x122: {  	[sflag:s6] =	ssyncadd.s32 $0xFFFFF800  }
0x123: {  	_ =	swait.ge [sflag:s6], $0x800  }
0x124: {  	[sflag:s6] =	ssyncset.done $0x0  }
0x125: {  	[sflag:s6] =	ssyncadd.s32 $0xFFFFF800  }
0x126: {  	_ =	swait.ge [sflag:s6], $0x800  }
0x127: {  	[sflag:s6] =	ssyncset.done $0x0  }
0x128: {  	[sflag:s6] =	ssyncadd.s32 $0xFFFFF800  }
0x129: {  	_ =	swait.ge [sflag:s6], $0x800  }
0x12a: {  	[sflag:s6] =	ssyncset.done $0x0  }
0x12b: {  	[sflag:s6] =	ssyncadd.s32 $0xFFFFF800  }
0x12c: {  	_ =	swait.ge [sflag:s6], $0x800  }
0x12d: {  	[sflag:s6] =	ssyncset.done $0x0  }
0x12e: {  	[sflag:s6] =	ssyncadd.s32 $0xFFFFF800  }
0x12f: {  	_ =	swait.ge [sflag:s6], $0x500  }
0x130: {  	[sflag:s6] =	ssyncset.done $0x0  }
0x131: {  	[sflag:s6] =	ssyncadd.s32 $0xFFFFFB00  }
0x132: {  	_ =	swait.ge [sflag:s9], $0xFA0  }
0x133: {  	[sflag:s9] =	ssyncset.done $0x0  }
0x134: {  	[sflag:s9] =	ssyncadd.s32 $0xFFFFF060  }
0x135: {  	_ =	swait.ge [sflag:s9], $0x7D00  }
0x136: {  	[sflag:s9] =	ssyncset.done $0x0  }
0x137: {  	s30 =	simm.s32 $0x2800;
	s25 =	rddreg [dreg:$0xd];
	[sflag:s9] =	ssyncadd.s32 $0xFFFF8300  }
0x138: {  	[tilespmem:s30], [sflag:$0x1] =	stream.strided.gather [hbm4b:s25+s4], $0xFA0, s3, s4, $0x38;
	[tilespmem:$0x14140] =	vst v63  }
0x139: {  	s26 =	rddreg [dreg:$0xe]  }
0x13a: {  	[tilespmem:s22], [sflag:$0x1] =	stream.linear.gather [hbm4b:s26+s0], $0x7D00, $0x38;
	[tilespmem:$0x14140] =	vst v63  }
0x13b: {  	s4 =	simm.s32 $0x3F70  }
0x13c: {  	[spmem:s2] =	stream.indirect.scatter.add.f32 [tilespmem:s1], [sflag:$0x2], $0x10, s4, s7, $0xb8;
	[tilespmem:$0x14140] =	vst v63  }
0x13d: {  	s25 =	simm.s32 $0x3FF0;
	s22 =	simm.s32 $0xCC40  }
0x13e: {  	[spmem:s2] =	stream.indirect.scatter.add.f32 [tilespmem:s22], [sflag:$0x2], $0x10, s25, s7, $0xb8;
	[tilespmem:$0x14140] =	vst v63  }
0x13f: {  	s30 =	simm.s32 $0x4070;
	s26 =	simm.s32 $0xD440  }
0x140: {  	[spmem:s2] =	stream.indirect.scatter.add.f32 [tilespmem:s26], [sflag:$0x2], $0x10, s30, s7, $0xb8;
	[tilespmem:$0x14140] =	vst v63  }
0x141: {  	s3 =	simm.s32 $0x40F0;
	s4 =	simm.s32 $0xDC40  }
0x142: {  	[spmem:s2] =	stream.indirect.scatter.add.f32 [tilespmem:s4], [sflag:$0x2], $0x10, s3, s7, $0xb8;
	[tilespmem:$0x14140] =	vst v63  }
0x143: {  	s22 =	simm.s32 $0x4170;
	s25 =	simm.s32 $0xE440  }
0x144: {  	[spmem:s2] =	stream.indirect.scatter.add.f32 [tilespmem:s25], [sflag:$0x2], $0x10, s22, s7, $0xb8;
	[tilespmem:$0x14140] =	vst v63  }
0x145: {  	s26 =	simm.s32 $0x41F0;
	s30 =	simm.s32 $0xEC40  }
0x146: {  	[spmem:s2] =	stream.indirect.scatter.add.f32 [tilespmem:s30], [sflag:$0x2], $0x10, s26, s7, $0xb8;
	[tilespmem:$0x14140] =	vst v63  }
0x147: {  	s1 =	simm.s32 $0x4270;
	s3 =	simm.s32 $0xF440  }
0x148: {  	[spmem:s2] =	stream.indirect.scatter.add.f32 [tilespmem:s3], [sflag:$0x2], $0x10, s1, s7, $0xb8;
	[tilespmem:$0x14140] =	vst v63  }
0x149: {  	s4 =	simm.s32 $0x42F0  }
0x14a: {  	[spmem:s2] =	stream.indirect.scatter.add.f32 [tilespmem:s23], [sflag:$0x2], $0x10, s4, s7, $0xb8;
	[tilespmem:$0x14140] =	vst v63  }
0x14b: {  	_ = 	snop  }
0x14c: {  	[spmem:s2] =	stream.indirect.scatter.add.f32 [tilespmem:s20], [sflag:$0x2], $0x10, s29, s7, $0xb8;
	[tilespmem:$0x14140] =	vst v63  }
0x14d: {  	_ = 	snop  }
0x14e: {  	[spmem:s2] =	stream.indirect.scatter.add.f32 [tilespmem:s19], [sflag:$0x2], $0x10, s28, s7, $0xb8;
	[tilespmem:$0x14140] =	vst v63  }
0x14f: {  	_ = 	snop  }
0x150: {  	[spmem:s2] =	stream.indirect.scatter.add.f32 [tilespmem:s17], [sflag:$0x2], $0x10, s24, s7, $0xb8;
	[tilespmem:$0x14140] =	vst v63  }
0x151: {  	_ = 	snop  }
0x152: {  	[spmem:s2] =	stream.indirect.scatter.add.f32 [tilespmem:s15], [sflag:$0x2], $0x10, s18, s7, $0xb8;
	[tilespmem:$0x14140] =	vst v63  }
0x153: {  	_ = 	snop  }
0x154: {  	[spmem:s2] =	stream.indirect.scatter.add.f32 [tilespmem:s13], [sflag:$0x2], $0x10, s16, s7, $0xb8;
	[tilespmem:$0x14140] =	vst v63  }
0x155: {  	_ = 	snop  }
0x156: {  	[spmem:s2] =	stream.indirect.scatter.add.f32 [tilespmem:s11], [sflag:$0x2], $0x10, s14, s7, $0xb8;
	[tilespmem:$0x14140] =	vst v63  }
0x157: {  	_ = 	snop  }
0x158: {  	[spmem:s2] =	stream.indirect.scatter.add.f32 [tilespmem:s8], [sflag:$0x2], $0x10, s12, s7, $0xb8;
	[tilespmem:$0x14140] =	vst v63  }
0x159: {  	_ = 	snop  }
0x15a: {  	[spmem:s2] =	stream.indirect.scatter.add.f32 [tilespmem:s5], [sflag:$0x2], $0x10, s10, s21, $0xb8;
	[tilespmem:$0x14140] =	vst v63  }
0x15b: {  	_ =	swait.ge [sflag:s6], $0x800  }
0x15c: {  	[sflag:s6] =	ssyncset.done $0x0  }
0x15d: {  	[sflag:s6] =	ssyncadd.s32 $0xFFFFF800  }
0x15e: {  	_ =	swait.ge [sflag:s6], $0x800  }
0x15f: {  	[sflag:s6] =	ssyncset.done $0x0  }
0x160: {  	[sflag:s6] =	ssyncadd.s32 $0xFFFFF800  }
0x161: {  	_ =	swait.ge [sflag:s6], $0x800  }
0x162: {  	[sflag:s6] =	ssyncset.done $0x0  }
0x163: {  	[sflag:s6] =	ssyncadd.s32 $0xFFFFF800  }
0x164: {  	_ =	swait.ge [sflag:s6], $0x800  }
0x165: {  	[sflag:s6] =	ssyncset.done $0x0  }
0x166: {  	[sflag:s6] =	ssyncadd.s32 $0xFFFFF800  }
0x167: {  	_ =	swait.ge [sflag:s6], $0x800  }
0x168: {  	[sflag:s6] =	ssyncset.done $0x0  }
0x169: {  	[sflag:s6] =	ssyncadd.s32 $0xFFFFF800  }
0x16a: {  	_ =	swait.ge [sflag:s6], $0x800  }
0x16b: {  	[sflag:s6] =	ssyncset.done $0x0  }
0x16c: {  	[sflag:s6] =	ssyncadd.s32 $0xFFFFF800  }
0x16d: {  	_ =	swait.ge [sflag:s6], $0x800  }
0x16e: {  	[sflag:s6] =	ssyncset.done $0x0  }
0x16f: {  	[sflag:s6] =	ssyncadd.s32 $0xFFFFF800  }
0x170: {  	_ =	swait.ge [sflag:s6], $0x800  }
0x171: {  	[sflag:s6] =	ssyncset.done $0x0  }
0x172: {  	[sflag:s6] =	ssyncadd.s32 $0xFFFFF800  }
0x173: {  	_ =	swait.ge [sflag:s6], $0x800  }
0x174: {  	[sflag:s6] =	ssyncset.done $0x0  }
0x175: {  	[sflag:s6] =	ssyncadd.s32 $0xFFFFF800  }
0x176: {  	_ =	swait.ge [sflag:s6], $0x800  }
0x177: {  	[sflag:s6] =	ssyncset.done $0x0  }
0x178: {  	[sflag:s6] =	ssyncadd.s32 $0xFFFFF800  }
0x179: {  	_ =	swait.ge [sflag:s6], $0x800  }
0x17a: {  	[sflag:s6] =	ssyncset.done $0x0  }
0x17b: {  	[sflag:s6] =	ssyncadd.s32 $0xFFFFF800  }
0x17c: {  	_ =	swait.ge [sflag:s6], $0x800  }
0x17d: {  	[sflag:s6] =	ssyncset.done $0x0  }
0x17e: {  	[sflag:s6] =	ssyncadd.s32 $0xFFFFF800  }
0x17f: {  	_ =	swait.ge [sflag:s6], $0x800  }
0x180: {  	[sflag:s6] =	ssyncset.done $0x0  }
0x181: {  	[sflag:s6] =	ssyncadd.s32 $0xFFFFF800  }
0x182: {  	_ =	swait.ge [sflag:s6], $0x800  }
0x183: {  	[sflag:s6] =	ssyncset.done $0x0  }
0x184: {  	[sflag:s6] =	ssyncadd.s32 $0xFFFFF800  }
0x185: {  	_ =	swait.ge [sflag:s6], $0x800  }
0x186: {  	[sflag:s6] =	ssyncset.done $0x0  }
0x187: {  	[sflag:s6] =	ssyncadd.s32 $0xFFFFF800  }
0x188: {  	_ =	swait.ge [sflag:s6], $0x500  }
0x189: {  	[sflag:s6] =	ssyncset.done $0x0  }
0x18a: {  	[sflag:s6] =	ssyncadd.s32 $0xFFFFFB00  }
0x18b: {  	_ =	swait.ge [sflag:s9], $0xFA0  }
0x18c: {  	[sflag:s9] =	ssyncset.done $0x0  }
0x18d: {  	[sflag:s9] =	ssyncadd.s32 $0xFFFFF060  }
0x18e: {  	_ =	swait.ge [sflag:s9], $0x7D00  }
0x18f: {  	[sflag:s9] =	ssyncset.done $0x0  }
0x190: {  	s18 =	simm.s32 $0x2FD0;
	s21 =	simm.s32 $0x4740;
	[sflag:s9] =	ssyncadd.s32 $0xFFFF8300  }
0x191: {  	[spmem:s2] =	stream.indirect.scatter.add.f32 [tilespmem:s21], [sflag:$0x2], $0x10, s18, s7, $0xb8;
	[tilespmem:$0x14140] =	vst v63  }
0x192: {  	s20 =	simm.s32 $0x3050;
	s19 =	simm.s32 $0x4F40  }
0x193: {  	[spmem:s2] =	stream.indirect.scatter.add.f32 [tilespmem:s19], [sflag:$0x2], $0x10, s20, s7, $0xb8;
	[tilespmem:$0x14140] =	vst v63  }
0x194: {  	s22 =	simm.s32 $0x5740;
	s23 =	simm.s32 $0x30D0  }
0x195: {  	[spmem:s2] =	stream.indirect.scatter.add.f32 [tilespmem:s22], [sflag:$0x2], $0x10, s23, s7, $0xb8;
	[tilespmem:$0x14140] =	vst v63  }
0x196: {  	s25 =	simm.s32 $0x5F40;
	s24 =	simm.s32 $0x3150  }
0x197: {  	[spmem:s2] =	stream.indirect.scatter.add.f32 [tilespmem:s25], [sflag:$0x2], $0x10, s24, s7, $0xb8;
	[tilespmem:$0x14140] =	vst v63  }
0x198: {  	s26 =	simm.s32 $0x31D0;
	s28 =	simm.s32 $0x6740  }
0x199: {  	[spmem:s2] =	stream.indirect.scatter.add.f32 [tilespmem:s28], [sflag:$0x2], $0x10, s26, s7, $0xb8;
	[tilespmem:$0x14140] =	vst v63  }
0x19a: {  	s30 =	simm.s32 $0x6F40;
	s29 =	simm.s32 $0x3250  }
0x19b: {  	[spmem:s2] =	stream.indirect.scatter.add.f32 [tilespmem:s30], [sflag:$0x2], $0x10, s29, s7, $0xb8;
	[tilespmem:$0x14140] =	vst v63  }
0x19c: {  	s3 =	simm.s32 $0x32D0;
	s4 =	simm.s32 $0x7740  }
0x19d: {  	[spmem:s2] =	stream.indirect.scatter.add.f32 [tilespmem:s4], [sflag:$0x2], $0x10, s3, s7, $0xb8;
	[tilespmem:$0x14140] =	vst v63  }
0x19e: {  	s8 =	simm.s32 $0x3350;
	s10 =	simm.s32 $0x7F40  }
0x19f: {  	[spmem:s2] =	stream.indirect.scatter.add.f32 [tilespmem:s10], [sflag:$0x2], $0x10, s8, s7, $0xb8;
	[tilespmem:$0x14140] =	vst v63  }
0x1a0: {  	s11 =	simm.s32 $0x8740;
	s12 =	simm.s32 $0x33D0  }
0x1a1: {  	[spmem:s2] =	stream.indirect.scatter.add.f32 [tilespmem:s11], [sflag:$0x2], $0x10, s12, s7, $0xb8;
	[tilespmem:$0x14140] =	vst v63  }
0x1a2: {  	s13 =	simm.s32 $0x8F40;
	s14 =	simm.s32 $0x3450  }
0x1a3: {  	[spmem:s2] =	stream.indirect.scatter.add.f32 [tilespmem:s13], [sflag:$0x2], $0x10, s14, s7, $0xb8;
	[tilespmem:$0x14140] =	vst v63  }
0x1a4: {  	s15 =	simm.s32 $0x34D0;
	s16 =	simm.s32 $0x9740  }
0x1a5: {  	[spmem:s2] =	stream.indirect.scatter.add.f32 [tilespmem:s16], [sflag:$0x2], $0x10, s15, s7, $0xb8;
	[tilespmem:$0x14140] =	vst v63  }
0x1a6: {  	s17 =	simm.s32 $0x3550;
	s18 =	simm.s32 $0x9F40  }
0x1a7: {  	[spmem:s2] =	stream.indirect.scatter.add.f32 [tilespmem:s18], [sflag:$0x2], $0x10, s17, s7, $0xb8;
	[tilespmem:$0x14140] =	vst v63  }
0x1a8: {  	s19 =	simm.s32 $0x35D0;
	s20 =	simm.s32 $0xA740  }
0x1a9: {  	[spmem:s2] =	stream.indirect.scatter.add.f32 [tilespmem:s20], [sflag:$0x2], $0x10, s19, s7, $0xb8;
	[tilespmem:$0x14140] =	vst v63  }
0x1aa: {  	s22 =	simm.s32 $0x3650;
	s23 =	simm.s32 $0xAF40  }
0x1ab: {  	[spmem:s2] =	stream.indirect.scatter.add.f32 [tilespmem:s23], [sflag:$0x2], $0x10, s22, s7, $0xb8;
	[tilespmem:$0x14140] =	vst v63  }
0x1ac: {  	s25 =	simm.s32 $0xB740;
	s26 =	simm.s32 $0x36D0  }
0x1ad: {  	[spmem:s2] =	stream.indirect.scatter.add.f32 [tilespmem:s25], [sflag:$0x2], $0x10, s26, s7, $0xb8;
	[tilespmem:$0x14140] =	vst v63  }
0x1ae: {  	s24 =	simm.s32 $0x50;
	s28 =	simm.s32 $0xBF40;
	s29 =	simm.s32 $0x3750  }
0x1af: {  	[spmem:s2] =	stream.indirect.scatter.add.f32 [tilespmem:s28], [sflag:$0x2], $0x10, s29, s24, $0xb8;
	[tilespmem:$0x14140] =	vst v63  }
0x1b0: {  	s5 =	rddreg [dreg:$0x10];
	_ =	swait.ge [sflag:s6], $0x800  }
0x1b1: {  	[sflag:s6] =	ssyncset.done $0x0  }
0x1b2: {  	[sflag:s6] =	ssyncadd.s32 $0xFFFFF800  }
0x1b3: {  	_ =	swait.ge [sflag:s6], $0x800  }
0x1b4: {  	[sflag:s6] =	ssyncset.done $0x0  }
0x1b5: {  	[sflag:s6] =	ssyncadd.s32 $0xFFFFF800  }
0x1b6: {  	_ =	swait.ge [sflag:s6], $0x800  }
0x1b7: {  	[sflag:s6] =	ssyncset.done $0x0  }
0x1b8: {  	[sflag:s6] =	ssyncadd.s32 $0xFFFFF800  }
0x1b9: {  	_ =	swait.ge [sflag:s6], $0x800  }
0x1ba: {  	[sflag:s6] =	ssyncset.done $0x0  }
0x1bb: {  	[sflag:s6] =	ssyncadd.s32 $0xFFFFF800  }
0x1bc: {  	_ =	swait.ge [sflag:s6], $0x800  }
0x1bd: {  	[sflag:s6] =	ssyncset.done $0x0  }
0x1be: {  	[sflag:s6] =	ssyncadd.s32 $0xFFFFF800  }
0x1bf: {  	_ =	swait.ge [sflag:s6], $0x800  }
0x1c0: {  	[sflag:s6] =	ssyncset.done $0x0  }
0x1c1: {  	[sflag:s6] =	ssyncadd.s32 $0xFFFFF800  }
0x1c2: {  	_ =	swait.ge [sflag:s6], $0x800  }
0x1c3: {  	[sflag:s6] =	ssyncset.done $0x0  }
0x1c4: {  	[sflag:s6] =	ssyncadd.s32 $0xFFFFF800  }
0x1c5: {  	_ =	swait.ge [sflag:s6], $0x800  }
0x1c6: {  	[sflag:s6] =	ssyncset.done $0x0  }
0x1c7: {  	[sflag:s6] =	ssyncadd.s32 $0xFFFFF800  }
0x1c8: {  	_ =	swait.ge [sflag:s6], $0x800  }
0x1c9: {  	[sflag:s6] =	ssyncset.done $0x0  }
0x1ca: {  	[sflag:s6] =	ssyncadd.s32 $0xFFFFF800  }
0x1cb: {  	_ =	swait.ge [sflag:s6], $0x800  }
0x1cc: {  	[sflag:s6] =	ssyncset.done $0x0  }
0x1cd: {  	[sflag:s6] =	ssyncadd.s32 $0xFFFFF800  }
0x1ce: {  	_ =	swait.ge [sflag:s6], $0x800  }
0x1cf: {  	[sflag:s6] =	ssyncset.done $0x0  }
0x1d0: {  	[sflag:s6] =	ssyncadd.s32 $0xFFFFF800  }
0x1d1: {  	_ =	swait.ge [sflag:s6], $0x800  }
0x1d2: {  	[sflag:s6] =	ssyncset.done $0x0  }
0x1d3: {  	[sflag:s6] =	ssyncadd.s32 $0xFFFFF800  }
0x1d4: {  	_ =	swait.ge [sflag:s6], $0x800  }
0x1d5: {  	[sflag:s6] =	ssyncset.done $0x0  }
0x1d6: {  	[sflag:s6] =	ssyncadd.s32 $0xFFFFF800  }
0x1d7: {  	_ =	swait.ge [sflag:s6], $0x800  }
0x1d8: {  	[sflag:s6] =	ssyncset.done $0x0  }
0x1d9: {  	[sflag:s6] =	ssyncadd.s32 $0xFFFFF800  }
0x1da: {  	_ =	swait.ge [sflag:s6], $0x800  }
0x1db: {  	[sflag:s6] =	ssyncset.done $0x0  }
0x1dc: {  	[sflag:s6] =	ssyncadd.s32 $0xFFFFF800  }
0x1dd: {  	_ =	swait.ge [sflag:s6], $0x500  }
0x1de: {  	[sflag:s6] =	ssyncset.done $0x0  }
0x1df: {  	[sflag:s6] =	ssyncadd.s32 $0xFFFFFB00  }
0x1e0: {  	[bflag:$0x0] =	sbarrier.arrive $0xFFFF  }
0x1e1: {  	s30 =	rddreg [dreg:$0xf]  }
0x1e2: {  	[hbm:s30], [sflag:s31] =	dma.local [spmem:s5], $0x500  }
0x1e3: {  	s31 =	rddreg [dreg:$0x12]  }
0x1e4: {  	p1 =	sne.s32 s31, $0x1  }
.Ltmp1:
0x1e5: {  	_ = 	snop;
	(pc) =	sbr.rel @!p1 .LBB2_6-.Ltmp1, $4  }
0x1e6: {  	_ = 	snop  }
0x1e7: {  	s4 =	simm.s32 $0x3  }
0x1e8: {  	p0 =	por $0x1, $0x1;
	_ =	swait.ge [sflag:s4], $0x500  }
0x1e9: {  	s25 =	sadd.s32 $0xFFFFFFFF, s31;
	s26 =	rddreg [dreg:$0x4];
	[sflag:s4] =	ssyncset.done $0x0  }
0x1ea: {  	s3 =	simm.s32 $0x7D0  }
0x1eb: {  	s30 =	simm.s32 $0xD440;
	s23 =	simm.s32 $0x4070;
	s18 =	simm.s32 $0xE440  }
0x1ec: {  	s31 =	simm.s32 $0x41F0;
	s19 =	simm.s32 $0xEC40;
	s20 =	simm.s32 $0xF440  }
0x1ed: {  	s22 =	simm.s32 $0xFC40;
	s29 =	simm.s32 $0x4570;
	s15 =	simm.s32 $0x12C40  }
.LBB2_3:
0x1ee: {  	[sflag:s4] =	ssyncadd.s32 $0xFFFFFB00;
	s0 =	rddreg [dreg:$0x11]  }
0x1ef: {  	[spmem:s5], [sflag:s0] =	dma.local [hbm:s26], $0x500  }
0x1f0: {  	_ =	swait.ge [sflag:s4], $0x500  }
0x1f1: {  	[sflag:s4] =	ssyncset.done $0x0  }
0x1f2: {  	[sflag:s4] =	ssyncadd.s32 $0xFFFFFB00  }
0x1f3: {  	[bflag:$0x0] =	sbarrier.arrive $0xFFFF  }
0x1f4: {  	s11 =	simm.s32 $0x2800;
	s1 =	simm.s32 $0x4E200;
	s10 =	rddreg [dreg:$0x5]  }
0x1f5: {  	[tilespmem:s11], [sflag:$0x1] =	stream.strided.gather [hbm4b:s10+s3], $0xFA0, s1, s3, $0x38;
	[tilespmem:$0x14140] =	vst v63  }
0x1f6: {  	s4 =	simm.s32 $0x0;
	s28 =	rddreg [dreg:$0x6]  }
0x1f7: {  	[tilespmem:s21], [sflag:$0x1] =	stream.linear.gather [hbm4b:s28+s4], $0x7D00, $0x38;
	[tilespmem:$0x14140] =	vst v63  }
0x1f8: {  	_ =	swait.ge [sflag:s9], $0xFA0  }
0x1f9: {  	[sflag:s9] =	ssyncset.done $0x0  }
0x1fa: {  	[sflag:s9] =	ssyncadd.s32 $0xFFFFF060  }
0x1fb: {  	_ =	swait.ge [sflag:s9], $0x7D00  }
0x1fc: {  	[sflag:s9] =	ssyncset.done $0x0  }
0x1fd: {  	s14 =	simm.s32 $0x37A0;
	s12 =	rddreg [dreg:$0x7];
	[sflag:s9] =	ssyncadd.s32 $0xFFFF8300  }
0x1fe: {  	[tilespmem:s14], [sflag:$0x1] =	stream.strided.gather [hbm4b:s12+s3], $0xFA0, s1, s3, $0x38;
	[tilespmem:$0x14140] =	vst v63  }
0x1ff: {  	s5 =	simm.s32 $0xC440;
	s13 =	rddreg [dreg:$0x8]  }
0x200: {  	[tilespmem:s5], [sflag:$0x1] =	stream.linear.gather [hbm4b:s13+s4], $0x7D00, $0x38;
	[tilespmem:$0x14140] =	vst v63  }
0x201: {  	s16 =	simm.s32 $0x2FD0  }
0x202: {  	[spmem:s2] =	stream.indirect.scatter.add.f32 [tilespmem:s21], [sflag:$0x2], $0x10, s16, s7, $0xb8;
	[tilespmem:$0x14140] =	vst v63  }
0x203: {  	s17 =	simm.s32 $0x3050;
	s8 =	simm.s32 $0x4F40  }
0x204: {  	[spmem:s2] =	stream.indirect.scatter.add.f32 [tilespmem:s8], [sflag:$0x2], $0x10, s17, s7, $0xb8;
	[tilespmem:$0x14140] =	vst v63  }
0x205: {  	s24 =	simm.s32 $0x5740;
	s21 =	simm.s32 $0x30D0  }
0x206: {  	[spmem:s2] =	stream.indirect.scatter.add.f32 [tilespmem:s24], [sflag:$0x2], $0x10, s21, s7, $0xb8;
	[tilespmem:$0x14140] =	vst v63  }
0x207: {  	s26 =	simm.s32 $0x3150;
	s28 =	simm.s32 $0x5F40  }
0x208: {  	[spmem:s2] =	stream.indirect.scatter.add.f32 [tilespmem:s28], [sflag:$0x2], $0x10, s26, s7, $0xb8;
	[tilespmem:$0x14140] =	vst v63  }
0x209: {  	s11 =	simm.s32 $0x6740;
	s8 =	simm.s32 $0x31D0  }
0x20a: {  	[spmem:s2] =	stream.indirect.scatter.add.f32 [tilespmem:s11], [sflag:$0x2], $0x10, s8, s7, $0xb8;
	[tilespmem:$0x14140] =	vst v63  }
0x20b: {  	s12 =	simm.s32 $0x3250;
	s13 =	simm.s32 $0x6F40  }
0x20c: {  	[spmem:s2] =	stream.indirect.scatter.add.f32 [tilespmem:s13], [sflag:$0x2], $0x10, s12, s7, $0xb8;
	[tilespmem:$0x14140] =	vst v63  }
0x20d: {  	s16 =	simm.s32 $0x32D0;
	s17 =	simm.s32 $0x7740  }
0x20e: {  	[spmem:s2] =	stream.indirect.scatter.add.f32 [tilespmem:s17], [sflag:$0x2], $0x10, s16, s7, $0xb8;
	[tilespmem:$0x14140] =	vst v63  }
0x20f: {  	s21 =	simm.s32 $0x3350;
	s24 =	simm.s32 $0x7F40  }
0x210: {  	[spmem:s2] =	stream.indirect.scatter.add.f32 [tilespmem:s24], [sflag:$0x2], $0x10, s21, s7, $0xb8;
	[tilespmem:$0x14140] =	vst v63  }
0x211: {  	s26 =	simm.s32 $0x33D0;
	s28 =	simm.s32 $0x8740  }
0x212: {  	[spmem:s2] =	stream.indirect.scatter.add.f32 [tilespmem:s28], [sflag:$0x2], $0x10, s26, s7, $0xb8;
	[tilespmem:$0x14140] =	vst v63  }
0x213: {  	s11 =	simm.s32 $0x3450;
	s12 =	simm.s32 $0x8F40  }
0x214: {  	[spmem:s2] =	stream.indirect.scatter.add.f32 [tilespmem:s12], [sflag:$0x2], $0x10, s11, s7, $0xb8;
	[tilespmem:$0x14140] =	vst v63  }
0x215: {  	s13 =	simm.s32 $0x34D0;
	s16 =	simm.s32 $0x9740  }
0x216: {  	[spmem:s2] =	stream.indirect.scatter.add.f32 [tilespmem:s16], [sflag:$0x2], $0x10, s13, s7, $0xb8;
	[tilespmem:$0x14140] =	vst v63  }
0x217: {  	s17 =	simm.s32 $0x3550;
	s24 =	simm.s32 $0x9F40  }
0x218: {  	[spmem:s2] =	stream.indirect.scatter.add.f32 [tilespmem:s24], [sflag:$0x2], $0x10, s17, s7, $0xb8;
	[tilespmem:$0x14140] =	vst v63  }
0x219: {  	s26 =	simm.s32 $0x35D0;
	s28 =	simm.s32 $0xA740  }
0x21a: {  	[spmem:s2] =	stream.indirect.scatter.add.f32 [tilespmem:s28], [sflag:$0x2], $0x10, s26, s7, $0xb8;
	[tilespmem:$0x14140] =	vst v63  }
0x21b: {  	s8 =	simm.s32 $0x3650;
	s11 =	simm.s32 $0xAF40  }
0x21c: {  	[spmem:s2] =	stream.indirect.scatter.add.f32 [tilespmem:s11], [sflag:$0x2], $0x10, s8, s7, $0xb8;
	[tilespmem:$0x14140] =	vst v63  }
0x21d: {  	s12 =	simm.s32 $0x36D0;
	s13 =	simm.s32 $0xB740  }
0x21e: {  	[spmem:s2] =	stream.indirect.scatter.add.f32 [tilespmem:s13], [sflag:$0x2], $0x10, s12, s7, $0xb8;
	[tilespmem:$0x14140] =	vst v63  }
0x21f: {  	s21 =	simm.s32 $0x50;
	s16 =	simm.s32 $0x3750;
	s17 =	simm.s32 $0xBF40  }
0x220: {  	[spmem:s2] =	stream.indirect.scatter.add.f32 [tilespmem:s17], [sflag:$0x2], $0x10, s16, s21, $0xb8;
	[tilespmem:$0x14140] =	vst v63  }
0x221: {  	_ =	swait.ge [sflag:s6], $0x800  }
0x222: {  	[sflag:s6] =	ssyncset.done $0x0  }
0x223: {  	[sflag:s6] =	ssyncadd.s32 $0xFFFFF800  }
0x224: {  	_ =	swait.ge [sflag:s6], $0x800  }
0x225: {  	[sflag:s6] =	ssyncset.done $0x0  }
0x226: {  	[sflag:s6] =	ssyncadd.s32 $0xFFFFF800  }
0x227: {  	_ =	swait.ge [sflag:s6], $0x800  }
0x228: {  	[sflag:s6] =	ssyncset.done $0x0  }
0x229: {  	[sflag:s6] =	ssyncadd.s32 $0xFFFFF800  }
0x22a: {  	_ =	swait.ge [sflag:s6], $0x800  }
0x22b: {  	[sflag:s6] =	ssyncset.done $0x0  }
0x22c: {  	[sflag:s6] =	ssyncadd.s32 $0xFFFFF800  }
0x22d: {  	_ =	swait.ge [sflag:s6], $0x800  }
0x22e: {  	[sflag:s6] =	ssyncset.done $0x0  }
0x22f: {  	[sflag:s6] =	ssyncadd.s32 $0xFFFFF800  }
0x230: {  	_ =	swait.ge [sflag:s6], $0x800  }
0x231: {  	[sflag:s6] =	ssyncset.done $0x0  }
0x232: {  	[sflag:s6] =	ssyncadd.s32 $0xFFFFF800  }
0x233: {  	_ =	swait.ge [sflag:s6], $0x800  }
0x234: {  	[sflag:s6] =	ssyncset.done $0x0  }
0x235: {  	[sflag:s6] =	ssyncadd.s32 $0xFFFFF800  }
0x236: {  	_ =	swait.ge [sflag:s6], $0x800  }
0x237: {  	[sflag:s6] =	ssyncset.done $0x0  }
0x238: {  	[sflag:s6] =	ssyncadd.s32 $0xFFFFF800  }
0x239: {  	_ =	swait.ge [sflag:s6], $0x800  }
0x23a: {  	[sflag:s6] =	ssyncset.done $0x0  }
0x23b: {  	[sflag:s6] =	ssyncadd.s32 $0xFFFFF800  }
0x23c: {  	_ =	swait.ge [sflag:s6], $0x800  }
0x23d: {  	[sflag:s6] =	ssyncset.done $0x0  }
0x23e: {  	[sflag:s6] =	ssyncadd.s32 $0xFFFFF800  }
0x23f: {  	_ =	swait.ge [sflag:s6], $0x800  }
0x240: {  	[sflag:s6] =	ssyncset.done $0x0  }
0x241: {  	[sflag:s6] =	ssyncadd.s32 $0xFFFFF800  }
0x242: {  	_ =	swait.ge [sflag:s6], $0x800  }
0x243: {  	[sflag:s6] =	ssyncset.done $0x0  }
0x244: {  	[sflag:s6] =	ssyncadd.s32 $0xFFFFF800  }
0x245: {  	_ =	swait.ge [sflag:s6], $0x800  }
0x246: {  	[sflag:s6] =	ssyncset.done $0x0  }
0x247: {  	[sflag:s6] =	ssyncadd.s32 $0xFFFFF800  }
0x248: {  	_ =	swait.ge [sflag:s6], $0x800  }
0x249: {  	[sflag:s6] =	ssyncset.done $0x0  }
0x24a: {  	[sflag:s6] =	ssyncadd.s32 $0xFFFFF800  }
0x24b: {  	_ =	swait.ge [sflag:s6], $0x800  }
0x24c: {  	[sflag:s6] =	ssyncset.done $0x0  }
0x24d: {  	[sflag:s6] =	ssyncadd.s32 $0xFFFFF800  }
0x24e: {  	_ =	swait.ge [sflag:s6], $0x500  }
0x24f: {  	[sflag:s6] =	ssyncset.done $0x0  }
0x250: {  	[sflag:s6] =	ssyncadd.s32 $0xFFFFFB00  }
0x251: {  	_ =	swait.ge [sflag:s9], $0xFA0  }
0x252: {  	[sflag:s9] =	ssyncset.done $0x0  }
0x253: {  	[sflag:s9] =	ssyncadd.s32 $0xFFFFF060  }
0x254: {  	_ =	swait.ge [sflag:s9], $0x7D00  }
0x255: {  	[sflag:s9] =	ssyncset.done $0x0  }
0x256: {  	s10 =	simm.s32 $0x2800;
	s24 =	rddreg [dreg:$0x9];
	[sflag:s9] =	ssyncadd.s32 $0xFFFF8300  }
0x257: {  	[tilespmem:s10], [sflag:$0x1] =	stream.strided.gather [hbm4b:s24+s3], $0xFA0, s1, s3, $0x38;
	[tilespmem:$0x14140] =	vst v63  }
0x258: {  	s8 =	simm.s32 $0x4740;
	s0 =	rddreg [dreg:$0xa]  }
0x259: {  	[tilespmem:s8], [sflag:$0x1] =	stream.linear.gather [hbm4b:s0+s4], $0x7D00, $0x38;
	[tilespmem:$0x14140] =	vst v63  }
0x25a: {  	s10 =	simm.s32 $0x3F70  }
0x25b: {  	[spmem:s2] =	stream.indirect.scatter.add.f32 [tilespmem:s5], [sflag:$0x2], $0x10, s10, s7, $0xb8;
	[tilespmem:$0x14140] =	vst v63  }
0x25c: {  	s11 =	simm.s32 $0x3FF0;
	s24 =	simm.s32 $0xCC40  }
0x25d: {  	[spmem:s2] =	stream.indirect.scatter.add.f32 [tilespmem:s24], [sflag:$0x2], $0x10, s11, s7, $0xb8;
	[tilespmem:$0x14140] =	vst v63  }
0x25e: {  	_ = 	snop  }
0x25f: {  	[spmem:s2] =	stream.indirect.scatter.add.f32 [tilespmem:s30], [sflag:$0x2], $0x10, s23, s7, $0xb8;
	[tilespmem:$0x14140] =	vst v63  }
0x260: {  	s12 =	simm.s32 $0x40F0;
	s0 =	simm.s32 $0xDC40  }
0x261: {  	[spmem:s2] =	stream.indirect.scatter.add.f32 [tilespmem:s0], [sflag:$0x2], $0x10, s12, s7, $0xb8;
	[tilespmem:$0x14140] =	vst v63  }
0x262: {  	s13 =	simm.s32 $0x4170  }
0x263: {  	[spmem:s2] =	stream.indirect.scatter.add.f32 [tilespmem:s18], [sflag:$0x2], $0x10, s13, s7, $0xb8;
	[tilespmem:$0x14140] =	vst v63  }
0x264: {  	_ = 	snop  }
0x265: {  	[spmem:s2] =	stream.indirect.scatter.add.f32 [tilespmem:s19], [sflag:$0x2], $0x10, s31, s7, $0xb8;
	[tilespmem:$0x14140] =	vst v63  }
0x266: {  	s16 =	simm.s32 $0x4270  }
0x267: {  	[spmem:s2] =	stream.indirect.scatter.add.f32 [tilespmem:s20], [sflag:$0x2], $0x10, s16, s7, $0xb8;
	[tilespmem:$0x14140] =	vst v63  }
0x268: {  	s17 =	simm.s32 $0x42F0  }
0x269: {  	[spmem:s2] =	stream.indirect.scatter.add.f32 [tilespmem:s22], [sflag:$0x2], $0x10, s17, s7, $0xb8;
	[tilespmem:$0x14140] =	vst v63  }
0x26a: {  	s26 =	simm.s32 $0x4370;
	s8 =	simm.s32 $0x10440  }
0x26b: {  	[spmem:s2] =	stream.indirect.scatter.add.f32 [tilespmem:s8], [sflag:$0x2], $0x10, s26, s7, $0xb8;
	[tilespmem:$0x14140] =	vst v63  }
0x26c: {  	s10 =	simm.s32 $0x10C40;
	s11 =	simm.s32 $0x43F0  }
0x26d: {  	[spmem:s2] =	stream.indirect.scatter.add.f32 [tilespmem:s10], [sflag:$0x2], $0x10, s11, s7, $0xb8;
	[tilespmem:$0x14140] =	vst v63  }
0x26e: {  	s12 =	simm.s32 $0x4470;
	s11 =	simm.s32 $0x11440  }
0x26f: {  	[spmem:s2] =	stream.indirect.scatter.add.f32 [tilespmem:s11], [sflag:$0x2], $0x10, s12, s7, $0xb8;
	[tilespmem:$0x14140] =	vst v63  }
0x270: {  	s13 =	simm.s32 $0x44F0;
	s12 =	simm.s32 $0x11C40  }
0x271: {  	[spmem:s2] =	stream.indirect.scatter.add.f32 [tilespmem:s12], [sflag:$0x2], $0x10, s13, s7, $0xb8;
	[tilespmem:$0x14140] =	vst v63  }
0x272: {  	s13 =	simm.s32 $0x12440  }
0x273: {  	[spmem:s2] =	stream.indirect.scatter.add.f32 [tilespmem:s13], [sflag:$0x2], $0x10, s29, s7, $0xb8;
	[tilespmem:$0x14140] =	vst v63  }
0x274: {  	s16 =	simm.s32 $0x45F0  }
0x275: {  	[spmem:s2] =	stream.indirect.scatter.add.f32 [tilespmem:s15], [sflag:$0x2], $0x10, s16, s7, $0xb8;
	[tilespmem:$0x14140] =	vst v63  }
0x276: {  	s17 =	simm.s32 $0x4670;
	s16 =	simm.s32 $0x13440  }
0x277: {  	[spmem:s2] =	stream.indirect.scatter.add.f32 [tilespmem:s16], [sflag:$0x2], $0x10, s17, s7, $0xb8;
	[tilespmem:$0x14140] =	vst v63  }
0x278: {  	s28 =	simm.s32 $0x46F0;
	s17 =	simm.s32 $0x13C40  }
0x279: {  	[spmem:s2] =	stream.indirect.scatter.add.f32 [tilespmem:s17], [sflag:$0x2], $0x10, s28, s21, $0xb8;
	[tilespmem:$0x14140] =	vst v63  }
0x27a: {  	_ =	swait.ge [sflag:s6], $0x800  }
0x27b: {  	[sflag:s6] =	ssyncset.done $0x0  }
0x27c: {  	[sflag:s6] =	ssyncadd.s32 $0xFFFFF800  }
0x27d: {  	_ =	swait.ge [sflag:s6], $0x800  }
0x27e: {  	[sflag:s6] =	ssyncset.done $0x0  }
0x27f: {  	[sflag:s6] =	ssyncadd.s32 $0xFFFFF800  }
0x280: {  	_ =	swait.ge [sflag:s6], $0x800  }
0x281: {  	[sflag:s6] =	ssyncset.done $0x0  }
0x282: {  	[sflag:s6] =	ssyncadd.s32 $0xFFFFF800  }
0x283: {  	_ =	swait.ge [sflag:s6], $0x800  }
0x284: {  	[sflag:s6] =	ssyncset.done $0x0  }
0x285: {  	[sflag:s6] =	ssyncadd.s32 $0xFFFFF800  }
0x286: {  	_ =	swait.ge [sflag:s6], $0x800  }
0x287: {  	[sflag:s6] =	ssyncset.done $0x0  }
0x288: {  	[sflag:s6] =	ssyncadd.s32 $0xFFFFF800  }
0x289: {  	_ =	swait.ge [sflag:s6], $0x800  }
0x28a: {  	[sflag:s6] =	ssyncset.done $0x0  }
0x28b: {  	[sflag:s6] =	ssyncadd.s32 $0xFFFFF800  }
0x28c: {  	_ =	swait.ge [sflag:s6], $0x800  }
0x28d: {  	[sflag:s6] =	ssyncset.done $0x0  }
0x28e: {  	[sflag:s6] =	ssyncadd.s32 $0xFFFFF800  }
0x28f: {  	_ =	swait.ge [sflag:s6], $0x800  }
0x290: {  	[sflag:s6] =	ssyncset.done $0x0  }
0x291: {  	[sflag:s6] =	ssyncadd.s32 $0xFFFFF800  }
0x292: {  	_ =	swait.ge [sflag:s6], $0x800  }
0x293: {  	[sflag:s6] =	ssyncset.done $0x0  }
0x294: {  	[sflag:s6] =	ssyncadd.s32 $0xFFFFF800  }
0x295: {  	_ =	swait.ge [sflag:s6], $0x800  }
0x296: {  	[sflag:s6] =	ssyncset.done $0x0  }
0x297: {  	[sflag:s6] =	ssyncadd.s32 $0xFFFFF800  }
0x298: {  	_ =	swait.ge [sflag:s6], $0x800  }
0x299: {  	[sflag:s6] =	ssyncset.done $0x0  }
0x29a: {  	[sflag:s6] =	ssyncadd.s32 $0xFFFFF800  }
0x29b: {  	_ =	swait.ge [sflag:s6], $0x800  }
0x29c: {  	[sflag:s6] =	ssyncset.done $0x0  }
0x29d: {  	[sflag:s6] =	ssyncadd.s32 $0xFFFFF800  }
0x29e: {  	_ =	swait.ge [sflag:s6], $0x800  }
0x29f: {  	[sflag:s6] =	ssyncset.done $0x0  }
0x2a0: {  	[sflag:s6] =	ssyncadd.s32 $0xFFFFF800  }
0x2a1: {  	_ =	swait.ge [sflag:s6], $0x800  }
0x2a2: {  	[sflag:s6] =	ssyncset.done $0x0  }
0x2a3: {  	[sflag:s6] =	ssyncadd.s32 $0xFFFFF800  }
0x2a4: {  	_ =	swait.ge [sflag:s6], $0x800  }
0x2a5: {  	[sflag:s6] =	ssyncset.done $0x0  }
0x2a6: {  	[sflag:s6] =	ssyncadd.s32 $0xFFFFF800  }
0x2a7: {  	_ =	swait.ge [sflag:s6], $0x500  }
0x2a8: {  	[sflag:s6] =	ssyncset.done $0x0  }
0x2a9: {  	[sflag:s6] =	ssyncadd.s32 $0xFFFFFB00  }
0x2aa: {  	_ =	swait.ge [sflag:s9], $0xFA0  }
0x2ab: {  	[sflag:s9] =	ssyncset.done $0x0  }
0x2ac: {  	[sflag:s9] =	ssyncadd.s32 $0xFFFFF060  }
0x2ad: {  	_ =	swait.ge [sflag:s9], $0x7D00  }
0x2ae: {  	[sflag:s9] =	ssyncset.done $0x0  }
0x2af: {  	s26 =	rddreg [dreg:$0xb];
	[sflag:s9] =	ssyncadd.s32 $0xFFFF8300  }
0x2b0: {  	[tilespmem:s14], [sflag:$0x1] =	stream.strided.gather [hbm4b:s26+s3], $0xFA0, s1, s3, $0x38;
	[tilespmem:$0x14140] =	vst v63  }
0x2b1: {  	s28 =	rddreg [dreg:$0xc]  }
0x2b2: {  	[tilespmem:s5], [sflag:$0x1] =	stream.linear.gather [hbm4b:s28+s4], $0x7D00, $0x38;
	[tilespmem:$0x14140] =	vst v63  }
0x2b3: {  	s26 =	simm.s32 $0x4740;
	s28 =	simm.s32 $0x2FD0  }
0x2b4: {  	[spmem:s2] =	stream.indirect.scatter.add.f32 [tilespmem:s26], [sflag:$0x2], $0x10, s28, s7, $0xb8;
	[tilespmem:$0x14140] =	vst v63  }
0x2b5: {  	s26 =	simm.s32 $0x3050;
	s28 =	simm.s32 $0x4F40  }
0x2b6: {  	[spmem:s2] =	stream.indirect.scatter.add.f32 [tilespmem:s28], [sflag:$0x2], $0x10, s26, s7, $0xb8;
	[tilespmem:$0x14140] =	vst v63  }
0x2b7: {  	s26 =	simm.s32 $0x30D0;
	s28 =	simm.s32 $0x5740  }
0x2b8: {  	[spmem:s2] =	stream.indirect.scatter.add.f32 [tilespmem:s28], [sflag:$0x2], $0x10, s26, s7, $0xb8;
	[tilespmem:$0x14140] =	vst v63  }
0x2b9: {  	s26 =	simm.s32 $0x3150;
	s28 =	simm.s32 $0x5F40  }
0x2ba: {  	[spmem:s2] =	stream.indirect.scatter.add.f32 [tilespmem:s28], [sflag:$0x2], $0x10, s26, s7, $0xb8;
	[tilespmem:$0x14140] =	vst v63  }
0x2bb: {  	s26 =	simm.s32 $0x31D0;
	s28 =	simm.s32 $0x6740  }
0x2bc: {  	[spmem:s2] =	stream.indirect.scatter.add.f32 [tilespmem:s28], [sflag:$0x2], $0x10, s26, s7, $0xb8;
	[tilespmem:$0x14140] =	vst v63  }
0x2bd: {  	s26 =	simm.s32 $0x3250;
	s28 =	simm.s32 $0x6F40  }
0x2be: {  	[spmem:s2] =	stream.indirect.scatter.add.f32 [tilespmem:s28], [sflag:$0x2], $0x10, s26, s7, $0xb8;
	[tilespmem:$0x14140] =	vst v63  }
0x2bf: {  	s26 =	simm.s32 $0x32D0;
	s28 =	simm.s32 $0x7740  }
0x2c0: {  	[spmem:s2] =	stream.indirect.scatter.add.f32 [tilespmem:s28], [sflag:$0x2], $0x10, s26, s7, $0xb8;
	[tilespmem:$0x14140] =	vst v63  }
0x2c1: {  	s26 =	simm.s32 $0x3350;
	s28 =	simm.s32 $0x7F40  }
0x2c2: {  	[spmem:s2] =	stream.indirect.scatter.add.f32 [tilespmem:s28], [sflag:$0x2], $0x10, s26, s7, $0xb8;
	[tilespmem:$0x14140] =	vst v63  }
0x2c3: {  	s26 =	simm.s32 $0x33D0;
	s28 =	simm.s32 $0x8740  }
0x2c4: {  	[spmem:s2] =	stream.indirect.scatter.add.f32 [tilespmem:s28], [sflag:$0x2], $0x10, s26, s7, $0xb8;
	[tilespmem:$0x14140] =	vst v63  }
0x2c5: {  	s26 =	simm.s32 $0x3450;
	s28 =	simm.s32 $0x8F40  }
0x2c6: {  	[spmem:s2] =	stream.indirect.scatter.add.f32 [tilespmem:s28], [sflag:$0x2], $0x10, s26, s7, $0xb8;
	[tilespmem:$0x14140] =	vst v63  }
0x2c7: {  	s26 =	simm.s32 $0x34D0;
	s28 =	simm.s32 $0x9740  }
0x2c8: {  	[spmem:s2] =	stream.indirect.scatter.add.f32 [tilespmem:s28], [sflag:$0x2], $0x10, s26, s7, $0xb8;
	[tilespmem:$0x14140] =	vst v63  }
0x2c9: {  	s26 =	simm.s32 $0x3550;
	s28 =	simm.s32 $0x9F40  }
0x2ca: {  	[spmem:s2] =	stream.indirect.scatter.add.f32 [tilespmem:s28], [sflag:$0x2], $0x10, s26, s7, $0xb8;
	[tilespmem:$0x14140] =	vst v63  }
0x2cb: {  	s26 =	simm.s32 $0x35D0;
	s28 =	simm.s32 $0xA740  }
0x2cc: {  	[spmem:s2] =	stream.indirect.scatter.add.f32 [tilespmem:s28], [sflag:$0x2], $0x10, s26, s7, $0xb8;
	[tilespmem:$0x14140] =	vst v63  }
0x2cd: {  	s26 =	simm.s32 $0x3650;
	s28 =	simm.s32 $0xAF40  }
0x2ce: {  	[spmem:s2] =	stream.indirect.scatter.add.f32 [tilespmem:s28], [sflag:$0x2], $0x10, s26, s7, $0xb8;
	[tilespmem:$0x14140] =	vst v63  }
0x2cf: {  	s26 =	simm.s32 $0x36D0;
	s28 =	simm.s32 $0xB740  }
0x2d0: {  	[spmem:s2] =	stream.indirect.scatter.add.f32 [tilespmem:s28], [sflag:$0x2], $0x10, s26, s7, $0xb8;
	[tilespmem:$0x14140] =	vst v63  }
0x2d1: {  	s26 =	simm.s32 $0x3750;
	s28 =	simm.s32 $0xBF40  }
0x2d2: {  	[spmem:s2] =	stream.indirect.scatter.add.f32 [tilespmem:s28], [sflag:$0x2], $0x10, s26, s21, $0xb8;
	[tilespmem:$0x14140] =	vst v63  }
0x2d3: {  	_ =	swait.ge [sflag:s6], $0x800  }
0x2d4: {  	[sflag:s6] =	ssyncset.done $0x0  }
0x2d5: {  	[sflag:s6] =	ssyncadd.s32 $0xFFFFF800  }
0x2d6: {  	_ =	swait.ge [sflag:s6], $0x800  }
0x2d7: {  	[sflag:s6] =	ssyncset.done $0x0  }
0x2d8: {  	[sflag:s6] =	ssyncadd.s32 $0xFFFFF800  }
0x2d9: {  	_ =	swait.ge [sflag:s6], $0x800  }
0x2da: {  	[sflag:s6] =	ssyncset.done $0x0  }
0x2db: {  	[sflag:s6] =	ssyncadd.s32 $0xFFFFF800  }
0x2dc: {  	_ =	swait.ge [sflag:s6], $0x800  }
0x2dd: {  	[sflag:s6] =	ssyncset.done $0x0  }
0x2de: {  	[sflag:s6] =	ssyncadd.s32 $0xFFFFF800  }
0x2df: {  	_ =	swait.ge [sflag:s6], $0x800  }
0x2e0: {  	[sflag:s6] =	ssyncset.done $0x0  }
0x2e1: {  	[sflag:s6] =	ssyncadd.s32 $0xFFFFF800  }
0x2e2: {  	_ =	swait.ge [sflag:s6], $0x800  }
0x2e3: {  	[sflag:s6] =	ssyncset.done $0x0  }
0x2e4: {  	[sflag:s6] =	ssyncadd.s32 $0xFFFFF800  }
0x2e5: {  	_ =	swait.ge [sflag:s6], $0x800  }
0x2e6: {  	[sflag:s6] =	ssyncset.done $0x0  }
0x2e7: {  	[sflag:s6] =	ssyncadd.s32 $0xFFFFF800  }
0x2e8: {  	_ =	swait.ge [sflag:s6], $0x800  }
0x2e9: {  	[sflag:s6] =	ssyncset.done $0x0  }
0x2ea: {  	[sflag:s6] =	ssyncadd.s32 $0xFFFFF800  }
0x2eb: {  	_ =	swait.ge [sflag:s6], $0x800  }
0x2ec: {  	[sflag:s6] =	ssyncset.done $0x0  }
0x2ed: {  	[sflag:s6] =	ssyncadd.s32 $0xFFFFF800  }
0x2ee: {  	_ =	swait.ge [sflag:s6], $0x800  }
0x2ef: {  	[sflag:s6] =	ssyncset.done $0x0  }
0x2f0: {  	[sflag:s6] =	ssyncadd.s32 $0xFFFFF800  }
0x2f1: {  	_ =	swait.ge [sflag:s6], $0x800  }
0x2f2: {  	[sflag:s6] =	ssyncset.done $0x0  }
0x2f3: {  	[sflag:s6] =	ssyncadd.s32 $0xFFFFF800  }
0x2f4: {  	_ =	swait.ge [sflag:s6], $0x800  }
0x2f5: {  	[sflag:s6] =	ssyncset.done $0x0  }
0x2f6: {  	[sflag:s6] =	ssyncadd.s32 $0xFFFFF800  }
0x2f7: {  	_ =	swait.ge [sflag:s6], $0x800  }
0x2f8: {  	[sflag:s6] =	ssyncset.done $0x0  }
0x2f9: {  	[sflag:s6] =	ssyncadd.s32 $0xFFFFF800  }
0x2fa: {  	_ =	swait.ge [sflag:s6], $0x800  }
0x2fb: {  	[sflag:s6] =	ssyncset.done $0x0  }
0x2fc: {  	[sflag:s6] =	ssyncadd.s32 $0xFFFFF800  }
0x2fd: {  	_ =	swait.ge [sflag:s6], $0x800  }
0x2fe: {  	[sflag:s6] =	ssyncset.done $0x0  }
0x2ff: {  	[sflag:s6] =	ssyncadd.s32 $0xFFFFF800  }
0x300: {  	_ =	swait.ge [sflag:s6], $0x500  }
0x301: {  	[sflag:s6] =	ssyncset.done $0x0  }
0x302: {  	[sflag:s6] =	ssyncadd.s32 $0xFFFFFB00  }
0x303: {  	_ =	swait.ge [sflag:s9], $0xFA0  }
0x304: {  	[sflag:s9] =	ssyncset.done $0x0  }
0x305: {  	[sflag:s9] =	ssyncadd.s32 $0xFFFFF060  }
0x306: {  	_ =	swait.ge [sflag:s9], $0x7D00  }
0x307: {  	[sflag:s9] =	ssyncset.done $0x0  }
0x308: {  	s14 =	simm.s32 $0x2800;
	s26 =	rddreg [dreg:$0xd];
	[sflag:s9] =	ssyncadd.s32 $0xFFFF8300  }
0x309: {  	[tilespmem:s14], [sflag:$0x1] =	stream.strided.gather [hbm4b:s26+s3], $0xFA0, s1, s3, $0x38;
	[tilespmem:$0x14140] =	vst v63  }
0x30a: {  	s28 =	rddreg [dreg:$0xe];
	s1 =	simm.s32 $0x4740  }
0x30b: {  	[tilespmem:s1], [sflag:$0x1] =	stream.linear.gather [hbm4b:s28+s4], $0x7D00, $0x38;
	[tilespmem:$0x14140] =	vst v63  }
0x30c: {  	s14 =	simm.s32 $0x3F70  }
0x30d: {  	[spmem:s2] =	stream.indirect.scatter.add.f32 [tilespmem:s5], [sflag:$0x2], $0x10, s14, s7, $0xb8;
	[tilespmem:$0x14140] =	vst v63  }
0x30e: {  	s26 =	simm.s32 $0x3FF0  }
0x30f: {  	[spmem:s2] =	stream.indirect.scatter.add.f32 [tilespmem:s24], [sflag:$0x2], $0x10, s26, s7, $0xb8;
	[tilespmem:$0x14140] =	vst v63  }
0x310: {  	_ = 	snop  }
0x311: {  	[spmem:s2] =	stream.indirect.scatter.add.f32 [tilespmem:s30], [sflag:$0x2], $0x10, s23, s7, $0xb8;
	[tilespmem:$0x14140] =	vst v63  }
0x312: {  	s28 =	simm.s32 $0x40F0  }
0x313: {  	[spmem:s2] =	stream.indirect.scatter.add.f32 [tilespmem:s0], [sflag:$0x2], $0x10, s28, s7, $0xb8;
	[tilespmem:$0x14140] =	vst v63  }
0x314: {  	s1 =	simm.s32 $0x4170  }
0x315: {  	[spmem:s2] =	stream.indirect.scatter.add.f32 [tilespmem:s18], [sflag:$0x2], $0x10, s1, s7, $0xb8;
	[tilespmem:$0x14140] =	vst v63  }
0x316: {  	_ = 	snop  }
0x317: {  	[spmem:s2] =	stream.indirect.scatter.add.f32 [tilespmem:s19], [sflag:$0x2], $0x10, s31, s7, $0xb8;
	[tilespmem:$0x14140] =	vst v63  }
0x318: {  	s4 =	simm.s32 $0x4270  }
0x319: {  	[spmem:s2] =	stream.indirect.scatter.add.f32 [tilespmem:s20], [sflag:$0x2], $0x10, s4, s7, $0xb8;
	[tilespmem:$0x14140] =	vst v63  }
0x31a: {  	s5 =	simm.s32 $0x42F0  }
0x31b: {  	[spmem:s2] =	stream.indirect.scatter.add.f32 [tilespmem:s22], [sflag:$0x2], $0x10, s5, s7, $0xb8;
	[tilespmem:$0x14140] =	vst v63  }
0x31c: {  	s14 =	simm.s32 $0x4370  }
0x31d: {  	[spmem:s2] =	stream.indirect.scatter.add.f32 [tilespmem:s8], [sflag:$0x2], $0x10, s14, s7, $0xb8;
	[tilespmem:$0x14140] =	vst v63  }
0x31e: {  	s24 =	simm.s32 $0x43F0  }
0x31f: {  	[spmem:s2] =	stream.indirect.scatter.add.f32 [tilespmem:s10], [sflag:$0x2], $0x10, s24, s7, $0xb8;
	[tilespmem:$0x14140] =	vst v63  }
0x320: {  	s26 =	simm.s32 $0x4470  }
0x321: {  	[spmem:s2] =	stream.indirect.scatter.add.f32 [tilespmem:s11], [sflag:$0x2], $0x10, s26, s7, $0xb8;
	[tilespmem:$0x14140] =	vst v63  }
0x322: {  	s28 =	simm.s32 $0x44F0  }
0x323: {  	[spmem:s2] =	stream.indirect.scatter.add.f32 [tilespmem:s12], [sflag:$0x2], $0x10, s28, s7, $0xb8;
	[tilespmem:$0x14140] =	vst v63  }
0x324: {  	_ = 	snop  }
0x325: {  	[spmem:s2] =	stream.indirect.scatter.add.f32 [tilespmem:s13], [sflag:$0x2], $0x10, s29, s7, $0xb8;
	[tilespmem:$0x14140] =	vst v63  }
0x326: {  	s1 =	simm.s32 $0x45F0  }
0x327: {  	[spmem:s2] =	stream.indirect.scatter.add.f32 [tilespmem:s15], [sflag:$0x2], $0x10, s1, s7, $0xb8;
	[tilespmem:$0x14140] =	vst v63  }
0x328: {  	s4 =	simm.s32 $0x4670  }
0x329: {  	[spmem:s2] =	stream.indirect.scatter.add.f32 [tilespmem:s16], [sflag:$0x2], $0x10, s4, s7, $0xb8;
	[tilespmem:$0x14140] =	vst v63  }
0x32a: {  	s5 =	simm.s32 $0x46F0  }
0x32b: {  	[spmem:s2] =	stream.indirect.scatter.add.f32 [tilespmem:s17], [sflag:$0x2], $0x10, s5, s21, $0xb8;
	[tilespmem:$0x14140] =	vst v63  }
0x32c: {  	_ =	swait.ge [sflag:s6], $0x800  }
0x32d: {  	[sflag:s6] =	ssyncset.done $0x0  }
0x32e: {  	[sflag:s6] =	ssyncadd.s32 $0xFFFFF800  }
0x32f: {  	_ =	swait.ge [sflag:s6], $0x800  }
0x330: {  	[sflag:s6] =	ssyncset.done $0x0  }
0x331: {  	[sflag:s6] =	ssyncadd.s32 $0xFFFFF800  }
0x332: {  	_ =	swait.ge [sflag:s6], $0x800  }
0x333: {  	[sflag:s6] =	ssyncset.done $0x0  }
0x334: {  	[sflag:s6] =	ssyncadd.s32 $0xFFFFF800  }
0x335: {  	_ =	swait.ge [sflag:s6], $0x800  }
0x336: {  	[sflag:s6] =	ssyncset.done $0x0  }
0x337: {  	[sflag:s6] =	ssyncadd.s32 $0xFFFFF800  }
0x338: {  	_ =	swait.ge [sflag:s6], $0x800  }
0x339: {  	[sflag:s6] =	ssyncset.done $0x0  }
0x33a: {  	[sflag:s6] =	ssyncadd.s32 $0xFFFFF800  }
0x33b: {  	_ =	swait.ge [sflag:s6], $0x800  }
0x33c: {  	[sflag:s6] =	ssyncset.done $0x0  }
0x33d: {  	[sflag:s6] =	ssyncadd.s32 $0xFFFFF800  }
0x33e: {  	_ =	swait.ge [sflag:s6], $0x800  }
0x33f: {  	[sflag:s6] =	ssyncset.done $0x0  }
0x340: {  	[sflag:s6] =	ssyncadd.s32 $0xFFFFF800  }
0x341: {  	_ =	swait.ge [sflag:s6], $0x800  }
0x342: {  	[sflag:s6] =	ssyncset.done $0x0  }
0x343: {  	[sflag:s6] =	ssyncadd.s32 $0xFFFFF800  }
0x344: {  	_ =	swait.ge [sflag:s6], $0x800  }
0x345: {  	[sflag:s6] =	ssyncset.done $0x0  }
0x346: {  	[sflag:s6] =	ssyncadd.s32 $0xFFFFF800  }
0x347: {  	_ =	swait.ge [sflag:s6], $0x800  }
0x348: {  	[sflag:s6] =	ssyncset.done $0x0  }
0x349: {  	[sflag:s6] =	ssyncadd.s32 $0xFFFFF800  }
0x34a: {  	_ =	swait.ge [sflag:s6], $0x800  }
0x34b: {  	[sflag:s6] =	ssyncset.done $0x0  }
0x34c: {  	[sflag:s6] =	ssyncadd.s32 $0xFFFFF800  }
0x34d: {  	_ =	swait.ge [sflag:s6], $0x800  }
0x34e: {  	[sflag:s6] =	ssyncset.done $0x0  }
0x34f: {  	[sflag:s6] =	ssyncadd.s32 $0xFFFFF800  }
0x350: {  	_ =	swait.ge [sflag:s6], $0x800  }
0x351: {  	[sflag:s6] =	ssyncset.done $0x0  }
0x352: {  	[sflag:s6] =	ssyncadd.s32 $0xFFFFF800  }
0x353: {  	_ =	swait.ge [sflag:s6], $0x800  }
0x354: {  	[sflag:s6] =	ssyncset.done $0x0  }
0x355: {  	[sflag:s6] =	ssyncadd.s32 $0xFFFFF800  }
0x356: {  	_ =	swait.ge [sflag:s6], $0x800  }
0x357: {  	[sflag:s6] =	ssyncset.done $0x0  }
0x358: {  	[sflag:s6] =	ssyncadd.s32 $0xFFFFF800  }
0x359: {  	_ =	swait.ge [sflag:s6], $0x500  }
0x35a: {  	[sflag:s6] =	ssyncset.done $0x0  }
0x35b: {  	[sflag:s6] =	ssyncadd.s32 $0xFFFFFB00  }
0x35c: {  	_ =	swait.ge [sflag:s9], $0xFA0  }
0x35d: {  	[sflag:s9] =	ssyncset.done $0x0  }
0x35e: {  	[sflag:s9] =	ssyncadd.s32 $0xFFFFF060  }
0x35f: {  	_ =	swait.ge [sflag:s9], $0x7D00  }
0x360: {  	[sflag:s9] =	ssyncset.done $0x0  }
0x361: {  	s8 =	simm.s32 $0x2FD0;
	s21 =	simm.s32 $0x4740;
	[sflag:s9] =	ssyncadd.s32 $0xFFFF8300  }
0x362: {  	[spmem:s2] =	stream.indirect.scatter.add.f32 [tilespmem:s21], [sflag:$0x2], $0x10, s8, s7, $0xb8;
	[tilespmem:$0x14140] =	vst v63  }
0x363: {  	s10 =	simm.s32 $0x4F40;
	s11 =	simm.s32 $0x3050  }
0x364: {  	[spmem:s2] =	stream.indirect.scatter.add.f32 [tilespmem:s10], [sflag:$0x2], $0x10, s11, s7, $0xb8;
	[tilespmem:$0x14140] =	vst v63  }
0x365: {  	s12 =	simm.s32 $0x5740;
	s13 =	simm.s32 $0x30D0  }
0x366: {  	[spmem:s2] =	stream.indirect.scatter.add.f32 [tilespmem:s12], [sflag:$0x2], $0x10, s13, s7, $0xb8;
	[tilespmem:$0x14140] =	vst v63  }
0x367: {  	s14 =	simm.s32 $0x5F40;
	s16 =	simm.s32 $0x3150  }
0x368: {  	[spmem:s2] =	stream.indirect.scatter.add.f32 [tilespmem:s14], [sflag:$0x2], $0x10, s16, s7, $0xb8;
	[tilespmem:$0x14140] =	vst v63  }
0x369: {  	s24 =	simm.s32 $0x31D0;
	s17 =	simm.s32 $0x6740  }
0x36a: {  	[spmem:s2] =	stream.indirect.scatter.add.f32 [tilespmem:s17], [sflag:$0x2], $0x10, s24, s7, $0xb8;
	[tilespmem:$0x14140] =	vst v63  }
0x36b: {  	s26 =	simm.s32 $0x6F40;
	s28 =	simm.s32 $0x3250  }
0x36c: {  	[spmem:s2] =	stream.indirect.scatter.add.f32 [tilespmem:s26], [sflag:$0x2], $0x10, s28, s7, $0xb8;
	[tilespmem:$0x14140] =	vst v63  }
0x36d: {  	s1 =	simm.s32 $0x7740;
	s4 =	simm.s32 $0x32D0  }
0x36e: {  	[spmem:s2] =	stream.indirect.scatter.add.f32 [tilespmem:s1], [sflag:$0x2], $0x10, s4, s7, $0xb8;
	[tilespmem:$0x14140] =	vst v63  }
0x36f: {  	s8 =	simm.s32 $0x7F40;
	s10 =	simm.s32 $0x3350  }
0x370: {  	[spmem:s2] =	stream.indirect.scatter.add.f32 [tilespmem:s8], [sflag:$0x2], $0x10, s10, s7, $0xb8;
	[tilespmem:$0x14140] =	vst v63  }
0x371: {  	s11 =	simm.s32 $0x8740;
	s12 =	simm.s32 $0x33D0  }
0x372: {  	[spmem:s2] =	stream.indirect.scatter.add.f32 [tilespmem:s11], [sflag:$0x2], $0x10, s12, s7, $0xb8;
	[tilespmem:$0x14140] =	vst v63  }
0x373: {  	s13 =	simm.s32 $0x8F40;
	s14 =	simm.s32 $0x3450  }
0x374: {  	[spmem:s2] =	stream.indirect.scatter.add.f32 [tilespmem:s13], [sflag:$0x2], $0x10, s14, s7, $0xb8;
	[tilespmem:$0x14140] =	vst v63  }
0x375: {  	s16 =	simm.s32 $0x9740;
	s17 =	simm.s32 $0x34D0  }
0x376: {  	[spmem:s2] =	stream.indirect.scatter.add.f32 [tilespmem:s16], [sflag:$0x2], $0x10, s17, s7, $0xb8;
	[tilespmem:$0x14140] =	vst v63  }
0x377: {  	s26 =	simm.s32 $0x9F40;
	s28 =	simm.s32 $0x3550  }
0x378: {  	[spmem:s2] =	stream.indirect.scatter.add.f32 [tilespmem:s26], [sflag:$0x2], $0x10, s28, s7, $0xb8;
	[tilespmem:$0x14140] =	vst v63  }
0x379: {  	s1 =	simm.s32 $0xA740;
	s8 =	simm.s32 $0x35D0  }
0x37a: {  	[spmem:s2] =	stream.indirect.scatter.add.f32 [tilespmem:s1], [sflag:$0x2], $0x10, s8, s7, $0xb8;
	[tilespmem:$0x14140] =	vst v63  }
0x37b: {  	s10 =	simm.s32 $0xAF40;
	s11 =	simm.s32 $0x3650  }
0x37c: {  	[spmem:s2] =	stream.indirect.scatter.add.f32 [tilespmem:s10], [sflag:$0x2], $0x10, s11, s7, $0xb8;
	[tilespmem:$0x14140] =	vst v63  }
0x37d: {  	s12 =	simm.s32 $0xB740;
	s13 =	simm.s32 $0x36D0  }
0x37e: {  	[spmem:s2] =	stream.indirect.scatter.add.f32 [tilespmem:s12], [sflag:$0x2], $0x10, s13, s7, $0xb8;
	[tilespmem:$0x14140] =	vst v63  }
0x37f: {  	s24 =	simm.s32 $0x50;
	s14 =	simm.s32 $0xBF40;
	s16 =	simm.s32 $0x3750  }
0x380: {  	[spmem:s2] =	stream.indirect.scatter.add.f32 [tilespmem:s14], [sflag:$0x2], $0x10, s16, s24, $0xb8;
	[tilespmem:$0x14140] =	vst v63  }
0x381: {  	s5 =	rddreg [dreg:$0x10];
	_ =	swait.ge [sflag:s6], $0x800  }
0x382: {  	[sflag:s6] =	ssyncset.done $0x0  }
0x383: {  	[sflag:s6] =	ssyncadd.s32 $0xFFFFF800  }
0x384: {  	_ =	swait.ge [sflag:s6], $0x800  }
0x385: {  	[sflag:s6] =	ssyncset.done $0x0  }
0x386: {  	[sflag:s6] =	ssyncadd.s32 $0xFFFFF800  }
0x387: {  	_ =	swait.ge [sflag:s6], $0x800  }
0x388: {  	[sflag:s6] =	ssyncset.done $0x0  }
0x389: {  	[sflag:s6] =	ssyncadd.s32 $0xFFFFF800  }
0x38a: {  	_ =	swait.ge [sflag:s6], $0x800  }
0x38b: {  	[sflag:s6] =	ssyncset.done $0x0  }
0x38c: {  	[sflag:s6] =	ssyncadd.s32 $0xFFFFF800  }
0x38d: {  	_ =	swait.ge [sflag:s6], $0x800  }
0x38e: {  	[sflag:s6] =	ssyncset.done $0x0  }
0x38f: {  	[sflag:s6] =	ssyncadd.s32 $0xFFFFF800  }
0x390: {  	_ =	swait.ge [sflag:s6], $0x800  }
0x391: {  	[sflag:s6] =	ssyncset.done $0x0  }
0x392: {  	[sflag:s6] =	ssyncadd.s32 $0xFFFFF800  }
0x393: {  	_ =	swait.ge [sflag:s6], $0x800  }
0x394: {  	[sflag:s6] =	ssyncset.done $0x0  }
0x395: {  	[sflag:s6] =	ssyncadd.s32 $0xFFFFF800  }
0x396: {  	_ =	swait.ge [sflag:s6], $0x800  }
0x397: {  	[sflag:s6] =	ssyncset.done $0x0  }
0x398: {  	[sflag:s6] =	ssyncadd.s32 $0xFFFFF800  }
0x399: {  	_ =	swait.ge [sflag:s6], $0x800  }
0x39a: {  	[sflag:s6] =	ssyncset.done $0x0  }
0x39b: {  	[sflag:s6] =	ssyncadd.s32 $0xFFFFF800  }
0x39c: {  	_ =	swait.ge [sflag:s6], $0x800  }
0x39d: {  	[sflag:s6] =	ssyncset.done $0x0  }
0x39e: {  	[sflag:s6] =	ssyncadd.s32 $0xFFFFF800  }
0x39f: {  	_ =	swait.ge [sflag:s6], $0x800  }
0x3a0: {  	[sflag:s6] =	ssyncset.done $0x0  }
0x3a1: {  	[sflag:s6] =	ssyncadd.s32 $0xFFFFF800  }
0x3a2: {  	_ =	swait.ge [sflag:s6], $0x800  }
0x3a3: {  	[sflag:s6] =	ssyncset.done $0x0  }
0x3a4: {  	[sflag:s6] =	ssyncadd.s32 $0xFFFFF800  }
0x3a5: {  	_ =	swait.ge [sflag:s6], $0x800  }
0x3a6: {  	[sflag:s6] =	ssyncset.done $0x0  }
0x3a7: {  	[sflag:s6] =	ssyncadd.s32 $0xFFFFF800  }
0x3a8: {  	_ =	swait.ge [sflag:s6], $0x800  }
0x3a9: {  	[sflag:s6] =	ssyncset.done $0x0  }
0x3aa: {  	[sflag:s6] =	ssyncadd.s32 $0xFFFFF800  }
0x3ab: {  	_ =	swait.ge [sflag:s6], $0x800  }
0x3ac: {  	[sflag:s6] =	ssyncset.done $0x0  }
0x3ad: {  	[sflag:s6] =	ssyncadd.s32 $0xFFFFF800  }
0x3ae: {  	_ =	swait.ge [sflag:s6], $0x500  }
0x3af: {  	[sflag:s6] =	ssyncset.done $0x0  }
0x3b0: {  	[sflag:s6] =	ssyncadd.s32 $0xFFFFFB00  }
0x3b1: {  	p1 =	sne.s32 s25, $0x1;
	[bflag:$0x0] =	sbarrier.arrive $0xFFFF  }
.Ltmp2:
0x3b2: {  	s17 =	rddreg [dreg:$0xf];
	(pc) =	sbr.rel @p1 .LBB2_3-.Ltmp2, $4  }
0x3b3: {  	s4 =	simm.s32 $0x3;
	s28 =	rddreg [dreg:$0x11]  }
0x3b4: {  	[hbm:s17], [sflag:s28] =	dma.local [spmem:s5], $0x500  }
0x3b5: {  	_ =	swait.ge [sflag:s4], $0x500  }
0x3b6: {  	s25 =	sadd.s32 $0xFFFFFFFF, s25;
	s26 =	rddreg [dreg:$0x4];
	[sflag:s4] =	ssyncset.done $0x0  }
0x3b7: {  	s31 =	rddreg [dreg:$0x11];
	s14 =	simm.s32 $0xC440  }
0x3b8: {  	s18 =	simm.s32 $0x0;
	s1 =	simm.s32 $0x7D0;
	s22 =	simm.s32 $0x4E200  }
.LBB2_5:
0x3b9: {  	[sflag:s4] =	ssyncadd.s32 @p0 $0xFFFFFB00  }
0x3ba: {  	[spmem:s5], [sflag:s31] =	dma.local [hbm:s26], $0x500  }
0x3bb: {  	_ =	swait.ge [sflag:s4], $0x500  }
0x3bc: {  	[sflag:s4] =	ssyncset.done $0x0  }
0x3bd: {  	[sflag:s4] =	ssyncadd.s32 $0xFFFFFB00  }
0x3be: {  	[bflag:$0x0] =	sbarrier.arrive $0xFFFF  }
0x3bf: {  	s0 =	simm.s32 $0x2800;
	s25 =	rddreg [dreg:$0x5]  }
0x3c0: {  	[tilespmem:s0], [sflag:$0x1] =	stream.strided.gather [hbm4b:s25+s1], $0xFA0, s22, s1, $0x38;
	[tilespmem:$0x14140] =	vst v63  }
0x3c1: {  	s8 =	rddreg [dreg:$0x6]  }
0x3c2: {  	[tilespmem:s21], [sflag:$0x1] =	stream.linear.gather [hbm4b:s8+s18], $0x7D00, $0x38;
	[tilespmem:$0x14140] =	vst v63  }
0x3c3: {  	_ =	swait.ge [sflag:s9], $0xFA0  }
0x3c4: {  	[sflag:s9] =	ssyncset.done $0x0  }
0x3c5: {  	[sflag:s9] =	ssyncadd.s32 $0xFFFFF060  }
0x3c6: {  	_ =	swait.ge [sflag:s9], $0x7D00  }
0x3c7: {  	[sflag:s9] =	ssyncset.done $0x0  }
0x3c8: {  	s0 =	simm.s32 $0x37A0;
	s11 =	rddreg [dreg:$0x7];
	[sflag:s9] =	ssyncadd.s32 $0xFFFF8300  }
0x3c9: {  	[tilespmem:s0], [sflag:$0x1] =	stream.strided.gather [hbm4b:s11+s1], $0xFA0, s22, s1, $0x38;
	[tilespmem:$0x14140] =	vst v63  }
0x3ca: {  	s12 =	rddreg [dreg:$0x8]  }
0x3cb: {  	[tilespmem:s14], [sflag:$0x1] =	stream.linear.gather [hbm4b:s12+s18], $0x7D00, $0x38;
	[tilespmem:$0x14140] =	vst v63  }
0x3cc: {  	s3 =	simm.s32 $0x2FD0  }
0x3cd: {  	[spmem:s2] =	stream.indirect.scatter.add.f32 [tilespmem:s21], [sflag:$0x2], $0x10, s3, s7, $0xb8;
	[tilespmem:$0x14140] =	vst v63  }
0x3ce: {  	s13 =	simm.s32 $0x3050;
	s8 =	simm.s32 $0x4F40  }
0x3cf: {  	[spmem:s2] =	stream.indirect.scatter.add.f32 [tilespmem:s8], [sflag:$0x2], $0x10, s13, s7, $0xb8;
	[tilespmem:$0x14140] =	vst v63  }
0x3d0: {  	s15 =	simm.s32 $0x30D0;
	s16 =	simm.s32 $0x5740  }
0x3d1: {  	[spmem:s2] =	stream.indirect.scatter.add.f32 [tilespmem:s16], [sflag:$0x2], $0x10, s15, s7, $0xb8;
	[tilespmem:$0x14140] =	vst v63  }
0x3d2: {  	s17 =	simm.s32 $0x3150;
	s19 =	simm.s32 $0x5F40  }
0x3d3: {  	[spmem:s2] =	stream.indirect.scatter.add.f32 [tilespmem:s19], [sflag:$0x2], $0x10, s17, s7, $0xb8;
	[tilespmem:$0x14140] =	vst v63  }
0x3d4: {  	s20 =	simm.s32 $0x31D0;
	s23 =	simm.s32 $0x6740  }
0x3d5: {  	[spmem:s2] =	stream.indirect.scatter.add.f32 [tilespmem:s23], [sflag:$0x2], $0x10, s20, s7, $0xb8;
	[tilespmem:$0x14140] =	vst v63  }
0x3d6: {  	s26 =	simm.s32 $0x6F40;
	s25 =	simm.s32 $0x3250  }
0x3d7: {  	[spmem:s2] =	stream.indirect.scatter.add.f32 [tilespmem:s26], [sflag:$0x2], $0x10, s25, s7, $0xb8;
	[tilespmem:$0x14140] =	vst v63  }
0x3d8: {  	s28 =	simm.s32 $0x32D0;
	s29 =	simm.s32 $0x7740  }
0x3d9: {  	[spmem:s2] =	stream.indirect.scatter.add.f32 [tilespmem:s29], [sflag:$0x2], $0x10, s28, s7, $0xb8;
	[tilespmem:$0x14140] =	vst v63  }
0x3da: {  	s30 =	simm.s32 $0x3350;
	s31 =	simm.s32 $0x7F40  }
0x3db: {  	[spmem:s2] =	stream.indirect.scatter.add.f32 [tilespmem:s31], [sflag:$0x2], $0x10, s30, s7, $0xb8;
	[tilespmem:$0x14140] =	vst v63  }
0x3dc: {  	s11 =	simm.s32 $0x8740;
	s8 =	simm.s32 $0x33D0  }
0x3dd: {  	[spmem:s2] =	stream.indirect.scatter.add.f32 [tilespmem:s11], [sflag:$0x2], $0x10, s8, s7, $0xb8;
	[tilespmem:$0x14140] =	vst v63  }
0x3de: {  	s12 =	simm.s32 $0x3450;
	s13 =	simm.s32 $0x8F40  }
0x3df: {  	[spmem:s2] =	stream.indirect.scatter.add.f32 [tilespmem:s13], [sflag:$0x2], $0x10, s12, s7, $0xb8;
	[tilespmem:$0x14140] =	vst v63  }
0x3e0: {  	s15 =	simm.s32 $0x34D0;
	s16 =	simm.s32 $0x9740  }
0x3e1: {  	[spmem:s2] =	stream.indirect.scatter.add.f32 [tilespmem:s16], [sflag:$0x2], $0x10, s15, s7, $0xb8;
	[tilespmem:$0x14140] =	vst v63  }
0x3e2: {  	s17 =	simm.s32 $0x3550;
	s19 =	simm.s32 $0x9F40  }
0x3e3: {  	[spmem:s2] =	stream.indirect.scatter.add.f32 [tilespmem:s19], [sflag:$0x2], $0x10, s17, s7, $0xb8;
	[tilespmem:$0x14140] =	vst v63  }
0x3e4: {  	s20 =	simm.s32 $0x35D0;
	s23 =	simm.s32 $0xA740  }
0x3e5: {  	[spmem:s2] =	stream.indirect.scatter.add.f32 [tilespmem:s23], [sflag:$0x2], $0x10, s20, s7, $0xb8;
	[tilespmem:$0x14140] =	vst v63  }
0x3e6: {  	s25 =	simm.s32 $0x3650;
	s26 =	simm.s32 $0xAF40  }
0x3e7: {  	[spmem:s2] =	stream.indirect.scatter.add.f32 [tilespmem:s26], [sflag:$0x2], $0x10, s25, s7, $0xb8;
	[tilespmem:$0x14140] =	vst v63  }
0x3e8: {  	s28 =	simm.s32 $0x36D0;
	s29 =	simm.s32 $0xB740  }
0x3e9: {  	[spmem:s2] =	stream.indirect.scatter.add.f32 [tilespmem:s29], [sflag:$0x2], $0x10, s28, s7, $0xb8;
	[tilespmem:$0x14140] =	vst v63  }
0x3ea: {  	s30 =	simm.s32 $0x3750;
	s31 =	simm.s32 $0xBF40  }
0x3eb: {  	[spmem:s2] =	stream.indirect.scatter.add.f32 [tilespmem:s31], [sflag:$0x2], $0x10, s30, s24, $0xb8;
	[tilespmem:$0x14140] =	vst v63  }
0x3ec: {  	_ =	swait.ge [sflag:s6], $0x800  }
0x3ed: {  	[sflag:s6] =	ssyncset.done $0x0  }
0x3ee: {  	[sflag:s6] =	ssyncadd.s32 $0xFFFFF800  }
0x3ef: {  	_ =	swait.ge [sflag:s6], $0x800  }
0x3f0: {  	[sflag:s6] =	ssyncset.done $0x0  }
0x3f1: {  	[sflag:s6] =	ssyncadd.s32 $0xFFFFF800  }
0x3f2: {  	_ =	swait.ge [sflag:s6], $0x800  }
0x3f3: {  	[sflag:s6] =	ssyncset.done $0x0  }
0x3f4: {  	[sflag:s6] =	ssyncadd.s32 $0xFFFFF800  }
0x3f5: {  	_ =	swait.ge [sflag:s6], $0x800  }
0x3f6: {  	[sflag:s6] =	ssyncset.done $0x0  }
0x3f7: {  	[sflag:s6] =	ssyncadd.s32 $0xFFFFF800  }
0x3f8: {  	_ =	swait.ge [sflag:s6], $0x800  }
0x3f9: {  	[sflag:s6] =	ssyncset.done $0x0  }
0x3fa: {  	[sflag:s6] =	ssyncadd.s32 $0xFFFFF800  }
0x3fb: {  	_ =	swait.ge [sflag:s6], $0x800  }
0x3fc: {  	[sflag:s6] =	ssyncset.done $0x0  }
0x3fd: {  	[sflag:s6] =	ssyncadd.s32 $0xFFFFF800  }
0x3fe: {  	_ =	swait.ge [sflag:s6], $0x800  }
0x3ff: {  	[sflag:s6] =	ssyncset.done $0x0  }
0x400: {  	[sflag:s6] =	ssyncadd.s32 $0xFFFFF800  }
0x401: {  	_ =	swait.ge [sflag:s6], $0x800  }
0x402: {  	[sflag:s6] =	ssyncset.done $0x0  }
0x403: {  	[sflag:s6] =	ssyncadd.s32 $0xFFFFF800  }
0x404: {  	_ =	swait.ge [sflag:s6], $0x800  }
0x405: {  	[sflag:s6] =	ssyncset.done $0x0  }
0x406: {  	[sflag:s6] =	ssyncadd.s32 $0xFFFFF800  }
0x407: {  	_ =	swait.ge [sflag:s6], $0x800  }
0x408: {  	[sflag:s6] =	ssyncset.done $0x0  }
0x409: {  	[sflag:s6] =	ssyncadd.s32 $0xFFFFF800  }
0x40a: {  	_ =	swait.ge [sflag:s6], $0x800  }
0x40b: {  	[sflag:s6] =	ssyncset.done $0x0  }
0x40c: {  	[sflag:s6] =	ssyncadd.s32 $0xFFFFF800  }
0x40d: {  	_ =	swait.ge [sflag:s6], $0x800  }
0x40e: {  	[sflag:s6] =	ssyncset.done $0x0  }
0x40f: {  	[sflag:s6] =	ssyncadd.s32 $0xFFFFF800  }
0x410: {  	_ =	swait.ge [sflag:s6], $0x800  }
0x411: {  	[sflag:s6] =	ssyncset.done $0x0  }
0x412: {  	[sflag:s6] =	ssyncadd.s32 $0xFFFFF800  }
0x413: {  	_ =	swait.ge [sflag:s6], $0x800  }
0x414: {  	[sflag:s6] =	ssyncset.done $0x0  }
0x415: {  	[sflag:s6] =	ssyncadd.s32 $0xFFFFF800  }
0x416: {  	_ =	swait.ge [sflag:s6], $0x800  }
0x417: {  	[sflag:s6] =	ssyncset.done $0x0  }
0x418: {  	[sflag:s6] =	ssyncadd.s32 $0xFFFFF800  }
0x419: {  	_ =	swait.ge [sflag:s6], $0x500  }
0x41a: {  	[sflag:s6] =	ssyncset.done $0x0  }
0x41b: {  	[sflag:s6] =	ssyncadd.s32 $0xFFFFFB00  }
0x41c: {  	_ =	swait.ge [sflag:s9], $0xFA0  }
0x41d: {  	[sflag:s9] =	ssyncset.done $0x0  }
0x41e: {  	[sflag:s9] =	ssyncadd.s32 $0xFFFFF060  }
0x41f: {  	_ =	swait.ge [sflag:s9], $0x7D00  }
0x420: {  	[sflag:s9] =	ssyncset.done $0x0  }
0x421: {  	s10 =	simm.s32 $0x2800;
	s3 =	rddreg [dreg:$0x9];
	[sflag:s9] =	ssyncadd.s32 $0xFFFF8300  }
0x422: {  	[tilespmem:s10], [sflag:$0x1] =	stream.strided.gather [hbm4b:s3+s1], $0xFA0, s22, s1, $0x38;
	[tilespmem:$0x14140] =	vst v63  }
0x423: {  	s8 =	rddreg [dreg:$0xa]  }
0x424: {  	[tilespmem:s21], [sflag:$0x1] =	stream.linear.gather [hbm4b:s8+s18], $0x7D00, $0x38;
	[tilespmem:$0x14140] =	vst v63  }
0x425: {  	s10 =	simm.s32 $0x3F70  }
0x426: {  	[spmem:s2] =	stream.indirect.scatter.add.f32 [tilespmem:s14], [sflag:$0x2], $0x10, s10, s7, $0xb8;
	[tilespmem:$0x14140] =	vst v63  }
0x427: {  	s11 =	simm.s32 $0x3FF0;
	s28 =	simm.s32 $0xCC40  }
0x428: {  	[spmem:s2] =	stream.indirect.scatter.add.f32 [tilespmem:s28], [sflag:$0x2], $0x10, s11, s7, $0xb8;
	[tilespmem:$0x14140] =	vst v63  }
0x429: {  	s12 =	simm.s32 $0x4070;
	s29 =	simm.s32 $0xD440  }
0x42a: {  	[spmem:s2] =	stream.indirect.scatter.add.f32 [tilespmem:s29], [sflag:$0x2], $0x10, s12, s7, $0xb8;
	[tilespmem:$0x14140] =	vst v63  }
0x42b: {  	s13 =	simm.s32 $0x40F0;
	s30 =	simm.s32 $0xDC40  }
0x42c: {  	[spmem:s2] =	stream.indirect.scatter.add.f32 [tilespmem:s30], [sflag:$0x2], $0x10, s13, s7, $0xb8;
	[tilespmem:$0x14140] =	vst v63  }
0x42d: {  	s15 =	simm.s32 $0x4170;
	s31 =	simm.s32 $0xE440  }
0x42e: {  	[spmem:s2] =	stream.indirect.scatter.add.f32 [tilespmem:s31], [sflag:$0x2], $0x10, s15, s7, $0xb8;
	[tilespmem:$0x14140] =	vst v63  }
0x42f: {  	s16 =	simm.s32 $0x41F0;
	s17 =	simm.s32 $0xEC40  }
0x430: {  	[spmem:s2] =	stream.indirect.scatter.add.f32 [tilespmem:s17], [sflag:$0x2], $0x10, s16, s7, $0xb8;
	[tilespmem:$0x14140] =	vst v63  }
0x431: {  	s19 =	simm.s32 $0x4270;
	s12 =	simm.s32 $0xF440  }
0x432: {  	[spmem:s2] =	stream.indirect.scatter.add.f32 [tilespmem:s12], [sflag:$0x2], $0x10, s19, s7, $0xb8;
	[tilespmem:$0x14140] =	vst v63  }
0x433: {  	s20 =	simm.s32 $0x42F0;
	s13 =	simm.s32 $0xFC40  }
0x434: {  	[spmem:s2] =	stream.indirect.scatter.add.f32 [tilespmem:s13], [sflag:$0x2], $0x10, s20, s7, $0xb8;
	[tilespmem:$0x14140] =	vst v63  }
0x435: {  	s23 =	simm.s32 $0x4370;
	s15 =	simm.s32 $0x10440  }
0x436: {  	[spmem:s2] =	stream.indirect.scatter.add.f32 [tilespmem:s15], [sflag:$0x2], $0x10, s23, s7, $0xb8;
	[tilespmem:$0x14140] =	vst v63  }
0x437: {  	s25 =	simm.s32 $0x43F0;
	s16 =	simm.s32 $0x10C40  }
0x438: {  	[spmem:s2] =	stream.indirect.scatter.add.f32 [tilespmem:s16], [sflag:$0x2], $0x10, s25, s7, $0xb8;
	[tilespmem:$0x14140] =	vst v63  }
0x439: {  	s26 =	simm.s32 $0x4470;
	s17 =	simm.s32 $0x11440  }
0x43a: {  	[spmem:s2] =	stream.indirect.scatter.add.f32 [tilespmem:s17], [sflag:$0x2], $0x10, s26, s7, $0xb8;
	[tilespmem:$0x14140] =	vst v63  }
0x43b: {  	s3 =	simm.s32 $0x44F0;
	s19 =	simm.s32 $0x11C40  }
0x43c: {  	[spmem:s2] =	stream.indirect.scatter.add.f32 [tilespmem:s19], [sflag:$0x2], $0x10, s3, s7, $0xb8;
	[tilespmem:$0x14140] =	vst v63  }
0x43d: {  	s10 =	simm.s32 $0x4570;
	s20 =	simm.s32 $0x12440  }
0x43e: {  	[spmem:s2] =	stream.indirect.scatter.add.f32 [tilespmem:s20], [sflag:$0x2], $0x10, s10, s7, $0xb8;
	[tilespmem:$0x14140] =	vst v63  }
0x43f: {  	s11 =	simm.s32 $0x45F0;
	s23 =	simm.s32 $0x12C40  }
0x440: {  	[spmem:s2] =	stream.indirect.scatter.add.f32 [tilespmem:s23], [sflag:$0x2], $0x10, s11, s7, $0xb8;
	[tilespmem:$0x14140] =	vst v63  }
0x441: {  	s25 =	simm.s32 $0x4670;
	s3 =	simm.s32 $0x13440  }
0x442: {  	[spmem:s2] =	stream.indirect.scatter.add.f32 [tilespmem:s3], [sflag:$0x2], $0x10, s25, s7, $0xb8;
	[tilespmem:$0x14140] =	vst v63  }
0x443: {  	s1 =	simm.s32 $0x13C40;
	s10 =	simm.s32 $0x46F0  }
0x444: {  	[spmem:s2] =	stream.indirect.scatter.add.f32 [tilespmem:s1], [sflag:$0x2], $0x10, s10, s24, $0xb8;
	[tilespmem:$0x14140] =	vst v63  }
0x445: {  	_ =	swait.ge [sflag:s6], $0x800  }
0x446: {  	[sflag:s6] =	ssyncset.done $0x0  }
0x447: {  	[sflag:s6] =	ssyncadd.s32 $0xFFFFF800  }
0x448: {  	_ =	swait.ge [sflag:s6], $0x800  }
0x449: {  	[sflag:s6] =	ssyncset.done $0x0  }
0x44a: {  	[sflag:s6] =	ssyncadd.s32 $0xFFFFF800  }
0x44b: {  	_ =	swait.ge [sflag:s6], $0x800  }
0x44c: {  	[sflag:s6] =	ssyncset.done $0x0  }
0x44d: {  	[sflag:s6] =	ssyncadd.s32 $0xFFFFF800  }
0x44e: {  	_ =	swait.ge [sflag:s6], $0x800  }
0x44f: {  	[sflag:s6] =	ssyncset.done $0x0  }
0x450: {  	[sflag:s6] =	ssyncadd.s32 $0xFFFFF800  }
0x451: {  	_ =	swait.ge [sflag:s6], $0x800  }
0x452: {  	[sflag:s6] =	ssyncset.done $0x0  }
0x453: {  	[sflag:s6] =	ssyncadd.s32 $0xFFFFF800  }
0x454: {  	_ =	swait.ge [sflag:s6], $0x800  }
0x455: {  	[sflag:s6] =	ssyncset.done $0x0  }
0x456: {  	[sflag:s6] =	ssyncadd.s32 $0xFFFFF800  }
0x457: {  	_ =	swait.ge [sflag:s6], $0x800  }
0x458: {  	[sflag:s6] =	ssyncset.done $0x0  }
0x459: {  	[sflag:s6] =	ssyncadd.s32 $0xFFFFF800  }
0x45a: {  	_ =	swait.ge [sflag:s6], $0x800  }
0x45b: {  	[sflag:s6] =	ssyncset.done $0x0  }
0x45c: {  	[sflag:s6] =	ssyncadd.s32 $0xFFFFF800  }
0x45d: {  	_ =	swait.ge [sflag:s6], $0x800  }
0x45e: {  	[sflag:s6] =	ssyncset.done $0x0  }
0x45f: {  	[sflag:s6] =	ssyncadd.s32 $0xFFFFF800  }
0x460: {  	_ =	swait.ge [sflag:s6], $0x800  }
0x461: {  	[sflag:s6] =	ssyncset.done $0x0  }
0x462: {  	[sflag:s6] =	ssyncadd.s32 $0xFFFFF800  }
0x463: {  	_ =	swait.ge [sflag:s6], $0x800  }
0x464: {  	[sflag:s6] =	ssyncset.done $0x0  }
0x465: {  	[sflag:s6] =	ssyncadd.s32 $0xFFFFF800  }
0x466: {  	_ =	swait.ge [sflag:s6], $0x800  }
0x467: {  	[sflag:s6] =	ssyncset.done $0x0  }
0x468: {  	[sflag:s6] =	ssyncadd.s32 $0xFFFFF800  }
0x469: {  	_ =	swait.ge [sflag:s6], $0x800  }
0x46a: {  	[sflag:s6] =	ssyncset.done $0x0  }
0x46b: {  	[sflag:s6] =	ssyncadd.s32 $0xFFFFF800  }
0x46c: {  	_ =	swait.ge [sflag:s6], $0x800  }
0x46d: {  	[sflag:s6] =	ssyncset.done $0x0  }
0x46e: {  	[sflag:s6] =	ssyncadd.s32 $0xFFFFF800  }
0x46f: {  	_ =	swait.ge [sflag:s6], $0x800  }
0x470: {  	[sflag:s6] =	ssyncset.done $0x0  }
0x471: {  	[sflag:s6] =	ssyncadd.s32 $0xFFFFF800  }
0x472: {  	_ =	swait.ge [sflag:s6], $0x500  }
0x473: {  	[sflag:s6] =	ssyncset.done $0x0  }
0x474: {  	[sflag:s6] =	ssyncadd.s32 $0xFFFFFB00  }
0x475: {  	_ =	swait.ge [sflag:s9], $0xFA0  }
0x476: {  	[sflag:s9] =	ssyncset.done $0x0  }
0x477: {  	[sflag:s9] =	ssyncadd.s32 $0xFFFFF060  }
0x478: {  	_ =	swait.ge [sflag:s9], $0x7D00  }
0x479: {  	[sflag:s9] =	ssyncset.done $0x0  }
0x47a: {  	s21 =	simm.s32 $0x7D0;
	s26 =	rddreg [dreg:$0xb];
	[sflag:s9] =	ssyncadd.s32 $0xFFFF8300  }
0x47b: {  	[tilespmem:s0], [sflag:$0x1] =	stream.strided.gather [hbm4b:s26+s21], $0xFA0, s22, s21, $0x38;
	[tilespmem:$0x14140] =	vst v63  }
0x47c: {  	s11 =	rddreg [dreg:$0xc]  }
0x47d: {  	[tilespmem:s14], [sflag:$0x1] =	stream.linear.gather [hbm4b:s11+s18], $0x7D00, $0x38;
	[tilespmem:$0x14140] =	vst v63  }
0x47e: {  	s8 =	simm.s32 $0x4740;
	s26 =	simm.s32 $0x2FD0  }
0x47f: {  	[spmem:s2] =	stream.indirect.scatter.add.f32 [tilespmem:s8], [sflag:$0x2], $0x10, s26, s7, $0xb8;
	[tilespmem:$0x14140] =	vst v63  }
0x480: {  	s0 =	simm.s32 $0x3050;
	s8 =	simm.s32 $0x4F40  }
0x481: {  	[spmem:s2] =	stream.indirect.scatter.add.f32 [tilespmem:s8], [sflag:$0x2], $0x10, s0, s7, $0xb8;
	[tilespmem:$0x14140] =	vst v63  }
0x482: {  	s26 =	simm.s32 $0x30D0;
	s8 =	simm.s32 $0x5740  }
0x483: {  	[spmem:s2] =	stream.indirect.scatter.add.f32 [tilespmem:s8], [sflag:$0x2], $0x10, s26, s7, $0xb8;
	[tilespmem:$0x14140] =	vst v63  }
0x484: {  	s25 =	simm.s32 $0x3150;
	s26 =	simm.s32 $0x5F40  }
0x485: {  	[spmem:s2] =	stream.indirect.scatter.add.f32 [tilespmem:s26], [sflag:$0x2], $0x10, s25, s7, $0xb8;
	[tilespmem:$0x14140] =	vst v63  }
0x486: {  	s0 =	simm.s32 $0x31D0;
	s8 =	simm.s32 $0x6740  }
0x487: {  	[spmem:s2] =	stream.indirect.scatter.add.f32 [tilespmem:s8], [sflag:$0x2], $0x10, s0, s7, $0xb8;
	[tilespmem:$0x14140] =	vst v63  }
0x488: {  	s26 =	simm.s32 $0x3250;
	s8 =	simm.s32 $0x6F40  }
0x489: {  	[spmem:s2] =	stream.indirect.scatter.add.f32 [tilespmem:s8], [sflag:$0x2], $0x10, s26, s7, $0xb8;
	[tilespmem:$0x14140] =	vst v63  }
0x48a: {  	s26 =	simm.s32 $0x32D0;
	s8 =	simm.s32 $0x7740  }
0x48b: {  	[spmem:s2] =	stream.indirect.scatter.add.f32 [tilespmem:s8], [sflag:$0x2], $0x10, s26, s7, $0xb8;
	[tilespmem:$0x14140] =	vst v63  }
0x48c: {  	s25 =	simm.s32 $0x3350;
	s26 =	simm.s32 $0x7F40  }
0x48d: {  	[spmem:s2] =	stream.indirect.scatter.add.f32 [tilespmem:s26], [sflag:$0x2], $0x10, s25, s7, $0xb8;
	[tilespmem:$0x14140] =	vst v63  }
0x48e: {  	s8 =	simm.s32 $0x33D0;
	s26 =	simm.s32 $0x8740  }
0x48f: {  	[spmem:s2] =	stream.indirect.scatter.add.f32 [tilespmem:s26], [sflag:$0x2], $0x10, s8, s7, $0xb8;
	[tilespmem:$0x14140] =	vst v63  }
0x490: {  	s0 =	simm.s32 $0x8F40;
	s8 =	simm.s32 $0x3450  }
0x491: {  	[spmem:s2] =	stream.indirect.scatter.add.f32 [tilespmem:s0], [sflag:$0x2], $0x10, s8, s7, $0xb8;
	[tilespmem:$0x14140] =	vst v63  }
0x492: {  	s26 =	simm.s32 $0x34D0;
	s8 =	simm.s32 $0x9740  }
0x493: {  	[spmem:s2] =	stream.indirect.scatter.add.f32 [tilespmem:s8], [sflag:$0x2], $0x10, s26, s7, $0xb8;
	[tilespmem:$0x14140] =	vst v63  }
0x494: {  	s26 =	simm.s32 $0x3550;
	s8 =	simm.s32 $0x9F40  }
0x495: {  	[spmem:s2] =	stream.indirect.scatter.add.f32 [tilespmem:s8], [sflag:$0x2], $0x10, s26, s7, $0xb8;
	[tilespmem:$0x14140] =	vst v63  }
0x496: {  	s26 =	simm.s32 $0x35D0;
	s8 =	simm.s32 $0xA740  }
0x497: {  	[spmem:s2] =	stream.indirect.scatter.add.f32 [tilespmem:s8], [sflag:$0x2], $0x10, s26, s7, $0xb8;
	[tilespmem:$0x14140] =	vst v63  }
0x498: {  	s26 =	simm.s32 $0x3650;
	s8 =	simm.s32 $0xAF40  }
0x499: {  	[spmem:s2] =	stream.indirect.scatter.add.f32 [tilespmem:s8], [sflag:$0x2], $0x10, s26, s7, $0xb8;
	[tilespmem:$0x14140] =	vst v63  }
0x49a: {  	s26 =	simm.s32 $0x36D0;
	s8 =	simm.s32 $0xB740  }
0x49b: {  	[spmem:s2] =	stream.indirect.scatter.add.f32 [tilespmem:s8], [sflag:$0x2], $0x10, s26, s7, $0xb8;
	[tilespmem:$0x14140] =	vst v63  }
0x49c: {  	s26 =	simm.s32 $0x3750;
	s8 =	simm.s32 $0xBF40  }
0x49d: {  	[spmem:s2] =	stream.indirect.scatter.add.f32 [tilespmem:s8], [sflag:$0x2], $0x10, s26, s24, $0xb8;
	[tilespmem:$0x14140] =	vst v63  }
0x49e: {  	_ =	swait.ge [sflag:s6], $0x800  }
0x49f: {  	[sflag:s6] =	ssyncset.done $0x0  }
0x4a0: {  	[sflag:s6] =	ssyncadd.s32 $0xFFFFF800  }
0x4a1: {  	_ =	swait.ge [sflag:s6], $0x800  }
0x4a2: {  	[sflag:s6] =	ssyncset.done $0x0  }
0x4a3: {  	[sflag:s6] =	ssyncadd.s32 $0xFFFFF800  }
0x4a4: {  	_ =	swait.ge [sflag:s6], $0x800  }
0x4a5: {  	[sflag:s6] =	ssyncset.done $0x0  }
0x4a6: {  	[sflag:s6] =	ssyncadd.s32 $0xFFFFF800  }
0x4a7: {  	_ =	swait.ge [sflag:s6], $0x800  }
0x4a8: {  	[sflag:s6] =	ssyncset.done $0x0  }
0x4a9: {  	[sflag:s6] =	ssyncadd.s32 $0xFFFFF800  }
0x4aa: {  	_ =	swait.ge [sflag:s6], $0x800  }
0x4ab: {  	[sflag:s6] =	ssyncset.done $0x0  }
0x4ac: {  	[sflag:s6] =	ssyncadd.s32 $0xFFFFF800  }
0x4ad: {  	_ =	swait.ge [sflag:s6], $0x800  }
0x4ae: {  	[sflag:s6] =	ssyncset.done $0x0  }
0x4af: {  	[sflag:s6] =	ssyncadd.s32 $0xFFFFF800  }
0x4b0: {  	_ =	swait.ge [sflag:s6], $0x800  }
0x4b1: {  	[sflag:s6] =	ssyncset.done $0x0  }
0x4b2: {  	[sflag:s6] =	ssyncadd.s32 $0xFFFFF800  }
0x4b3: {  	_ =	swait.ge [sflag:s6], $0x800  }
0x4b4: {  	[sflag:s6] =	ssyncset.done $0x0  }
0x4b5: {  	[sflag:s6] =	ssyncadd.s32 $0xFFFFF800  }
0x4b6: {  	_ =	swait.ge [sflag:s6], $0x800  }
0x4b7: {  	[sflag:s6] =	ssyncset.done $0x0  }
0x4b8: {  	[sflag:s6] =	ssyncadd.s32 $0xFFFFF800  }
0x4b9: {  	_ =	swait.ge [sflag:s6], $0x800  }
0x4ba: {  	[sflag:s6] =	ssyncset.done $0x0  }
0x4bb: {  	[sflag:s6] =	ssyncadd.s32 $0xFFFFF800  }
0x4bc: {  	_ =	swait.ge [sflag:s6], $0x800  }
0x4bd: {  	[sflag:s6] =	ssyncset.done $0x0  }
0x4be: {  	[sflag:s6] =	ssyncadd.s32 $0xFFFFF800  }
0x4bf: {  	_ =	swait.ge [sflag:s6], $0x800  }
0x4c0: {  	[sflag:s6] =	ssyncset.done $0x0  }
0x4c1: {  	[sflag:s6] =	ssyncadd.s32 $0xFFFFF800  }
0x4c2: {  	_ =	swait.ge [sflag:s6], $0x800  }
0x4c3: {  	[sflag:s6] =	ssyncset.done $0x0  }
0x4c4: {  	[sflag:s6] =	ssyncadd.s32 $0xFFFFF800  }
0x4c5: {  	_ =	swait.ge [sflag:s6], $0x800  }
0x4c6: {  	[sflag:s6] =	ssyncset.done $0x0  }
0x4c7: {  	[sflag:s6] =	ssyncadd.s32 $0xFFFFF800  }
0x4c8: {  	_ =	swait.ge [sflag:s6], $0x800  }
0x4c9: {  	[sflag:s6] =	ssyncset.done $0x0  }
0x4ca: {  	[sflag:s6] =	ssyncadd.s32 $0xFFFFF800  }
0x4cb: {  	_ =	swait.ge [sflag:s6], $0x500  }
0x4cc: {  	[sflag:s6] =	ssyncset.done $0x0  }
0x4cd: {  	[sflag:s6] =	ssyncadd.s32 $0xFFFFFB00  }
0x4ce: {  	_ =	swait.ge [sflag:s9], $0xFA0  }
0x4cf: {  	[sflag:s9] =	ssyncset.done $0x0  }
0x4d0: {  	[sflag:s9] =	ssyncadd.s32 $0xFFFFF060  }
0x4d1: {  	_ =	swait.ge [sflag:s9], $0x7D00  }
0x4d2: {  	[sflag:s9] =	ssyncset.done $0x0  }
0x4d3: {  	s8 =	simm.s32 $0x2800;
	s25 =	rddreg [dreg:$0xd];
	[sflag:s9] =	ssyncadd.s32 $0xFFFF8300  }
0x4d4: {  	[tilespmem:s8], [sflag:$0x1] =	stream.strided.gather [hbm4b:s25+s21], $0xFA0, s22, s21, $0x38;
	[tilespmem:$0x14140] =	vst v63  }
0x4d5: {  	s11 =	simm.s32 $0x4740;
	s26 =	rddreg [dreg:$0xe]  }
0x4d6: {  	[tilespmem:s11], [sflag:$0x1] =	stream.linear.gather [hbm4b:s26+s18], $0x7D00, $0x38;
	[tilespmem:$0x14140] =	vst v63  }
0x4d7: {  	s8 =	simm.s32 $0x3F70  }
0x4d8: {  	[spmem:s2] =	stream.indirect.scatter.add.f32 [tilespmem:s14], [sflag:$0x2], $0x10, s8, s7, $0xb8;
	[tilespmem:$0x14140] =	vst v63  }
0x4d9: {  	s21 =	simm.s32 $0x3FF0  }
0x4da: {  	[spmem:s2] =	stream.indirect.scatter.add.f32 [tilespmem:s28], [sflag:$0x2], $0x10, s21, s7, $0xb8;
	[tilespmem:$0x14140] =	vst v63  }
0x4db: {  	s22 =	simm.s32 $0x4070  }
0x4dc: {  	[spmem:s2] =	stream.indirect.scatter.add.f32 [tilespmem:s29], [sflag:$0x2], $0x10, s22, s7, $0xb8;
	[tilespmem:$0x14140] =	vst v63  }
0x4dd: {  	s25 =	simm.s32 $0x40F0  }
0x4de: {  	[spmem:s2] =	stream.indirect.scatter.add.f32 [tilespmem:s30], [sflag:$0x2], $0x10, s25, s7, $0xb8;
	[tilespmem:$0x14140] =	vst v63  }
0x4df: {  	s26 =	simm.s32 $0x4170  }
0x4e0: {  	[spmem:s2] =	stream.indirect.scatter.add.f32 [tilespmem:s31], [sflag:$0x2], $0x10, s26, s7, $0xb8;
	[tilespmem:$0x14140] =	vst v63  }
0x4e1: {  	s28 =	simm.s32 $0x41F0;
	s29 =	simm.s32 $0xEC40  }
0x4e2: {  	[spmem:s2] =	stream.indirect.scatter.add.f32 [tilespmem:s29], [sflag:$0x2], $0x10, s28, s7, $0xb8;
	[tilespmem:$0x14140] =	vst v63  }
0x4e3: {  	s30 =	simm.s32 $0x4270  }
0x4e4: {  	[spmem:s2] =	stream.indirect.scatter.add.f32 [tilespmem:s12], [sflag:$0x2], $0x10, s30, s7, $0xb8;
	[tilespmem:$0x14140] =	vst v63  }
0x4e5: {  	s31 =	simm.s32 $0x42F0  }
0x4e6: {  	[spmem:s2] =	stream.indirect.scatter.add.f32 [tilespmem:s13], [sflag:$0x2], $0x10, s31, s7, $0xb8;
	[tilespmem:$0x14140] =	vst v63  }
0x4e7: {  	s12 =	simm.s32 $0x4370  }
0x4e8: {  	[spmem:s2] =	stream.indirect.scatter.add.f32 [tilespmem:s15], [sflag:$0x2], $0x10, s12, s7, $0xb8;
	[tilespmem:$0x14140] =	vst v63  }
0x4e9: {  	s13 =	simm.s32 $0x43F0  }
0x4ea: {  	[spmem:s2] =	stream.indirect.scatter.add.f32 [tilespmem:s16], [sflag:$0x2], $0x10, s13, s7, $0xb8;
	[tilespmem:$0x14140] =	vst v63  }
0x4eb: {  	s14 =	simm.s32 $0x4470  }
0x4ec: {  	[spmem:s2] =	stream.indirect.scatter.add.f32 [tilespmem:s17], [sflag:$0x2], $0x10, s14, s7, $0xb8;
	[tilespmem:$0x14140] =	vst v63  }
0x4ed: {  	s15 =	simm.s32 $0x44F0  }
0x4ee: {  	[spmem:s2] =	stream.indirect.scatter.add.f32 [tilespmem:s19], [sflag:$0x2], $0x10, s15, s7, $0xb8;
	[tilespmem:$0x14140] =	vst v63  }
0x4ef: {  	s16 =	simm.s32 $0x4570  }
0x4f0: {  	[spmem:s2] =	stream.indirect.scatter.add.f32 [tilespmem:s20], [sflag:$0x2], $0x10, s16, s7, $0xb8;
	[tilespmem:$0x14140] =	vst v63  }
0x4f1: {  	s17 =	simm.s32 $0x45F0  }
0x4f2: {  	[spmem:s2] =	stream.indirect.scatter.add.f32 [tilespmem:s23], [sflag:$0x2], $0x10, s17, s7, $0xb8;
	[tilespmem:$0x14140] =	vst v63  }
0x4f3: {  	s18 =	simm.s32 $0x4670  }
0x4f4: {  	[spmem:s2] =	stream.indirect.scatter.add.f32 [tilespmem:s3], [sflag:$0x2], $0x10, s18, s7, $0xb8;
	[tilespmem:$0x14140] =	vst v63  }
0x4f5: {  	_ = 	snop  }
0x4f6: {  	[spmem:s2] =	stream.indirect.scatter.add.f32 [tilespmem:s1], [sflag:$0x2], $0x10, s10, s24, $0xb8;
	[tilespmem:$0x14140] =	vst v63  }
0x4f7: {  	_ =	swait.ge [sflag:s6], $0x800  }
0x4f8: {  	[sflag:s6] =	ssyncset.done $0x0  }
0x4f9: {  	[sflag:s6] =	ssyncadd.s32 $0xFFFFF800  }
0x4fa: {  	_ =	swait.ge [sflag:s6], $0x800  }
0x4fb: {  	[sflag:s6] =	ssyncset.done $0x0  }
0x4fc: {  	[sflag:s6] =	ssyncadd.s32 $0xFFFFF800  }
0x4fd: {  	_ =	swait.ge [sflag:s6], $0x800  }
0x4fe: {  	[sflag:s6] =	ssyncset.done $0x0  }
0x4ff: {  	[sflag:s6] =	ssyncadd.s32 $0xFFFFF800  }
0x500: {  	_ =	swait.ge [sflag:s6], $0x800  }
0x501: {  	[sflag:s6] =	ssyncset.done $0x0  }
0x502: {  	[sflag:s6] =	ssyncadd.s32 $0xFFFFF800  }
0x503: {  	_ =	swait.ge [sflag:s6], $0x800  }
0x504: {  	[sflag:s6] =	ssyncset.done $0x0  }
0x505: {  	[sflag:s6] =	ssyncadd.s32 $0xFFFFF800  }
0x506: {  	_ =	swait.ge [sflag:s6], $0x800  }
0x507: {  	[sflag:s6] =	ssyncset.done $0x0  }
0x508: {  	[sflag:s6] =	ssyncadd.s32 $0xFFFFF800  }
0x509: {  	_ =	swait.ge [sflag:s6], $0x800  }
0x50a: {  	[sflag:s6] =	ssyncset.done $0x0  }
0x50b: {  	[sflag:s6] =	ssyncadd.s32 $0xFFFFF800  }
0x50c: {  	_ =	swait.ge [sflag:s6], $0x800  }
0x50d: {  	[sflag:s6] =	ssyncset.done $0x0  }
0x50e: {  	[sflag:s6] =	ssyncadd.s32 $0xFFFFF800  }
0x50f: {  	_ =	swait.ge [sflag:s6], $0x800  }
0x510: {  	[sflag:s6] =	ssyncset.done $0x0  }
0x511: {  	[sflag:s6] =	ssyncadd.s32 $0xFFFFF800  }
0x512: {  	_ =	swait.ge [sflag:s6], $0x800  }
0x513: {  	[sflag:s6] =	ssyncset.done $0x0  }
0x514: {  	[sflag:s6] =	ssyncadd.s32 $0xFFFFF800  }
0x515: {  	_ =	swait.ge [sflag:s6], $0x800  }
0x516: {  	[sflag:s6] =	ssyncset.done $0x0  }
0x517: {  	[sflag:s6] =	ssyncadd.s32 $0xFFFFF800  }
0x518: {  	_ =	swait.ge [sflag:s6], $0x800  }
0x519: {  	[sflag:s6] =	ssyncset.done $0x0  }
0x51a: {  	[sflag:s6] =	ssyncadd.s32 $0xFFFFF800  }
0x51b: {  	_ =	swait.ge [sflag:s6], $0x800  }
0x51c: {  	[sflag:s6] =	ssyncset.done $0x0  }
0x51d: {  	[sflag:s6] =	ssyncadd.s32 $0xFFFFF800  }
0x51e: {  	_ =	swait.ge [sflag:s6], $0x800  }
0x51f: {  	[sflag:s6] =	ssyncset.done $0x0  }
0x520: {  	[sflag:s6] =	ssyncadd.s32 $0xFFFFF800  }
0x521: {  	_ =	swait.ge [sflag:s6], $0x800  }
0x522: {  	[sflag:s6] =	ssyncset.done $0x0  }
0x523: {  	[sflag:s6] =	ssyncadd.s32 $0xFFFFF800  }
0x524: {  	_ =	swait.ge [sflag:s6], $0x500  }
0x525: {  	[sflag:s6] =	ssyncset.done $0x0  }
0x526: {  	[sflag:s6] =	ssyncadd.s32 $0xFFFFFB00  }
0x527: {  	_ =	swait.ge [sflag:s9], $0xFA0  }
0x528: {  	[sflag:s9] =	ssyncset.done $0x0  }
0x529: {  	[sflag:s9] =	ssyncadd.s32 $0xFFFFF060  }
0x52a: {  	_ =	swait.ge [sflag:s9], $0x7D00  }
0x52b: {  	[sflag:s9] =	ssyncset.done $0x0  }
0x52c: {  	s19 =	simm.s32 $0x2FD0;
	[sflag:s9] =	ssyncadd.s32 $0xFFFF8300  }
0x52d: {  	[spmem:s2] =	stream.indirect.scatter.add.f32 [tilespmem:s11], [sflag:$0x2], $0x10, s19, s7, $0xb8;
	[tilespmem:$0x14140] =	vst v63  }
0x52e: {  	s21 =	simm.s32 $0x3050;
	s20 =	simm.s32 $0x4F40  }
0x52f: {  	[spmem:s2] =	stream.indirect.scatter.add.f32 [tilespmem:s20], [sflag:$0x2], $0x10, s21, s7, $0xb8;
	[tilespmem:$0x14140] =	vst v63  }
0x530: {  	s22 =	simm.s32 $0x30D0;
	s23 =	simm.s32 $0x5740  }
0x531: {  	[spmem:s2] =	stream.indirect.scatter.add.f32 [tilespmem:s23], [sflag:$0x2], $0x10, s22, s7, $0xb8;
	[tilespmem:$0x14140] =	vst v63  }
0x532: {  	s25 =	simm.s32 $0x3150;
	s26 =	simm.s32 $0x5F40  }
0x533: {  	[spmem:s2] =	stream.indirect.scatter.add.f32 [tilespmem:s26], [sflag:$0x2], $0x10, s25, s7, $0xb8;
	[tilespmem:$0x14140] =	vst v63  }
0x534: {  	s28 =	simm.s32 $0x31D0;
	s29 =	simm.s32 $0x6740  }
0x535: {  	[spmem:s2] =	stream.indirect.scatter.add.f32 [tilespmem:s29], [sflag:$0x2], $0x10, s28, s7, $0xb8;
	[tilespmem:$0x14140] =	vst v63  }
0x536: {  	s30 =	simm.s32 $0x6F40;
	s31 =	simm.s32 $0x3250  }
0x537: {  	[spmem:s2] =	stream.indirect.scatter.add.f32 [tilespmem:s30], [sflag:$0x2], $0x10, s31, s7, $0xb8;
	[tilespmem:$0x14140] =	vst v63  }
0x538: {  	s8 =	simm.s32 $0x32D0;
	s9 =	simm.s32 $0x7740  }
0x539: {  	[spmem:s2] =	stream.indirect.scatter.add.f32 [tilespmem:s9], [sflag:$0x2], $0x10, s8, s7, $0xb8;
	[tilespmem:$0x14140] =	vst v63  }
0x53a: {  	s10 =	simm.s32 $0x3350;
	s11 =	simm.s32 $0x7F40  }
0x53b: {  	[spmem:s2] =	stream.indirect.scatter.add.f32 [tilespmem:s11], [sflag:$0x2], $0x10, s10, s7, $0xb8;
	[tilespmem:$0x14140] =	vst v63  }
0x53c: {  	s12 =	simm.s32 $0x33D0;
	s13 =	simm.s32 $0x8740  }
0x53d: {  	[spmem:s2] =	stream.indirect.scatter.add.f32 [tilespmem:s13], [sflag:$0x2], $0x10, s12, s7, $0xb8;
	[tilespmem:$0x14140] =	vst v63  }
0x53e: {  	s14 =	simm.s32 $0x3450  }
0x53f: {  	[spmem:s2] =	stream.indirect.scatter.add.f32 [tilespmem:s0], [sflag:$0x2], $0x10, s14, s7, $0xb8;
	[tilespmem:$0x14140] =	vst v63  }
0x540: {  	s15 =	simm.s32 $0x34D0;
	s16 =	simm.s32 $0x9740  }
0x541: {  	[spmem:s2] =	stream.indirect.scatter.add.f32 [tilespmem:s16], [sflag:$0x2], $0x10, s15, s7, $0xb8;
	[tilespmem:$0x14140] =	vst v63  }
0x542: {  	s17 =	simm.s32 $0x3550;
	s18 =	simm.s32 $0x9F40  }
0x543: {  	[spmem:s2] =	stream.indirect.scatter.add.f32 [tilespmem:s18], [sflag:$0x2], $0x10, s17, s7, $0xb8;
	[tilespmem:$0x14140] =	vst v63  }
0x544: {  	s19 =	simm.s32 $0x35D0;
	s20 =	simm.s32 $0xA740  }
0x545: {  	[spmem:s2] =	stream.indirect.scatter.add.f32 [tilespmem:s20], [sflag:$0x2], $0x10, s19, s7, $0xb8;
	[tilespmem:$0x14140] =	vst v63  }
0x546: {  	s21 =	simm.s32 $0x3650;
	s22 =	simm.s32 $0xAF40  }
0x547: {  	[spmem:s2] =	stream.indirect.scatter.add.f32 [tilespmem:s22], [sflag:$0x2], $0x10, s21, s7, $0xb8;
	[tilespmem:$0x14140] =	vst v63  }
0x548: {  	s23 =	simm.s32 $0x36D0;
	s25 =	simm.s32 $0xB740  }
0x549: {  	[spmem:s2] =	stream.indirect.scatter.add.f32 [tilespmem:s25], [sflag:$0x2], $0x10, s23, s7, $0xb8;
	[tilespmem:$0x14140] =	vst v63  }
0x54a: {  	s26 =	simm.s32 $0x3750;
	s28 =	simm.s32 $0xBF40  }
0x54b: {  	[spmem:s2] =	stream.indirect.scatter.add.f32 [tilespmem:s28], [sflag:$0x2], $0x10, s26, s24, $0xb8;
	[tilespmem:$0x14140] =	vst v63  }
0x54c: {  	_ =	swait.ge [sflag:s6], $0x800  }
0x54d: {  	[sflag:s6] =	ssyncset.done $0x0  }
0x54e: {  	[sflag:s6] =	ssyncadd.s32 $0xFFFFF800  }
0x54f: {  	_ =	swait.ge [sflag:s6], $0x800  }
0x550: {  	[sflag:s6] =	ssyncset.done $0x0  }
0x551: {  	[sflag:s6] =	ssyncadd.s32 $0xFFFFF800  }
0x552: {  	_ =	swait.ge [sflag:s6], $0x800  }
0x553: {  	[sflag:s6] =	ssyncset.done $0x0  }
0x554: {  	[sflag:s6] =	ssyncadd.s32 $0xFFFFF800  }
0x555: {  	_ =	swait.ge [sflag:s6], $0x800  }
0x556: {  	[sflag:s6] =	ssyncset.done $0x0  }
0x557: {  	[sflag:s6] =	ssyncadd.s32 $0xFFFFF800  }
0x558: {  	_ =	swait.ge [sflag:s6], $0x800  }
0x559: {  	[sflag:s6] =	ssyncset.done $0x0  }
0x55a: {  	[sflag:s6] =	ssyncadd.s32 $0xFFFFF800  }
0x55b: {  	_ =	swait.ge [sflag:s6], $0x800  }
0x55c: {  	[sflag:s6] =	ssyncset.done $0x0  }
0x55d: {  	[sflag:s6] =	ssyncadd.s32 $0xFFFFF800  }
0x55e: {  	_ =	swait.ge [sflag:s6], $0x800  }
0x55f: {  	[sflag:s6] =	ssyncset.done $0x0  }
0x560: {  	[sflag:s6] =	ssyncadd.s32 $0xFFFFF800  }
0x561: {  	_ =	swait.ge [sflag:s6], $0x800  }
0x562: {  	[sflag:s6] =	ssyncset.done $0x0  }
0x563: {  	[sflag:s6] =	ssyncadd.s32 $0xFFFFF800  }
0x564: {  	_ =	swait.ge [sflag:s6], $0x800  }
0x565: {  	[sflag:s6] =	ssyncset.done $0x0  }
0x566: {  	[sflag:s6] =	ssyncadd.s32 $0xFFFFF800  }
0x567: {  	_ =	swait.ge [sflag:s6], $0x800  }
0x568: {  	[sflag:s6] =	ssyncset.done $0x0  }
0x569: {  	[sflag:s6] =	ssyncadd.s32 $0xFFFFF800  }
0x56a: {  	_ =	swait.ge [sflag:s6], $0x800  }
0x56b: {  	[sflag:s6] =	ssyncset.done $0x0  }
0x56c: {  	[sflag:s6] =	ssyncadd.s32 $0xFFFFF800  }
0x56d: {  	_ =	swait.ge [sflag:s6], $0x800  }
0x56e: {  	[sflag:s6] =	ssyncset.done $0x0  }
0x56f: {  	[sflag:s6] =	ssyncadd.s32 $0xFFFFF800  }
0x570: {  	_ =	swait.ge [sflag:s6], $0x800  }
0x571: {  	[sflag:s6] =	ssyncset.done $0x0  }
0x572: {  	[sflag:s6] =	ssyncadd.s32 $0xFFFFF800  }
0x573: {  	_ =	swait.ge [sflag:s6], $0x800  }
0x574: {  	[sflag:s6] =	ssyncset.done $0x0  }
0x575: {  	[sflag:s6] =	ssyncadd.s32 $0xFFFFF800  }
0x576: {  	_ =	swait.ge [sflag:s6], $0x800  }
0x577: {  	[sflag:s6] =	ssyncset.done $0x0  }
0x578: {  	[sflag:s6] =	ssyncadd.s32 $0xFFFFF800  }
0x579: {  	_ =	swait.ge [sflag:s6], $0x500  }
0x57a: {  	[sflag:s6] =	ssyncset.done $0x0  }
0x57b: {  	[sflag:s6] =	ssyncadd.s32 $0xFFFFFB00  }
0x57c: {  	[bflag:$0x0] =	sbarrier.arrive $0xFFFF  }
0x57d: {  	s29 =	rddreg [dreg:$0xf]  }
0x57e: {  	s30 =	rddreg [dreg:$0x11]  }
0x57f: {  	[hbm:s29], [sflag:s30] =	dma.local [spmem:s5], $0x500  }
0x580: {  	_ =	swait.ge [sflag:s4], $0x500  }
0x581: {  	[sflag:s4] =	ssyncset.done $0x0  }
0x582: {  	[sflag:s4] =	ssyncadd.s32 $0xFFFFFB00  }
0x583: {  	_ =	sfence.sel $0x180000  }
0x584: {  	[bflag:$0x0] =	sbarrier.arrive $0xFFFF  }
0x585: {  	_ =	strace $0x90000047  }
0x586: {  	s31 =	stileid.u32;
	[bflag:$0x2] =	sbarrier.arrive $0xFFFF  }
0x587: {  	p0 =	sne.s32 s31, $0x0;
	s0 =	rddreg [dreg:$0x3]  }
0x588: {  	s0 =	sadd.s32 @!p0 $0x100000, s0  }
0x589: {  	[sflag:s0] =	ssyncadd.tile.s32 @!p0 $0x1;
	_ =	shalt  }
.LBB2_6:
.Ltmp3:
0x58a: {  	(pc) =	sbr.rel .LBB2_5-.Ltmp3, $3  }
0x58b: {  	_ =	sdelay $0x1  }
0x58c: {  	s31 =	rddreg [dreg:$0x11];
	s14 =	simm.s32 $0xC440  }
0x58d: {  	s18 =	simm.s32 $0x0;
	s1 =	simm.s32 $0x7D0;
	s22 =	simm.s32 $0x4E200  }
.Lfunc_end2:
_tile_overlayer_lowered:
.L_overlay_start_2:
0x58e: {  	(tag) =	ssettag $0x2  }
0x58f: {  	s0 =	rddreg [dreg:$0x0];
	s2 =	stileid.u32  }
0x590: {  	s1 =	rddreg [dreg:$0x1];
	p0 =	sne.s32 s2, $0x0  }
0x591: {  	s3 =	rddreg [dreg:$0x2];
	[bflag:$0x3] =	sbarrier.arrive $0xFFFF;
	s2 =	simm.s32 @!p0 $0x1C03  }
0x592: {  	[timem:s3], [sflag:s2] =	dma.local @!p0 [hbm:s0], s1  }
0x593: {  	s0 =	simm.s32 @!p0 $0x3  }
0x594: {  	_ =	swait.ge @!p0 [sflag:s0], s1  }
0x595: {  	s1 =	ssub.s32 @!p0 $0x0, s1;
	[sflag:s0] =	ssyncset.done @!p0 $0x0  }
0x596: {  	[sflag:s0] =	ssyncadd.s32 @!p0 s1  }
0x597: {  	[bflag:$0x3] =	sbarrier.arrive $0xFFFF  }
0x598: {  	_ =	shalt  }

// kernel: kernel.8.cloned.1.call-start
scs
__scs_entry_jumppad:
0x0: {  	(pc) =	sbr.rel $0x88, $3  }
0x1: {  	(tag) =	ssettag $0x0;
	lr =	simm.s32 $0x1  }
0x2: {  	[smem:$0x3F9F] =	sst lr;
	_ =	strace $0xD0000000  }
0x3: {  	_ = 	snop  }
0x4: {  	_ = 	snop  }
0x5: {  	_ = 	snop  }
0x6: {  	_ = 	snop  }
0x7: {  	_ = 	snop  }
__scs_overlays_trampoline_lowered:
0x8: {  	[smem:$0x3FAE] =	sst s0  }
0x9: {  	[smem:$0x3FAF] =	sst s1  }
0xa: {  	[smem:$0x3FB0] =	sst s2  }
0xb: {  	[smem:$0x3FB1] =	sst s3  }
0xc: {  	[smem:$0x3FB2] =	sst s4  }
0xd: {  	[smem:$0x3FB3] =	sst s5  }
0xe: {  	[smem:$0x3FB4] =	sst s6  }
0xf: {  	[smem:$0x3FB5] =	sst s7  }
0x10: {  	[smem:$0x3FB6] =	sst s8  }
0x11: {  	[smem:$0x3FB7] =	sst s9;
	s0 =	simm.s32 @!p0 $0x0  }
0x12: {  	s1 =	sld [smem:$0x3F9D];
	s0 =	simm.s32 @p0 $0x1  }
0x13: {  	[smem:$0x3FB8] =	sst s0;
	s0 =	simm.s32 @!p1 $0x0  }
0x14: {  	s2 =	sld [smem:$0x3F9C];
	s0 =	simm.s32 @p1 $0x1  }
0x15: {  	[smem:$0x3FB9] =	sst s0;
	s0 =	simm.s32 @!p2 $0x0  }
0x16: {  	s3 =	sld [smem:$0x3FDB];
	s0 =	simm.s32 @p2 $0x1  }
0x17: {  	s4 =	simm.s32 $0x1BF5;
	[smem:$0x3FBB] =	sst s0  }
0x18: {  	s0 =	sld [smem:$0x3F9E];
	_ =	swait.ge [sflag:s4], $0x0  }
0x19: {  	s7 =	sld [smem:$0x3F9F]  }
0x1a: {  	s8 =	sadd.s32 $0xFFFFE003, lr  }
0x1b: {  	s9 =	sadd.s32 $0xFFFFFEF7, lr;
	s5 =	simm.s32 $0xFFFFFFFF;
	p2 =	slt.u32 s8, $0xFFFFF086  }
0x1c: {  	p1 =	slt.u32 s9, $0xF7A;
	s5 =	simm.s32 @!p2 $0x0  }
0x1d: {  	s5 =	simm.s32 @p1 $0x1;
	p0 =	seq.s32 s7, s2  }
0x1e: {  	s7 =	smul.u32 @!p0 $0xF7A, s2;
	p2 =	seq.s32 @!p0 s5, $0x0  }
0x1f: {  	s9 =	smul.u32 $0xF7A, s1;
	s8 =	simm.s32 @!p0 $0x1BF5;
	p2 =	por !p2, p0  }
0x20: {  	[sflag:s8] =	ssyncset.s32 @!p0 $0xFFFFF086;
	s6 =	sadd.s32 @!p0 s3, s7;
	s7 =	simm.s32 @!p0 $0x108  }
0x21: {  	s3 =	sadd.s32 s3, s9;
	s6 =	sadd.s32 @!p0 $0x88, s6;
	s7 =	simm.s32 @p2 $0x1082  }
0x22: {  	[simem:s7], [sflag:s8] =	dma.local @!p0 [hbm:s6], $0xF7A  }
0x23: {  	s9 =	sor.u32 $0xD0000000, s2;
	s6 =	simm.s32 $0x108;
	_ =	swait.ge @!p0 [sflag:s8], $0x0  }
0x24: {  	s3 =	sadd.s32 $0x88, s3;
	s6 =	simm.s32 @!p1 $0x1082;
	[sflag:s4] =	ssyncset.s32 $0xFFFFF086  }
0x25: {  	[simem:s6], [sflag:s4] =	dma.local [hbm:s3], $0xF7A  }
0x26: {  	[smem:$0x3F9F] =	sst s1;
	(tag) =	ssettag s2;
	_ =	strace s9  }
0x27: {  	s1 =	sld [smem:$0x3FAF]  }
0x28: {  	s2 =	sld [smem:$0x3FB0]  }
0x29: {  	s4 =	sld [smem:$0x3FB2]  }
0x2a: {  	p0 =	seq.s32 s5, $0x0;
	s5 =	sld [smem:$0x3FB3]  }
0x2b: {  	s6 =	sld [smem:$0x3FB4]  }
0x2c: {  	s7 =	sld [smem:$0x3FB5]  }
0x2d: {  	s3 =	simm.s32 $0x108;
	s8 =	sld [smem:$0x3FB6]  }
0x2e: {  	s3 =	simm.s32 @!p0 $0x1082;
	s9 =	sld [smem:$0x3FB7]  }
0x2f: {  	lr =	sadd.s32 s0, s3;
	s0 =	sld [smem:$0x3FAE]  }
0x30: {  	s3 =	sld [smem:$0x3FB1]  }
0x31: {  	[smem:$0x3FBA] =	sst s10  }
0x32: {  	s10 =	sld [smem:$0x3FB8];
	_ =	sdelay $0x3  }
0x33: {  	p0 =	seq.s32 s10, $0x1;
	s10 =	sld [smem:$0x3FBA];
	_ =	sdelay $0x3  }
0x34: {  	[smem:$0x3FBA] =	sst s10  }
0x35: {  	s10 =	sld [smem:$0x3FB9];
	_ =	sdelay $0x3  }
0x36: {  	p1 =	seq.s32 s10, $0x1;
	s10 =	sld [smem:$0x3FBA];
	_ =	sdelay $0x3  }
0x37: {  	[smem:$0x3FBA] =	sst s10  }
0x38: {  	s10 =	sld [smem:$0x3FBB]  }
0x39: {  	_ = 	snop;
	(pc) =	sbr.ind lr, $3  }
0x3a: {  	_ = 	snop  }
0x3b: {  	_ = 	snop  }
0x3c: {  	p2 =	seq.s32 s10, $0x1;
	s10 =	sld [smem:$0x3FBA]  }
0x3d: {  	_ =	shalt  }
0x3e: {  	_ =	shalt  }
0x3f: {  	_ =	shalt  }
0x40: {  	_ =	shalt  }
0x41: {  	_ =	shalt  }
0x42: {  	_ =	shalt  }
0x43: {  	_ =	shalt  }
0x44: {  	_ =	shalt  }
0x45: {  	_ =	shalt  }
0x46: {  	_ =	shalt  }
0x47: {  	_ =	shalt  }
0x48: {  	_ =	shalt  }
0x49: {  	_ =	shalt  }
0x4a: {  	_ =	shalt  }
0x4b: {  	_ =	shalt  }
0x4c: {  	_ =	shalt  }
0x4d: {  	_ =	shalt  }
0x4e: {  	_ =	shalt  }
0x4f: {  	_ =	shalt  }
0x50: {  	_ =	shalt  }
0x51: {  	_ =	shalt  }
0x52: {  	_ =	shalt  }
0x53: {  	_ =	shalt  }
0x54: {  	_ =	shalt  }
0x55: {  	_ =	shalt  }
0x56: {  	_ =	shalt  }
0x57: {  	_ =	shalt  }
0x58: {  	_ =	shalt  }
0x59: {  	_ =	shalt  }
0x5a: {  	_ =	shalt  }
0x5b: {  	_ =	shalt  }
0x5c: {  	_ =	shalt  }
0x5d: {  	_ =	shalt  }
0x5e: {  	_ =	shalt  }
0x5f: {  	_ =	shalt  }
0x60: {  	_ =	shalt  }
0x61: {  	_ =	shalt  }
0x62: {  	_ =	shalt  }
0x63: {  	_ =	shalt  }
0x64: {  	_ =	shalt  }
0x65: {  	_ =	shalt  }
0x66: {  	_ =	shalt  }
0x67: {  	_ =	shalt  }
0x68: {  	_ =	shalt  }
0x69: {  	_ =	shalt  }
0x6a: {  	_ =	shalt  }
0x6b: {  	_ =	shalt  }
0x6c: {  	_ =	shalt  }
0x6d: {  	_ =	shalt  }
0x6e: {  	_ =	shalt  }
0x6f: {  	_ =	shalt  }
0x70: {  	_ =	shalt  }
0x71: {  	_ =	shalt  }
0x72: {  	_ =	shalt  }
0x73: {  	_ =	shalt  }
0x74: {  	_ =	shalt  }
0x75: {  	_ =	shalt  }
0x76: {  	_ =	shalt  }
0x77: {  	_ =	shalt  }
0x78: {  	_ =	shalt  }
0x79: {  	_ =	shalt  }
0x7a: {  	_ =	shalt  }
0x7b: {  	_ =	shalt  }
0x7c: {  	_ =	shalt  }
0x7d: {  	_ =	shalt  }
0x7e: {  	_ =	shalt  }
0x7f: {  	_ =	shalt  }
0x80: {  	_ =	shalt  }
0x81: {  	_ =	shalt  }
0x82: {  	_ =	shalt  }
0x83: {  	_ =	shalt  }
0x84: {  	_ =	shalt  }
0x85: {  	_ =	shalt  }
0x86: {  	_ =	shalt  }
0x87: {  	_ =	shalt  }
.Lfunc_end0:
.L_simem_size_0:
called_computation.1_lowered:
.L_overlay_start_0:
0x88: {  	s2 =	sld [smem:$0x3FD9]  }
0x89: {  	s3 =	sld [smem:$0x3FFE];
	_ =	sdelay $0x1  }
0x8a: {  	s1 =	srdreg.scid  }
0x8b: {  	s0 =	sand.u32 $0x1, s1  }
0x8c: {  	s17 =	sshll.u32 s0, $0xA;
	s2 =	sadd.s32 s3, s2  }
0x8d: {  	s2 =	sadd.s32 s2, s17  }
0x8e: {  	[smem:$0x3FC6] =	sst s2  }
0x8f: {  	_ = 	snop  }
0x90: {  	(tm) =	ssettm $0x1  }
0x91: {  	s18 =	sld [smem:$0x3FFB];
	_ =	sdelay $0x3  }
0x92: {  	_ =	strace s18  }
0x93: {  	s2 =	sld [smem:$0x3FFC];
	_ =	sdelay $0x3  }
0x94: {  	_ =	strace s2  }
0x95: {  	s2 =	sld [smem:$0x3FFD];
	_ =	sdelay $0x3  }
0x96: {  	_ =	strace s2  }
0x97: {  	_ =	strace $0x8FFFFFFF  }
0x98: {  	s19 =	sld [smem:$0x3FDB];
	_ =	sdelay $0x1  }
0x99: {  	s20 =	simm.s32 $_scs_section_size  }
0x9a: {  	s4 =	simm.s32 $_size__tile_overlayer_lowered;
	s5 =	simm.s32 $_tile_overlayer_lowered  }
0x9b: {  	s6 =	simm.s32 $0x1BFF;
	s21 =	sshll.u32 s5, $0x1;
	s3 =	sadd.s32 s20, s19  }
0x9c: {  	s22 =	simm.s32 $0x0;
	s4 =	sshll.u32 s4, $0x1;
	s5 =	sadd.s32 s21, s3  }
0x9d: {  	[timem:s22], [sflag:s6] =	dma.local [hbm:s5], s4  }
0x9e: {  	_ =	swait.ge [sflag:s6], s4  }
0x9f: {  	s4 =	ssub.s32 $0x0, s4;
	[sflag:s6] =	ssyncset.done $0x0  }
0xa0: {  	[sflag:s6] =	ssyncadd.s32 s4;
	_ =	sdelay $0x1  }
0xa1: {  	s23 =	simm.s32 $0x1B8B  }
0xa2: {  	_ =	swait.ge [sflag:s23], $0x1  }
0xa3: {  	[sflag:s23] =	ssyncset.done $0x0  }
0xa4: {  	[sflag:s23] =	ssyncadd.s32 $0xFFFFFFFF  }
0xa5: {  	s4 =	sld [smem:$0x0]  }
0xa6: {  	s5 =	sand.u32 $0xFFFFFFFE, s1  }
0xa7: {  	p0 =	sne.s32 s1, s5  }
0xa8: {  	s5 =	sshll.u32 @p0 s5, $0xE  }
0xa9: {  	s5 =	sadd.s32 @p0 $0x11B8D, s5;
	s6 =	sshll.u32 @p0 s4, $0x11  }
0xaa: {  	s5 =	sor.u32 @p0 s6, s5  }
0xab: {  	[sflag:s5] =	ssyncadd.remote.s32 @p0 $0x1;
	_ =	sdelay $0x1  }
0xac: {  	s5 =	simm.s32 @p0 $0x1B8D  }
0xad: {  	_ =	swait.eq @p0 [sflag:s5], $0x1  }
0xae: {  	[sflag:s5] =	ssyncadd.s32 @p0 $0xFFFFFFFF  }
0xaf: {  	s6 =	sshll.u32 @!p0 s1, $0xE  }
0xb0: {  	s6 =	sor.u32 @!p0 $0x4000, s6;
	s5 =	simm.s32 @!p0 $0x1B8D  }
0xb1: {  	s4 =	sshll.u32 @!p0 s4, $0x11;
	s6 =	sadd.s32 @!p0 $0x11B8D, s6;
	_ =	swait.eq @!p0 [sflag:s5], $0x1  }
0xb2: {  	s4 =	sor.u32 @!p0 s4, s6;
	[sflag:s5] =	ssyncadd.s32 @!p0 $0xFFFFFFFF  }
0xb3: {  	s25 =	simm.s32 $0x1B8E;
	s24 =	sld [smem:$0x3FFE];
	[sflag:s4] =	ssyncadd.remote.s32 @!p0 $0x1  }
0xb4: {  	s26 =	simm.s32 $execute0_lowered;
	[smem:$0x3FD2] =	sst s25  }
0xb5: {  	s5 =	sshll.u32 s26, $0x1;
	_ =	strace $0x80000049;
	[dreg:$0x1] =	wrdreg $0xFFFFFFFF  }
0xb6: {  	s28 =	simm.s32 $_size_execute0_lowered;
	s3 =	sadd.s32 s3, s5;
	[dreg:$0x0] =	wrdreg $0x0  }
0xb7: {  	s5 =	sshll.u32 s28, $0x1;
	[dreg:$0x2] =	wrdreg s3  }
0xb8: {  	[dreg:$0x3] =	wrdreg s5  }
0xb9: {  	[dreg:$0x4] =	wrdreg $0xC0  }
0xba: {  	_ =	task [dreg:s22], $0x5FFFF  }
0xbb: {  	[dreg:$0x1] =	wrdreg $0xFFFFFFFF  }
0xbc: {  	[dreg:$0x0] =	wrdreg $0x60  }
0xbd: {  	[dreg:$0x2] =	wrdreg s24  }
0xbe: {  	[dreg:$0x3] =	wrdreg $0xA  }
0xbf: {  	_ =	task.clear_ibuf [dreg:s22], $0x4FFFF;
	_ =	strace $0x90000049  }
0xc0: {  	s29 =	simm.s32 $0xA;
	_ =	strace $0x8000004B  }
0xc1: {  	_ =	swait.ge [sflag:s29], $0x1  }
0xc2: {  	[sflag:s29] =	ssyncadd.s32 $0xFFFFFFFF  }
0xc3: {  	_ =	strace $0x9000004B  }
0xc4: {  	_ =	sfence  }
0xc5: {  	s30 =	sld [smem:$0x0];
	_ =	sdelay $0x2  }
0xc6: {  	s31 =	sshll.u32 s1, $0xD;
	s1 =	sshrl.u32 s1, $0x2  }
0xc7: {  	s4 =	sand.u32 $0x4000, s31;
	s1 =	sadd.s32 s1, s30  }
0xc8: {  	s0 =	sor.u32 s4, s0;
	s1 =	sshll.u32 s1, $0x11  }
0xc9: {  	s0 =	sor.u32 s1, s0  }
0xca: {  	s0 =	sadd.s32 $0x8F2B, s0  }
0xcb: {  	[sflag:s0] =	ssyncadd.remote.s32 $0x1  }
0xcc: {  	_ =	sfence.sel $0xFFFF  }
0xcd: {  	[dreg:$0x0] =	wrdreg $0xFFFFFFFF;
	(pc) =	sbr.abs _section_cstart, $3  }
0xce: {  	[dreg:$0x1] =	wrdreg $0xFFFFFFFF  }
0xcf: {  	_ =	task.clear_ibuf [dreg:s22], $0x2FFFF;
	_ =	strace $0x9FFFFFFF  }
0xd0: {  	(tm) =	ssettm $0x7FFFFFFF  }
0xd1: {  	_ =	shalt  }
tec
execute0_lowered:
.L_overlay_start_1:
0x0: {  	(tag) =	ssettag $0x1  }
0x1: {  	s1 =	srdreg.scid;
	s0 =	stileid.u32  }
0x2: {  	s4 =	rddreg [dreg:$0x0];
	s2 =	simm.s32 $0x0;
	s10 =	simm.s32 $0x7D0  }
0x3: {  	s11 =	simm.s32 $0x4E200;
	s12 =	simm.s32 $0x1;
	s13 =	simm.s32 $0xFA0  }
0x4: {  	s14 =	simm.s32 $0x1F40;
	s3 =	sand.u32 $0x1, s1;
	s30 =	sshll.u32 s0, $0x1  }
0x5: {  	s15 =	simm.s32 $0x2;
	s16 =	simm.s32 $0x0;
	s5 =	sor.u32 s3, s30  }
0x6: {  	s1 =	rddreg [dreg:$0x1];
	s3 =	ssub.s32 $0x2, s3;
	s6 =	smul.u32 $0x2710, s5  }
0x7: {  	[smem:$0x7FF] =	sst s2;
	s5 =	smul.u32 $0x500, s5;
	s31 =	sshrl.u32 s3, $0x1  }
0x8: {  	_ =	strace $0x8000004A;
	s9 =	ssub.s32 s3, s31;
	s6 =	sshrl.u32 s6, $0x3  }
0x9: {  	s8 =	sadd.s32 s5, s4;
	s9 =	smax.u32 s9, $0x1;
	s7 =	sadd.s32 s6, s4  }
0xa: {  	s8 =	sadd.s32 $0x1E200, s8;
	s3 =	sadd.s32 $0x800, s7;
	s4 =	sadd.s32 $0x8FA, s7  }
0xb: {  	v0 =	vimm.f32 $0.0e+00;
	v1 =	vimm.f32 $1.000000000e+00;
	s5 =	sadd.s32 $0x9F4, s7;
	s6 =	sadd.s32 $0xAEE, s7;
	s7 =	sadd.s32 $0xBE8, s7  }
.LBB2_1:
0xc: {  	s17 =	simm.s32 $0x1F80  }
0xd: {  	[tilespmem:s17+$0xFFFFFFC0] =	vst v0  }
0xe: {  	[tilespmem:s17+$0x30] =	vst v0  }
0xf: {  	[tilespmem:s17+$0x20] =	vst v0  }
0x10: {  	[tilespmem:s17+$0x10] =	vst v0  }
0x11: {  	[tilespmem:s17+$0x0] =	vst v0  }
0x12: {  	[tilespmem:s17+$0xFFFFFFF0] =	vst v0  }
0x13: {  	s18 =	simm.s32 $0x0;
	[tilespmem:s17+$0xFFFFFFE0] =	vst v0  }
.LBB2_2:
0x14: {  	s18 =	sadd.s32 $0x8, s18;
	[tilespmem:s17+$0xFFFFFFD0] =	vst v0;
	s17 =	sadd.s32 $0x80, s17  }
0x15: {  	[tilespmem:s17+$0xFFFFFFC0] =	vst v0;
	p0 =	slt.u32 s18, $0x278  }
0x16: {  	[tilespmem:s17+$0x30] =	vst v0  }
.Ltmp0:
0x17: {  	[tilespmem:s17+$0x20] =	vst v0;
	(pc) =	sbr.rel @p0 .LBB2_2-.Ltmp0, $4  }
0x18: {  	[tilespmem:s17+$0x10] =	vst v0  }
0x19: {  	[tilespmem:s17+$0x0] =	vst v0  }
0x1a: {  	[tilespmem:s17+$0xFFFFFFF0] =	vst v0  }
0x1b: {  	[tilespmem:s17+$0xFFFFFFE0] =	vst v0  }
0x1c: {  	[tilespmem:s17+$0xFFFFFFD0] =	vst v0  }
0x1d: {  	[tilespmem:s2], [sflag:$0x1] =	stream.strided.gather [hbm4b:s3+s10], $0xFA0, s11, s10, $0x38;
	[tilespmem:$0x4740] =	vst v63  }
0x1e: {  	_ =	swait.ge [sflag:s12], $0xFA0  }
0x1f: {  	[sflag:s12] =	ssyncset.done $0x0  }
0x20: {  	s17 =	simm.s32 $0xFFFFFFFB;
	s18 =	simm.s32 $0x810;
	[sflag:s12] =	ssyncadd.s32 $0xFFFFF060  }
0x21: {  	[tilespmem:s13], [sflag:$0x1] =	stream.strided.gather [hbm4b:s4+s10], $0xFA0, s11, s10, $0x38;
	[tilespmem:$0x4740] =	vst v63  }
.LBB2_4:
0x22: {  	v2 =	vld [tilespmem:s18+$0xFFFFFFC0];
	_ =	sdelay $0x7  }
0x23: {  	[tilespmem:v2+s14+$0x0] =	vst.idx.add.f32.msk $0xffff, v1  }
0x24: {  	v2 =	vld [tilespmem:s18+$0xFFFFFFD0];
	_ =	sdelay $0x7  }
0x25: {  	[tilespmem:v2+s14+$0x0] =	vst.idx.add.f32.msk $0xffff, v1  }
0x26: {  	v2 =	vld [tilespmem:s18+$0xFFFFFFE0];
	_ =	sdelay $0x7  }
0x27: {  	[tilespmem:v2+s14+$0x0] =	vst.idx.add.f32.msk $0xffff, v1  }
0x28: {  	v2 =	vld [tilespmem:s18+$0xFFFFFFF0];
	_ =	sdelay $0x7  }
0x29: {  	[tilespmem:v2+s14+$0x0] =	vst.idx.add.f32.msk $0xffff, v1  }
0x2a: {  	v2 =	vld [tilespmem:s18+$0x0];
	_ =	sdelay $0x1  }
0x2b: {  	s17 =	sadd.s32 $0x5, s17  }
0x2c: {  	p0 =	slt.u32 s17, $0x78  }
.Ltmp1:
0x2d: {  	_ = 	snop;
	(pc) =	sbr.rel @p0 .LBB2_4-.Ltmp1, $2  }
0x2e: {  	_ =	sdelay $0x2  }
0x2f: {  	s18 =	sadd.s32 $0x50, s18;
	[tilespmem:v2+s14+$0x0] =	vst.idx.add.f32.msk $0xffff, v1  }
0x30: {  	_ =	swait.ge [sflag:s12], $0xFA0  }
0x31: {  	[sflag:s12] =	ssyncset.done $0x0  }
0x32: {  	s17 =	simm.s32 $0xFFFFFFFB;
	s18 =	simm.s32 $0x17B0;
	[sflag:s12] =	ssyncadd.s32 $0xFFFFF060  }
0x33: {  	[tilespmem:s2], [sflag:$0x1] =	stream.strided.gather [hbm4b:s5+s10], $0xFA0, s11, s10, $0x38;
	[tilespmem:$0x4740] =	vst v63  }
.LBB2_6:
0x34: {  	v2 =	vld [tilespmem:s18+$0xFFFFFFC0];
	_ =	sdelay $0x7  }
0x35: {  	[tilespmem:v2+s14+$0x0] =	vst.idx.add.f32.msk $0xffff, v1  }
0x36: {  	v2 =	vld [tilespmem:s18+$0xFFFFFFD0];
	_ =	sdelay $0x7  }
0x37: {  	[tilespmem:v2+s14+$0x0] =	vst.idx.add.f32.msk $0xffff, v1  }
0x38: {  	v2 =	vld [tilespmem:s18+$0xFFFFFFE0];
	_ =	sdelay $0x7  }
0x39: {  	[tilespmem:v2+s14+$0x0] =	vst.idx.add.f32.msk $0xffff, v1  }
0x3a: {  	v2 =	vld [tilespmem:s18+$0xFFFFFFF0];
	_ =	sdelay $0x7  }
0x3b: {  	[tilespmem:v2+s14+$0x0] =	vst.idx.add.f32.msk $0xffff, v1  }
0x3c: {  	v2 =	vld [tilespmem:s18+$0x0];
	_ =	sdelay $0x1  }
0x3d: {  	s17 =	sadd.s32 $0x5, s17  }
0x3e: {  	p0 =	slt.u32 s17, $0x78  }
.Ltmp2:
0x3f: {  	_ = 	snop;
	(pc) =	sbr.rel @p0 .LBB2_6-.Ltmp2, $2  }
0x40: {  	_ =	sdelay $0x2  }
0x41: {  	s18 =	sadd.s32 $0x50, s18;
	[tilespmem:v2+s14+$0x0] =	vst.idx.add.f32.msk $0xffff, v1  }
0x42: {  	_ =	swait.ge [sflag:s12], $0xFA0  }
0x43: {  	[sflag:s12] =	ssyncset.done $0x0  }
0x44: {  	s17 =	simm.s32 $0xFFFFFFFB;
	s18 =	simm.s32 $0x810;
	[sflag:s12] =	ssyncadd.s32 $0xFFFFF060  }
0x45: {  	[tilespmem:s13], [sflag:$0x1] =	stream.strided.gather [hbm4b:s6+s10], $0xFA0, s11, s10, $0x38;
	[tilespmem:$0x4740] =	vst v63  }
.LBB2_8:
0x46: {  	v2 =	vld [tilespmem:s18+$0xFFFFFFC0];
	_ =	sdelay $0x7  }
0x47: {  	[tilespmem:v2+s14+$0x0] =	vst.idx.add.f32.msk $0xffff, v1  }
0x48: {  	v2 =	vld [tilespmem:s18+$0xFFFFFFD0];
	_ =	sdelay $0x7  }
0x49: {  	[tilespmem:v2+s14+$0x0] =	vst.idx.add.f32.msk $0xffff, v1  }
0x4a: {  	v2 =	vld [tilespmem:s18+$0xFFFFFFE0];
	_ =	sdelay $0x7  }
0x4b: {  	[tilespmem:v2+s14+$0x0] =	vst.idx.add.f32.msk $0xffff, v1  }
0x4c: {  	v2 =	vld [tilespmem:s18+$0xFFFFFFF0];
	_ =	sdelay $0x7  }
0x4d: {  	[tilespmem:v2+s14+$0x0] =	vst.idx.add.f32.msk $0xffff, v1  }
0x4e: {  	v2 =	vld [tilespmem:s18+$0x0];
	_ =	sdelay $0x1  }
0x4f: {  	s17 =	sadd.s32 $0x5, s17  }
0x50: {  	p0 =	slt.u32 s17, $0x78  }
.Ltmp3:
0x51: {  	_ = 	snop;
	(pc) =	sbr.rel @p0 .LBB2_8-.Ltmp3, $2  }
0x52: {  	_ =	sdelay $0x2  }
0x53: {  	s18 =	sadd.s32 $0x50, s18;
	[tilespmem:v2+s14+$0x0] =	vst.idx.add.f32.msk $0xffff, v1  }
0x54: {  	_ =	swait.ge [sflag:s12], $0xFA0  }
0x55: {  	[sflag:s12] =	ssyncset.done $0x0  }
0x56: {  	s17 =	simm.s32 $0xFFFFFFFB;
	s18 =	simm.s32 $0x17B0;
	[sflag:s12] =	ssyncadd.s32 $0xFFFFF060  }
0x57: {  	[tilespmem:s2], [sflag:$0x1] =	stream.strided.gather [hbm4b:s7+s10], $0xFA0, s11, s10, $0x38;
	[tilespmem:$0x4740] =	vst v63  }
.LBB2_10:
0x58: {  	v2 =	vld [tilespmem:s18+$0xFFFFFFC0];
	_ =	sdelay $0x7  }
0x59: {  	[tilespmem:v2+s14+$0x0] =	vst.idx.add.f32.msk $0xffff, v1  }
0x5a: {  	v2 =	vld [tilespmem:s18+$0xFFFFFFD0];
	_ =	sdelay $0x7  }
0x5b: {  	[tilespmem:v2+s14+$0x0] =	vst.idx.add.f32.msk $0xffff, v1  }
0x5c: {  	v2 =	vld [tilespmem:s18+$0xFFFFFFE0];
	_ =	sdelay $0x7  }
0x5d: {  	[tilespmem:v2+s14+$0x0] =	vst.idx.add.f32.msk $0xffff, v1  }
0x5e: {  	v2 =	vld [tilespmem:s18+$0xFFFFFFF0];
	_ =	sdelay $0x7  }
0x5f: {  	[tilespmem:v2+s14+$0x0] =	vst.idx.add.f32.msk $0xffff, v1  }
0x60: {  	v2 =	vld [tilespmem:s18+$0x0];
	_ =	sdelay $0x1  }
0x61: {  	s17 =	sadd.s32 $0x5, s17  }
0x62: {  	p0 =	slt.u32 s17, $0x78  }
.Ltmp4:
0x63: {  	_ = 	snop;
	(pc) =	sbr.rel @p0 .LBB2_10-.Ltmp4, $2  }
0x64: {  	_ =	sdelay $0x2  }
0x65: {  	s18 =	sadd.s32 $0x50, s18;
	[tilespmem:v2+s14+$0x0] =	vst.idx.add.f32.msk $0xffff, v1  }
0x66: {  	_ =	swait.ge [sflag:s12], $0xFA0  }
0x67: {  	[sflag:s12] =	ssyncset.done $0x0  }
0x68: {  	s17 =	simm.s32 $0xFFFFFFFB;
	s18 =	simm.s32 $0x810;
	[sflag:s12] =	ssyncadd.s32 $0xFFFFF060  }
.LBB2_12:
0x69: {  	v2 =	vld [tilespmem:s18+$0xFFFFFFC0];
	_ =	sdelay $0x7  }
0x6a: {  	[tilespmem:v2+s14+$0x0] =	vst.idx.add.f32.msk $0xffff, v1  }
0x6b: {  	v2 =	vld [tilespmem:s18+$0xFFFFFFD0];
	_ =	sdelay $0x7  }
0x6c: {  	[tilespmem:v2+s14+$0x0] =	vst.idx.add.f32.msk $0xffff, v1  }
0x6d: {  	v2 =	vld [tilespmem:s18+$0xFFFFFFE0];
	_ =	sdelay $0x7  }
0x6e: {  	[tilespmem:v2+s14+$0x0] =	vst.idx.add.f32.msk $0xffff, v1  }
0x6f: {  	v2 =	vld [tilespmem:s18+$0xFFFFFFF0];
	_ =	sdelay $0x7  }
0x70: {  	[tilespmem:v2+s14+$0x0] =	vst.idx.add.f32.msk $0xffff, v1  }
0x71: {  	v2 =	vld [tilespmem:s18+$0x0];
	_ =	sdelay $0x1  }
0x72: {  	s17 =	sadd.s32 $0x5, s17  }
0x73: {  	p0 =	slt.u32 s17, $0x78  }
.Ltmp5:
0x74: {  	_ = 	snop;
	(pc) =	sbr.rel @p0 .LBB2_12-.Ltmp5, $2  }
0x75: {  	_ =	sdelay $0x2  }
0x76: {  	s18 =	sadd.s32 $0x50, s18;
	[tilespmem:v2+s14+$0x0] =	vst.idx.add.f32.msk $0xffff, v1  }
0x77: {  	s16 =	sadd.s32 $0x1, s16  }
0x78: {  	p0 =	sne.s32 s16, s9  }
.Ltmp6:
0x79: {  	_ = 	snop;
	(pc) =	sbr.rel @p0 .LBB2_1-.Ltmp6, $4  }
0x7a: {  	[hbm4b:s8+s2] =	stream.linear.scatter [tilespmem:s14], [sflag:$0x2], $0x2800, $0x38;
	[tilespmem:$0x4740] =	vst v63  }
0x7b: {  	_ =	swait.ge [sflag:s15], $0x2800  }
0x7c: {  	[sflag:s15] =	ssyncset.done $0x0  }
0x7d: {  	[sflag:s15] =	ssyncadd.s32 $0xFFFFD800  }
0x7e: {  	_ =	sfence.sel $0x180000  }
0x7f: {  	[bflag:$0x0] =	sbarrier.arrive $0xFFFF  }
0x80: {  	p0 =	sne.s32 s0, $0x0;
	_ =	strace $0x9000004A  }
0x81: {  	s0 =	sadd.s32 @!p0 $0x100000, s1;
	[bflag:$0x2] =	sbarrier.arrive $0xFFFF  }
0x82: {  	[sflag:s0] =	ssyncadd.tile.s32 @!p0 $0x1;
	_ =	shalt  }
.Lfunc_end2:
_tile_overlayer_lowered:
.L_overlay_start_2:
0x83: {  	(tag) =	ssettag $0x2  }
0x84: {  	s0 =	rddreg [dreg:$0x0];
	s2 =	stileid.u32  }
0x85: {  	s1 =	rddreg [dreg:$0x1];
	p0 =	sne.s32 s2, $0x0  }
0x86: {  	s3 =	rddreg [dreg:$0x2];
	[bflag:$0x3] =	sbarrier.arrive $0xFFFF;
	s2 =	simm.s32 @!p0 $0x1C02  }
0x87: {  	[timem:s3], [sflag:s2] =	dma.local @!p0 [hbm:s0], s1  }
0x88: {  	s0 =	simm.s32 @!p0 $0x2  }
0x89: {  	_ =	swait.ge @!p0 [sflag:s0], s1  }
0x8a: {  	s1 =	ssub.s32 @!p0 $0x0, s1;
	[sflag:s0] =	ssyncset.done @!p0 $0x0  }
0x8b: {  	[sflag:s0] =	ssyncadd.s32 @!p0 s1  }
0x8c: {  	[bflag:$0x3] =	sbarrier.arrive $0xFFFF  }
0x8d: {  	_ =	shalt  }

</sc_bundles>
